<compile_context>
chip_gen: v7x
topology: tpu7x:2x2x1
jax: 0.10.2.dev20260603
libtpu: 0.0.44.dev20260713+nightly
codegen_flags: <defaults>
</compile_context>

<pallas_src>
import functools

import jax
import jax.numpy as jnp
from jax import lax
from jax.experimental import pallas as pl
from jax.experimental.pallas import tpu as pltpu
from jax.experimental.pallas import tpu_sc as plsc

N = 10000
E = 320000
D = 128
T = 4
S = 1024
P = 16
C = 32

NC = 2
NS = 16
H = C // NC
NP = 10240
ZROWS = NP // NS
EWP = 20480
EP = EWP * NS
KCH = 2048
NCHUNK = EWP // KCH
SGW = S // NS

BN = 1000


def _lane_bcast(v, l):
    idx = jnp.full((16, 1), l, dtype=jnp.int32)
    dn = lax.GatherDimensionNumbers(
        offset_dims=(), collapsed_slice_dims=(0,), start_index_map=(0,))
    return lax.gather(v, idx, dn, (1,),
                      mode=lax.GatherScatterMode.PROMISE_IN_BOUNDS)


def _tc_body(x_ref, wc_ref, wp_ref, bc_ref, bp_ref, g_ref, cv_ref):
    xs = jnp.sum(x_ref[...], axis=1)
    w2 = jnp.dot(wc_ref[...], wp_ref[...],
                 preferred_element_type=jnp.float32,
                 precision=lax.Precision.HIGHEST)
    g = jnp.dot(xs, w2, preferred_element_type=jnp.float32,
                precision=lax.Precision.HIGHEST) * (1.0 / T)
    g_ref[...] = g
    cv_ref[...] = (float(P) * jnp.dot(bc_ref[...], wp_ref[...],
                                      preferred_element_type=jnp.float32)
                   + bp_ref[...])


_tc_call = pl.pallas_call(
    _tc_body,
    grid=(N // BN,),
    in_specs=[
        pl.BlockSpec((BN, T, D), lambda i: (i, 0, 0)),
        pl.BlockSpec((D, D), lambda i: (0, 0)),
        pl.BlockSpec((D, C), lambda i: (0, 0)),
        pl.BlockSpec((1, D), lambda i: (0, 0)),
        pl.BlockSpec((1, C), lambda i: (0, 0)),
    ],
    out_specs=[
        pl.BlockSpec((BN, C), lambda i: (i, 0)),
        pl.BlockSpec((1, C), lambda i: (0, 0)),
    ],
    out_shape=[
        jax.ShapeDtypeStruct((N, C), jnp.float32),
        jax.ShapeDtypeStruct((1, C), jnp.float32),
    ],
)


def _sc_body(gfull, gsrc, didx, wflat, sgidx, cv, out,
             sidxA, didxA, wA, rowsA, sidxB, didxB, wB, rowsB,
             sg_v, prow_v, cv_v, out_v, spb,
             isem, gsemA, ssemA, gsemB, ssemB):
    c = lax.axis_index("c")
    s = lax.axis_index("s")
    KR = KCH // 128

    bufA = (sidxA, didxA, wA, rowsA, gsemA, ssemA)
    bufB = (sidxB, didxB, wB, rowsB, gsemB, ssemB)

    zv = jnp.zeros((16,), jnp.float32)

    def zrow(i, carry):
        rowsA[i] = zv
        return carry

    lax.fori_loop(0, ZROWS, zrow, 0)
    pltpu.sync_copy(rowsA.at[pl.ds(0, ZROWS)],
                    spb.at[pl.ds(s * ZROWS, ZROWS)])
    GR = NC * N // NS
    pltpu.sync_copy(gfull.at[pl.ds(s * GR, GR)], rowsB.at[pl.ds(0, GR)])
    pltpu.sync_copy(rowsB.at[pl.ds(0, GR)], spb.at[pl.ds(NP + s * GR, GR)])
    pltpu.sync_copy(cv.at[c], cv_v)
    pltpu.sync_copy(sgidx.at[pl.ds(s * (SGW * P // 128), SGW * P // 128)],
                    sg_v)
    plsc.subcore_barrier()

    def load_idx(t, buf):
        sidx, didx_b, w_b = buf[0], buf[1], buf[2]
        row0 = s * (EWP // 128) + t * KR
        ds = [pltpu.async_copy(gsrc.at[c, pl.ds(row0, KR)], sidx, isem),
              pltpu.async_copy(didx.at[pl.ds(row0, KR)], didx_b, isem),
              pltpu.async_copy(wflat.at[pl.ds(row0 * 128, KCH)], w_b, isem)]
        for d in ds:
            d.wait()

    def fire_gathers(buf):
        sidx, rows, gsem = buf[0], buf[3], buf[4]
        return [pltpu.async_copy(spb.at[sidx.at[j]],
                                 rows.at[pl.ds(j * 128, 128)], gsem)
                for j in range(KR)]

    def wait_gathers(buf):
        sidx, rows, gsem = buf[0], buf[3], buf[4]
        for j in range(KR):
            pltpu.make_async_copy(spb.at[sidx.at[j]],
                                  rows.at[pl.ds(j * 128, 128)], gsem).wait()

    def scale(buf):
        w_b, rows = buf[2], buf[3]

        def one(m, carry):
            r0 = m * 16
            w16 = w_b[pl.ds(r0, 16)]
            for l in range(16):
                rows[r0 + l] = rows[r0 + l] * _lane_bcast(w16, l)
            return carry

        lax.fori_loop(0, KCH // 16, one, 0)

    def fire_scatters(buf):
        didx_b, rows, ssem = buf[1], buf[3], buf[5]
        return [pltpu.async_copy(rows.at[pl.ds(j * 128, 128)],
                                 spb.at[didx_b.at[j]], ssem, add=True)
                for j in range(KR)]

    def drain_scatters(buf):
        pltpu.make_async_copy(gfull.at[pl.ds(0, KCH)],
                              spb.at[pl.ds(0, KCH)], buf[5]).wait()

    NPAIR = NCHUNK // 2
    load_idx(0, bufA)

    def pair(t2, carry):
        a = 2 * t2
        gdsA = fire_gathers(bufA)
        load_idx(a + 1, bufB)
        for d in gdsA:
            d.wait()
        gdsB = fire_gathers(bufB)
        scale(bufA)
        sdsA = fire_scatters(bufA)
        for d in gdsB:
            d.wait()
        scale(bufB)
        sdsB = fire_scatters(bufB)
        for d in sdsA:
            d.wait()

        @pl.when(t2 < NPAIR - 1)
        def _():
            load_idx(a + 2, bufA)

        for d in sdsB:
            d.wait()
        return carry

    lax.fori_loop(0, NPAIR, pair, 0)
    plsc.subcore_barrier()

    pds = [pltpu.async_copy(spb.at[sg_v.at[j]],
                            prow_v.at[pl.ds(j * 128, 128)], gsemA)
           for j in range(SGW * P // 128)]
    for d in pds:
        d.wait()
    cvec = cv_v[...]

    def pool_one(q, carry):
        base = q * P
        acc = cvec
        for k in range(P):
            acc = acc + prow_v[base + k]
        out_v[q] = acc
        return carry

    lax.fori_loop(0, SGW, pool_one, 0)
    pltpu.sync_copy(out_v, out.at[c, pl.ds(s * SGW, SGW)])


_sc_call = functools.partial(
    pl.kernel,
    out_type=jax.ShapeDtypeStruct((NC, S, H), jnp.float32),
    mesh=plsc.VectorSubcoreMesh(core_axis_name="c", subcore_axis_name="s",
                                num_cores=NC, num_subcores=NS),
    compiler_params=pltpu.CompilerParams(use_tc_tiling_on_sc=False),
    scratch_types=(
        [pltpu.VMEM((KCH // 128, 128), jnp.int32),
         pltpu.VMEM((KCH // 128, 128), jnp.int32),
         pltpu.VMEM((KCH,), jnp.float32),
         pltpu.VMEM((KCH, H), jnp.float32)] * 2 +
        [pltpu.VMEM((SGW * P // 128, 128), jnp.int32),
         pltpu.VMEM((SGW * P, H), jnp.float32),
         pltpu.VMEM((16,), jnp.float32),
         pltpu.VMEM((SGW, H), jnp.float32),
         pltpu.VMEM_SHARED((NP + NC * N, H), jnp.float32)] +
        [pltpu.SemaphoreType.DMA] * 5
    ),
)(_sc_body)


def kernel(x, edge_index, edge_weight, subG_node, W_conv, b_conv, W_pred,
           b_pred):
    g3, cv = _tc_call(x, W_conv, W_pred, b_conv.reshape(1, D),
                      b_pred.reshape(1, C))
    gfull = g3.reshape(NC * N, H)
    cv2 = cv.reshape(NC, H)

    src = edge_index[0].astype(jnp.int32)
    dst = edge_index[1].astype(jnp.int32)
    pad = EP - E
    srcp = jnp.concatenate([src, jnp.zeros((pad,), jnp.int32)])
    dstp = jnp.concatenate([dst, jnp.zeros((pad,), jnp.int32)])
    wpad = jnp.concatenate([edge_weight, jnp.zeros((pad,), jnp.float32)])
    gsrc = jnp.stack([NP + 2 * srcp, NP + 2 * srcp + 1]).reshape(NC, EP // 128, 128)
    didx = dstp.reshape(EP // 128, 128)
    sg = subG_node.astype(jnp.int32).reshape(S * P // 128, 128)

    outsc = _sc_call(gfull, gsrc, didx, wpad, sg, cv2)
    return outsc.transpose(1, 0, 2).reshape(S, C)

# --- scband reference (transcript-rebuilt; emitter-appended) ---
"""Pipeline reference for scband-gnn-18614388261140 (READ-ONLY COPY).

The authoritative reference and input builder live on the scoring server;
editing this copy changes nothing except your own understanding.
"""

import jax, jax.numpy as jnp
import numpy as np

N = 10000
E = 320000
D = 128
T = 4
S = 1024
P = 16
C = 32

def setup_inputs(seed: int = 0) -> dict:
    key = jax.random.key(seed)
    ks = jax.random.split(key, 8)
    x = jax.random.normal(ks[0], (N, T, D), dtype=jnp.float32)
    edge_index = jax.random.randint(ks[1], (2, E), 0, N, dtype=jnp.int64)
    edge_weight = jax.random.uniform(ks[2], (E,), dtype=jnp.float32)
    subG_node = jax.random.randint(ks[3], (S, P), 0, N, dtype=jnp.int64)
    W_conv = jax.random.normal(ks[4], (D, D), dtype=jnp.float32) * 0.05
    b_conv = jnp.zeros((D,), dtype=jnp.float32)
    W_pred = jax.random.normal(ks[5], (D, C), dtype=jnp.float32) * 0.05
    b_pred = jnp.zeros((C,), dtype=jnp.float32)
    return {"x": x, "edge_index": edge_index, "edge_weight": edge_weight,
            "subG_node": subG_node, "W_conv": W_conv, "b_conv": b_conv,
            "W_pred": W_pred, "b_pred": b_pred}

def _conv(xt, src, dst, edge_weight, W_conv, b_conv):
    # simple message-passing conv: linear transform, gather src, weight edges, scatter-add to dst
    h = xt @ W_conv
    msg = h[src] * edge_weight[:, None]
    agg = jnp.zeros_like(h).at[dst].add(msg)
    return agg + b_conv

def reference(x, edge_index, edge_weight, subG_node, W_conv, b_conv, W_pred, b_pred):
    src = edge_index[0]
    dst = edge_index[1]
    embs = []
    for t in range(x.shape[1]):
        emb_t = _conv(x[:, t, :].reshape(x.shape[0], x.shape[-1]), src, dst, edge_weight, W_conv, b_conv)
        embs.append(emb_t.reshape(emb_t.shape[0], 1, emb_t.shape[-1]))
    emb = jnp.concatenate(embs, axis=1)
    emb = jnp.mean(emb, axis=1)
    # pos2sp(subG_node, n_node) @ emb : per-subgraph sum-pool over member nodes (entries >= 0 kept)
    mask = (subG_node >= 0)
    idx = jnp.clip(subG_node, 0, emb.shape[0] - 1)
    gathered = emb[idx] * mask[..., None].astype(emb.dtype)
    pooled = gathered.sum(axis=1)
    out = pooled @ W_pred + b_pred
    return out

if __name__ == "__main__":
    import jax
    _d = setup_inputs()
    print(jax.jit(kernel)(*tuple(_d.values())))

</pallas_src>

<mosaic_0001>
#map = affine_map<(d0, d1) -> (0, 0)>
#map1 = affine_map<(d0, d1) -> (0, 0, 0)>
#map2 = affine_map<(d0, d1) -> (0)>
module attributes {stable_mosaic.version = 14 : i64} {
  func.func @_sc_body(%arg0: i32, %arg1: i32, %arg2: memref<20000x16xf32, #tpu.memory_space<hbm>>, %arg3: memref<2x2560x128xi32, #tpu.memory_space<hbm>>, %arg4: memref<2560x128xi32, #tpu.memory_space<hbm>>, %arg5: memref<327680xf32, #tpu.memory_space<hbm>>, %arg6: memref<128x128xi32, #tpu.memory_space<hbm>>, %arg7: memref<2x16xf32, #tpu.memory_space<hbm>>, %arg8: memref<2x1024x16xf32, #tpu.memory_space<hbm>>, %arg9: memref<16x128xi32, #tpu.memory_space<vmem>>, %arg10: memref<16x128xi32, #tpu.memory_space<vmem>>, %arg11: memref<2048xf32, #tpu.memory_space<vmem>>, %arg12: memref<2048x16xf32, #tpu.memory_space<vmem>>, %arg13: memref<16x128xi32, #tpu.memory_space<vmem>>, %arg14: memref<16x128xi32, #tpu.memory_space<vmem>>, %arg15: memref<2048xf32, #tpu.memory_space<vmem>>, %arg16: memref<2048x16xf32, #tpu.memory_space<vmem>>, %arg17: memref<8x128xi32, #tpu.memory_space<vmem>>, %arg18: memref<1024x16xf32, #tpu.memory_space<vmem>>, %arg19: memref<16xf32, #tpu.memory_space<vmem>>, %arg20: memref<64x16xf32, #tpu.memory_space<vmem>>, %arg21: memref<30240x16xf32, #tpu.memory_space<vmem_shared>>, %arg22: memref<!tpu.dma_semaphore, #tpu.memory_space<semaphore_mem>>, %arg23: memref<!tpu.dma_semaphore, #tpu.memory_space<semaphore_mem>>, %arg24: memref<!tpu.dma_semaphore, #tpu.memory_space<semaphore_mem>>, %arg25: memref<!tpu.dma_semaphore, #tpu.memory_space<semaphore_mem>>, %arg26: memref<!tpu.dma_semaphore, #tpu.memory_space<semaphore_mem>>) attributes {dimension_semantics = [#tpu.dimension_semantics<core_parallel>, #tpu.dimension_semantics<subcore_parallel>], iteration_bounds = array<i64: 2, 16>, scalar_prefetch = 0 : i64, scratch_operands = 18 : i64, tpu.core_type = #tpu.core_type<sc_vector_subcore>, window_params = [{transform_indices = #map}, {transform_indices = #map1}, {transform_indices = #map}, {transform_indices = #map2}, {transform_indices = #map}, {transform_indices = #map}, {transform_indices = #map1}]} {
    %broadcast_in_dim3A = arith.constant 0.000000e+00 : f32
    %broadcast_in_dim3A_0 = vector.broadcast %broadcast_in_dim3A : f32 to vector<16xf32>
    %scan3A = arith.constant 0 : i32
    %scan3A_1 = arith.constant 0 : i32
    %scan3A_2 = arith.constant 640 : i32
    %scan3A_3 = arith.addi %scan3A_1, %scan3A_2 : i32
    %scan3A_4 = arith.constant 1 : i32
    scf.for %scan3A_219 = %scan3A_1 to %scan3A_3 step %scan3A_4  : i32 {
      %swap3A = arith.index_cast %scan3A_219 : i32 to index
      %swap3A_220 = arith.constant 0 : index
      %swap3A_221 = tpu.vector_load %arg12[%swap3A, %swap3A_220] {strides = array<i32>} : memref<2048x16xf32, #tpu.memory_space<vmem>>, vector<1x16xf32>,
      %swap3A_222 = vector.shape_cast %swap3A_221 : vector<1x16xf32> to vector<16xf32>
      %swap3A_223 = vector.shape_cast %broadcast_in_dim3A_0 : vector<16xf32> to vector<1x16xf32>
      tpu.vector_store %arg12[%swap3A, %swap3A_220], %swap3A_223 {strides = array<i32>} : memref<2048x16xf32, #tpu.memory_space<vmem>>, vector<1x16xf32>,
    }
    %scan3A_5 = arith.constant 640 : i32
    %mul3A = arith.constant 640 : i32
    %mul3A_6 = arith.muli %arg1, %mul3A : i32
    "tpu.region"() ({
      %run_scoped3A = tpu.sem_alloc : memref<!tpu.dma_semaphore, #tpu.memory_space<semaphore_mem>>
      %dma_start3A_219 = arith.constant 0 : i32
      %dma_start3A_220 = arith.constant 0 : i32
      %dma_start3A_221 = tpu.memref_slice %arg12[%dma_start3A_219, %dma_start3A_220] : memref<2048x16xf32, #tpu.memory_space<vmem>> -> memref<640x16xf32, #tpu.memory_space<vmem>>
      %dma_start3A_222 = arith.constant 0 : i32
      %dma_start3A_223 = tpu.memref_slice %arg21[%mul3A_6, %dma_start3A_222] : memref<30240x16xf32, #tpu.memory_space<vmem_shared>> -> memref<640x16xf32, #tpu.memory_space<vmem_shared>>
      %dma_start3A_224 = arith.constant 0 : i32
      %dma_start3A_225 = tpu.memref_slice %arg21[%mul3A_6, %dma_start3A_224] : memref<30240x16xf32, #tpu.memory_space<vmem_shared>> -> memref<640x16xf32, #tpu.memory_space<vmem_shared>>
      %dma_start3A_226 = arith.constant 0 : i32
      %dma_start3A_227 = arith.constant 0 : i32
      %dma_start3A_228 = tpu.memref_slice %arg12[%dma_start3A_226, %dma_start3A_227] : memref<2048x16xf32, #tpu.memory_space<vmem>> -> memref<640x16xf32, #tpu.memory_space<vmem>>
      tpu.enqueue_dma source(%dma_start3A_228 : memref<640x16xf32, #tpu.memory_space<vmem>>) target(%dma_start3A_225 : memref<640x16xf32, #tpu.memory_space<vmem_shared>>) target_semaphore(%run_scoped3A : memref<!tpu.dma_semaphore, #tpu.memory_space<semaphore_mem>>)
      %dma_wait3A_229 = arith.constant 0 : i32
      %dma_wait3A_230 = arith.constant 0 : i32
      %dma_wait3A_231 = tpu.memref_slice %arg12[%dma_wait3A_229, %dma_wait3A_230] : memref<2048x16xf32, #tpu.memory_space<vmem>> -> memref<640x16xf32, #tpu.memory_space<vmem>>
      %dma_wait3A_232 = arith.constant 0 : i32
      %dma_wait3A_233 = tpu.memref_slice %arg21[%mul3A_6, %dma_wait3A_232] : memref<30240x16xf32, #tpu.memory_space<vmem_shared>> -> memref<640x16xf32, #tpu.memory_space<vmem_shared>>
      %dma_wait3A_234 = arith.constant 0 : i32
      %dma_wait3A_235 = tpu.memref_slice %arg21[%mul3A_6, %dma_wait3A_234] : memref<30240x16xf32, #tpu.memory_space<vmem_shared>> -> memref<640x16xf32, #tpu.memory_space<vmem_shared>>
      %dma_wait3A_236 = arith.constant 0 : i32
      %dma_wait3A_237 = arith.constant 0 : i32
      %dma_wait3A_238 = tpu.memref_slice %arg12[%dma_wait3A_236, %dma_wait3A_237] : memref<2048x16xf32, #tpu.memory_space<vmem>> -> memref<640x16xf32, #tpu.memory_space<vmem>>
      tpu.wait_dma2 semaphore(%run_scoped3A : memref<!tpu.dma_semaphore, #tpu.memory_space<semaphore_mem>>) src(%dma_wait3A_238 : memref<640x16xf32, #tpu.memory_space<vmem>>) dst(%dma_wait3A_235 : memref<640x16xf32, #tpu.memory_space<vmem_shared>>)
      tpu.yield
    }) : () -> ()
    %mul3A_7 = arith.constant 1250 : i32
    %mul3A_8 = arith.muli %arg1, %mul3A_7 : i32
    "tpu.region"() ({
      %run_scoped3A = tpu.sem_alloc : memref<!tpu.dma_semaphore, #tpu.memory_space<semaphore_mem>>
      %dma_start3A_219 = arith.constant 0 : i32
      %dma_start3A_220 = arith.constant 0 : i32
      %dma_start3A_221 = tpu.memref_slice %arg16[%dma_start3A_219, %dma_start3A_220] : memref<2048x16xf32, #tpu.memory_space<vmem>> -> memref<1250x16xf32, #tpu.memory_space<vmem>>
      %dma_start3A_222 = arith.constant 0 : i32
      %dma_start3A_223 = tpu.memref_slice %arg2[%mul3A_8, %dma_start3A_222] : memref<20000x16xf32, #tpu.memory_space<hbm>> -> memref<1250x16xf32, #tpu.memory_space<hbm>>
      %dma_start3A_224 = arith.constant 0 : i32
      %dma_start3A_225 = arith.constant 0 : i32
      %dma_start3A_226 = tpu.memref_slice %arg16[%dma_start3A_224, %dma_start3A_225] : memref<2048x16xf32, #tpu.memory_space<vmem>> -> memref<1250x16xf32, #tpu.memory_space<vmem>>
      %dma_start3A_227 = arith.constant 0 : i32
      %dma_start3A_228 = tpu.memref_slice %arg2[%mul3A_8, %dma_start3A_227] : memref<20000x16xf32, #tpu.memory_space<hbm>> -> memref<1250x16xf32, #tpu.memory_space<hbm>>
      tpu.enqueue_dma source(%dma_start3A_228 : memref<1250x16xf32, #tpu.memory_space<hbm>>) target(%dma_start3A_226 : memref<1250x16xf32, #tpu.memory_space<vmem>>) target_semaphore(%run_scoped3A : memref<!tpu.dma_semaphore, #tpu.memory_space<semaphore_mem>>)
      %dma_wait3A_229 = arith.constant 0 : i32
      %dma_wait3A_230 = arith.constant 0 : i32
      %dma_wait3A_231 = tpu.memref_slice %arg16[%dma_wait3A_229, %dma_wait3A_230] : memref<2048x16xf32, #tpu.memory_space<vmem>> -> memref<1250x16xf32, #tpu.memory_space<vmem>>
      %dma_wait3A_232 = arith.constant 0 : i32
      %dma_wait3A_233 = tpu.memref_slice %arg2[%mul3A_8, %dma_wait3A_232] : memref<20000x16xf32, #tpu.memory_space<hbm>> -> memref<1250x16xf32, #tpu.memory_space<hbm>>
      %dma_wait3A_234 = arith.constant 0 : i32
      %dma_wait3A_235 = arith.constant 0 : i32
      %dma_wait3A_236 = tpu.memref_slice %arg16[%dma_wait3A_234, %dma_wait3A_235] : memref<2048x16xf32, #tpu.memory_space<vmem>> -> memref<1250x16xf32, #tpu.memory_space<vmem>>
      %dma_wait3A_237 = arith.constant 0 : i32
      %dma_wait3A_238 = tpu.memref_slice %arg2[%mul3A_8, %dma_wait3A_237] : memref<20000x16xf32, #tpu.memory_space<hbm>> -> memref<1250x16xf32, #tpu.memory_space<hbm>>
      tpu.wait_dma2 semaphore(%run_scoped3A : memref<!tpu.dma_semaphore, #tpu.memory_space<semaphore_mem>>) src(%dma_wait3A_238 : memref<1250x16xf32, #tpu.memory_space<hbm>>) dst(%dma_wait3A_236 : memref<1250x16xf32, #tpu.memory_space<vmem>>)
      tpu.yield
    }) : () -> ()
    %mul3A_9 = arith.constant 1250 : i32
    %mul3A_10 = arith.muli %arg1, %mul3A_9 : i32
    %add3A = arith.constant 10240 : i32
    %add3A_11 = arith.addi %add3A, %mul3A_10 : i32
    "tpu.region"() ({
      %run_scoped3A = tpu.sem_alloc : memref<!tpu.dma_semaphore, #tpu.memory_space<semaphore_mem>>
      %dma_start3A_219 = arith.constant 0 : i32
      %dma_start3A_220 = arith.constant 0 : i32
      %dma_start3A_221 = tpu.memref_slice %arg16[%dma_start3A_219, %dma_start3A_220] : memref<2048x16xf32, #tpu.memory_space<vmem>> -> memref<1250x16xf32, #tpu.memory_space<vmem>>
      %dma_start3A_222 = arith.constant 0 : i32
      %dma_start3A_223 = tpu.memref_slice %arg21[%add3A_11, %dma_start3A_222] : memref<30240x16xf32, #tpu.memory_space<vmem_shared>> -> memref<1250x16xf32, #tpu.memory_space<vmem_shared>>
      %dma_start3A_224 = arith.constant 0 : i32
      %dma_start3A_225 = tpu.memref_slice %arg21[%add3A_11, %dma_start3A_224] : memref<30240x16xf32, #tpu.memory_space<vmem_shared>> -> memref<1250x16xf32, #tpu.memory_space<vmem_shared>>
      %dma_start3A_226 = arith.constant 0 : i32
      %dma_start3A_227 = arith.constant 0 : i32
      %dma_start3A_228 = tpu.memref_slice %arg16[%dma_start3A_226, %dma_start3A_227] : memref<2048x16xf32, #tpu.memory_space<vmem>> -> memref<1250x16xf32, #tpu.memory_space<vmem>>
      tpu.enqueue_dma source(%dma_start3A_228 : memref<1250x16xf32, #tpu.memory_space<vmem>>) target(%dma_start3A_225 : memref<1250x16xf32, #tpu.memory_space<vmem_shared>>) target_semaphore(%run_scoped3A : memref<!tpu.dma_semaphore, #tpu.memory_space<semaphore_mem>>)
      %dma_wait3A_229 = arith.constant 0 : i32
      %dma_wait3A_230 = arith.constant 0 : i32
      %dma_wait3A_231 = tpu.memref_slice %arg16[%dma_wait3A_229, %dma_wait3A_230] : memref<2048x16xf32, #tpu.memory_space<vmem>> -> memref<1250x16xf32, #tpu.memory_space<vmem>>
      %dma_wait3A_232 = arith.constant 0 : i32
      %dma_wait3A_233 = tpu.memref_slice %arg21[%add3A_11, %dma_wait3A_232] : memref<30240x16xf32, #tpu.memory_space<vmem_shared>> -> memref<1250x16xf32, #tpu.memory_space<vmem_shared>>
      %dma_wait3A_234 = arith.constant 0 : i32
      %dma_wait3A_235 = tpu.memref_slice %arg21[%add3A_11, %dma_wait3A_234] : memref<30240x16xf32, #tpu.memory_space<vmem_shared>> -> memref<1250x16xf32, #tpu.memory_space<vmem_shared>>
      %dma_wait3A_236 = arith.constant 0 : i32
      %dma_wait3A_237 = arith.constant 0 : i32
      %dma_wait3A_238 = tpu.memref_slice %arg16[%dma_wait3A_236, %dma_wait3A_237] : memref<2048x16xf32, #tpu.memory_space<vmem>> -> memref<1250x16xf32, #tpu.memory_space<vmem>>
      tpu.wait_dma2 semaphore(%run_scoped3A : memref<!tpu.dma_semaphore, #tpu.memory_space<semaphore_mem>>) src(%dma_wait3A_238 : memref<1250x16xf32, #tpu.memory_space<vmem>>) dst(%dma_wait3A_235 : memref<1250x16xf32, #tpu.memory_space<vmem_shared>>)
      tpu.yield
    }) : () -> ()
    "tpu.region"() ({
      %run_scoped3A = tpu.sem_alloc : memref<!tpu.dma_semaphore, #tpu.memory_space<semaphore_mem>>
      %dma_start3A_219 = arith.constant 0 : i32
      %dma_start3A_220 = tpu.memref_slice %arg7[%arg0, %dma_start3A_219] : memref<2x16xf32, #tpu.memory_space<hbm>> -> memref<1x16xf32, #tpu.memory_space<hbm>>
      %dma_start3A_221 = tpu.memref_squeeze %dma_start3A_220 : memref<1x16xf32, #tpu.memory_space<hbm>> -> memref<16xf32, #tpu.memory_space<hbm>>
      %dma_start3A_222 = arith.constant 0 : i32
      %dma_start3A_223 = tpu.memref_slice %arg7[%arg0, %dma_start3A_222] : memref<2x16xf32, #tpu.memory_space<hbm>> -> memref<1x16xf32, #tpu.memory_space<hbm>>
      %dma_start3A_224 = tpu.memref_squeeze %dma_start3A_223 : memref<1x16xf32, #tpu.memory_space<hbm>> -> memref<16xf32, #tpu.memory_space<hbm>>
      tpu.enqueue_dma source(%dma_start3A_224 : memref<16xf32, #tpu.memory_space<hbm>>) target(%arg19 : memref<16xf32, #tpu.memory_space<vmem>>) target_semaphore(%run_scoped3A : memref<!tpu.dma_semaphore, #tpu.memory_space<semaphore_mem>>)
      %dma_wait3A_225 = arith.constant 0 : i32
      %dma_wait3A_226 = tpu.memref_slice %arg7[%arg0, %dma_wait3A_225] : memref<2x16xf32, #tpu.memory_space<hbm>> -> memref<1x16xf32, #tpu.memory_space<hbm>>
      %dma_wait3A_227 = tpu.memref_squeeze %dma_wait3A_226 : memref<1x16xf32, #tpu.memory_space<hbm>> -> memref<16xf32, #tpu.memory_space<hbm>>
      %dma_wait3A_228 = arith.constant 0 : i32
      %dma_wait3A_229 = tpu.memref_slice %arg7[%arg0, %dma_wait3A_228] : memref<2x16xf32, #tpu.memory_space<hbm>> -> memref<1x16xf32, #tpu.memory_space<hbm>>
      %dma_wait3A_230 = tpu.memref_squeeze %dma_wait3A_229 : memref<1x16xf32, #tpu.memory_space<hbm>> -> memref<16xf32, #tpu.memory_space<hbm>>
      tpu.wait_dma2 semaphore(%run_scoped3A : memref<!tpu.dma_semaphore, #tpu.memory_space<semaphore_mem>>) src(%dma_wait3A_230 : memref<16xf32, #tpu.memory_space<hbm>>) dst(%arg19 : memref<16xf32, #tpu.memory_space<vmem>>)
      tpu.yield
    }) : () -> ()
    %mul3A_12 = arith.constant 8 : i32
    %mul3A_13 = arith.muli %arg1, %mul3A_12 : i32
    "tpu.region"() ({
      %run_scoped3A = tpu.sem_alloc : memref<!tpu.dma_semaphore, #tpu.memory_space<semaphore_mem>>
      %dma_start3A_219 = arith.constant 0 : i32
      %dma_start3A_220 = tpu.memref_slice %arg6[%mul3A_13, %dma_start3A_219] : memref<128x128xi32, #tpu.memory_space<hbm>> -> memref<8x128xi32, #tpu.memory_space<hbm>>
      %dma_start3A_221 = arith.constant 0 : i32
      %dma_start3A_222 = tpu.memref_slice %arg6[%mul3A_13, %dma_start3A_221] : memref<128x128xi32, #tpu.memory_space<hbm>> -> memref<8x128xi32, #tpu.memory_space<hbm>>
      tpu.enqueue_dma source(%dma_start3A_222 : memref<8x128xi32, #tpu.memory_space<hbm>>) target(%arg17 : memref<8x128xi32, #tpu.memory_space<vmem>>) target_semaphore(%run_scoped3A : memref<!tpu.dma_semaphore, #tpu.memory_space<semaphore_mem>>)
      %dma_wait3A_223 = arith.constant 0 : i32
      %dma_wait3A_224 = tpu.memref_slice %arg6[%mul3A_13, %dma_wait3A_223] : memref<128x128xi32, #tpu.memory_space<hbm>> -> memref<8x128xi32, #tpu.memory_space<hbm>>
      %dma_wait3A_225 = arith.constant 0 : i32
      %dma_wait3A_226 = tpu.memref_slice %arg6[%mul3A_13, %dma_wait3A_225] : memref<128x128xi32, #tpu.memory_space<hbm>> -> memref<8x128xi32, #tpu.memory_space<hbm>>
      tpu.wait_dma2 semaphore(%run_scoped3A : memref<!tpu.dma_semaphore, #tpu.memory_space<semaphore_mem>>) src(%dma_wait3A_226 : memref<8x128xi32, #tpu.memory_space<hbm>>) dst(%arg17 : memref<8x128xi32, #tpu.memory_space<vmem>>)
      tpu.yield
    }) : () -> ()
    %barrier3A = arith.constant 0 : index
    tpu.barrier barrier_id(%barrier3A)
    %mul3A_14 = arith.constant 160 : i32
    %mul3A_15 = arith.muli %arg1, %mul3A_14 : i32
    %add3A_16 = arith.constant 0 : i32
    %add3A_17 = arith.addi %mul3A_15, %add3A_16 : i32
    %dma_start3A = arith.constant 0 : i32
    %dma_start3A_18 = tpu.memref_slice %arg3[%arg0, %add3A_17, %dma_start3A] : memref<2x2560x128xi32, #tpu.memory_space<hbm>> -> memref<1x16x128xi32, #tpu.memory_space<hbm>>
    %dma_start3A_19 = tpu.memref_squeeze %dma_start3A_18 : memref<1x16x128xi32, #tpu.memory_space<hbm>> -> memref<16x128xi32, #tpu.memory_space<hbm>>
    %dma_start3A_20 = arith.constant 0 : i32
    %dma_start3A_21 = tpu.memref_slice %arg3[%arg0, %add3A_17, %dma_start3A_20] : memref<2x2560x128xi32, #tpu.memory_space<hbm>> -> memref<1x16x128xi32, #tpu.memory_space<hbm>>
    %dma_start3A_22 = tpu.memref_squeeze %dma_start3A_21 : memref<1x16x128xi32, #tpu.memory_space<hbm>> -> memref<16x128xi32, #tpu.memory_space<hbm>>
    tpu.enqueue_dma source(%dma_start3A_22 : memref<16x128xi32, #tpu.memory_space<hbm>>) target(%arg9 : memref<16x128xi32, #tpu.memory_space<vmem>>) target_semaphore(%arg22 : memref<!tpu.dma_semaphore, #tpu.memory_space<semaphore_mem>>)
    %dma_start3A_23 = arith.constant 0 : i32
    %dma_start3A_24 = tpu.memref_slice %arg4[%add3A_17, %dma_start3A_23] : memref<2560x128xi32, #tpu.memory_space<hbm>> -> memref<16x128xi32, #tpu.memory_space<hbm>>
    %dma_start3A_25 = arith.constant 0 : i32
    %dma_start3A_26 = tpu.memref_slice %arg4[%add3A_17, %dma_start3A_25] : memref<2560x128xi32, #tpu.memory_space<hbm>> -> memref<16x128xi32, #tpu.memory_space<hbm>>
    tpu.enqueue_dma source(%dma_start3A_26 : memref<16x128xi32, #tpu.memory_space<hbm>>) target(%arg10 : memref<16x128xi32, #tpu.memory_space<vmem>>) target_semaphore(%arg22 : memref<!tpu.dma_semaphore, #tpu.memory_space<semaphore_mem>>)
    %mul3A_27 = arith.constant 128 : i32
    %mul3A_28 = arith.muli %add3A_17, %mul3A_27 : i32
    %dma_start3A_29 = tpu.memref_slice %arg5[%mul3A_28] : memref<327680xf32, #tpu.memory_space<hbm>> -> memref<2048xf32, #tpu.memory_space<hbm>>
    %dma_start3A_30 = tpu.memref_slice %arg5[%mul3A_28] : memref<327680xf32, #tpu.memory_space<hbm>> -> memref<2048xf32, #tpu.memory_space<hbm>>
    tpu.enqueue_dma source(%dma_start3A_30 : memref<2048xf32, #tpu.memory_space<hbm>>) target(%arg11 : memref<2048xf32, #tpu.memory_space<vmem>>) target_semaphore(%arg22 : memref<!tpu.dma_semaphore, #tpu.memory_space<semaphore_mem>>)
    %dma_wait3A = arith.constant 0 : i32
    %dma_wait3A_31 = tpu.memref_slice %arg3[%arg0, %add3A_17, %dma_wait3A] : memref<2x2560x128xi32, #tpu.memory_space<hbm>> -> memref<1x16x128xi32, #tpu.memory_space<hbm>>
    %dma_wait3A_32 = tpu.memref_squeeze %dma_wait3A_31 : memref<1x16x128xi32, #tpu.memory_space<hbm>> -> memref<16x128xi32, #tpu.memory_space<hbm>>
    %dma_wait3A_33 = arith.constant 0 : i32
    %dma_wait3A_34 = tpu.memref_slice %arg3[%arg0, %add3A_17, %dma_wait3A_33] : memref<2x2560x128xi32, #tpu.memory_space<hbm>> -> memref<1x16x128xi32, #tpu.memory_space<hbm>>
    %dma_wait3A_35 = tpu.memref_squeeze %dma_wait3A_34 : memref<1x16x128xi32, #tpu.memory_space<hbm>> -> memref<16x128xi32, #tpu.memory_space<hbm>>
    tpu.wait_dma2 semaphore(%arg22 : memref<!tpu.dma_semaphore, #tpu.memory_space<semaphore_mem>>) src(%dma_wait3A_35 : memref<16x128xi32, #tpu.memory_space<hbm>>) dst(%arg9 : memref<16x128xi32, #tpu.memory_space<vmem>>)
    %dma_wait3A_36 = arith.constant 0 : i32
    %dma_wait3A_37 = tpu.memref_slice %arg4[%add3A_17, %dma_wait3A_36] : memref<2560x128xi32, #tpu.memory_space<hbm>> -> memref<16x128xi32, #tpu.memory_space<hbm>>
    %dma_wait3A_38 = arith.constant 0 : i32
    %dma_wait3A_39 = tpu.memref_slice %arg4[%add3A_17, %dma_wait3A_38] : memref<2560x128xi32, #tpu.memory_space<hbm>> -> memref<16x128xi32, #tpu.memory_space<hbm>>
    tpu.wait_dma2 semaphore(%arg22 : memref<!tpu.dma_semaphore, #tpu.memory_space<semaphore_mem>>) src(%dma_wait3A_39 : memref<16x128xi32, #tpu.memory_space<hbm>>) dst(%arg10 : memref<16x128xi32, #tpu.memory_space<vmem>>)
    %dma_wait3A_40 = tpu.memref_slice %arg5[%mul3A_28] : memref<327680xf32, #tpu.memory_space<hbm>> -> memref<2048xf32, #tpu.memory_space<hbm>>
    %dma_wait3A_41 = tpu.memref_slice %arg5[%mul3A_28] : memref<327680xf32, #tpu.memory_space<hbm>> -> memref<2048xf32, #tpu.memory_space<hbm>>
    tpu.wait_dma2 semaphore(%arg22 : memref<!tpu.dma_semaphore, #tpu.memory_space<semaphore_mem>>) src(%dma_wait3A_41 : memref<2048xf32, #tpu.memory_space<hbm>>) dst(%arg11 : memref<2048xf32, #tpu.memory_space<vmem>>)
    %scan3A_42 = arith.constant 0 : i32
    %scan3A_43 = arith.constant 0 : i32
    %scan3A_44 = arith.constant 5 : i32
    %scan3A_45 = arith.addi %scan3A_43, %scan3A_44 : i32
    %scan3A_46 = arith.constant 1 : i32
    scf.for %scan3A_219 = %scan3A_43 to %scan3A_45 step %scan3A_46  : i32 {
      %mul3A_220 = arith.constant 2 : i32
      %mul3A_221 = arith.muli %mul3A_220, %scan3A_219 : i32
      %dma_start3A_222 = arith.constant 0 : i32
      %dma_start3A_223 = arith.constant 0 : i32
      %dma_start3A_224 = arith.constant 0 : i32
      %dma_start3A_225 = tpu.memref_slice %arg12[%dma_start3A_223, %dma_start3A_224] : memref<2048x16xf32, #tpu.memory_space<vmem>> -> memref<128x16xf32, #tpu.memory_space<vmem>>
      %dma_start3A_226 = arith.constant 0 : i32
      %dma_start3A_227 = tpu.memref_slice %arg9[%dma_start3A_222, %dma_start3A_226] : memref<16x128xi32, #tpu.memory_space<vmem>> -> memref<1x128xi32, #tpu.memory_space<vmem>>
      %dma_start3A_228 = tpu.memref_squeeze %dma_start3A_227 : memref<1x128xi32, #tpu.memory_space<vmem>> -> memref<128xi32, #tpu.memory_space<vmem>>
      %dma_start3A_229 = arith.constant 0 : i32
      %dma_start3A_230 = arith.constant 0 : i32
      %dma_start3A_231 = tpu.memref_slice %arg21[%dma_start3A_229, %dma_start3A_230] : memref<30240x16xf32, #tpu.memory_space<vmem_shared>> -> memref<30240x16xf32, #tpu.memory_space<vmem_shared>>
      tpu.enqueue_indirect_dma source(%dma_start3A_231 : memref<30240x16xf32, #tpu.memory_space<vmem_shared>>) target(%dma_start3A_225 : memref<128x16xf32, #tpu.memory_space<vmem>>) offsets(%dma_start3A_228 : memref<128xi32, #tpu.memory_space<vmem>>) semaphore(%arg23 : memref<!tpu.dma_semaphore, #tpu.memory_space<semaphore_mem>>)
      %dma_start3A_232 = arith.constant 1 : i32
      %dma_start3A_233 = arith.constant 128 : i32
      %dma_start3A_234 = arith.constant 0 : i32
      %dma_start3A_235 = tpu.memref_slice %arg12[%dma_start3A_233, %dma_start3A_234] : memref<2048x16xf32, #tpu.memory_space<vmem>> -> memref<128x16xf32, #tpu.memory_space<vmem>>
      %dma_start3A_236 = arith.constant 0 : i32
      %dma_start3A_237 = tpu.memref_slice %arg9[%dma_start3A_232, %dma_start3A_236] : memref<16x128xi32, #tpu.memory_space<vmem>> -> memref<1x128xi32, #tpu.memory_space<vmem>>
      %dma_start3A_238 = tpu.memref_squeeze %dma_start3A_237 : memref<1x128xi32, #tpu.memory_space<vmem>> -> memref<128xi32, #tpu.memory_space<vmem>>
      %dma_start3A_239 = arith.constant 0 : i32
      %dma_start3A_240 = arith.constant 0 : i32
      %dma_start3A_241 = tpu.memref_slice %arg21[%dma_start3A_239, %dma_start3A_240] : memref<30240x16xf32, #tpu.memory_space<vmem_shared>> -> memref<30240x16xf32, #tpu.memory_space<vmem_shared>>
      tpu.enqueue_indirect_dma source(%dma_start3A_241 : memref<30240x16xf32, #tpu.memory_space<vmem_shared>>) target(%dma_start3A_235 : memref<128x16xf32, #tpu.memory_space<vmem>>) offsets(%dma_start3A_238 : memref<128xi32, #tpu.memory_space<vmem>>) semaphore(%arg23 : memref<!tpu.dma_semaphore, #tpu.memory_space<semaphore_mem>>)
      %dma_start3A_242 = arith.constant 2 : i32
      %dma_start3A_243 = arith.constant 256 : i32
      %dma_start3A_244 = arith.constant 0 : i32
      %dma_start3A_245 = tpu.memref_slice %arg12[%dma_start3A_243, %dma_start3A_244] : memref<2048x16xf32, #tpu.memory_space<vmem>> -> memref<128x16xf32, #tpu.memory_space<vmem>>
      %dma_start3A_246 = arith.constant 0 : i32
      %dma_start3A_247 = tpu.memref_slice %arg9[%dma_start3A_242, %dma_start3A_246] : memref<16x128xi32, #tpu.memory_space<vmem>> -> memref<1x128xi32, #tpu.memory_space<vmem>>
      %dma_start3A_248 = tpu.memref_squeeze %dma_start3A_247 : memref<1x128xi32, #tpu.memory_space<vmem>> -> memref<128xi32, #tpu.memory_space<vmem>>
      %dma_start3A_249 = arith.constant 0 : i32
      %dma_start3A_250 = arith.constant 0 : i32
      %dma_start3A_251 = tpu.memref_slice %arg21[%dma_start3A_249, %dma_start3A_250] : memref<30240x16xf32, #tpu.memory_space<vmem_shared>> -> memref<30240x16xf32, #tpu.memory_space<vmem_shared>>
      tpu.enqueue_indirect_dma source(%dma_start3A_251 : memref<30240x16xf32, #tpu.memory_space<vmem_shared>>) target(%dma_start3A_245 : memref<128x16xf32, #tpu.memory_space<vmem>>) offsets(%dma_start3A_248 : memref<128xi32, #tpu.memory_space<vmem>>) semaphore(%arg23 : memref<!tpu.dma_semaphore, #tpu.memory_space<semaphore_mem>>)
      %dma_start3A_252 = arith.constant 3 : i32
      %dma_start3A_253 = arith.constant 384 : i32
      %dma_start3A_254 = arith.constant 0 : i32
      %dma_start3A_255 = tpu.memref_slice %arg12[%dma_start3A_253, %dma_start3A_254] : memref<2048x16xf32, #tpu.memory_space<vmem>> -> memref<128x16xf32, #tpu.memory_space<vmem>>
      %dma_start3A_256 = arith.constant 0 : i32
      %dma_start3A_257 = tpu.memref_slice %arg9[%dma_start3A_252, %dma_start3A_256] : memref<16x128xi32, #tpu.memory_space<vmem>> -> memref<1x128xi32, #tpu.memory_space<vmem>>
      %dma_start3A_258 = tpu.memref_squeeze %dma_start3A_257 : memref<1x128xi32, #tpu.memory_space<vmem>> -> memref<128xi32, #tpu.memory_space<vmem>>
      %dma_start3A_259 = arith.constant 0 : i32
      %dma_start3A_260 = arith.constant 0 : i32
      %dma_start3A_261 = tpu.memref_slice %arg21[%dma_start3A_259, %dma_start3A_260] : memref<30240x16xf32, #tpu.memory_space<vmem_shared>> -> memref<30240x16xf32, #tpu.memory_space<vmem_shared>>
      tpu.enqueue_indirect_dma source(%dma_start3A_261 : memref<30240x16xf32, #tpu.memory_space<vmem_shared>>) target(%dma_start3A_255 : memref<128x16xf32, #tpu.memory_space<vmem>>) offsets(%dma_start3A_258 : memref<128xi32, #tpu.memory_space<vmem>>) semaphore(%arg23 : memref<!tpu.dma_semaphore, #tpu.memory_space<semaphore_mem>>)
      %dma_start3A_262 = arith.constant 4 : i32
      %dma_start3A_263 = arith.constant 512 : i32
      %dma_start3A_264 = arith.constant 0 : i32
      %dma_start3A_265 = tpu.memref_slice %arg12[%dma_start3A_263, %dma_start3A_264] : memref<2048x16xf32, #tpu.memory_space<vmem>> -> memref<128x16xf32, #tpu.memory_space<vmem>>
      %dma_start3A_266 = arith.constant 0 : i32
      %dma_start3A_267 = tpu.memref_slice %arg9[%dma_start3A_262, %dma_start3A_266] : memref<16x128xi32, #tpu.memory_space<vmem>> -> memref<1x128xi32, #tpu.memory_space<vmem>>
      %dma_start3A_268 = tpu.memref_squeeze %dma_start3A_267 : memref<1x128xi32, #tpu.memory_space<vmem>> -> memref<128xi32, #tpu.memory_space<vmem>>
      %dma_start3A_269 = arith.constant 0 : i32
      %dma_start3A_270 = arith.constant 0 : i32
      %dma_start3A_271 = tpu.memref_slice %arg21[%dma_start3A_269, %dma_start3A_270] : memref<30240x16xf32, #tpu.memory_space<vmem_shared>> -> memref<30240x16xf32, #tpu.memory_space<vmem_shared>>
      tpu.enqueue_indirect_dma source(%dma_start3A_271 : memref<30240x16xf32, #tpu.memory_space<vmem_shared>>) target(%dma_start3A_265 : memref<128x16xf32, #tpu.memory_space<vmem>>) offsets(%dma_start3A_268 : memref<128xi32, #tpu.memory_space<vmem>>) semaphore(%arg23 : memref<!tpu.dma_semaphore, #tpu.memory_space<semaphore_mem>>)
      %dma_start3A_272 = arith.constant 5 : i32
      %dma_start3A_273 = arith.constant 640 : i32
      %dma_start3A_274 = arith.constant 0 : i32
      %dma_start3A_275 = tpu.memref_slice %arg12[%dma_start3A_273, %dma_start3A_274] : memref<2048x16xf32, #tpu.memory_space<vmem>> -> memref<128x16xf32, #tpu.memory_space<vmem>>
      %dma_start3A_276 = arith.constant 0 : i32
      %dma_start3A_277 = tpu.memref_slice %arg9[%dma_start3A_272, %dma_start3A_276] : memref<16x128xi32, #tpu.memory_space<vmem>> -> memref<1x128xi32, #tpu.memory_space<vmem>>
      %dma_start3A_278 = tpu.memref_squeeze %dma_start3A_277 : memref<1x128xi32, #tpu.memory_space<vmem>> -> memref<128xi32, #tpu.memory_space<vmem>>
      %dma_start3A_279 = arith.constant 0 : i32
      %dma_start3A_280 = arith.constant 0 : i32
      %dma_start3A_281 = tpu.memref_slice %arg21[%dma_start3A_279, %dma_start3A_280] : memref<30240x16xf32, #tpu.memory_space<vmem_shared>> -> memref<30240x16xf32, #tpu.memory_space<vmem_shared>>
      tpu.enqueue_indirect_dma source(%dma_start3A_281 : memref<30240x16xf32, #tpu.memory_space<vmem_shared>>) target(%dma_start3A_275 : memref<128x16xf32, #tpu.memory_space<vmem>>) offsets(%dma_start3A_278 : memref<128xi32, #tpu.memory_space<vmem>>) semaphore(%arg23 : memref<!tpu.dma_semaphore, #tpu.memory_space<semaphore_mem>>)
      %dma_start3A_282 = arith.constant 6 : i32
      %dma_start3A_283 = arith.constant 768 : i32
      %dma_start3A_284 = arith.constant 0 : i32
      %dma_start3A_285 = tpu.memref_slice %arg12[%dma_start3A_283, %dma_start3A_284] : memref<2048x16xf32, #tpu.memory_space<vmem>> -> memref<128x16xf32, #tpu.memory_space<vmem>>
      %dma_start3A_286 = arith.constant 0 : i32
      %dma_start3A_287 = tpu.memref_slice %arg9[%dma_start3A_282, %dma_start3A_286] : memref<16x128xi32, #tpu.memory_space<vmem>> -> memref<1x128xi32, #tpu.memory_space<vmem>>
      %dma_start3A_288 = tpu.memref_squeeze %dma_start3A_287 : memref<1x128xi32, #tpu.memory_space<vmem>> -> memref<128xi32, #tpu.memory_space<vmem>>
      %dma_start3A_289 = arith.constant 0 : i32
      %dma_start3A_290 = arith.constant 0 : i32
      %dma_start3A_291 = tpu.memref_slice %arg21[%dma_start3A_289, %dma_start3A_290] : memref<30240x16xf32, #tpu.memory_space<vmem_shared>> -> memref<30240x16xf32, #tpu.memory_space<vmem_shared>>
      tpu.enqueue_indirect_dma source(%dma_start3A_291 : memref<30240x16xf32, #tpu.memory_space<vmem_shared>>) target(%dma_start3A_285 : memref<128x16xf32, #tpu.memory_space<vmem>>) offsets(%dma_start3A_288 : memref<128xi32, #tpu.memory_space<vmem>>) semaphore(%arg23 : memref<!tpu.dma_semaphore, #tpu.memory_space<semaphore_mem>>)
      %dma_start3A_292 = arith.constant 7 : i32
      %dma_start3A_293 = arith.constant 896 : i32
      %dma_start3A_294 = arith.constant 0 : i32
      %dma_start3A_295 = tpu.memref_slice %arg12[%dma_start3A_293, %dma_start3A_294] : memref<2048x16xf32, #tpu.memory_space<vmem>> -> memref<128x16xf32, #tpu.memory_space<vmem>>
      %dma_start3A_296 = arith.constant 0 : i32
      %dma_start3A_297 = tpu.memref_slice %arg9[%dma_start3A_292, %dma_start3A_296] : memref<16x128xi32, #tpu.memory_space<vmem>> -> memref<1x128xi32, #tpu.memory_space<vmem>>
      %dma_start3A_298 = tpu.memref_squeeze %dma_start3A_297 : memref<1x128xi32, #tpu.memory_space<vmem>> -> memref<128xi32, #tpu.memory_space<vmem>>
      %dma_start3A_299 = arith.constant 0 : i32
      %dma_start3A_300 = arith.constant 0 : i32
      %dma_start3A_301 = tpu.memref_slice %arg21[%dma_start3A_299, %dma_start3A_300] : memref<30240x16xf32, #tpu.memory_space<vmem_shared>> -> memref<30240x16xf32, #tpu.memory_space<vmem_shared>>
      tpu.enqueue_indirect_dma source(%dma_start3A_301 : memref<30240x16xf32, #tpu.memory_space<vmem_shared>>) target(%dma_start3A_295 : memref<128x16xf32, #tpu.memory_space<vmem>>) offsets(%dma_start3A_298 : memref<128xi32, #tpu.memory_space<vmem>>) semaphore(%arg23 : memref<!tpu.dma_semaphore, #tpu.memory_space<semaphore_mem>>)
      %dma_start3A_302 = arith.constant 8 : i32
      %dma_start3A_303 = arith.constant 1024 : i32
      %dma_start3A_304 = arith.constant 0 : i32
      %dma_start3A_305 = tpu.memref_slice %arg12[%dma_start3A_303, %dma_start3A_304] : memref<2048x16xf32, #tpu.memory_space<vmem>> -> memref<128x16xf32, #tpu.memory_space<vmem>>
      %dma_start3A_306 = arith.constant 0 : i32
      %dma_start3A_307 = tpu.memref_slice %arg9[%dma_start3A_302, %dma_start3A_306] : memref<16x128xi32, #tpu.memory_space<vmem>> -> memref<1x128xi32, #tpu.memory_space<vmem>>
      %dma_start3A_308 = tpu.memref_squeeze %dma_start3A_307 : memref<1x128xi32, #tpu.memory_space<vmem>> -> memref<128xi32, #tpu.memory_space<vmem>>
      %dma_start3A_309 = arith.constant 0 : i32
      %dma_start3A_310 = arith.constant 0 : i32
      %dma_start3A_311 = tpu.memref_slice %arg21[%dma_start3A_309, %dma_start3A_310] : memref<30240x16xf32, #tpu.memory_space<vmem_shared>> -> memref<30240x16xf32, #tpu.memory_space<vmem_shared>>
      tpu.enqueue_indirect_dma source(%dma_start3A_311 : memref<30240x16xf32, #tpu.memory_space<vmem_shared>>) target(%dma_start3A_305 : memref<128x16xf32, #tpu.memory_space<vmem>>) offsets(%dma_start3A_308 : memref<128xi32, #tpu.memory_space<vmem>>) semaphore(%arg23 : memref<!tpu.dma_semaphore, #tpu.memory_space<semaphore_mem>>)
      %dma_start3A_312 = arith.constant 9 : i32
      %dma_start3A_313 = arith.constant 1152 : i32
      %dma_start3A_314 = arith.constant 0 : i32
      %dma_start3A_315 = tpu.memref_slice %arg12[%dma_start3A_313, %dma_start3A_314] : memref<2048x16xf32, #tpu.memory_space<vmem>> -> memref<128x16xf32, #tpu.memory_space<vmem>>
      %dma_start3A_316 = arith.constant 0 : i32
      %dma_start3A_317 = tpu.memref_slice %arg9[%dma_start3A_312, %dma_start3A_316] : memref<16x128xi32, #tpu.memory_space<vmem>> -> memref<1x128xi32, #tpu.memory_space<vmem>>
      %dma_start3A_318 = tpu.memref_squeeze %dma_start3A_317 : memref<1x128xi32, #tpu.memory_space<vmem>> -> memref<128xi32, #tpu.memory_space<vmem>>
      %dma_start3A_319 = arith.constant 0 : i32
      %dma_start3A_320 = arith.constant 0 : i32
      %dma_start3A_321 = tpu.memref_slice %arg21[%dma_start3A_319, %dma_start3A_320] : memref<30240x16xf32, #tpu.memory_space<vmem_shared>> -> memref<30240x16xf32, #tpu.memory_space<vmem_shared>>
      tpu.enqueue_indirect_dma source(%dma_start3A_321 : memref<30240x16xf32, #tpu.memory_space<vmem_shared>>) target(%dma_start3A_315 : memref<128x16xf32, #tpu.memory_space<vmem>>) offsets(%dma_start3A_318 : memref<128xi32, #tpu.memory_space<vmem>>) semaphore(%arg23 : memref<!tpu.dma_semaphore, #tpu.memory_space<semaphore_mem>>)
      %dma_start3A_322 = arith.constant 10 : i32
      %dma_start3A_323 = arith.constant 1280 : i32
      %dma_start3A_324 = arith.constant 0 : i32
      %dma_start3A_325 = tpu.memref_slice %arg12[%dma_start3A_323, %dma_start3A_324] : memref<2048x16xf32, #tpu.memory_space<vmem>> -> memref<128x16xf32, #tpu.memory_space<vmem>>
      %dma_start3A_326 = arith.constant 0 : i32
      %dma_start3A_327 = tpu.memref_slice %arg9[%dma_start3A_322, %dma_start3A_326] : memref<16x128xi32, #tpu.memory_space<vmem>> -> memref<1x128xi32, #tpu.memory_space<vmem>>
      %dma_start3A_328 = tpu.memref_squeeze %dma_start3A_327 : memref<1x128xi32, #tpu.memory_space<vmem>> -> memref<128xi32, #tpu.memory_space<vmem>>
      %dma_start3A_329 = arith.constant 0 : i32
      %dma_start3A_330 = arith.constant 0 : i32
      %dma_start3A_331 = tpu.memref_slice %arg21[%dma_start3A_329, %dma_start3A_330] : memref<30240x16xf32, #tpu.memory_space<vmem_shared>> -> memref<30240x16xf32, #tpu.memory_space<vmem_shared>>
      tpu.enqueue_indirect_dma source(%dma_start3A_331 : memref<30240x16xf32, #tpu.memory_space<vmem_shared>>) target(%dma_start3A_325 : memref<128x16xf32, #tpu.memory_space<vmem>>) offsets(%dma_start3A_328 : memref<128xi32, #tpu.memory_space<vmem>>) semaphore(%arg23 : memref<!tpu.dma_semaphore, #tpu.memory_space<semaphore_mem>>)
      %dma_start3A_332 = arith.constant 11 : i32
      %dma_start3A_333 = arith.constant 1408 : i32
      %dma_start3A_334 = arith.constant 0 : i32
      %dma_start3A_335 = tpu.memref_slice %arg12[%dma_start3A_333, %dma_start3A_334] : memref<2048x16xf32, #tpu.memory_space<vmem>> -> memref<128x16xf32, #tpu.memory_space<vmem>>
      %dma_start3A_336 = arith.constant 0 : i32
      %dma_start3A_337 = tpu.memref_slice %arg9[%dma_start3A_332, %dma_start3A_336] : memref<16x128xi32, #tpu.memory_space<vmem>> -> memref<1x128xi32, #tpu.memory_space<vmem>>
      %dma_start3A_338 = tpu.memref_squeeze %dma_start3A_337 : memref<1x128xi32, #tpu.memory_space<vmem>> -> memref<128xi32, #tpu.memory_space<vmem>>
      %dma_start3A_339 = arith.constant 0 : i32
      %dma_start3A_340 = arith.constant 0 : i32
      %dma_start3A_341 = tpu.memref_slice %arg21[%dma_start3A_339, %dma_start3A_340] : memref<30240x16xf32, #tpu.memory_space<vmem_shared>> -> memref<30240x16xf32, #tpu.memory_space<vmem_shared>>
      tpu.enqueue_indirect_dma source(%dma_start3A_341 : memref<30240x16xf32, #tpu.memory_space<vmem_shared>>) target(%dma_start3A_335 : memref<128x16xf32, #tpu.memory_space<vmem>>) offsets(%dma_start3A_338 : memref<128xi32, #tpu.memory_space<vmem>>) semaphore(%arg23 : memref<!tpu.dma_semaphore, #tpu.memory_space<semaphore_mem>>)
      %dma_start3A_342 = arith.constant 12 : i32
      %dma_start3A_343 = arith.constant 1536 : i32
      %dma_start3A_344 = arith.constant 0 : i32
      %dma_start3A_345 = tpu.memref_slice %arg12[%dma_start3A_343, %dma_start3A_344] : memref<2048x16xf32, #tpu.memory_space<vmem>> -> memref<128x16xf32, #tpu.memory_space<vmem>>
      %dma_start3A_346 = arith.constant 0 : i32
      %dma_start3A_347 = tpu.memref_slice %arg9[%dma_start3A_342, %dma_start3A_346] : memref<16x128xi32, #tpu.memory_space<vmem>> -> memref<1x128xi32, #tpu.memory_space<vmem>>
      %dma_start3A_348 = tpu.memref_squeeze %dma_start3A_347 : memref<1x128xi32, #tpu.memory_space<vmem>> -> memref<128xi32, #tpu.memory_space<vmem>>
      %dma_start3A_349 = arith.constant 0 : i32
      %dma_start3A_350 = arith.constant 0 : i32
      %dma_start3A_351 = tpu.memref_slice %arg21[%dma_start3A_349, %dma_start3A_350] : memref<30240x16xf32, #tpu.memory_space<vmem_shared>> -> memref<30240x16xf32, #tpu.memory_space<vmem_shared>>
      tpu.enqueue_indirect_dma source(%dma_start3A_351 : memref<30240x16xf32, #tpu.memory_space<vmem_shared>>) target(%dma_start3A_345 : memref<128x16xf32, #tpu.memory_space<vmem>>) offsets(%dma_start3A_348 : memref<128xi32, #tpu.memory_space<vmem>>) semaphore(%arg23 : memref<!tpu.dma_semaphore, #tpu.memory_space<semaphore_mem>>)
      %dma_start3A_352 = arith.constant 13 : i32
      %dma_start3A_353 = arith.constant 1664 : i32
      %dma_start3A_354 = arith.constant 0 : i32
      %dma_start3A_355 = tpu.memref_slice %arg12[%dma_start3A_353, %dma_start3A_354] : memref<2048x16xf32, #tpu.memory_space<vmem>> -> memref<128x16xf32, #tpu.memory_space<vmem>>
      %dma_start3A_356 = arith.constant 0 : i32
      %dma_start3A_357 = tpu.memref_slice %arg9[%dma_start3A_352, %dma_start3A_356] : memref<16x128xi32, #tpu.memory_space<vmem>> -> memref<1x128xi32, #tpu.memory_space<vmem>>
      %dma_start3A_358 = tpu.memref_squeeze %dma_start3A_357 : memref<1x128xi32, #tpu.memory_space<vmem>> -> memref<128xi32, #tpu.memory_space<vmem>>
      %dma_start3A_359 = arith.constant 0 : i32
      %dma_start3A_360 = arith.constant 0 : i32
      %dma_start3A_361 = tpu.memref_slice %arg21[%dma_start3A_359, %dma_start3A_360] : memref<30240x16xf32, #tpu.memory_space<vmem_shared>> -> memref<30240x16xf32, #tpu.memory_space<vmem_shared>>
      tpu.enqueue_indirect_dma source(%dma_start3A_361 : memref<30240x16xf32, #tpu.memory_space<vmem_shared>>) target(%dma_start3A_355 : memref<128x16xf32, #tpu.memory_space<vmem>>) offsets(%dma_start3A_358 : memref<128xi32, #tpu.memory_space<vmem>>) semaphore(%arg23 : memref<!tpu.dma_semaphore, #tpu.memory_space<semaphore_mem>>)
      %dma_start3A_362 = arith.constant 14 : i32
      %dma_start3A_363 = arith.constant 1792 : i32
      %dma_start3A_364 = arith.constant 0 : i32
      %dma_start3A_365 = tpu.memref_slice %arg12[%dma_start3A_363, %dma_start3A_364] : memref<2048x16xf32, #tpu.memory_space<vmem>> -> memref<128x16xf32, #tpu.memory_space<vmem>>
      %dma_start3A_366 = arith.constant 0 : i32
      %dma_start3A_367 = tpu.memref_slice %arg9[%dma_start3A_362, %dma_start3A_366] : memref<16x128xi32, #tpu.memory_space<vmem>> -> memref<1x128xi32, #tpu.memory_space<vmem>>
      %dma_start3A_368 = tpu.memref_squeeze %dma_start3A_367 : memref<1x128xi32, #tpu.memory_space<vmem>> -> memref<128xi32, #tpu.memory_space<vmem>>
      %dma_start3A_369 = arith.constant 0 : i32
      %dma_start3A_370 = arith.constant 0 : i32
      %dma_start3A_371 = tpu.memref_slice %arg21[%dma_start3A_369, %dma_start3A_370] : memref<30240x16xf32, #tpu.memory_space<vmem_shared>> -> memref<30240x16xf32, #tpu.memory_space<vmem_shared>>
      tpu.enqueue_indirect_dma source(%dma_start3A_371 : memref<30240x16xf32, #tpu.memory_space<vmem_shared>>) target(%dma_start3A_365 : memref<128x16xf32, #tpu.memory_space<vmem>>) offsets(%dma_start3A_368 : memref<128xi32, #tpu.memory_space<vmem>>) semaphore(%arg23 : memref<!tpu.dma_semaphore, #tpu.memory_space<semaphore_mem>>)
      %dma_start3A_372 = arith.constant 15 : i32
      %dma_start3A_373 = arith.constant 1920 : i32
      %dma_start3A_374 = arith.constant 0 : i32
      %dma_start3A_375 = tpu.memref_slice %arg12[%dma_start3A_373, %dma_start3A_374] : memref<2048x16xf32, #tpu.memory_space<vmem>> -> memref<128x16xf32, #tpu.memory_space<vmem>>
      %dma_start3A_376 = arith.constant 0 : i32
      %dma_start3A_377 = tpu.memref_slice %arg9[%dma_start3A_372, %dma_start3A_376] : memref<16x128xi32, #tpu.memory_space<vmem>> -> memref<1x128xi32, #tpu.memory_space<vmem>>
      %dma_start3A_378 = tpu.memref_squeeze %dma_start3A_377 : memref<1x128xi32, #tpu.memory_space<vmem>> -> memref<128xi32, #tpu.memory_space<vmem>>
      %dma_start3A_379 = arith.constant 0 : i32
      %dma_start3A_380 = arith.constant 0 : i32
      %dma_start3A_381 = tpu.memref_slice %arg21[%dma_start3A_379, %dma_start3A_380] : memref<30240x16xf32, #tpu.memory_space<vmem_shared>> -> memref<30240x16xf32, #tpu.memory_space<vmem_shared>>
      tpu.enqueue_indirect_dma source(%dma_start3A_381 : memref<30240x16xf32, #tpu.memory_space<vmem_shared>>) target(%dma_start3A_375 : memref<128x16xf32, #tpu.memory_space<vmem>>) offsets(%dma_start3A_378 : memref<128xi32, #tpu.memory_space<vmem>>) semaphore(%arg23 : memref<!tpu.dma_semaphore, #tpu.memory_space<semaphore_mem>>)
      %add3A_382 = arith.constant 1 : i32
      %add3A_383 = arith.addi %mul3A_221, %add3A_382 : i32
      %mul3A_384 = arith.constant 160 : i32
      %mul3A_385 = arith.muli %arg1, %mul3A_384 : i32
      %mul3A_386 = arith.constant 16 : i32
      %mul3A_387 = arith.muli %add3A_383, %mul3A_386 : i32
      %add3A_388 = arith.addi %mul3A_385, %mul3A_387 : i32
      %dma_start3A_389 = arith.constant 0 : i32
      %dma_start3A_390 = tpu.memref_slice %arg3[%arg0, %add3A_388, %dma_start3A_389] : memref<2x2560x128xi32, #tpu.memory_space<hbm>> -> memref<1x16x128xi32, #tpu.memory_space<hbm>>
      %dma_start3A_391 = tpu.memref_squeeze %dma_start3A_390 : memref<1x16x128xi32, #tpu.memory_space<hbm>> -> memref<16x128xi32, #tpu.memory_space<hbm>>
      %dma_start3A_392 = arith.constant 0 : i32
      %dma_start3A_393 = tpu.memref_slice %arg3[%arg0, %add3A_388, %dma_start3A_392] : memref<2x2560x128xi32, #tpu.memory_space<hbm>> -> memref<1x16x128xi32, #tpu.memory_space<hbm>>
      %dma_start3A_394 = tpu.memref_squeeze %dma_start3A_393 : memref<1x16x128xi32, #tpu.memory_space<hbm>> -> memref<16x128xi32, #tpu.memory_space<hbm>>
      tpu.enqueue_dma source(%dma_start3A_394 : memref<16x128xi32, #tpu.memory_space<hbm>>) target(%arg13 : memref<16x128xi32, #tpu.memory_space<vmem>>) target_semaphore(%arg22 : memref<!tpu.dma_semaphore, #tpu.memory_space<semaphore_mem>>)
      %dma_start3A_395 = arith.constant 0 : i32
      %dma_start3A_396 = tpu.memref_slice %arg4[%add3A_388, %dma_start3A_395] : memref<2560x128xi32, #tpu.memory_space<hbm>> -> memref<16x128xi32, #tpu.memory_space<hbm>>
      %dma_start3A_397 = arith.constant 0 : i32
      %dma_start3A_398 = tpu.memref_slice %arg4[%add3A_388, %dma_start3A_397] : memref<2560x128xi32, #tpu.memory_space<hbm>> -> memref<16x128xi32, #tpu.memory_space<hbm>>
      tpu.enqueue_dma source(%dma_start3A_398 : memref<16x128xi32, #tpu.memory_space<hbm>>) target(%arg14 : memref<16x128xi32, #tpu.memory_space<vmem>>) target_semaphore(%arg22 : memref<!tpu.dma_semaphore, #tpu.memory_space<semaphore_mem>>)
      %mul3A_399 = arith.constant 128 : i32
      %mul3A_400 = arith.muli %add3A_388, %mul3A_399 : i32
      %dma_start3A_401 = tpu.memref_slice %arg5[%mul3A_400] : memref<327680xf32, #tpu.memory_space<hbm>> -> memref<2048xf32, #tpu.memory_space<hbm>>
      %dma_start3A_402 = tpu.memref_slice %arg5[%mul3A_400] : memref<327680xf32, #tpu.memory_space<hbm>> -> memref<2048xf32, #tpu.memory_space<hbm>>
      tpu.enqueue_dma source(%dma_start3A_402 : memref<2048xf32, #tpu.memory_space<hbm>>) target(%arg15 : memref<2048xf32, #tpu.memory_space<vmem>>) target_semaphore(%arg22 : memref<!tpu.dma_semaphore, #tpu.memory_space<semaphore_mem>>)
      %dma_wait3A_403 = arith.constant 0 : i32
      %dma_wait3A_404 = tpu.memref_slice %arg3[%arg0, %add3A_388, %dma_wait3A_403] : memref<2x2560x128xi32, #tpu.memory_space<hbm>> -> memref<1x16x128xi32, #tpu.memory_space<hbm>>
      %dma_wait3A_405 = tpu.memref_squeeze %dma_wait3A_404 : memref<1x16x128xi32, #tpu.memory_space<hbm>> -> memref<16x128xi32, #tpu.memory_space<hbm>>
      %dma_wait3A_406 = arith.constant 0 : i32
      %dma_wait3A_407 = tpu.memref_slice %arg3[%arg0, %add3A_388, %dma_wait3A_406] : memref<2x2560x128xi32, #tpu.memory_space<hbm>> -> memref<1x16x128xi32, #tpu.memory_space<hbm>>
      %dma_wait3A_408 = tpu.memref_squeeze %dma_wait3A_407 : memref<1x16x128xi32, #tpu.memory_space<hbm>> -> memref<16x128xi32, #tpu.memory_space<hbm>>
      tpu.wait_dma2 semaphore(%arg22 : memref<!tpu.dma_semaphore, #tpu.memory_space<semaphore_mem>>) src(%dma_wait3A_408 : memref<16x128xi32, #tpu.memory_space<hbm>>) dst(%arg13 : memref<16x128xi32, #tpu.memory_space<vmem>>)
      %dma_wait3A_409 = arith.constant 0 : i32
      %dma_wait3A_410 = tpu.memref_slice %arg4[%add3A_388, %dma_wait3A_409] : memref<2560x128xi32, #tpu.memory_space<hbm>> -> memref<16x128xi32, #tpu.memory_space<hbm>>
      %dma_wait3A_411 = arith.constant 0 : i32
      %dma_wait3A_412 = tpu.memref_slice %arg4[%add3A_388, %dma_wait3A_411] : memref<2560x128xi32, #tpu.memory_space<hbm>> -> memref<16x128xi32, #tpu.memory_space<hbm>>
      tpu.wait_dma2 semaphore(%arg22 : memref<!tpu.dma_semaphore, #tpu.memory_space<semaphore_mem>>) src(%dma_wait3A_412 : memref<16x128xi32, #tpu.memory_space<hbm>>) dst(%arg14 : memref<16x128xi32, #tpu.memory_space<vmem>>)
      %dma_wait3A_413 = tpu.memref_slice %arg5[%mul3A_400] : memref<327680xf32, #tpu.memory_space<hbm>> -> memref<2048xf32, #tpu.memory_space<hbm>>
      %dma_wait3A_414 = tpu.memref_slice %arg5[%mul3A_400] : memref<327680xf32, #tpu.memory_space<hbm>> -> memref<2048xf32, #tpu.memory_space<hbm>>
      tpu.wait_dma2 semaphore(%arg22 : memref<!tpu.dma_semaphore, #tpu.memory_space<semaphore_mem>>) src(%dma_wait3A_414 : memref<2048xf32, #tpu.memory_space<hbm>>) dst(%arg15 : memref<2048xf32, #tpu.memory_space<vmem>>)
      %dma_wait3A_415 = arith.constant 0 : i32
      %dma_wait3A_416 = arith.constant 0 : i32
      %dma_wait3A_417 = arith.constant 0 : i32
      %dma_wait3A_418 = tpu.memref_slice %arg12[%dma_wait3A_416, %dma_wait3A_417] : memref<2048x16xf32, #tpu.memory_space<vmem>> -> memref<128x16xf32, #tpu.memory_space<vmem>>
      %dma_wait3A_419 = arith.constant 0 : i32
      %dma_wait3A_420 = tpu.memref_slice %arg9[%dma_wait3A_415, %dma_wait3A_419] : memref<16x128xi32, #tpu.memory_space<vmem>> -> memref<1x128xi32, #tpu.memory_space<vmem>>
      %dma_wait3A_421 = tpu.memref_squeeze %dma_wait3A_420 : memref<1x128xi32, #tpu.memory_space<vmem>> -> memref<128xi32, #tpu.memory_space<vmem>>
      %dma_wait3A_422 = arith.constant 0 : i32
      %dma_wait3A_423 = arith.constant 0 : i32
      %dma_wait3A_424 = tpu.memref_slice %arg21[%dma_wait3A_422, %dma_wait3A_423] : memref<30240x16xf32, #tpu.memory_space<vmem_shared>> -> memref<30240x16xf32, #tpu.memory_space<vmem_shared>>
      tpu.wait_indirect_dma semaphore(%arg23 : memref<!tpu.dma_semaphore, #tpu.memory_space<semaphore_mem>>) src(%dma_wait3A_424 : memref<30240x16xf32, #tpu.memory_space<vmem_shared>>) dst(%dma_wait3A_418 : memref<128x16xf32, #tpu.memory_space<vmem>>)
      %dma_wait3A_425 = arith.constant 1 : i32
      %dma_wait3A_426 = arith.constant 128 : i32
      %dma_wait3A_427 = arith.constant 0 : i32
      %dma_wait3A_428 = tpu.memref_slice %arg12[%dma_wait3A_426, %dma_wait3A_427] : memref<2048x16xf32, #tpu.memory_space<vmem>> -> memref<128x16xf32, #tpu.memory_space<vmem>>
      %dma_wait3A_429 = arith.constant 0 : i32
      %dma_wait3A_430 = tpu.memref_slice %arg9[%dma_wait3A_425, %dma_wait3A_429] : memref<16x128xi32, #tpu.memory_space<vmem>> -> memref<1x128xi32, #tpu.memory_space<vmem>>
      %dma_wait3A_431 = tpu.memref_squeeze %dma_wait3A_430 : memref<1x128xi32, #tpu.memory_space<vmem>> -> memref<128xi32, #tpu.memory_space<vmem>>
      %dma_wait3A_432 = arith.constant 0 : i32
      %dma_wait3A_433 = arith.constant 0 : i32
      %dma_wait3A_434 = tpu.memref_slice %arg21[%dma_wait3A_432, %dma_wait3A_433] : memref<30240x16xf32, #tpu.memory_space<vmem_shared>> -> memref<30240x16xf32, #tpu.memory_space<vmem_shared>>
      tpu.wait_indirect_dma semaphore(%arg23 : memref<!tpu.dma_semaphore, #tpu.memory_space<semaphore_mem>>) src(%dma_wait3A_434 : memref<30240x16xf32, #tpu.memory_space<vmem_shared>>) dst(%dma_wait3A_428 : memref<128x16xf32, #tpu.memory_space<vmem>>)
      %dma_wait3A_435 = arith.constant 2 : i32
      %dma_wait3A_436 = arith.constant 256 : i32
      %dma_wait3A_437 = arith.constant 0 : i32
      %dma_wait3A_438 = tpu.memref_slice %arg12[%dma_wait3A_436, %dma_wait3A_437] : memref<2048x16xf32, #tpu.memory_space<vmem>> -> memref<128x16xf32, #tpu.memory_space<vmem>>
      %dma_wait3A_439 = arith.constant 0 : i32
      %dma_wait3A_440 = tpu.memref_slice %arg9[%dma_wait3A_435, %dma_wait3A_439] : memref<16x128xi32, #tpu.memory_space<vmem>> -> memref<1x128xi32, #tpu.memory_space<vmem>>
      %dma_wait3A_441 = tpu.memref_squeeze %dma_wait3A_440 : memref<1x128xi32, #tpu.memory_space<vmem>> -> memref<128xi32, #tpu.memory_space<vmem>>
      %dma_wait3A_442 = arith.constant 0 : i32
      %dma_wait3A_443 = arith.constant 0 : i32
      %dma_wait3A_444 = tpu.memref_slice %arg21[%dma_wait3A_442, %dma_wait3A_443] : memref<30240x16xf32, #tpu.memory_space<vmem_shared>> -> memref<30240x16xf32, #tpu.memory_space<vmem_shared>>
      tpu.wait_indirect_dma semaphore(%arg23 : memref<!tpu.dma_semaphore, #tpu.memory_space<semaphore_mem>>) src(%dma_wait3A_444 : memref<30240x16xf32, #tpu.memory_space<vmem_shared>>) dst(%dma_wait3A_438 : memref<128x16xf32, #tpu.memory_space<vmem>>)
      %dma_wait3A_445 = arith.constant 3 : i32
      %dma_wait3A_446 = arith.constant 384 : i32
      %dma_wait3A_447 = arith.constant 0 : i32
      %dma_wait3A_448 = tpu.memref_slice %arg12[%dma_wait3A_446, %dma_wait3A_447] : memref<2048x16xf32, #tpu.memory_space<vmem>> -> memref<128x16xf32, #tpu.memory_space<vmem>>
      %dma_wait3A_449 = arith.constant 0 : i32
      %dma_wait3A_450 = tpu.memref_slice %arg9[%dma_wait3A_445, %dma_wait3A_449] : memref<16x128xi32, #tpu.memory_space<vmem>> -> memref<1x128xi32, #tpu.memory_space<vmem>>
      %dma_wait3A_451 = tpu.memref_squeeze %dma_wait3A_450 : memref<1x128xi32, #tpu.memory_space<vmem>> -> memref<128xi32, #tpu.memory_space<vmem>>
      %dma_wait3A_452 = arith.constant 0 : i32
      %dma_wait3A_453 = arith.constant 0 : i32
      %dma_wait3A_454 = tpu.memref_slice %arg21[%dma_wait3A_452, %dma_wait3A_453] : memref<30240x16xf32, #tpu.memory_space<vmem_shared>> -> memref<30240x16xf32, #tpu.memory_space<vmem_shared>>
      tpu.wait_indirect_dma semaphore(%arg23 : memref<!tpu.dma_semaphore, #tpu.memory_space<semaphore_mem>>) src(%dma_wait3A_454 : memref<30240x16xf32, #tpu.memory_space<vmem_shared>>) dst(%dma_wait3A_448 : memref<128x16xf32, #tpu.memory_space<vmem>>)
      %dma_wait3A_455 = arith.constant 4 : i32
      %dma_wait3A_456 = arith.constant 512 : i32
      %dma_wait3A_457 = arith.constant 0 : i32
      %dma_wait3A_458 = tpu.memref_slice %arg12[%dma_wait3A_456, %dma_wait3A_457] : memref<2048x16xf32, #tpu.memory_space<vmem>> -> memref<128x16xf32, #tpu.memory_space<vmem>>
      %dma_wait3A_459 = arith.constant 0 : i32
      %dma_wait3A_460 = tpu.memref_slice %arg9[%dma_wait3A_455, %dma_wait3A_459] : memref<16x128xi32, #tpu.memory_space<vmem>> -> memref<1x128xi32, #tpu.memory_space<vmem>>
      %dma_wait3A_461 = tpu.memref_squeeze %dma_wait3A_460 : memref<1x128xi32, #tpu.memory_space<vmem>> -> memref<128xi32, #tpu.memory_space<vmem>>
      %dma_wait3A_462 = arith.constant 0 : i32
      %dma_wait3A_463 = arith.constant 0 : i32
      %dma_wait3A_464 = tpu.memref_slice %arg21[%dma_wait3A_462, %dma_wait3A_463] : memref<30240x16xf32, #tpu.memory_space<vmem_shared>> -> memref<30240x16xf32, #tpu.memory_space<vmem_shared>>
      tpu.wait_indirect_dma semaphore(%arg23 : memref<!tpu.dma_semaphore, #tpu.memory_space<semaphore_mem>>) src(%dma_wait3A_464 : memref<30240x16xf32, #tpu.memory_space<vmem_shared>>) dst(%dma_wait3A_458 : memref<128x16xf32, #tpu.memory_space<vmem>>)
      %dma_wait3A_465 = arith.constant 5 : i32
      %dma_wait3A_466 = arith.constant 640 : i32
      %dma_wait3A_467 = arith.constant 0 : i32
      %dma_wait3A_468 = tpu.memref_slice %arg12[%dma_wait3A_466, %dma_wait3A_467] : memref<2048x16xf32, #tpu.memory_space<vmem>> -> memref<128x16xf32, #tpu.memory_space<vmem>>
      %dma_wait3A_469 = arith.constant 0 : i32
      %dma_wait3A_470 = tpu.memref_slice %arg9[%dma_wait3A_465, %dma_wait3A_469] : memref<16x128xi32, #tpu.memory_space<vmem>> -> memref<1x128xi32, #tpu.memory_space<vmem>>
      %dma_wait3A_471 = tpu.memref_squeeze %dma_wait3A_470 : memref<1x128xi32, #tpu.memory_space<vmem>> -> memref<128xi32, #tpu.memory_space<vmem>>
      %dma_wait3A_472 = arith.constant 0 : i32
      %dma_wait3A_473 = arith.constant 0 : i32
      %dma_wait3A_474 = tpu.memref_slice %arg21[%dma_wait3A_472, %dma_wait3A_473] : memref<30240x16xf32, #tpu.memory_space<vmem_shared>> -> memref<30240x16xf32, #tpu.memory_space<vmem_shared>>
      tpu.wait_indirect_dma semaphore(%arg23 : memref<!tpu.dma_semaphore, #tpu.memory_space<semaphore_mem>>) src(%dma_wait3A_474 : memref<30240x16xf32, #tpu.memory_space<vmem_shared>>) dst(%dma_wait3A_468 : memref<128x16xf32, #tpu.memory_space<vmem>>)
      %dma_wait3A_475 = arith.constant 6 : i32
      %dma_wait3A_476 = arith.constant 768 : i32
      %dma_wait3A_477 = arith.constant 0 : i32
      %dma_wait3A_478 = tpu.memref_slice %arg12[%dma_wait3A_476, %dma_wait3A_477] : memref<2048x16xf32, #tpu.memory_space<vmem>> -> memref<128x16xf32, #tpu.memory_space<vmem>>
      %dma_wait3A_479 = arith.constant 0 : i32
      %dma_wait3A_480 = tpu.memref_slice %arg9[%dma_wait3A_475, %dma_wait3A_479] : memref<16x128xi32, #tpu.memory_space<vmem>> -> memref<1x128xi32, #tpu.memory_space<vmem>>
      %dma_wait3A_481 = tpu.memref_squeeze %dma_wait3A_480 : memref<1x128xi32, #tpu.memory_space<vmem>> -> memref<128xi32, #tpu.memory_space<vmem>>
      %dma_wait3A_482 = arith.constant 0 : i32
      %dma_wait3A_483 = arith.constant 0 : i32
      %dma_wait3A_484 = tpu.memref_slice %arg21[%dma_wait3A_482, %dma_wait3A_483] : memref<30240x16xf32, #tpu.memory_space<vmem_shared>> -> memref<30240x16xf32, #tpu.memory_space<vmem_shared>>
      tpu.wait_indirect_dma semaphore(%arg23 : memref<!tpu.dma_semaphore, #tpu.memory_space<semaphore_mem>>) src(%dma_wait3A_484 : memref<30240x16xf32, #tpu.memory_space<vmem_shared>>) dst(%dma_wait3A_478 : memref<128x16xf32, #tpu.memory_space<vmem>>)
      %dma_wait3A_485 = arith.constant 7 : i32
      %dma_wait3A_486 = arith.constant 896 : i32
      %dma_wait3A_487 = arith.constant 0 : i32
      %dma_wait3A_488 = tpu.memref_slice %arg12[%dma_wait3A_486, %dma_wait3A_487] : memref<2048x16xf32, #tpu.memory_space<vmem>> -> memref<128x16xf32, #tpu.memory_space<vmem>>
      %dma_wait3A_489 = arith.constant 0 : i32
      %dma_wait3A_490 = tpu.memref_slice %arg9[%dma_wait3A_485, %dma_wait3A_489] : memref<16x128xi32, #tpu.memory_space<vmem>> -> memref<1x128xi32, #tpu.memory_space<vmem>>
      %dma_wait3A_491 = tpu.memref_squeeze %dma_wait3A_490 : memref<1x128xi32, #tpu.memory_space<vmem>> -> memref<128xi32, #tpu.memory_space<vmem>>
      %dma_wait3A_492 = arith.constant 0 : i32
      %dma_wait3A_493 = arith.constant 0 : i32
      %dma_wait3A_494 = tpu.memref_slice %arg21[%dma_wait3A_492, %dma_wait3A_493] : memref<30240x16xf32, #tpu.memory_space<vmem_shared>> -> memref<30240x16xf32, #tpu.memory_space<vmem_shared>>
      tpu.wait_indirect_dma semaphore(%arg23 : memref<!tpu.dma_semaphore, #tpu.memory_space<semaphore_mem>>) src(%dma_wait3A_494 : memref<30240x16xf32, #tpu.memory_space<vmem_shared>>) dst(%dma_wait3A_488 : memref<128x16xf32, #tpu.memory_space<vmem>>)
      %dma_wait3A_495 = arith.constant 8 : i32
      %dma_wait3A_496 = arith.constant 1024 : i32
      %dma_wait3A_497 = arith.constant 0 : i32
      %dma_wait3A_498 = tpu.memref_slice %arg12[%dma_wait3A_496, %dma_wait3A_497] : memref<2048x16xf32, #tpu.memory_space<vmem>> -> memref<128x16xf32, #tpu.memory_space<vmem>>
      %dma_wait3A_499 = arith.constant 0 : i32
      %dma_wait3A_500 = tpu.memref_slice %arg9[%dma_wait3A_495, %dma_wait3A_499] : memref<16x128xi32, #tpu.memory_space<vmem>> -> memref<1x128xi32, #tpu.memory_space<vmem>>
      %dma_wait3A_501 = tpu.memref_squeeze %dma_wait3A_500 : memref<1x128xi32, #tpu.memory_space<vmem>> -> memref<128xi32, #tpu.memory_space<vmem>>
      %dma_wait3A_502 = arith.constant 0 : i32
      %dma_wait3A_503 = arith.constant 0 : i32
      %dma_wait3A_504 = tpu.memref_slice %arg21[%dma_wait3A_502, %dma_wait3A_503] : memref<30240x16xf32, #tpu.memory_space<vmem_shared>> -> memref<30240x16xf32, #tpu.memory_space<vmem_shared>>
      tpu.wait_indirect_dma semaphore(%arg23 : memref<!tpu.dma_semaphore, #tpu.memory_space<semaphore_mem>>) src(%dma_wait3A_504 : memref<30240x16xf32, #tpu.memory_space<vmem_shared>>) dst(%dma_wait3A_498 : memref<128x16xf32, #tpu.memory_space<vmem>>)
      %dma_wait3A_505 = arith.constant 9 : i32
      %dma_wait3A_506 = arith.constant 1152 : i32
      %dma_wait3A_507 = arith.constant 0 : i32
      %dma_wait3A_508 = tpu.memref_slice %arg12[%dma_wait3A_506, %dma_wait3A_507] : memref<2048x16xf32, #tpu.memory_space<vmem>> -> memref<128x16xf32, #tpu.memory_space<vmem>>
      %dma_wait3A_509 = arith.constant 0 : i32
      %dma_wait3A_510 = tpu.memref_slice %arg9[%dma_wait3A_505, %dma_wait3A_509] : memref<16x128xi32, #tpu.memory_space<vmem>> -> memref<1x128xi32, #tpu.memory_space<vmem>>
      %dma_wait3A_511 = tpu.memref_squeeze %dma_wait3A_510 : memref<1x128xi32, #tpu.memory_space<vmem>> -> memref<128xi32, #tpu.memory_space<vmem>>
      %dma_wait3A_512 = arith.constant 0 : i32
      %dma_wait3A_513 = arith.constant 0 : i32
      %dma_wait3A_514 = tpu.memref_slice %arg21[%dma_wait3A_512, %dma_wait3A_513] : memref<30240x16xf32, #tpu.memory_space<vmem_shared>> -> memref<30240x16xf32, #tpu.memory_space<vmem_shared>>
      tpu.wait_indirect_dma semaphore(%arg23 : memref<!tpu.dma_semaphore, #tpu.memory_space<semaphore_mem>>) src(%dma_wait3A_514 : memref<30240x16xf32, #tpu.memory_space<vmem_shared>>) dst(%dma_wait3A_508 : memref<128x16xf32, #tpu.memory_space<vmem>>)
      %dma_wait3A_515 = arith.constant 10 : i32
      %dma_wait3A_516 = arith.constant 1280 : i32
      %dma_wait3A_517 = arith.constant 0 : i32
      %dma_wait3A_518 = tpu.memref_slice %arg12[%dma_wait3A_516, %dma_wait3A_517] : memref<2048x16xf32, #tpu.memory_space<vmem>> -> memref<128x16xf32, #tpu.memory_space<vmem>>
      %dma_wait3A_519 = arith.constant 0 : i32
      %dma_wait3A_520 = tpu.memref_slice %arg9[%dma_wait3A_515, %dma_wait3A_519] : memref<16x128xi32, #tpu.memory_space<vmem>> -> memref<1x128xi32, #tpu.memory_space<vmem>>
      %dma_wait3A_521 = tpu.memref_squeeze %dma_wait3A_520 : memref<1x128xi32, #tpu.memory_space<vmem>> -> memref<128xi32, #tpu.memory_space<vmem>>
      %dma_wait3A_522 = arith.constant 0 : i32
      %dma_wait3A_523 = arith.constant 0 : i32
      %dma_wait3A_524 = tpu.memref_slice %arg21[%dma_wait3A_522, %dma_wait3A_523] : memref<30240x16xf32, #tpu.memory_space<vmem_shared>> -> memref<30240x16xf32, #tpu.memory_space<vmem_shared>>
      tpu.wait_indirect_dma semaphore(%arg23 : memref<!tpu.dma_semaphore, #tpu.memory_space<semaphore_mem>>) src(%dma_wait3A_524 : memref<30240x16xf32, #tpu.memory_space<vmem_shared>>) dst(%dma_wait3A_518 : memref<128x16xf32, #tpu.memory_space<vmem>>)
      %dma_wait3A_525 = arith.constant 11 : i32
      %dma_wait3A_526 = arith.constant 1408 : i32
      %dma_wait3A_527 = arith.constant 0 : i32
      %dma_wait3A_528 = tpu.memref_slice %arg12[%dma_wait3A_526, %dma_wait3A_527] : memref<2048x16xf32, #tpu.memory_space<vmem>> -> memref<128x16xf32, #tpu.memory_space<vmem>>
      %dma_wait3A_529 = arith.constant 0 : i32
      %dma_wait3A_530 = tpu.memref_slice %arg9[%dma_wait3A_525, %dma_wait3A_529] : memref<16x128xi32, #tpu.memory_space<vmem>> -> memref<1x128xi32, #tpu.memory_space<vmem>>
      %dma_wait3A_531 = tpu.memref_squeeze %dma_wait3A_530 : memref<1x128xi32, #tpu.memory_space<vmem>> -> memref<128xi32, #tpu.memory_space<vmem>>
      %dma_wait3A_532 = arith.constant 0 : i32
      %dma_wait3A_533 = arith.constant 0 : i32
      %dma_wait3A_534 = tpu.memref_slice %arg21[%dma_wait3A_532, %dma_wait3A_533] : memref<30240x16xf32, #tpu.memory_space<vmem_shared>> -> memref<30240x16xf32, #tpu.memory_space<vmem_shared>>
      tpu.wait_indirect_dma semaphore(%arg23 : memref<!tpu.dma_semaphore, #tpu.memory_space<semaphore_mem>>) src(%dma_wait3A_534 : memref<30240x16xf32, #tpu.memory_space<vmem_shared>>) dst(%dma_wait3A_528 : memref<128x16xf32, #tpu.memory_space<vmem>>)
      %dma_wait3A_535 = arith.constant 12 : i32
      %dma_wait3A_536 = arith.constant 1536 : i32
      %dma_wait3A_537 = arith.constant 0 : i32
      %dma_wait3A_538 = tpu.memref_slice %arg12[%dma_wait3A_536, %dma_wait3A_537] : memref<2048x16xf32, #tpu.memory_space<vmem>> -> memref<128x16xf32, #tpu.memory_space<vmem>>
      %dma_wait3A_539 = arith.constant 0 : i32
      %dma_wait3A_540 = tpu.memref_slice %arg9[%dma_wait3A_535, %dma_wait3A_539] : memref<16x128xi32, #tpu.memory_space<vmem>> -> memref<1x128xi32, #tpu.memory_space<vmem>>
      %dma_wait3A_541 = tpu.memref_squeeze %dma_wait3A_540 : memref<1x128xi32, #tpu.memory_space<vmem>> -> memref<128xi32, #tpu.memory_space<vmem>>
      %dma_wait3A_542 = arith.constant 0 : i32
      %dma_wait3A_543 = arith.constant 0 : i32
      %dma_wait3A_544 = tpu.memref_slice %arg21[%dma_wait3A_542, %dma_wait3A_543] : memref<30240x16xf32, #tpu.memory_space<vmem_shared>> -> memref<30240x16xf32, #tpu.memory_space<vmem_shared>>
      tpu.wait_indirect_dma semaphore(%arg23 : memref<!tpu.dma_semaphore, #tpu.memory_space<semaphore_mem>>) src(%dma_wait3A_544 : memref<30240x16xf32, #tpu.memory_space<vmem_shared>>) dst(%dma_wait3A_538 : memref<128x16xf32, #tpu.memory_space<vmem>>)
      %dma_wait3A_545 = arith.constant 13 : i32
      %dma_wait3A_546 = arith.constant 1664 : i32
      %dma_wait3A_547 = arith.constant 0 : i32
      %dma_wait3A_548 = tpu.memref_slice %arg12[%dma_wait3A_546, %dma_wait3A_547] : memref<2048x16xf32, #tpu.memory_space<vmem>> -> memref<128x16xf32, #tpu.memory_space<vmem>>
      %dma_wait3A_549 = arith.constant 0 : i32
      %dma_wait3A_550 = tpu.memref_slice %arg9[%dma_wait3A_545, %dma_wait3A_549] : memref<16x128xi32, #tpu.memory_space<vmem>> -> memref<1x128xi32, #tpu.memory_space<vmem>>
      %dma_wait3A_551 = tpu.memref_squeeze %dma_wait3A_550 : memref<1x128xi32, #tpu.memory_space<vmem>> -> memref<128xi32, #tpu.memory_space<vmem>>
      %dma_wait3A_552 = arith.constant 0 : i32
      %dma_wait3A_553 = arith.constant 0 : i32
      %dma_wait3A_554 = tpu.memref_slice %arg21[%dma_wait3A_552, %dma_wait3A_553] : memref<30240x16xf32, #tpu.memory_space<vmem_shared>> -> memref<30240x16xf32, #tpu.memory_space<vmem_shared>>
      tpu.wait_indirect_dma semaphore(%arg23 : memref<!tpu.dma_semaphore, #tpu.memory_space<semaphore_mem>>) src(%dma_wait3A_554 : memref<30240x16xf32, #tpu.memory_space<vmem_shared>>) dst(%dma_wait3A_548 : memref<128x16xf32, #tpu.memory_space<vmem>>)
      %dma_wait3A_555 = arith.constant 14 : i32
      %dma_wait3A_556 = arith.constant 1792 : i32
      %dma_wait3A_557 = arith.constant 0 : i32
      %dma_wait3A_558 = tpu.memref_slice %arg12[%dma_wait3A_556, %dma_wait3A_557] : memref<2048x16xf32, #tpu.memory_space<vmem>> -> memref<128x16xf32, #tpu.memory_space<vmem>>
      %dma_wait3A_559 = arith.constant 0 : i32
      %dma_wait3A_560 = tpu.memref_slice %arg9[%dma_wait3A_555, %dma_wait3A_559] : memref<16x128xi32, #tpu.memory_space<vmem>> -> memref<1x128xi32, #tpu.memory_space<vmem>>
      %dma_wait3A_561 = tpu.memref_squeeze %dma_wait3A_560 : memref<1x128xi32, #tpu.memory_space<vmem>> -> memref<128xi32, #tpu.memory_space<vmem>>
      %dma_wait3A_562 = arith.constant 0 : i32
      %dma_wait3A_563 = arith.constant 0 : i32
      %dma_wait3A_564 = tpu.memref_slice %arg21[%dma_wait3A_562, %dma_wait3A_563] : memref<30240x16xf32, #tpu.memory_space<vmem_shared>> -> memref<30240x16xf32, #tpu.memory_space<vmem_shared>>
      tpu.wait_indirect_dma semaphore(%arg23 : memref<!tpu.dma_semaphore, #tpu.memory_space<semaphore_mem>>) src(%dma_wait3A_564 : memref<30240x16xf32, #tpu.memory_space<vmem_shared>>) dst(%dma_wait3A_558 : memref<128x16xf32, #tpu.memory_space<vmem>>)
      %dma_wait3A_565 = arith.constant 15 : i32
      %dma_wait3A_566 = arith.constant 1920 : i32
      %dma_wait3A_567 = arith.constant 0 : i32
      %dma_wait3A_568 = tpu.memref_slice %arg12[%dma_wait3A_566, %dma_wait3A_567] : memref<2048x16xf32, #tpu.memory_space<vmem>> -> memref<128x16xf32, #tpu.memory_space<vmem>>
      %dma_wait3A_569 = arith.constant 0 : i32
      %dma_wait3A_570 = tpu.memref_slice %arg9[%dma_wait3A_565, %dma_wait3A_569] : memref<16x128xi32, #tpu.memory_space<vmem>> -> memref<1x128xi32, #tpu.memory_space<vmem>>
      %dma_wait3A_571 = tpu.memref_squeeze %dma_wait3A_570 : memref<1x128xi32, #tpu.memory_space<vmem>> -> memref<128xi32, #tpu.memory_space<vmem>>
      %dma_wait3A_572 = arith.constant 0 : i32
      %dma_wait3A_573 = arith.constant 0 : i32
      %dma_wait3A_574 = tpu.memref_slice %arg21[%dma_wait3A_572, %dma_wait3A_573] : memref<30240x16xf32, #tpu.memory_space<vmem_shared>> -> memref<30240x16xf32, #tpu.memory_space<vmem_shared>>
      tpu.wait_indirect_dma semaphore(%arg23 : memref<!tpu.dma_semaphore, #tpu.memory_space<semaphore_mem>>) src(%dma_wait3A_574 : memref<30240x16xf32, #tpu.memory_space<vmem_shared>>) dst(%dma_wait3A_568 : memref<128x16xf32, #tpu.memory_space<vmem>>)
      %dma_start3A_575 = arith.constant 0 : i32
      %dma_start3A_576 = arith.constant 0 : i32
      %dma_start3A_577 = arith.constant 0 : i32
      %dma_start3A_578 = tpu.memref_slice %arg16[%dma_start3A_576, %dma_start3A_577] : memref<2048x16xf32, #tpu.memory_space<vmem>> -> memref<128x16xf32, #tpu.memory_space<vmem>>
      %dma_start3A_579 = arith.constant 0 : i32
      %dma_start3A_580 = tpu.memref_slice %arg13[%dma_start3A_575, %dma_start3A_579] : memref<16x128xi32, #tpu.memory_space<vmem>> -> memref<1x128xi32, #tpu.memory_space<vmem>>
      %dma_start3A_581 = tpu.memref_squeeze %dma_start3A_580 : memref<1x128xi32, #tpu.memory_space<vmem>> -> memref<128xi32, #tpu.memory_space<vmem>>
      %dma_start3A_582 = arith.constant 0 : i32
      %dma_start3A_583 = arith.constant 0 : i32
      %dma_start3A_584 = tpu.memref_slice %arg21[%dma_start3A_582, %dma_start3A_583] : memref<30240x16xf32, #tpu.memory_space<vmem_shared>> -> memref<30240x16xf32, #tpu.memory_space<vmem_shared>>
      tpu.enqueue_indirect_dma source(%dma_start3A_584 : memref<30240x16xf32, #tpu.memory_space<vmem_shared>>) target(%dma_start3A_578 : memref<128x16xf32, #tpu.memory_space<vmem>>) offsets(%dma_start3A_581 : memref<128xi32, #tpu.memory_space<vmem>>) semaphore(%arg25 : memref<!tpu.dma_semaphore, #tpu.memory_space<semaphore_mem>>)
      %dma_start3A_585 = arith.constant 1 : i32
      %dma_start3A_586 = arith.constant 128 : i32
      %dma_start3A_587 = arith.constant 0 : i32
      %dma_start3A_588 = tpu.memref_slice %arg16[%dma_start3A_586, %dma_start3A_587] : memref<2048x16xf32, #tpu.memory_space<vmem>> -> memref<128x16xf32, #tpu.memory_space<vmem>>
      %dma_start3A_589 = arith.constant 0 : i32
      %dma_start3A_590 = tpu.memref_slice %arg13[%dma_start3A_585, %dma_start3A_589] : memref<16x128xi32, #tpu.memory_space<vmem>> -> memref<1x128xi32, #tpu.memory_space<vmem>>
      %dma_start3A_591 = tpu.memref_squeeze %dma_start3A_590 : memref<1x128xi32, #tpu.memory_space<vmem>> -> memref<128xi32, #tpu.memory_space<vmem>>
      %dma_start3A_592 = arith.constant 0 : i32
      %dma_start3A_593 = arith.constant 0 : i32
      %dma_start3A_594 = tpu.memref_slice %arg21[%dma_start3A_592, %dma_start3A_593] : memref<30240x16xf32, #tpu.memory_space<vmem_shared>> -> memref<30240x16xf32, #tpu.memory_space<vmem_shared>>
      tpu.enqueue_indirect_dma source(%dma_start3A_594 : memref<30240x16xf32, #tpu.memory_space<vmem_shared>>) target(%dma_start3A_588 : memref<128x16xf32, #tpu.memory_space<vmem>>) offsets(%dma_start3A_591 : memref<128xi32, #tpu.memory_space<vmem>>) semaphore(%arg25 : memref<!tpu.dma_semaphore, #tpu.memory_space<semaphore_mem>>)
      %dma_start3A_595 = arith.constant 2 : i32
      %dma_start3A_596 = arith.constant 256 : i32
      %dma_start3A_597 = arith.constant 0 : i32
      %dma_start3A_598 = tpu.memref_slice %arg16[%dma_start3A_596, %dma_start3A_597] : memref<2048x16xf32, #tpu.memory_space<vmem>> -> memref<128x16xf32, #tpu.memory_space<vmem>>
      %dma_start3A_599 = arith.constant 0 : i32
      %dma_start3A_600 = tpu.memref_slice %arg13[%dma_start3A_595, %dma_start3A_599] : memref<16x128xi32, #tpu.memory_space<vmem>> -> memref<1x128xi32, #tpu.memory_space<vmem>>
      %dma_start3A_601 = tpu.memref_squeeze %dma_start3A_600 : memref<1x128xi32, #tpu.memory_space<vmem>> -> memref<128xi32, #tpu.memory_space<vmem>>
      %dma_start3A_602 = arith.constant 0 : i32
      %dma_start3A_603 = arith.constant 0 : i32
      %dma_start3A_604 = tpu.memref_slice %arg21[%dma_start3A_602, %dma_start3A_603] : memref<30240x16xf32, #tpu.memory_space<vmem_shared>> -> memref<30240x16xf32, #tpu.memory_space<vmem_shared>>
      tpu.enqueue_indirect_dma source(%dma_start3A_604 : memref<30240x16xf32, #tpu.memory_space<vmem_shared>>) target(%dma_start3A_598 : memref<128x16xf32, #tpu.memory_space<vmem>>) offsets(%dma_start3A_601 : memref<128xi32, #tpu.memory_space<vmem>>) semaphore(%arg25 : memref<!tpu.dma_semaphore, #tpu.memory_space<semaphore_mem>>)
      %dma_start3A_605 = arith.constant 3 : i32
      %dma_start3A_606 = arith.constant 384 : i32
      %dma_start3A_607 = arith.constant 0 : i32
      %dma_start3A_608 = tpu.memref_slice %arg16[%dma_start3A_606, %dma_start3A_607] : memref<2048x16xf32, #tpu.memory_space<vmem>> -> memref<128x16xf32, #tpu.memory_space<vmem>>
      %dma_start3A_609 = arith.constant 0 : i32
      %dma_start3A_610 = tpu.memref_slice %arg13[%dma_start3A_605, %dma_start3A_609] : memref<16x128xi32, #tpu.memory_space<vmem>> -> memref<1x128xi32, #tpu.memory_space<vmem>>
      %dma_start3A_611 = tpu.memref_squeeze %dma_start3A_610 : memref<1x128xi32, #tpu.memory_space<vmem>> -> memref<128xi32, #tpu.memory_space<vmem>>
      %dma_start3A_612 = arith.constant 0 : i32
      %dma_start3A_613 = arith.constant 0 : i32
      %dma_start3A_614 = tpu.memref_slice %arg21[%dma_start3A_612, %dma_start3A_613] : memref<30240x16xf32, #tpu.memory_space<vmem_shared>> -> memref<30240x16xf32, #tpu.memory_space<vmem_shared>>
      tpu.enqueue_indirect_dma source(%dma_start3A_614 : memref<30240x16xf32, #tpu.memory_space<vmem_shared>>) target(%dma_start3A_608 : memref<128x16xf32, #tpu.memory_space<vmem>>) offsets(%dma_start3A_611 : memref<128xi32, #tpu.memory_space<vmem>>) semaphore(%arg25 : memref<!tpu.dma_semaphore, #tpu.memory_space<semaphore_mem>>)
      %dma_start3A_615 = arith.constant 4 : i32
      %dma_start3A_616 = arith.constant 512 : i32
      %dma_start3A_617 = arith.constant 0 : i32
      %dma_start3A_618 = tpu.memref_slice %arg16[%dma_start3A_616, %dma_start3A_617] : memref<2048x16xf32, #tpu.memory_space<vmem>> -> memref<128x16xf32, #tpu.memory_space<vmem>>
      %dma_start3A_619 = arith.constant 0 : i32
      %dma_start3A_620 = tpu.memref_slice %arg13[%dma_start3A_615, %dma_start3A_619] : memref<16x128xi32, #tpu.memory_space<vmem>> -> memref<1x128xi32, #tpu.memory_space<vmem>>
      %dma_start3A_621 = tpu.memref_squeeze %dma_start3A_620 : memref<1x128xi32, #tpu.memory_space<vmem>> -> memref<128xi32, #tpu.memory_space<vmem>>
      %dma_start3A_622 = arith.constant 0 : i32
      %dma_start3A_623 = arith.constant 0 : i32
      %dma_start3A_624 = tpu.memref_slice %arg21[%dma_start3A_622, %dma_start3A_623] : memref<30240x16xf32, #tpu.memory_space<vmem_shared>> -> memref<30240x16xf32, #tpu.memory_space<vmem_shared>>
      tpu.enqueue_indirect_dma source(%dma_start3A_624 : memref<30240x16xf32, #tpu.memory_space<vmem_shared>>) target(%dma_start3A_618 : memref<128x16xf32, #tpu.memory_space<vmem>>) offsets(%dma_start3A_621 : memref<128xi32, #tpu.memory_space<vmem>>) semaphore(%arg25 : memref<!tpu.dma_semaphore, #tpu.memory_space<semaphore_mem>>)
      %dma_start3A_625 = arith.constant 5 : i32
      %dma_start3A_626 = arith.constant 640 : i32
      %dma_start3A_627 = arith.constant 0 : i32
      %dma_start3A_628 = tpu.memref_slice %arg16[%dma_start3A_626, %dma_start3A_627] : memref<2048x16xf32, #tpu.memory_space<vmem>> -> memref<128x16xf32, #tpu.memory_space<vmem>>
      %dma_start3A_629 = arith.constant 0 : i32
      %dma_start3A_630 = tpu.memref_slice %arg13[%dma_start3A_625, %dma_start3A_629] : memref<16x128xi32, #tpu.memory_space<vmem>> -> memref<1x128xi32, #tpu.memory_space<vmem>>
      %dma_start3A_631 = tpu.memref_squeeze %dma_start3A_630 : memref<1x128xi32, #tpu.memory_space<vmem>> -> memref<128xi32, #tpu.memory_space<vmem>>
      %dma_start3A_632 = arith.constant 0 : i32
      %dma_start3A_633 = arith.constant 0 : i32
      %dma_start3A_634 = tpu.memref_slice %arg21[%dma_start3A_632, %dma_start3A_633] : memref<30240x16xf32, #tpu.memory_space<vmem_shared>> -> memref<30240x16xf32, #tpu.memory_space<vmem_shared>>
      tpu.enqueue_indirect_dma source(%dma_start3A_634 : memref<30240x16xf32, #tpu.memory_space<vmem_shared>>) target(%dma_start3A_628 : memref<128x16xf32, #tpu.memory_space<vmem>>) offsets(%dma_start3A_631 : memref<128xi32, #tpu.memory_space<vmem>>) semaphore(%arg25 : memref<!tpu.dma_semaphore, #tpu.memory_space<semaphore_mem>>)
      %dma_start3A_635 = arith.constant 6 : i32
      %dma_start3A_636 = arith.constant 768 : i32
      %dma_start3A_637 = arith.constant 0 : i32
      %dma_start3A_638 = tpu.memref_slice %arg16[%dma_start3A_636, %dma_start3A_637] : memref<2048x16xf32, #tpu.memory_space<vmem>> -> memref<128x16xf32, #tpu.memory_space<vmem>>
      %dma_start3A_639 = arith.constant 0 : i32
      %dma_start3A_640 = tpu.memref_slice %arg13[%dma_start3A_635, %dma_start3A_639] : memref<16x128xi32, #tpu.memory_space<vmem>> -> memref<1x128xi32, #tpu.memory_space<vmem>>
      %dma_start3A_641 = tpu.memref_squeeze %dma_start3A_640 : memref<1x128xi32, #tpu.memory_space<vmem>> -> memref<128xi32, #tpu.memory_space<vmem>>
      %dma_start3A_642 = arith.constant 0 : i32
      %dma_start3A_643 = arith.constant 0 : i32
      %dma_start3A_644 = tpu.memref_slice %arg21[%dma_start3A_642, %dma_start3A_643] : memref<30240x16xf32, #tpu.memory_space<vmem_shared>> -> memref<30240x16xf32, #tpu.memory_space<vmem_shared>>
      tpu.enqueue_indirect_dma source(%dma_start3A_644 : memref<30240x16xf32, #tpu.memory_space<vmem_shared>>) target(%dma_start3A_638 : memref<128x16xf32, #tpu.memory_space<vmem>>) offsets(%dma_start3A_641 : memref<128xi32, #tpu.memory_space<vmem>>) semaphore(%arg25 : memref<!tpu.dma_semaphore, #tpu.memory_space<semaphore_mem>>)
      %dma_start3A_645 = arith.constant 7 : i32
      %dma_start3A_646 = arith.constant 896 : i32
      %dma_start3A_647 = arith.constant 0 : i32
      %dma_start3A_648 = tpu.memref_slice %arg16[%dma_start3A_646, %dma_start3A_647] : memref<2048x16xf32, #tpu.memory_space<vmem>> -> memref<128x16xf32, #tpu.memory_space<vmem>>
      %dma_start3A_649 = arith.constant 0 : i32
      %dma_start3A_650 = tpu.memref_slice %arg13[%dma_start3A_645, %dma_start3A_649] : memref<16x128xi32, #tpu.memory_space<vmem>> -> memref<1x128xi32, #tpu.memory_space<vmem>>
      %dma_start3A_651 = tpu.memref_squeeze %dma_start3A_650 : memref<1x128xi32, #tpu.memory_space<vmem>> -> memref<128xi32, #tpu.memory_space<vmem>>
      %dma_start3A_652 = arith.constant 0 : i32
      %dma_start3A_653 = arith.constant 0 : i32
      %dma_start3A_654 = tpu.memref_slice %arg21[%dma_start3A_652, %dma_start3A_653] : memref<30240x16xf32, #tpu.memory_space<vmem_shared>> -> memref<30240x16xf32, #tpu.memory_space<vmem_shared>>
      tpu.enqueue_indirect_dma source(%dma_start3A_654 : memref<30240x16xf32, #tpu.memory_space<vmem_shared>>) target(%dma_start3A_648 : memref<128x16xf32, #tpu.memory_space<vmem>>) offsets(%dma_start3A_651 : memref<128xi32, #tpu.memory_space<vmem>>) semaphore(%arg25 : memref<!tpu.dma_semaphore, #tpu.memory_space<semaphore_mem>>)
      %dma_start3A_655 = arith.constant 8 : i32
      %dma_start3A_656 = arith.constant 1024 : i32
      %dma_start3A_657 = arith.constant 0 : i32
      %dma_start3A_658 = tpu.memref_slice %arg16[%dma_start3A_656, %dma_start3A_657] : memref<2048x16xf32, #tpu.memory_space<vmem>> -> memref<128x16xf32, #tpu.memory_space<vmem>>
      %dma_start3A_659 = arith.constant 0 : i32
      %dma_start3A_660 = tpu.memref_slice %arg13[%dma_start3A_655, %dma_start3A_659] : memref<16x128xi32, #tpu.memory_space<vmem>> -> memref<1x128xi32, #tpu.memory_space<vmem>>
      %dma_start3A_661 = tpu.memref_squeeze %dma_start3A_660 : memref<1x128xi32, #tpu.memory_space<vmem>> -> memref<128xi32, #tpu.memory_space<vmem>>
      %dma_start3A_662 = arith.constant 0 : i32
      %dma_start3A_663 = arith.constant 0 : i32
      %dma_start3A_664 = tpu.memref_slice %arg21[%dma_start3A_662, %dma_start3A_663] : memref<30240x16xf32, #tpu.memory_space<vmem_shared>> -> memref<30240x16xf32, #tpu.memory_space<vmem_shared>>
      tpu.enqueue_indirect_dma source(%dma_start3A_664 : memref<30240x16xf32, #tpu.memory_space<vmem_shared>>) target(%dma_start3A_658 : memref<128x16xf32, #tpu.memory_space<vmem>>) offsets(%dma_start3A_661 : memref<128xi32, #tpu.memory_space<vmem>>) semaphore(%arg25 : memref<!tpu.dma_semaphore, #tpu.memory_space<semaphore_mem>>)
      %dma_start3A_665 = arith.constant 9 : i32
      %dma_start3A_666 = arith.constant 1152 : i32
      %dma_start3A_667 = arith.constant 0 : i32
      %dma_start3A_668 = tpu.memref_slice %arg16[%dma_start3A_666, %dma_start3A_667] : memref<2048x16xf32, #tpu.memory_space<vmem>> -> memref<128x16xf32, #tpu.memory_space<vmem>>
      %dma_start3A_669 = arith.constant 0 : i32
      %dma_start3A_670 = tpu.memref_slice %arg13[%dma_start3A_665, %dma_start3A_669] : memref<16x128xi32, #tpu.memory_space<vmem>> -> memref<1x128xi32, #tpu.memory_space<vmem>>
      %dma_start3A_671 = tpu.memref_squeeze %dma_start3A_670 : memref<1x128xi32, #tpu.memory_space<vmem>> -> memref<128xi32, #tpu.memory_space<vmem>>
      %dma_start3A_672 = arith.constant 0 : i32
      %dma_start3A_673 = arith.constant 0 : i32
      %dma_start3A_674 = tpu.memref_slice %arg21[%dma_start3A_672, %dma_start3A_673] : memref<30240x16xf32, #tpu.memory_space<vmem_shared>> -> memref<30240x16xf32, #tpu.memory_space<vmem_shared>>
      tpu.enqueue_indirect_dma source(%dma_start3A_674 : memref<30240x16xf32, #tpu.memory_space<vmem_shared>>) target(%dma_start3A_668 : memref<128x16xf32, #tpu.memory_space<vmem>>) offsets(%dma_start3A_671 : memref<128xi32, #tpu.memory_space<vmem>>) semaphore(%arg25 : memref<!tpu.dma_semaphore, #tpu.memory_space<semaphore_mem>>)
      %dma_start3A_675 = arith.constant 10 : i32
      %dma_start3A_676 = arith.constant 1280 : i32
      %dma_start3A_677 = arith.constant 0 : i32
      %dma_start3A_678 = tpu.memref_slice %arg16[%dma_start3A_676, %dma_start3A_677] : memref<2048x16xf32, #tpu.memory_space<vmem>> -> memref<128x16xf32, #tpu.memory_space<vmem>>
      %dma_start3A_679 = arith.constant 0 : i32
      %dma_start3A_680 = tpu.memref_slice %arg13[%dma_start3A_675, %dma_start3A_679] : memref<16x128xi32, #tpu.memory_space<vmem>> -> memref<1x128xi32, #tpu.memory_space<vmem>>
      %dma_start3A_681 = tpu.memref_squeeze %dma_start3A_680 : memref<1x128xi32, #tpu.memory_space<vmem>> -> memref<128xi32, #tpu.memory_space<vmem>>
      %dma_start3A_682 = arith.constant 0 : i32
      %dma_start3A_683 = arith.constant 0 : i32
      %dma_start3A_684 = tpu.memref_slice %arg21[%dma_start3A_682, %dma_start3A_683] : memref<30240x16xf32, #tpu.memory_space<vmem_shared>> -> memref<30240x16xf32, #tpu.memory_space<vmem_shared>>
      tpu.enqueue_indirect_dma source(%dma_start3A_684 : memref<30240x16xf32, #tpu.memory_space<vmem_shared>>) target(%dma_start3A_678 : memref<128x16xf32, #tpu.memory_space<vmem>>) offsets(%dma_start3A_681 : memref<128xi32, #tpu.memory_space<vmem>>) semaphore(%arg25 : memref<!tpu.dma_semaphore, #tpu.memory_space<semaphore_mem>>)
      %dma_start3A_685 = arith.constant 11 : i32
      %dma_start3A_686 = arith.constant 1408 : i32
      %dma_start3A_687 = arith.constant 0 : i32
      %dma_start3A_688 = tpu.memref_slice %arg16[%dma_start3A_686, %dma_start3A_687] : memref<2048x16xf32, #tpu.memory_space<vmem>> -> memref<128x16xf32, #tpu.memory_space<vmem>>
      %dma_start3A_689 = arith.constant 0 : i32
      %dma_start3A_690 = tpu.memref_slice %arg13[%dma_start3A_685, %dma_start3A_689] : memref<16x128xi32, #tpu.memory_space<vmem>> -> memref<1x128xi32, #tpu.memory_space<vmem>>
      %dma_start3A_691 = tpu.memref_squeeze %dma_start3A_690 : memref<1x128xi32, #tpu.memory_space<vmem>> -> memref<128xi32, #tpu.memory_space<vmem>>
      %dma_start3A_692 = arith.constant 0 : i32
      %dma_start3A_693 = arith.constant 0 : i32
      %dma_start3A_694 = tpu.memref_slice %arg21[%dma_start3A_692, %dma_start3A_693] : memref<30240x16xf32, #tpu.memory_space<vmem_shared>> -> memref<30240x16xf32, #tpu.memory_space<vmem_shared>>
      tpu.enqueue_indirect_dma source(%dma_start3A_694 : memref<30240x16xf32, #tpu.memory_space<vmem_shared>>) target(%dma_start3A_688 : memref<128x16xf32, #tpu.memory_space<vmem>>) offsets(%dma_start3A_691 : memref<128xi32, #tpu.memory_space<vmem>>) semaphore(%arg25 : memref<!tpu.dma_semaphore, #tpu.memory_space<semaphore_mem>>)
      %dma_start3A_695 = arith.constant 12 : i32
      %dma_start3A_696 = arith.constant 1536 : i32
      %dma_start3A_697 = arith.constant 0 : i32
      %dma_start3A_698 = tpu.memref_slice %arg16[%dma_start3A_696, %dma_start3A_697] : memref<2048x16xf32, #tpu.memory_space<vmem>> -> memref<128x16xf32, #tpu.memory_space<vmem>>
      %dma_start3A_699 = arith.constant 0 : i32
      %dma_start3A_700 = tpu.memref_slice %arg13[%dma_start3A_695, %dma_start3A_699] : memref<16x128xi32, #tpu.memory_space<vmem>> -> memref<1x128xi32, #tpu.memory_space<vmem>>
      %dma_start3A_701 = tpu.memref_squeeze %dma_start3A_700 : memref<1x128xi32, #tpu.memory_space<vmem>> -> memref<128xi32, #tpu.memory_space<vmem>>
      %dma_start3A_702 = arith.constant 0 : i32
      %dma_start3A_703 = arith.constant 0 : i32
      %dma_start3A_704 = tpu.memref_slice %arg21[%dma_start3A_702, %dma_start3A_703] : memref<30240x16xf32, #tpu.memory_space<vmem_shared>> -> memref<30240x16xf32, #tpu.memory_space<vmem_shared>>
      tpu.enqueue_indirect_dma source(%dma_start3A_704 : memref<30240x16xf32, #tpu.memory_space<vmem_shared>>) target(%dma_start3A_698 : memref<128x16xf32, #tpu.memory_space<vmem>>) offsets(%dma_start3A_701 : memref<128xi32, #tpu.memory_space<vmem>>) semaphore(%arg25 : memref<!tpu.dma_semaphore, #tpu.memory_space<semaphore_mem>>)
      %dma_start3A_705 = arith.constant 13 : i32
      %dma_start3A_706 = arith.constant 1664 : i32
      %dma_start3A_707 = arith.constant 0 : i32
      %dma_start3A_708 = tpu.memref_slice %arg16[%dma_start3A_706, %dma_start3A_707] : memref<2048x16xf32, #tpu.memory_space<vmem>> -> memref<128x16xf32, #tpu.memory_space<vmem>>
      %dma_start3A_709 = arith.constant 0 : i32
      %dma_start3A_710 = tpu.memref_slice %arg13[%dma_start3A_705, %dma_start3A_709] : memref<16x128xi32, #tpu.memory_space<vmem>> -> memref<1x128xi32, #tpu.memory_space<vmem>>
      %dma_start3A_711 = tpu.memref_squeeze %dma_start3A_710 : memref<1x128xi32, #tpu.memory_space<vmem>> -> memref<128xi32, #tpu.memory_space<vmem>>
      %dma_start3A_712 = arith.constant 0 : i32
      %dma_start3A_713 = arith.constant 0 : i32
      %dma_start3A_714 = tpu.memref_slice %arg21[%dma_start3A_712, %dma_start3A_713] : memref<30240x16xf32, #tpu.memory_space<vmem_shared>> -> memref<30240x16xf32, #tpu.memory_space<vmem_shared>>
      tpu.enqueue_indirect_dma source(%dma_start3A_714 : memref<30240x16xf32, #tpu.memory_space<vmem_shared>>) target(%dma_start3A_708 : memref<128x16xf32, #tpu.memory_space<vmem>>) offsets(%dma_start3A_711 : memref<128xi32, #tpu.memory_space<vmem>>) semaphore(%arg25 : memref<!tpu.dma_semaphore, #tpu.memory_space<semaphore_mem>>)
      %dma_start3A_715 = arith.constant 14 : i32
      %dma_start3A_716 = arith.constant 1792 : i32
      %dma_start3A_717 = arith.constant 0 : i32
      %dma_start3A_718 = tpu.memref_slice %arg16[%dma_start3A_716, %dma_start3A_717] : memref<2048x16xf32, #tpu.memory_space<vmem>> -> memref<128x16xf32, #tpu.memory_space<vmem>>
      %dma_start3A_719 = arith.constant 0 : i32
      %dma_start3A_720 = tpu.memref_slice %arg13[%dma_start3A_715, %dma_start3A_719] : memref<16x128xi32, #tpu.memory_space<vmem>> -> memref<1x128xi32, #tpu.memory_space<vmem>>
      %dma_start3A_721 = tpu.memref_squeeze %dma_start3A_720 : memref<1x128xi32, #tpu.memory_space<vmem>> -> memref<128xi32, #tpu.memory_space<vmem>>
      %dma_start3A_722 = arith.constant 0 : i32
      %dma_start3A_723 = arith.constant 0 : i32
      %dma_start3A_724 = tpu.memref_slice %arg21[%dma_start3A_722, %dma_start3A_723] : memref<30240x16xf32, #tpu.memory_space<vmem_shared>> -> memref<30240x16xf32, #tpu.memory_space<vmem_shared>>
      tpu.enqueue_indirect_dma source(%dma_start3A_724 : memref<30240x16xf32, #tpu.memory_space<vmem_shared>>) target(%dma_start3A_718 : memref<128x16xf32, #tpu.memory_space<vmem>>) offsets(%dma_start3A_721 : memref<128xi32, #tpu.memory_space<vmem>>) semaphore(%arg25 : memref<!tpu.dma_semaphore, #tpu.memory_space<semaphore_mem>>)
      %dma_start3A_725 = arith.constant 15 : i32
      %dma_start3A_726 = arith.constant 1920 : i32
      %dma_start3A_727 = arith.constant 0 : i32
      %dma_start3A_728 = tpu.memref_slice %arg16[%dma_start3A_726, %dma_start3A_727] : memref<2048x16xf32, #tpu.memory_space<vmem>> -> memref<128x16xf32, #tpu.memory_space<vmem>>
      %dma_start3A_729 = arith.constant 0 : i32
      %dma_start3A_730 = tpu.memref_slice %arg13[%dma_start3A_725, %dma_start3A_729] : memref<16x128xi32, #tpu.memory_space<vmem>> -> memref<1x128xi32, #tpu.memory_space<vmem>>
      %dma_start3A_731 = tpu.memref_squeeze %dma_start3A_730 : memref<1x128xi32, #tpu.memory_space<vmem>> -> memref<128xi32, #tpu.memory_space<vmem>>
      %dma_start3A_732 = arith.constant 0 : i32
      %dma_start3A_733 = arith.constant 0 : i32
      %dma_start3A_734 = tpu.memref_slice %arg21[%dma_start3A_732, %dma_start3A_733] : memref<30240x16xf32, #tpu.memory_space<vmem_shared>> -> memref<30240x16xf32, #tpu.memory_space<vmem_shared>>
      tpu.enqueue_indirect_dma source(%dma_start3A_734 : memref<30240x16xf32, #tpu.memory_space<vmem_shared>>) target(%dma_start3A_728 : memref<128x16xf32, #tpu.memory_space<vmem>>) offsets(%dma_start3A_731 : memref<128xi32, #tpu.memory_space<vmem>>) semaphore(%arg25 : memref<!tpu.dma_semaphore, #tpu.memory_space<semaphore_mem>>)
      %scan3A_735 = arith.constant 0 : i32
      %scan3A_736 = arith.constant 0 : i32
      %scan3A_737 = arith.constant 128 : i32
      %scan3A_738 = arith.addi %scan3A_736, %scan3A_737 : i32
      %scan3A_739 = arith.constant 1 : i32
      scf.for %scan3A_1549 = %scan3A_736 to %scan3A_738 step %scan3A_739  : i32 {
        %mul3A_1550 = arith.constant 16 : i32
        %mul3A_1551 = arith.muli %scan3A_1549, %mul3A_1550 : i32
        %get3A_1552 = arith.index_cast %mul3A_1551 : i32 to index
        %get3A_1553 = tpu.vector_load %arg11[%get3A_1552] {strides = array<i32>} : memref<2048xf32, #tpu.memory_space<vmem>>, vector<16xf32>,
        %get3A_1554 = vector.shape_cast %get3A_1553 : vector<16xf32> to vector<16xf32>
        %add3A_1555 = arith.constant 0 : i32
        %add3A_1556 = arith.addi %mul3A_1551, %add3A_1555 : i32
        %get3A_1557 = arith.index_cast %add3A_1556 : i32 to index
        %get3A_1558 = arith.constant 0 : index
        %get3A_1559 = tpu.vector_load %arg12[%get3A_1557, %get3A_1558] {strides = array<i32>} : memref<2048x16xf32, #tpu.memory_space<vmem>>, vector<1x16xf32>,
        %get3A_1560 = vector.shape_cast %get3A_1559 : vector<1x16xf32> to vector<16xf32>
        %broadcast_in_dim3A_1561 = arith.constant 0 : i32
        %broadcast_in_dim3A_1562 = vector.broadcast %broadcast_in_dim3A_1561 : i32 to vector<16x1xi32>
        %gather3A = vector.shape_cast %broadcast_in_dim3A_1562 : vector<16x1xi32> to vector<16xi32>
        %gather3A_1563 = tpu.dynamic_gather %get3A_1554[%gather3A] in [0] : vector<16xf32>, vector<16xi32> -> vector<16xf32>
        %mul3A_1564 = arith.mulf %get3A_1560, %gather3A_1563 : vector<16xf32>
        %add3A_1565 = arith.constant 0 : i32
        %add3A_1566 = arith.addi %mul3A_1551, %add3A_1565 : i32
        %swap3A = arith.index_cast %add3A_1566 : i32 to index
        %swap3A_1567 = arith.constant 0 : index
        %swap3A_1568 = tpu.vector_load %arg12[%swap3A, %swap3A_1567] {strides = array<i32>} : memref<2048x16xf32, #tpu.memory_space<vmem>>, vector<1x16xf32>,
        %swap3A_1569 = vector.shape_cast %swap3A_1568 : vector<1x16xf32> to vector<16xf32>
        %swap3A_1570 = vector.shape_cast %mul3A_1564 : vector<16xf32> to vector<1x16xf32>
        tpu.vector_store %arg12[%swap3A, %swap3A_1567], %swap3A_1570 {strides = array<i32>} : memref<2048x16xf32, #tpu.memory_space<vmem>>, vector<1x16xf32>,
        %add3A_1571 = arith.constant 1 : i32
        %add3A_1572 = arith.addi %mul3A_1551, %add3A_1571 : i32
        %get3A_1573 = arith.index_cast %add3A_1572 : i32 to index
        %get3A_1574 = arith.constant 0 : index
        %get3A_1575 = tpu.vector_load %arg12[%get3A_1573, %get3A_1574] {strides = array<i32>} : memref<2048x16xf32, #tpu.memory_space<vmem>>, vector<1x16xf32>,
        %get3A_1576 = vector.shape_cast %get3A_1575 : vector<1x16xf32> to vector<16xf32>
        %broadcast_in_dim3A_1577 = arith.constant 1 : i32
        %broadcast_in_dim3A_1578 = vector.broadcast %broadcast_in_dim3A_1577 : i32 to vector<16x1xi32>
        %gather3A_1579 = vector.shape_cast %broadcast_in_dim3A_1578 : vector<16x1xi32> to vector<16xi32>
        %gather3A_1580 = tpu.dynamic_gather %get3A_1554[%gather3A_1579] in [0] : vector<16xf32>, vector<16xi32> -> vector<16xf32>
        %mul3A_1581 = arith.mulf %get3A_1576, %gather3A_1580 : vector<16xf32>
        %add3A_1582 = arith.constant 1 : i32
        %add3A_1583 = arith.addi %mul3A_1551, %add3A_1582 : i32
        %swap3A_1584 = arith.index_cast %add3A_1583 : i32 to index
        %swap3A_1585 = arith.constant 0 : index
        %swap3A_1586 = tpu.vector_load %arg12[%swap3A_1584, %swap3A_1585] {strides = array<i32>} : memref<2048x16xf32, #tpu.memory_space<vmem>>, vector<1x16xf32>,
        %swap3A_1587 = vector.shape_cast %swap3A_1586 : vector<1x16xf32> to vector<16xf32>
        %swap3A_1588 = vector.shape_cast %mul3A_1581 : vector<16xf32> to vector<1x16xf32>
        tpu.vector_store %arg12[%swap3A_1584, %swap3A_1585], %swap3A_1588 {strides = array<i32>} : memref<2048x16xf32, #tpu.memory_space<vmem>>, vector<1x16xf32>,
        %add3A_1589 = arith.constant 2 : i32
        %add3A_1590 = arith.addi %mul3A_1551, %add3A_1589 : i32
        %get3A_1591 = arith.index_cast %add3A_1590 : i32 to index
        %get3A_1592 = arith.constant 0 : index
        %get3A_1593 = tpu.vector_load %arg12[%get3A_1591, %get3A_1592] {strides = array<i32>} : memref<2048x16xf32, #tpu.memory_space<vmem>>, vector<1x16xf32>,
        %get3A_1594 = vector.shape_cast %get3A_1593 : vector<1x16xf32> to vector<16xf32>
        %broadcast_in_dim3A_1595 = arith.constant 2 : i32
        %broadcast_in_dim3A_1596 = vector.broadcast %broadcast_in_dim3A_1595 : i32 to vector<16x1xi32>
        %gather3A_1597 = vector.shape_cast %broadcast_in_dim3A_1596 : vector<16x1xi32> to vector<16xi32>
        %gather3A_1598 = tpu.dynamic_gather %get3A_1554[%gather3A_1597] in [0] : vector<16xf32>, vector<16xi32> -> vector<16xf32>
        %mul3A_1599 = arith.mulf %get3A_1594, %gather3A_1598 : vector<16xf32>
        %add3A_1600 = arith.constant 2 : i32
        %add3A_1601 = arith.addi %mul3A_1551, %add3A_1600 : i32
        %swap3A_1602 = arith.index_cast %add3A_1601 : i32 to index
        %swap3A_1603 = arith.constant 0 : index
        %swap3A_1604 = tpu.vector_load %arg12[%swap3A_1602, %swap3A_1603] {strides = array<i32>} : memref<2048x16xf32, #tpu.memory_space<vmem>>, vector<1x16xf32>,
        %swap3A_1605 = vector.shape_cast %swap3A_1604 : vector<1x16xf32> to vector<16xf32>
        %swap3A_1606 = vector.shape_cast %mul3A_1599 : vector<16xf32> to vector<1x16xf32>
        tpu.vector_store %arg12[%swap3A_1602, %swap3A_1603], %swap3A_1606 {strides = array<i32>} : memref<2048x16xf32, #tpu.memory_space<vmem>>, vector<1x16xf32>,
        %add3A_1607 = arith.constant 3 : i32
        %add3A_1608 = arith.addi %mul3A_1551, %add3A_1607 : i32
        %get3A_1609 = arith.index_cast %add3A_1608 : i32 to index
        %get3A_1610 = arith.constant 0 : index
        %get3A_1611 = tpu.vector_load %arg12[%get3A_1609, %get3A_1610] {strides = array<i32>} : memref<2048x16xf32, #tpu.memory_space<vmem>>, vector<1x16xf32>,
        %get3A_1612 = vector.shape_cast %get3A_1611 : vector<1x16xf32> to vector<16xf32>
        %broadcast_in_dim3A_1613 = arith.constant 3 : i32
        %broadcast_in_dim3A_1614 = vector.broadcast %broadcast_in_dim3A_1613 : i32 to vector<16x1xi32>
        %gather3A_1615 = vector.shape_cast %broadcast_in_dim3A_1614 : vector<16x1xi32> to vector<16xi32>
        %gather3A_1616 = tpu.dynamic_gather %get3A_1554[%gather3A_1615] in [0] : vector<16xf32>, vector<16xi32> -> vector<16xf32>
        %mul3A_1617 = arith.mulf %get3A_1612, %gather3A_1616 : vector<16xf32>
        %add3A_1618 = arith.constant 3 : i32
        %add3A_1619 = arith.addi %mul3A_1551, %add3A_1618 : i32
        %swap3A_1620 = arith.index_cast %add3A_1619 : i32 to index
        %swap3A_1621 = arith.constant 0 : index
        %swap3A_1622 = tpu.vector_load %arg12[%swap3A_1620, %swap3A_1621] {strides = array<i32>} : memref<2048x16xf32, #tpu.memory_space<vmem>>, vector<1x16xf32>,
        %swap3A_1623 = vector.shape_cast %swap3A_1622 : vector<1x16xf32> to vector<16xf32>
        %swap3A_1624 = vector.shape_cast %mul3A_1617 : vector<16xf32> to vector<1x16xf32>
        tpu.vector_store %arg12[%swap3A_1620, %swap3A_1621], %swap3A_1624 {strides = array<i32>} : memref<2048x16xf32, #tpu.memory_space<vmem>>, vector<1x16xf32>,
        %add3A_1625 = arith.constant 4 : i32
        %add3A_1626 = arith.addi %mul3A_1551, %add3A_1625 : i32
        %get3A_1627 = arith.index_cast %add3A_1626 : i32 to index
        %get3A_1628 = arith.constant 0 : index
        %get3A_1629 = tpu.vector_load %arg12[%get3A_1627, %get3A_1628] {strides = array<i32>} : memref<2048x16xf32, #tpu.memory_space<vmem>>, vector<1x16xf32>,
        %get3A_1630 = vector.shape_cast %get3A_1629 : vector<1x16xf32> to vector<16xf32>
        %broadcast_in_dim3A_1631 = arith.constant 4 : i32
        %broadcast_in_dim3A_1632 = vector.broadcast %broadcast_in_dim3A_1631 : i32 to vector<16x1xi32>
        %gather3A_1633 = vector.shape_cast %broadcast_in_dim3A_1632 : vector<16x1xi32> to vector<16xi32>
        %gather3A_1634 = tpu.dynamic_gather %get3A_1554[%gather3A_1633] in [0] : vector<16xf32>, vector<16xi32> -> vector<16xf32>
        %mul3A_1635 = arith.mulf %get3A_1630, %gather3A_1634 : vector<16xf32>
        %add3A_1636 = arith.constant 4 : i32
        %add3A_1637 = arith.addi %mul3A_1551, %add3A_1636 : i32
        %swap3A_1638 = arith.index_cast %add3A_1637 : i32 to index
        %swap3A_1639 = arith.constant 0 : index
        %swap3A_1640 = tpu.vector_load %arg12[%swap3A_1638, %swap3A_1639] {strides = array<i32>} : memref<2048x16xf32, #tpu.memory_space<vmem>>, vector<1x16xf32>,
        %swap3A_1641 = vector.shape_cast %swap3A_1640 : vector<1x16xf32> to vector<16xf32>
        %swap3A_1642 = vector.shape_cast %mul3A_1635 : vector<16xf32> to vector<1x16xf32>
        tpu.vector_store %arg12[%swap3A_1638, %swap3A_1639], %swap3A_1642 {strides = array<i32>} : memref<2048x16xf32, #tpu.memory_space<vmem>>, vector<1x16xf32>,
        %add3A_1643 = arith.constant 5 : i32
        %add3A_1644 = arith.addi %mul3A_1551, %add3A_1643 : i32
        %get3A_1645 = arith.index_cast %add3A_1644 : i32 to index
        %get3A_1646 = arith.constant 0 : index
        %get3A_1647 = tpu.vector_load %arg12[%get3A_1645, %get3A_1646] {strides = array<i32>} : memref<2048x16xf32, #tpu.memory_space<vmem>>, vector<1x16xf32>,
        %get3A_1648 = vector.shape_cast %get3A_1647 : vector<1x16xf32> to vector<16xf32>
        %broadcast_in_dim3A_1649 = arith.constant 5 : i32
        %broadcast_in_dim3A_1650 = vector.broadcast %broadcast_in_dim3A_1649 : i32 to vector<16x1xi32>
        %gather3A_1651 = vector.shape_cast %broadcast_in_dim3A_1650 : vector<16x1xi32> to vector<16xi32>
        %gather3A_1652 = tpu.dynamic_gather %get3A_1554[%gather3A_1651] in [0] : vector<16xf32>, vector<16xi32> -> vector<16xf32>
        %mul3A_1653 = arith.mulf %get3A_1648, %gather3A_1652 : vector<16xf32>
        %add3A_1654 = arith.constant 5 : i32
        %add3A_1655 = arith.addi %mul3A_1551, %add3A_1654 : i32
        %swap3A_1656 = arith.index_cast %add3A_1655 : i32 to index
        %swap3A_1657 = arith.constant 0 : index
        %swap3A_1658 = tpu.vector_load %arg12[%swap3A_1656, %swap3A_1657] {strides = array<i32>} : memref<2048x16xf32, #tpu.memory_space<vmem>>, vector<1x16xf32>,
        %swap3A_1659 = vector.shape_cast %swap3A_1658 : vector<1x16xf32> to vector<16xf32>
        %swap3A_1660 = vector.shape_cast %mul3A_1653 : vector<16xf32> to vector<1x16xf32>
        tpu.vector_store %arg12[%swap3A_1656, %swap3A_1657], %swap3A_1660 {strides = array<i32>} : memref<2048x16xf32, #tpu.memory_space<vmem>>, vector<1x16xf32>,
        %add3A_1661 = arith.constant 6 : i32
        %add3A_1662 = arith.addi %mul3A_1551, %add3A_1661 : i32
        %get3A_1663 = arith.index_cast %add3A_1662 : i32 to index
        %get3A_1664 = arith.constant 0 : index
        %get3A_1665 = tpu.vector_load %arg12[%get3A_1663, %get3A_1664] {strides = array<i32>} : memref<2048x16xf32, #tpu.memory_space<vmem>>, vector<1x16xf32>,
        %get3A_1666 = vector.shape_cast %get3A_1665 : vector<1x16xf32> to vector<16xf32>
        %broadcast_in_dim3A_1667 = arith.constant 6 : i32
        %broadcast_in_dim3A_1668 = vector.broadcast %broadcast_in_dim3A_1667 : i32 to vector<16x1xi32>
        %gather3A_1669 = vector.shape_cast %broadcast_in_dim3A_1668 : vector<16x1xi32> to vector<16xi32>
        %gather3A_1670 = tpu.dynamic_gather %get3A_1554[%gather3A_1669] in [0] : vector<16xf32>, vector<16xi32> -> vector<16xf32>
        %mul3A_1671 = arith.mulf %get3A_1666, %gather3A_1670 : vector<16xf32>
        %add3A_1672 = arith.constant 6 : i32
        %add3A_1673 = arith.addi %mul3A_1551, %add3A_1672 : i32
        %swap3A_1674 = arith.index_cast %add3A_1673 : i32 to index
        %swap3A_1675 = arith.constant 0 : index
        %swap3A_1676 = tpu.vector_load %arg12[%swap3A_1674, %swap3A_1675] {strides = array<i32>} : memref<2048x16xf32, #tpu.memory_space<vmem>>, vector<1x16xf32>,
        %swap3A_1677 = vector.shape_cast %swap3A_1676 : vector<1x16xf32> to vector<16xf32>
        %swap3A_1678 = vector.shape_cast %mul3A_1671 : vector<16xf32> to vector<1x16xf32>
        tpu.vector_store %arg12[%swap3A_1674, %swap3A_1675], %swap3A_1678 {strides = array<i32>} : memref<2048x16xf32, #tpu.memory_space<vmem>>, vector<1x16xf32>,
        %add3A_1679 = arith.constant 7 : i32
        %add3A_1680 = arith.addi %mul3A_1551, %add3A_1679 : i32
        %get3A_1681 = arith.index_cast %add3A_1680 : i32 to index
        %get3A_1682 = arith.constant 0 : index
        %get3A_1683 = tpu.vector_load %arg12[%get3A_1681, %get3A_1682] {strides = array<i32>} : memref<2048x16xf32, #tpu.memory_space<vmem>>, vector<1x16xf32>,
        %get3A_1684 = vector.shape_cast %get3A_1683 : vector<1x16xf32> to vector<16xf32>
        %broadcast_in_dim3A_1685 = arith.constant 7 : i32
        %broadcast_in_dim3A_1686 = vector.broadcast %broadcast_in_dim3A_1685 : i32 to vector<16x1xi32>
        %gather3A_1687 = vector.shape_cast %broadcast_in_dim3A_1686 : vector<16x1xi32> to vector<16xi32>
        %gather3A_1688 = tpu.dynamic_gather %get3A_1554[%gather3A_1687] in [0] : vector<16xf32>, vector<16xi32> -> vector<16xf32>
        %mul3A_1689 = arith.mulf %get3A_1684, %gather3A_1688 : vector<16xf32>
        %add3A_1690 = arith.constant 7 : i32
        %add3A_1691 = arith.addi %mul3A_1551, %add3A_1690 : i32
        %swap3A_1692 = arith.index_cast %add3A_1691 : i32 to index
        %swap3A_1693 = arith.constant 0 : index
        %swap3A_1694 = tpu.vector_load %arg12[%swap3A_1692, %swap3A_1693] {strides = array<i32>} : memref<2048x16xf32, #tpu.memory_space<vmem>>, vector<1x16xf32>,
        %swap3A_1695 = vector.shape_cast %swap3A_1694 : vector<1x16xf32> to vector<16xf32>
        %swap3A_1696 = vector.shape_cast %mul3A_1689 : vector<16xf32> to vector<1x16xf32>
        tpu.vector_store %arg12[%swap3A_1692, %swap3A_1693], %swap3A_1696 {strides = array<i32>} : memref<2048x16xf32, #tpu.memory_space<vmem>>, vector<1x16xf32>,
        %add3A_1697 = arith.constant 8 : i32
        %add3A_1698 = arith.addi %mul3A_1551, %add3A_1697 : i32
        %get3A_1699 = arith.index_cast %add3A_1698 : i32 to index
        %get3A_1700 = arith.constant 0 : index
        %get3A_1701 = tpu.vector_load %arg12[%get3A_1699, %get3A_1700] {strides = array<i32>} : memref<2048x16xf32, #tpu.memory_space<vmem>>, vector<1x16xf32>,
        %get3A_1702 = vector.shape_cast %get3A_1701 : vector<1x16xf32> to vector<16xf32>
        %broadcast_in_dim3A_1703 = arith.constant 8 : i32
        %broadcast_in_dim3A_1704 = vector.broadcast %broadcast_in_dim3A_1703 : i32 to vector<16x1xi32>
        %gather3A_1705 = vector.shape_cast %broadcast_in_dim3A_1704 : vector<16x1xi32> to vector<16xi32>
        %gather3A_1706 = tpu.dynamic_gather %get3A_1554[%gather3A_1705] in [0] : vector<16xf32>, vector<16xi32> -> vector<16xf32>
        %mul3A_1707 = arith.mulf %get3A_1702, %gather3A_1706 : vector<16xf32>
        %add3A_1708 = arith.constant 8 : i32
        %add3A_1709 = arith.addi %mul3A_1551, %add3A_1708 : i32
        %swap3A_1710 = arith.index_cast %add3A_1709 : i32 to index
        %swap3A_1711 = arith.constant 0 : index
        %swap3A_1712 = tpu.vector_load %arg12[%swap3A_1710, %swap3A_1711] {strides = array<i32>} : memref<2048x16xf32, #tpu.memory_space<vmem>>, vector<1x16xf32>,
        %swap3A_1713 = vector.shape_cast %swap3A_1712 : vector<1x16xf32> to vector<16xf32>
        %swap3A_1714 = vector.shape_cast %mul3A_1707 : vector<16xf32> to vector<1x16xf32>
        tpu.vector_store %arg12[%swap3A_1710, %swap3A_1711], %swap3A_1714 {strides = array<i32>} : memref<2048x16xf32, #tpu.memory_space<vmem>>, vector<1x16xf32>,
        %add3A_1715 = arith.constant 9 : i32
        %add3A_1716 = arith.addi %mul3A_1551, %add3A_1715 : i32
        %get3A_1717 = arith.index_cast %add3A_1716 : i32 to index
        %get3A_1718 = arith.constant 0 : index
        %get3A_1719 = tpu.vector_load %arg12[%get3A_1717, %get3A_1718] {strides = array<i32>} : memref<2048x16xf32, #tpu.memory_space<vmem>>, vector<1x16xf32>,
        %get3A_1720 = vector.shape_cast %get3A_1719 : vector<1x16xf32> to vector<16xf32>
        %broadcast_in_dim3A_1721 = arith.constant 9 : i32
        %broadcast_in_dim3A_1722 = vector.broadcast %broadcast_in_dim3A_1721 : i32 to vector<16x1xi32>
        %gather3A_1723 = vector.shape_cast %broadcast_in_dim3A_1722 : vector<16x1xi32> to vector<16xi32>
        %gather3A_1724 = tpu.dynamic_gather %get3A_1554[%gather3A_1723] in [0] : vector<16xf32>, vector<16xi32> -> vector<16xf32>
        %mul3A_1725 = arith.mulf %get3A_1720, %gather3A_1724 : vector<16xf32>
        %add3A_1726 = arith.constant 9 : i32
        %add3A_1727 = arith.addi %mul3A_1551, %add3A_1726 : i32
        %swap3A_1728 = arith.index_cast %add3A_1727 : i32 to index
        %swap3A_1729 = arith.constant 0 : index
        %swap3A_1730 = tpu.vector_load %arg12[%swap3A_1728, %swap3A_1729] {strides = array<i32>} : memref<2048x16xf32, #tpu.memory_space<vmem>>, vector<1x16xf32>,
        %swap3A_1731 = vector.shape_cast %swap3A_1730 : vector<1x16xf32> to vector<16xf32>
        %swap3A_1732 = vector.shape_cast %mul3A_1725 : vector<16xf32> to vector<1x16xf32>
        tpu.vector_store %arg12[%swap3A_1728, %swap3A_1729], %swap3A_1732 {strides = array<i32>} : memref<2048x16xf32, #tpu.memory_space<vmem>>, vector<1x16xf32>,
        %add3A_1733 = arith.constant 10 : i32
        %add3A_1734 = arith.addi %mul3A_1551, %add3A_1733 : i32
        %get3A_1735 = arith.index_cast %add3A_1734 : i32 to index
        %get3A_1736 = arith.constant 0 : index
        %get3A_1737 = tpu.vector_load %arg12[%get3A_1735, %get3A_1736] {strides = array<i32>} : memref<2048x16xf32, #tpu.memory_space<vmem>>, vector<1x16xf32>,
        %get3A_1738 = vector.shape_cast %get3A_1737 : vector<1x16xf32> to vector<16xf32>
        %broadcast_in_dim3A_1739 = arith.constant 10 : i32
        %broadcast_in_dim3A_1740 = vector.broadcast %broadcast_in_dim3A_1739 : i32 to vector<16x1xi32>
        %gather3A_1741 = vector.shape_cast %broadcast_in_dim3A_1740 : vector<16x1xi32> to vector<16xi32>
        %gather3A_1742 = tpu.dynamic_gather %get3A_1554[%gather3A_1741] in [0] : vector<16xf32>, vector<16xi32> -> vector<16xf32>
        %mul3A_1743 = arith.mulf %get3A_1738, %gather3A_1742 : vector<16xf32>
        %add3A_1744 = arith.constant 10 : i32
        %add3A_1745 = arith.addi %mul3A_1551, %add3A_1744 : i32
        %swap3A_1746 = arith.index_cast %add3A_1745 : i32 to index
        %swap3A_1747 = arith.constant 0 : index
        %swap3A_1748 = tpu.vector_load %arg12[%swap3A_1746, %swap3A_1747] {strides = array<i32>} : memref<2048x16xf32, #tpu.memory_space<vmem>>, vector<1x16xf32>,
        %swap3A_1749 = vector.shape_cast %swap3A_1748 : vector<1x16xf32> to vector<16xf32>
        %swap3A_1750 = vector.shape_cast %mul3A_1743 : vector<16xf32> to vector<1x16xf32>
        tpu.vector_store %arg12[%swap3A_1746, %swap3A_1747], %swap3A_1750 {strides = array<i32>} : memref<2048x16xf32, #tpu.memory_space<vmem>>, vector<1x16xf32>,
        %add3A_1751 = arith.constant 11 : i32
        %add3A_1752 = arith.addi %mul3A_1551, %add3A_1751 : i32
        %get3A_1753 = arith.index_cast %add3A_1752 : i32 to index
        %get3A_1754 = arith.constant 0 : index
        %get3A_1755 = tpu.vector_load %arg12[%get3A_1753, %get3A_1754] {strides = array<i32>} : memref<2048x16xf32, #tpu.memory_space<vmem>>, vector<1x16xf32>,
        %get3A_1756 = vector.shape_cast %get3A_1755 : vector<1x16xf32> to vector<16xf32>
        %broadcast_in_dim3A_1757 = arith.constant 11 : i32
        %broadcast_in_dim3A_1758 = vector.broadcast %broadcast_in_dim3A_1757 : i32 to vector<16x1xi32>
        %gather3A_1759 = vector.shape_cast %broadcast_in_dim3A_1758 : vector<16x1xi32> to vector<16xi32>
        %gather3A_1760 = tpu.dynamic_gather %get3A_1554[%gather3A_1759] in [0] : vector<16xf32>, vector<16xi32> -> vector<16xf32>
        %mul3A_1761 = arith.mulf %get3A_1756, %gather3A_1760 : vector<16xf32>
        %add3A_1762 = arith.constant 11 : i32
        %add3A_1763 = arith.addi %mul3A_1551, %add3A_1762 : i32
        %swap3A_1764 = arith.index_cast %add3A_1763 : i32 to index
        %swap3A_1765 = arith.constant 0 : index
        %swap3A_1766 = tpu.vector_load %arg12[%swap3A_1764, %swap3A_1765] {strides = array<i32>} : memref<2048x16xf32, #tpu.memory_space<vmem>>, vector<1x16xf32>,
        %swap3A_1767 = vector.shape_cast %swap3A_1766 : vector<1x16xf32> to vector<16xf32>
        %swap3A_1768 = vector.shape_cast %mul3A_1761 : vector<16xf32> to vector<1x16xf32>
        tpu.vector_store %arg12[%swap3A_1764, %swap3A_1765], %swap3A_1768 {strides = array<i32>} : memref<2048x16xf32, #tpu.memory_space<vmem>>, vector<1x16xf32>,
        %add3A_1769 = arith.constant 12 : i32
        %add3A_1770 = arith.addi %mul3A_1551, %add3A_1769 : i32
        %get3A_1771 = arith.index_cast %add3A_1770 : i32 to index
        %get3A_1772 = arith.constant 0 : index
        %get3A_1773 = tpu.vector_load %arg12[%get3A_1771, %get3A_1772] {strides = array<i32>} : memref<2048x16xf32, #tpu.memory_space<vmem>>, vector<1x16xf32>,
        %get3A_1774 = vector.shape_cast %get3A_1773 : vector<1x16xf32> to vector<16xf32>
        %broadcast_in_dim3A_1775 = arith.constant 12 : i32
        %broadcast_in_dim3A_1776 = vector.broadcast %broadcast_in_dim3A_1775 : i32 to vector<16x1xi32>
        %gather3A_1777 = vector.shape_cast %broadcast_in_dim3A_1776 : vector<16x1xi32> to vector<16xi32>
        %gather3A_1778 = tpu.dynamic_gather %get3A_1554[%gather3A_1777] in [0] : vector<16xf32>, vector<16xi32> -> vector<16xf32>
        %mul3A_1779 = arith.mulf %get3A_1774, %gather3A_1778 : vector<16xf32>
        %add3A_1780 = arith.constant 12 : i32
        %add3A_1781 = arith.addi %mul3A_1551, %add3A_1780 : i32
        %swap3A_1782 = arith.index_cast %add3A_1781 : i32 to index
        %swap3A_1783 = arith.constant 0 : index
        %swap3A_1784 = tpu.vector_load %arg12[%swap3A_1782, %swap3A_1783] {strides = array<i32>} : memref<2048x16xf32, #tpu.memory_space<vmem>>, vector<1x16xf32>,
        %swap3A_1785 = vector.shape_cast %swap3A_1784 : vector<1x16xf32> to vector<16xf32>
        %swap3A_1786 = vector.shape_cast %mul3A_1779 : vector<16xf32> to vector<1x16xf32>
        tpu.vector_store %arg12[%swap3A_1782, %swap3A_1783], %swap3A_1786 {strides = array<i32>} : memref<2048x16xf32, #tpu.memory_space<vmem>>, vector<1x16xf32>,
        %add3A_1787 = arith.constant 13 : i32
        %add3A_1788 = arith.addi %mul3A_1551, %add3A_1787 : i32
        %get3A_1789 = arith.index_cast %add3A_1788 : i32 to index
        %get3A_1790 = arith.constant 0 : index
        %get3A_1791 = tpu.vector_load %arg12[%get3A_1789, %get3A_1790] {strides = array<i32>} : memref<2048x16xf32, #tpu.memory_space<vmem>>, vector<1x16xf32>,
        %get3A_1792 = vector.shape_cast %get3A_1791 : vector<1x16xf32> to vector<16xf32>
        %broadcast_in_dim3A_1793 = arith.constant 13 : i32
        %broadcast_in_dim3A_1794 = vector.broadcast %broadcast_in_dim3A_1793 : i32 to vector<16x1xi32>
        %gather3A_1795 = vector.shape_cast %broadcast_in_dim3A_1794 : vector<16x1xi32> to vector<16xi32>
        %gather3A_1796 = tpu.dynamic_gather %get3A_1554[%gather3A_1795] in [0] : vector<16xf32>, vector<16xi32> -> vector<16xf32>
        %mul3A_1797 = arith.mulf %get3A_1792, %gather3A_1796 : vector<16xf32>
        %add3A_1798 = arith.constant 13 : i32
        %add3A_1799 = arith.addi %mul3A_1551, %add3A_1798 : i32
        %swap3A_1800 = arith.index_cast %add3A_1799 : i32 to index
        %swap3A_1801 = arith.constant 0 : index
        %swap3A_1802 = tpu.vector_load %arg12[%swap3A_1800, %swap3A_1801] {strides = array<i32>} : memref<2048x16xf32, #tpu.memory_space<vmem>>, vector<1x16xf32>,
        %swap3A_1803 = vector.shape_cast %swap3A_1802 : vector<1x16xf32> to vector<16xf32>
        %swap3A_1804 = vector.shape_cast %mul3A_1797 : vector<16xf32> to vector<1x16xf32>
        tpu.vector_store %arg12[%swap3A_1800, %swap3A_1801], %swap3A_1804 {strides = array<i32>} : memref<2048x16xf32, #tpu.memory_space<vmem>>, vector<1x16xf32>,
        %add3A_1805 = arith.constant 14 : i32
        %add3A_1806 = arith.addi %mul3A_1551, %add3A_1805 : i32
        %get3A_1807 = arith.index_cast %add3A_1806 : i32 to index
        %get3A_1808 = arith.constant 0 : index
        %get3A_1809 = tpu.vector_load %arg12[%get3A_1807, %get3A_1808] {strides = array<i32>} : memref<2048x16xf32, #tpu.memory_space<vmem>>, vector<1x16xf32>,
        %get3A_1810 = vector.shape_cast %get3A_1809 : vector<1x16xf32> to vector<16xf32>
        %broadcast_in_dim3A_1811 = arith.constant 14 : i32
        %broadcast_in_dim3A_1812 = vector.broadcast %broadcast_in_dim3A_1811 : i32 to vector<16x1xi32>
        %gather3A_1813 = vector.shape_cast %broadcast_in_dim3A_1812 : vector<16x1xi32> to vector<16xi32>
        %gather3A_1814 = tpu.dynamic_gather %get3A_1554[%gather3A_1813] in [0] : vector<16xf32>, vector<16xi32> -> vector<16xf32>
        %mul3A_1815 = arith.mulf %get3A_1810, %gather3A_1814 : vector<16xf32>
        %add3A_1816 = arith.constant 14 : i32
        %add3A_1817 = arith.addi %mul3A_1551, %add3A_1816 : i32
        %swap3A_1818 = arith.index_cast %add3A_1817 : i32 to index
        %swap3A_1819 = arith.constant 0 : index
        %swap3A_1820 = tpu.vector_load %arg12[%swap3A_1818, %swap3A_1819] {strides = array<i32>} : memref<2048x16xf32, #tpu.memory_space<vmem>>, vector<1x16xf32>,
        %swap3A_1821 = vector.shape_cast %swap3A_1820 : vector<1x16xf32> to vector<16xf32>
        %swap3A_1822 = vector.shape_cast %mul3A_1815 : vector<16xf32> to vector<1x16xf32>
        tpu.vector_store %arg12[%swap3A_1818, %swap3A_1819], %swap3A_1822 {strides = array<i32>} : memref<2048x16xf32, #tpu.memory_space<vmem>>, vector<1x16xf32>,
        %add3A_1823 = arith.constant 15 : i32
        %add3A_1824 = arith.addi %mul3A_1551, %add3A_1823 : i32
        %get3A_1825 = arith.index_cast %add3A_1824 : i32 to index
        %get3A_1826 = arith.constant 0 : index
        %get3A_1827 = tpu.vector_load %arg12[%get3A_1825, %get3A_1826] {strides = array<i32>} : memref<2048x16xf32, #tpu.memory_space<vmem>>, vector<1x16xf32>,
        %get3A_1828 = vector.shape_cast %get3A_1827 : vector<1x16xf32> to vector<16xf32>
        %broadcast_in_dim3A_1829 = arith.constant 15 : i32
        %broadcast_in_dim3A_1830 = vector.broadcast %broadcast_in_dim3A_1829 : i32 to vector<16x1xi32>
        %gather3A_1831 = vector.shape_cast %broadcast_in_dim3A_1830 : vector<16x1xi32> to vector<16xi32>
        %gather3A_1832 = tpu.dynamic_gather %get3A_1554[%gather3A_1831] in [0] : vector<16xf32>, vector<16xi32> -> vector<16xf32>
        %mul3A_1833 = arith.mulf %get3A_1828, %gather3A_1832 : vector<16xf32>
        %add3A_1834 = arith.constant 15 : i32
        %add3A_1835 = arith.addi %mul3A_1551, %add3A_1834 : i32
        %swap3A_1836 = arith.index_cast %add3A_1835 : i32 to index
        %swap3A_1837 = arith.constant 0 : index
        %swap3A_1838 = tpu.vector_load %arg12[%swap3A_1836, %swap3A_1837] {strides = array<i32>} : memref<2048x16xf32, #tpu.memory_space<vmem>>, vector<1x16xf32>,
        %swap3A_1839 = vector.shape_cast %swap3A_1838 : vector<1x16xf32> to vector<16xf32>
        %swap3A_1840 = vector.shape_cast %mul3A_1833 : vector<16xf32> to vector<1x16xf32>
        tpu.vector_store %arg12[%swap3A_1836, %swap3A_1837], %swap3A_1840 {strides = array<i32>} : memref<2048x16xf32, #tpu.memory_space<vmem>>, vector<1x16xf32>,
      }
      %scan3A_740 = arith.constant 128 : i32
      %dma_start3A_741 = arith.constant 0 : i32
      %dma_start3A_742 = arith.constant 0 : i32
      %dma_start3A_743 = arith.constant 0 : i32
      %dma_start3A_744 = tpu.memref_slice %arg12[%dma_start3A_742, %dma_start3A_743] : memref<2048x16xf32, #tpu.memory_space<vmem>> -> memref<128x16xf32, #tpu.memory_space<vmem>>
      %dma_start3A_745 = arith.constant 0 : i32
      %dma_start3A_746 = tpu.memref_slice %arg10[%dma_start3A_741, %dma_start3A_745] : memref<16x128xi32, #tpu.memory_space<vmem>> -> memref<1x128xi32, #tpu.memory_space<vmem>>
      %dma_start3A_747 = tpu.memref_squeeze %dma_start3A_746 : memref<1x128xi32, #tpu.memory_space<vmem>> -> memref<128xi32, #tpu.memory_space<vmem>>
      %dma_start3A_748 = arith.constant 0 : i32
      %dma_start3A_749 = arith.constant 0 : i32
      %dma_start3A_750 = tpu.memref_slice %arg21[%dma_start3A_748, %dma_start3A_749] : memref<30240x16xf32, #tpu.memory_space<vmem_shared>> -> memref<30240x16xf32, #tpu.memory_space<vmem_shared>>
      tpu.enqueue_indirect_dma source(%dma_start3A_744 : memref<128x16xf32, #tpu.memory_space<vmem>>) target(%dma_start3A_750 : memref<30240x16xf32, #tpu.memory_space<vmem_shared>>) offsets(%dma_start3A_747 : memref<128xi32, #tpu.memory_space<vmem>>) semaphore(%arg24 : memref<!tpu.dma_semaphore, #tpu.memory_space<semaphore_mem>>) {add = true}
      %dma_start3A_751 = arith.constant 1 : i32
      %dma_start3A_752 = arith.constant 128 : i32
      %dma_start3A_753 = arith.constant 0 : i32
      %dma_start3A_754 = tpu.memref_slice %arg12[%dma_start3A_752, %dma_start3A_753] : memref<2048x16xf32, #tpu.memory_space<vmem>> -> memref<128x16xf32, #tpu.memory_space<vmem>>
      %dma_start3A_755 = arith.constant 0 : i32
      %dma_start3A_756 = tpu.memref_slice %arg10[%dma_start3A_751, %dma_start3A_755] : memref<16x128xi32, #tpu.memory_space<vmem>> -> memref<1x128xi32, #tpu.memory_space<vmem>>
      %dma_start3A_757 = tpu.memref_squeeze %dma_start3A_756 : memref<1x128xi32, #tpu.memory_space<vmem>> -> memref<128xi32, #tpu.memory_space<vmem>>
      %dma_start3A_758 = arith.constant 0 : i32
      %dma_start3A_759 = arith.constant 0 : i32
      %dma_start3A_760 = tpu.memref_slice %arg21[%dma_start3A_758, %dma_start3A_759] : memref<30240x16xf32, #tpu.memory_space<vmem_shared>> -> memref<30240x16xf32, #tpu.memory_space<vmem_shared>>
      tpu.enqueue_indirect_dma source(%dma_start3A_754 : memref<128x16xf32, #tpu.memory_space<vmem>>) target(%dma_start3A_760 : memref<30240x16xf32, #tpu.memory_space<vmem_shared>>) offsets(%dma_start3A_757 : memref<128xi32, #tpu.memory_space<vmem>>) semaphore(%arg24 : memref<!tpu.dma_semaphore, #tpu.memory_space<semaphore_mem>>) {add = true}
      %dma_start3A_761 = arith.constant 2 : i32
      %dma_start3A_762 = arith.constant 256 : i32
      %dma_start3A_763 = arith.constant 0 : i32
      %dma_start3A_764 = tpu.memref_slice %arg12[%dma_start3A_762, %dma_start3A_763] : memref<2048x16xf32, #tpu.memory_space<vmem>> -> memref<128x16xf32, #tpu.memory_space<vmem>>
      %dma_start3A_765 = arith.constant 0 : i32
      %dma_start3A_766 = tpu.memref_slice %arg10[%dma_start3A_761, %dma_start3A_765] : memref<16x128xi32, #tpu.memory_space<vmem>> -> memref<1x128xi32, #tpu.memory_space<vmem>>
      %dma_start3A_767 = tpu.memref_squeeze %dma_start3A_766 : memref<1x128xi32, #tpu.memory_space<vmem>> -> memref<128xi32, #tpu.memory_space<vmem>>
      %dma_start3A_768 = arith.constant 0 : i32
      %dma_start3A_769 = arith.constant 0 : i32
      %dma_start3A_770 = tpu.memref_slice %arg21[%dma_start3A_768, %dma_start3A_769] : memref<30240x16xf32, #tpu.memory_space<vmem_shared>> -> memref<30240x16xf32, #tpu.memory_space<vmem_shared>>
      tpu.enqueue_indirect_dma source(%dma_start3A_764 : memref<128x16xf32, #tpu.memory_space<vmem>>) target(%dma_start3A_770 : memref<30240x16xf32, #tpu.memory_space<vmem_shared>>) offsets(%dma_start3A_767 : memref<128xi32, #tpu.memory_space<vmem>>) semaphore(%arg24 : memref<!tpu.dma_semaphore, #tpu.memory_space<semaphore_mem>>) {add = true}
      %dma_start3A_771 = arith.constant 3 : i32
      %dma_start3A_772 = arith.constant 384 : i32
      %dma_start3A_773 = arith.constant 0 : i32
      %dma_start3A_774 = tpu.memref_slice %arg12[%dma_start3A_772, %dma_start3A_773] : memref<2048x16xf32, #tpu.memory_space<vmem>> -> memref<128x16xf32, #tpu.memory_space<vmem>>
      %dma_start3A_775 = arith.constant 0 : i32
      %dma_start3A_776 = tpu.memref_slice %arg10[%dma_start3A_771, %dma_start3A_775] : memref<16x128xi32, #tpu.memory_space<vmem>> -> memref<1x128xi32, #tpu.memory_space<vmem>>
      %dma_start3A_777 = tpu.memref_squeeze %dma_start3A_776 : memref<1x128xi32, #tpu.memory_space<vmem>> -> memref<128xi32, #tpu.memory_space<vmem>>
      %dma_start3A_778 = arith.constant 0 : i32
      %dma_start3A_779 = arith.constant 0 : i32
      %dma_start3A_780 = tpu.memref_slice %arg21[%dma_start3A_778, %dma_start3A_779] : memref<30240x16xf32, #tpu.memory_space<vmem_shared>> -> memref<30240x16xf32, #tpu.memory_space<vmem_shared>>
      tpu.enqueue_indirect_dma source(%dma_start3A_774 : memref<128x16xf32, #tpu.memory_space<vmem>>) target(%dma_start3A_780 : memref<30240x16xf32, #tpu.memory_space<vmem_shared>>) offsets(%dma_start3A_777 : memref<128xi32, #tpu.memory_space<vmem>>) semaphore(%arg24 : memref<!tpu.dma_semaphore, #tpu.memory_space<semaphore_mem>>) {add = true}
      %dma_start3A_781 = arith.constant 4 : i32
      %dma_start3A_782 = arith.constant 512 : i32
      %dma_start3A_783 = arith.constant 0 : i32
      %dma_start3A_784 = tpu.memref_slice %arg12[%dma_start3A_782, %dma_start3A_783] : memref<2048x16xf32, #tpu.memory_space<vmem>> -> memref<128x16xf32, #tpu.memory_space<vmem>>
      %dma_start3A_785 = arith.constant 0 : i32
      %dma_start3A_786 = tpu.memref_slice %arg10[%dma_start3A_781, %dma_start3A_785] : memref<16x128xi32, #tpu.memory_space<vmem>> -> memref<1x128xi32, #tpu.memory_space<vmem>>
      %dma_start3A_787 = tpu.memref_squeeze %dma_start3A_786 : memref<1x128xi32, #tpu.memory_space<vmem>> -> memref<128xi32, #tpu.memory_space<vmem>>
      %dma_start3A_788 = arith.constant 0 : i32
      %dma_start3A_789 = arith.constant 0 : i32
      %dma_start3A_790 = tpu.memref_slice %arg21[%dma_start3A_788, %dma_start3A_789] : memref<30240x16xf32, #tpu.memory_space<vmem_shared>> -> memref<30240x16xf32, #tpu.memory_space<vmem_shared>>
      tpu.enqueue_indirect_dma source(%dma_start3A_784 : memref<128x16xf32, #tpu.memory_space<vmem>>) target(%dma_start3A_790 : memref<30240x16xf32, #tpu.memory_space<vmem_shared>>) offsets(%dma_start3A_787 : memref<128xi32, #tpu.memory_space<vmem>>) semaphore(%arg24 : memref<!tpu.dma_semaphore, #tpu.memory_space<semaphore_mem>>) {add = true}
      %dma_start3A_791 = arith.constant 5 : i32
      %dma_start3A_792 = arith.constant 640 : i32
      %dma_start3A_793 = arith.constant 0 : i32
      %dma_start3A_794 = tpu.memref_slice %arg12[%dma_start3A_792, %dma_start3A_793] : memref<2048x16xf32, #tpu.memory_space<vmem>> -> memref<128x16xf32, #tpu.memory_space<vmem>>
      %dma_start3A_795 = arith.constant 0 : i32
      %dma_start3A_796 = tpu.memref_slice %arg10[%dma_start3A_791, %dma_start3A_795] : memref<16x128xi32, #tpu.memory_space<vmem>> -> memref<1x128xi32, #tpu.memory_space<vmem>>
      %dma_start3A_797 = tpu.memref_squeeze %dma_start3A_796 : memref<1x128xi32, #tpu.memory_space<vmem>> -> memref<128xi32, #tpu.memory_space<vmem>>
      %dma_start3A_798 = arith.constant 0 : i32
      %dma_start3A_799 = arith.constant 0 : i32
      %dma_start3A_800 = tpu.memref_slice %arg21[%dma_start3A_798, %dma_start3A_799] : memref<30240x16xf32, #tpu.memory_space<vmem_shared>> -> memref<30240x16xf32, #tpu.memory_space<vmem_shared>>
      tpu.enqueue_indirect_dma source(%dma_start3A_794 : memref<128x16xf32, #tpu.memory_space<vmem>>) target(%dma_start3A_800 : memref<30240x16xf32, #tpu.memory_space<vmem_shared>>) offsets(%dma_start3A_797 : memref<128xi32, #tpu.memory_space<vmem>>) semaphore(%arg24 : memref<!tpu.dma_semaphore, #tpu.memory_space<semaphore_mem>>) {add = true}
      %dma_start3A_801 = arith.constant 6 : i32
      %dma_start3A_802 = arith.constant 768 : i32
      %dma_start3A_803 = arith.constant 0 : i32
      %dma_start3A_804 = tpu.memref_slice %arg12[%dma_start3A_802, %dma_start3A_803] : memref<2048x16xf32, #tpu.memory_space<vmem>> -> memref<128x16xf32, #tpu.memory_space<vmem>>
      %dma_start3A_805 = arith.constant 0 : i32
      %dma_start3A_806 = tpu.memref_slice %arg10[%dma_start3A_801, %dma_start3A_805] : memref<16x128xi32, #tpu.memory_space<vmem>> -> memref<1x128xi32, #tpu.memory_space<vmem>>
      %dma_start3A_807 = tpu.memref_squeeze %dma_start3A_806 : memref<1x128xi32, #tpu.memory_space<vmem>> -> memref<128xi32, #tpu.memory_space<vmem>>
      %dma_start3A_808 = arith.constant 0 : i32
      %dma_start3A_809 = arith.constant 0 : i32
      %dma_start3A_810 = tpu.memref_slice %arg21[%dma_start3A_808, %dma_start3A_809] : memref<30240x16xf32, #tpu.memory_space<vmem_shared>> -> memref<30240x16xf32, #tpu.memory_space<vmem_shared>>
      tpu.enqueue_indirect_dma source(%dma_start3A_804 : memref<128x16xf32, #tpu.memory_space<vmem>>) target(%dma_start3A_810 : memref<30240x16xf32, #tpu.memory_space<vmem_shared>>) offsets(%dma_start3A_807 : memref<128xi32, #tpu.memory_space<vmem>>) semaphore(%arg24 : memref<!tpu.dma_semaphore, #tpu.memory_space<semaphore_mem>>) {add = true}
      %dma_start3A_811 = arith.constant 7 : i32
      %dma_start3A_812 = arith.constant 896 : i32
      %dma_start3A_813 = arith.constant 0 : i32
      %dma_start3A_814 = tpu.memref_slice %arg12[%dma_start3A_812, %dma_start3A_813] : memref<2048x16xf32, #tpu.memory_space<vmem>> -> memref<128x16xf32, #tpu.memory_space<vmem>>
      %dma_start3A_815 = arith.constant 0 : i32
      %dma_start3A_816 = tpu.memref_slice %arg10[%dma_start3A_811, %dma_start3A_815] : memref<16x128xi32, #tpu.memory_space<vmem>> -> memref<1x128xi32, #tpu.memory_space<vmem>>
      %dma_start3A_817 = tpu.memref_squeeze %dma_start3A_816 : memref<1x128xi32, #tpu.memory_space<vmem>> -> memref<128xi32, #tpu.memory_space<vmem>>
      %dma_start3A_818 = arith.constant 0 : i32
      %dma_start3A_819 = arith.constant 0 : i32
      %dma_start3A_820 = tpu.memref_slice %arg21[%dma_start3A_818, %dma_start3A_819] : memref<30240x16xf32, #tpu.memory_space<vmem_shared>> -> memref<30240x16xf32, #tpu.memory_space<vmem_shared>>
      tpu.enqueue_indirect_dma source(%dma_start3A_814 : memref<128x16xf32, #tpu.memory_space<vmem>>) target(%dma_start3A_820 : memref<30240x16xf32, #tpu.memory_space<vmem_shared>>) offsets(%dma_start3A_817 : memref<128xi32, #tpu.memory_space<vmem>>) semaphore(%arg24 : memref<!tpu.dma_semaphore, #tpu.memory_space<semaphore_mem>>) {add = true}
      %dma_start3A_821 = arith.constant 8 : i32
      %dma_start3A_822 = arith.constant 1024 : i32
      %dma_start3A_823 = arith.constant 0 : i32
      %dma_start3A_824 = tpu.memref_slice %arg12[%dma_start3A_822, %dma_start3A_823] : memref<2048x16xf32, #tpu.memory_space<vmem>> -> memref<128x16xf32, #tpu.memory_space<vmem>>
      %dma_start3A_825 = arith.constant 0 : i32
      %dma_start3A_826 = tpu.memref_slice %arg10[%dma_start3A_821, %dma_start3A_825] : memref<16x128xi32, #tpu.memory_space<vmem>> -> memref<1x128xi32, #tpu.memory_space<vmem>>
      %dma_start3A_827 = tpu.memref_squeeze %dma_start3A_826 : memref<1x128xi32, #tpu.memory_space<vmem>> -> memref<128xi32, #tpu.memory_space<vmem>>
      %dma_start3A_828 = arith.constant 0 : i32
      %dma_start3A_829 = arith.constant 0 : i32
      %dma_start3A_830 = tpu.memref_slice %arg21[%dma_start3A_828, %dma_start3A_829] : memref<30240x16xf32, #tpu.memory_space<vmem_shared>> -> memref<30240x16xf32, #tpu.memory_space<vmem_shared>>
      tpu.enqueue_indirect_dma source(%dma_start3A_824 : memref<128x16xf32, #tpu.memory_space<vmem>>) target(%dma_start3A_830 : memref<30240x16xf32, #tpu.memory_space<vmem_shared>>) offsets(%dma_start3A_827 : memref<128xi32, #tpu.memory_space<vmem>>) semaphore(%arg24 : memref<!tpu.dma_semaphore, #tpu.memory_space<semaphore_mem>>) {add = true}
      %dma_start3A_831 = arith.constant 9 : i32
      %dma_start3A_832 = arith.constant 1152 : i32
      %dma_start3A_833 = arith.constant 0 : i32
      %dma_start3A_834 = tpu.memref_slice %arg12[%dma_start3A_832, %dma_start3A_833] : memref<2048x16xf32, #tpu.memory_space<vmem>> -> memref<128x16xf32, #tpu.memory_space<vmem>>
      %dma_start3A_835 = arith.constant 0 : i32
      %dma_start3A_836 = tpu.memref_slice %arg10[%dma_start3A_831, %dma_start3A_835] : memref<16x128xi32, #tpu.memory_space<vmem>> -> memref<1x128xi32, #tpu.memory_space<vmem>>
      %dma_start3A_837 = tpu.memref_squeeze %dma_start3A_836 : memref<1x128xi32, #tpu.memory_space<vmem>> -> memref<128xi32, #tpu.memory_space<vmem>>
      %dma_start3A_838 = arith.constant 0 : i32
      %dma_start3A_839 = arith.constant 0 : i32
      %dma_start3A_840 = tpu.memref_slice %arg21[%dma_start3A_838, %dma_start3A_839] : memref<30240x16xf32, #tpu.memory_space<vmem_shared>> -> memref<30240x16xf32, #tpu.memory_space<vmem_shared>>
      tpu.enqueue_indirect_dma source(%dma_start3A_834 : memref<128x16xf32, #tpu.memory_space<vmem>>) target(%dma_start3A_840 : memref<30240x16xf32, #tpu.memory_space<vmem_shared>>) offsets(%dma_start3A_837 : memref<128xi32, #tpu.memory_space<vmem>>) semaphore(%arg24 : memref<!tpu.dma_semaphore, #tpu.memory_space<semaphore_mem>>) {add = true}
      %dma_start3A_841 = arith.constant 10 : i32
      %dma_start3A_842 = arith.constant 1280 : i32
      %dma_start3A_843 = arith.constant 0 : i32
      %dma_start3A_844 = tpu.memref_slice %arg12[%dma_start3A_842, %dma_start3A_843] : memref<2048x16xf32, #tpu.memory_space<vmem>> -> memref<128x16xf32, #tpu.memory_space<vmem>>
      %dma_start3A_845 = arith.constant 0 : i32
      %dma_start3A_846 = tpu.memref_slice %arg10[%dma_start3A_841, %dma_start3A_845] : memref<16x128xi32, #tpu.memory_space<vmem>> -> memref<1x128xi32, #tpu.memory_space<vmem>>
      %dma_start3A_847 = tpu.memref_squeeze %dma_start3A_846 : memref<1x128xi32, #tpu.memory_space<vmem>> -> memref<128xi32, #tpu.memory_space<vmem>>
      %dma_start3A_848 = arith.constant 0 : i32
      %dma_start3A_849 = arith.constant 0 : i32
      %dma_start3A_850 = tpu.memref_slice %arg21[%dma_start3A_848, %dma_start3A_849] : memref<30240x16xf32, #tpu.memory_space<vmem_shared>> -> memref<30240x16xf32, #tpu.memory_space<vmem_shared>>
      tpu.enqueue_indirect_dma source(%dma_start3A_844 : memref<128x16xf32, #tpu.memory_space<vmem>>) target(%dma_start3A_850 : memref<30240x16xf32, #tpu.memory_space<vmem_shared>>) offsets(%dma_start3A_847 : memref<128xi32, #tpu.memory_space<vmem>>) semaphore(%arg24 : memref<!tpu.dma_semaphore, #tpu.memory_space<semaphore_mem>>) {add = true}
      %dma_start3A_851 = arith.constant 11 : i32
      %dma_start3A_852 = arith.constant 1408 : i32
      %dma_start3A_853 = arith.constant 0 : i32
      %dma_start3A_854 = tpu.memref_slice %arg12[%dma_start3A_852, %dma_start3A_853] : memref<2048x16xf32, #tpu.memory_space<vmem>> -> memref<128x16xf32, #tpu.memory_space<vmem>>
      %dma_start3A_855 = arith.constant 0 : i32
      %dma_start3A_856 = tpu.memref_slice %arg10[%dma_start3A_851, %dma_start3A_855] : memref<16x128xi32, #tpu.memory_space<vmem>> -> memref<1x128xi32, #tpu.memory_space<vmem>>
      %dma_start3A_857 = tpu.memref_squeeze %dma_start3A_856 : memref<1x128xi32, #tpu.memory_space<vmem>> -> memref<128xi32, #tpu.memory_space<vmem>>
      %dma_start3A_858 = arith.constant 0 : i32
      %dma_start3A_859 = arith.constant 0 : i32
      %dma_start3A_860 = tpu.memref_slice %arg21[%dma_start3A_858, %dma_start3A_859] : memref<30240x16xf32, #tpu.memory_space<vmem_shared>> -> memref<30240x16xf32, #tpu.memory_space<vmem_shared>>
      tpu.enqueue_indirect_dma source(%dma_start3A_854 : memref<128x16xf32, #tpu.memory_space<vmem>>) target(%dma_start3A_860 : memref<30240x16xf32, #tpu.memory_space<vmem_shared>>) offsets(%dma_start3A_857 : memref<128xi32, #tpu.memory_space<vmem>>) semaphore(%arg24 : memref<!tpu.dma_semaphore, #tpu.memory_space<semaphore_mem>>) {add = true}
      %dma_start3A_861 = arith.constant 12 : i32
      %dma_start3A_862 = arith.constant 1536 : i32
      %dma_start3A_863 = arith.constant 0 : i32
      %dma_start3A_864 = tpu.memref_slice %arg12[%dma_start3A_862, %dma_start3A_863] : memref<2048x16xf32, #tpu.memory_space<vmem>> -> memref<128x16xf32, #tpu.memory_space<vmem>>
      %dma_start3A_865 = arith.constant 0 : i32
      %dma_start3A_866 = tpu.memref_slice %arg10[%dma_start3A_861, %dma_start3A_865] : memref<16x128xi32, #tpu.memory_space<vmem>> -> memref<1x128xi32, #tpu.memory_space<vmem>>
      %dma_start3A_867 = tpu.memref_squeeze %dma_start3A_866 : memref<1x128xi32, #tpu.memory_space<vmem>> -> memref<128xi32, #tpu.memory_space<vmem>>
      %dma_start3A_868 = arith.constant 0 : i32
      %dma_start3A_869 = arith.constant 0 : i32
      %dma_start3A_870 = tpu.memref_slice %arg21[%dma_start3A_868, %dma_start3A_869] : memref<30240x16xf32, #tpu.memory_space<vmem_shared>> -> memref<30240x16xf32, #tpu.memory_space<vmem_shared>>
      tpu.enqueue_indirect_dma source(%dma_start3A_864 : memref<128x16xf32, #tpu.memory_space<vmem>>) target(%dma_start3A_870 : memref<30240x16xf32, #tpu.memory_space<vmem_shared>>) offsets(%dma_start3A_867 : memref<128xi32, #tpu.memory_space<vmem>>) semaphore(%arg24 : memref<!tpu.dma_semaphore, #tpu.memory_space<semaphore_mem>>) {add = true}
      %dma_start3A_871 = arith.constant 13 : i32
      %dma_start3A_872 = arith.constant 1664 : i32
      %dma_start3A_873 = arith.constant 0 : i32
      %dma_start3A_874 = tpu.memref_slice %arg12[%dma_start3A_872, %dma_start3A_873] : memref<2048x16xf32, #tpu.memory_space<vmem>> -> memref<128x16xf32, #tpu.memory_space<vmem>>
      %dma_start3A_875 = arith.constant 0 : i32
      %dma_start3A_876 = tpu.memref_slice %arg10[%dma_start3A_871, %dma_start3A_875] : memref<16x128xi32, #tpu.memory_space<vmem>> -> memref<1x128xi32, #tpu.memory_space<vmem>>
      %dma_start3A_877 = tpu.memref_squeeze %dma_start3A_876 : memref<1x128xi32, #tpu.memory_space<vmem>> -> memref<128xi32, #tpu.memory_space<vmem>>
      %dma_start3A_878 = arith.constant 0 : i32
      %dma_start3A_879 = arith.constant 0 : i32
      %dma_start3A_880 = tpu.memref_slice %arg21[%dma_start3A_878, %dma_start3A_879] : memref<30240x16xf32, #tpu.memory_space<vmem_shared>> -> memref<30240x16xf32, #tpu.memory_space<vmem_shared>>
      tpu.enqueue_indirect_dma source(%dma_start3A_874 : memref<128x16xf32, #tpu.memory_space<vmem>>) target(%dma_start3A_880 : memref<30240x16xf32, #tpu.memory_space<vmem_shared>>) offsets(%dma_start3A_877 : memref<128xi32, #tpu.memory_space<vmem>>) semaphore(%arg24 : memref<!tpu.dma_semaphore, #tpu.memory_space<semaphore_mem>>) {add = true}
      %dma_start3A_881 = arith.constant 14 : i32
      %dma_start3A_882 = arith.constant 1792 : i32
      %dma_start3A_883 = arith.constant 0 : i32
      %dma_start3A_884 = tpu.memref_slice %arg12[%dma_start3A_882, %dma_start3A_883] : memref<2048x16xf32, #tpu.memory_space<vmem>> -> memref<128x16xf32, #tpu.memory_space<vmem>>
      %dma_start3A_885 = arith.constant 0 : i32
      %dma_start3A_886 = tpu.memref_slice %arg10[%dma_start3A_881, %dma_start3A_885] : memref<16x128xi32, #tpu.memory_space<vmem>> -> memref<1x128xi32, #tpu.memory_space<vmem>>
      %dma_start3A_887 = tpu.memref_squeeze %dma_start3A_886 : memref<1x128xi32, #tpu.memory_space<vmem>> -> memref<128xi32, #tpu.memory_space<vmem>>
      %dma_start3A_888 = arith.constant 0 : i32
      %dma_start3A_889 = arith.constant 0 : i32
      %dma_start3A_890 = tpu.memref_slice %arg21[%dma_start3A_888, %dma_start3A_889] : memref<30240x16xf32, #tpu.memory_space<vmem_shared>> -> memref<30240x16xf32, #tpu.memory_space<vmem_shared>>
      tpu.enqueue_indirect_dma source(%dma_start3A_884 : memref<128x16xf32, #tpu.memory_space<vmem>>) target(%dma_start3A_890 : memref<30240x16xf32, #tpu.memory_space<vmem_shared>>) offsets(%dma_start3A_887 : memref<128xi32, #tpu.memory_space<vmem>>) semaphore(%arg24 : memref<!tpu.dma_semaphore, #tpu.memory_space<semaphore_mem>>) {add = true}
      %dma_start3A_891 = arith.constant 15 : i32
      %dma_start3A_892 = arith.constant 1920 : i32
      %dma_start3A_893 = arith.constant 0 : i32
      %dma_start3A_894 = tpu.memref_slice %arg12[%dma_start3A_892, %dma_start3A_893] : memref<2048x16xf32, #tpu.memory_space<vmem>> -> memref<128x16xf32, #tpu.memory_space<vmem>>
      %dma_start3A_895 = arith.constant 0 : i32
      %dma_start3A_896 = tpu.memref_slice %arg10[%dma_start3A_891, %dma_start3A_895] : memref<16x128xi32, #tpu.memory_space<vmem>> -> memref<1x128xi32, #tpu.memory_space<vmem>>
      %dma_start3A_897 = tpu.memref_squeeze %dma_start3A_896 : memref<1x128xi32, #tpu.memory_space<vmem>> -> memref<128xi32, #tpu.memory_space<vmem>>
      %dma_start3A_898 = arith.constant 0 : i32
      %dma_start3A_899 = arith.constant 0 : i32
      %dma_start3A_900 = tpu.memref_slice %arg21[%dma_start3A_898, %dma_start3A_899] : memref<30240x16xf32, #tpu.memory_space<vmem_shared>> -> memref<30240x16xf32, #tpu.memory_space<vmem_shared>>
      tpu.enqueue_indirect_dma source(%dma_start3A_894 : memref<128x16xf32, #tpu.memory_space<vmem>>) target(%dma_start3A_900 : memref<30240x16xf32, #tpu.memory_space<vmem_shared>>) offsets(%dma_start3A_897 : memref<128xi32, #tpu.memory_space<vmem>>) semaphore(%arg24 : memref<!tpu.dma_semaphore, #tpu.memory_space<semaphore_mem>>) {add = true}
      %dma_wait3A_901 = arith.constant 0 : i32
      %dma_wait3A_902 = arith.constant 0 : i32
      %dma_wait3A_903 = arith.constant 0 : i32
      %dma_wait3A_904 = tpu.memref_slice %arg16[%dma_wait3A_902, %dma_wait3A_903] : memref<2048x16xf32, #tpu.memory_space<vmem>> -> memref<128x16xf32, #tpu.memory_space<vmem>>
      %dma_wait3A_905 = arith.constant 0 : i32
      %dma_wait3A_906 = tpu.memref_slice %arg13[%dma_wait3A_901, %dma_wait3A_905] : memref<16x128xi32, #tpu.memory_space<vmem>> -> memref<1x128xi32, #tpu.memory_space<vmem>>
      %dma_wait3A_907 = tpu.memref_squeeze %dma_wait3A_906 : memref<1x128xi32, #tpu.memory_space<vmem>> -> memref<128xi32, #tpu.memory_space<vmem>>
      %dma_wait3A_908 = arith.constant 0 : i32
      %dma_wait3A_909 = arith.constant 0 : i32
      %dma_wait3A_910 = tpu.memref_slice %arg21[%dma_wait3A_908, %dma_wait3A_909] : memref<30240x16xf32, #tpu.memory_space<vmem_shared>> -> memref<30240x16xf32, #tpu.memory_space<vmem_shared>>
      tpu.wait_indirect_dma semaphore(%arg25 : memref<!tpu.dma_semaphore, #tpu.memory_space<semaphore_mem>>) src(%dma_wait3A_910 : memref<30240x16xf32, #tpu.memory_space<vmem_shared>>) dst(%dma_wait3A_904 : memref<128x16xf32, #tpu.memory_space<vmem>>)
      %dma_wait3A_911 = arith.constant 1 : i32
      %dma_wait3A_912 = arith.constant 128 : i32
      %dma_wait3A_913 = arith.constant 0 : i32
      %dma_wait3A_914 = tpu.memref_slice %arg16[%dma_wait3A_912, %dma_wait3A_913] : memref<2048x16xf32, #tpu.memory_space<vmem>> -> memref<128x16xf32, #tpu.memory_space<vmem>>
      %dma_wait3A_915 = arith.constant 0 : i32
      %dma_wait3A_916 = tpu.memref_slice %arg13[%dma_wait3A_911, %dma_wait3A_915] : memref<16x128xi32, #tpu.memory_space<vmem>> -> memref<1x128xi32, #tpu.memory_space<vmem>>
      %dma_wait3A_917 = tpu.memref_squeeze %dma_wait3A_916 : memref<1x128xi32, #tpu.memory_space<vmem>> -> memref<128xi32, #tpu.memory_space<vmem>>
      %dma_wait3A_918 = arith.constant 0 : i32
      %dma_wait3A_919 = arith.constant 0 : i32
      %dma_wait3A_920 = tpu.memref_slice %arg21[%dma_wait3A_918, %dma_wait3A_919] : memref<30240x16xf32, #tpu.memory_space<vmem_shared>> -> memref<30240x16xf32, #tpu.memory_space<vmem_shared>>
      tpu.wait_indirect_dma semaphore(%arg25 : memref<!tpu.dma_semaphore, #tpu.memory_space<semaphore_mem>>) src(%dma_wait3A_920 : memref<30240x16xf32, #tpu.memory_space<vmem_shared>>) dst(%dma_wait3A_914 : memref<128x16xf32, #tpu.memory_space<vmem>>)
      %dma_wait3A_921 = arith.constant 2 : i32
      %dma_wait3A_922 = arith.constant 256 : i32
      %dma_wait3A_923 = arith.constant 0 : i32
      %dma_wait3A_924 = tpu.memref_slice %arg16[%dma_wait3A_922, %dma_wait3A_923] : memref<2048x16xf32, #tpu.memory_space<vmem>> -> memref<128x16xf32, #tpu.memory_space<vmem>>
      %dma_wait3A_925 = arith.constant 0 : i32
      %dma_wait3A_926 = tpu.memref_slice %arg13[%dma_wait3A_921, %dma_wait3A_925] : memref<16x128xi32, #tpu.memory_space<vmem>> -> memref<1x128xi32, #tpu.memory_space<vmem>>
      %dma_wait3A_927 = tpu.memref_squeeze %dma_wait3A_926 : memref<1x128xi32, #tpu.memory_space<vmem>> -> memref<128xi32, #tpu.memory_space<vmem>>
      %dma_wait3A_928 = arith.constant 0 : i32
      %dma_wait3A_929 = arith.constant 0 : i32
      %dma_wait3A_930 = tpu.memref_slice %arg21[%dma_wait3A_928, %dma_wait3A_929] : memref<30240x16xf32, #tpu.memory_space<vmem_shared>> -> memref<30240x16xf32, #tpu.memory_space<vmem_shared>>
      tpu.wait_indirect_dma semaphore(%arg25 : memref<!tpu.dma_semaphore, #tpu.memory_space<semaphore_mem>>) src(%dma_wait3A_930 : memref<30240x16xf32, #tpu.memory_space<vmem_shared>>) dst(%dma_wait3A_924 : memref<128x16xf32, #tpu.memory_space<vmem>>)
      %dma_wait3A_931 = arith.constant 3 : i32
      %dma_wait3A_932 = arith.constant 384 : i32
      %dma_wait3A_933 = arith.constant 0 : i32
      %dma_wait3A_934 = tpu.memref_slice %arg16[%dma_wait3A_932, %dma_wait3A_933] : memref<2048x16xf32, #tpu.memory_space<vmem>> -> memref<128x16xf32, #tpu.memory_space<vmem>>
      %dma_wait3A_935 = arith.constant 0 : i32
      %dma_wait3A_936 = tpu.memref_slice %arg13[%dma_wait3A_931, %dma_wait3A_935] : memref<16x128xi32, #tpu.memory_space<vmem>> -> memref<1x128xi32, #tpu.memory_space<vmem>>
      %dma_wait3A_937 = tpu.memref_squeeze %dma_wait3A_936 : memref<1x128xi32, #tpu.memory_space<vmem>> -> memref<128xi32, #tpu.memory_space<vmem>>
      %dma_wait3A_938 = arith.constant 0 : i32
      %dma_wait3A_939 = arith.constant 0 : i32
      %dma_wait3A_940 = tpu.memref_slice %arg21[%dma_wait3A_938, %dma_wait3A_939] : memref<30240x16xf32, #tpu.memory_space<vmem_shared>> -> memref<30240x16xf32, #tpu.memory_space<vmem_shared>>
      tpu.wait_indirect_dma semaphore(%arg25 : memref<!tpu.dma_semaphore, #tpu.memory_space<semaphore_mem>>) src(%dma_wait3A_940 : memref<30240x16xf32, #tpu.memory_space<vmem_shared>>) dst(%dma_wait3A_934 : memref<128x16xf32, #tpu.memory_space<vmem>>)
      %dma_wait3A_941 = arith.constant 4 : i32
      %dma_wait3A_942 = arith.constant 512 : i32
      %dma_wait3A_943 = arith.constant 0 : i32
      %dma_wait3A_944 = tpu.memref_slice %arg16[%dma_wait3A_942, %dma_wait3A_943] : memref<2048x16xf32, #tpu.memory_space<vmem>> -> memref<128x16xf32, #tpu.memory_space<vmem>>
      %dma_wait3A_945 = arith.constant 0 : i32
      %dma_wait3A_946 = tpu.memref_slice %arg13[%dma_wait3A_941, %dma_wait3A_945] : memref<16x128xi32, #tpu.memory_space<vmem>> -> memref<1x128xi32, #tpu.memory_space<vmem>>
      %dma_wait3A_947 = tpu.memref_squeeze %dma_wait3A_946 : memref<1x128xi32, #tpu.memory_space<vmem>> -> memref<128xi32, #tpu.memory_space<vmem>>
      %dma_wait3A_948 = arith.constant 0 : i32
      %dma_wait3A_949 = arith.constant 0 : i32
      %dma_wait3A_950 = tpu.memref_slice %arg21[%dma_wait3A_948, %dma_wait3A_949] : memref<30240x16xf32, #tpu.memory_space<vmem_shared>> -> memref<30240x16xf32, #tpu.memory_space<vmem_shared>>
      tpu.wait_indirect_dma semaphore(%arg25 : memref<!tpu.dma_semaphore, #tpu.memory_space<semaphore_mem>>) src(%dma_wait3A_950 : memref<30240x16xf32, #tpu.memory_space<vmem_shared>>) dst(%dma_wait3A_944 : memref<128x16xf32, #tpu.memory_space<vmem>>)
      %dma_wait3A_951 = arith.constant 5 : i32
      %dma_wait3A_952 = arith.constant 640 : i32
      %dma_wait3A_953 = arith.constant 0 : i32
      %dma_wait3A_954 = tpu.memref_slice %arg16[%dma_wait3A_952, %dma_wait3A_953] : memref<2048x16xf32, #tpu.memory_space<vmem>> -> memref<128x16xf32, #tpu.memory_space<vmem>>
      %dma_wait3A_955 = arith.constant 0 : i32
      %dma_wait3A_956 = tpu.memref_slice %arg13[%dma_wait3A_951, %dma_wait3A_955] : memref<16x128xi32, #tpu.memory_space<vmem>> -> memref<1x128xi32, #tpu.memory_space<vmem>>
      %dma_wait3A_957 = tpu.memref_squeeze %dma_wait3A_956 : memref<1x128xi32, #tpu.memory_space<vmem>> -> memref<128xi32, #tpu.memory_space<vmem>>
      %dma_wait3A_958 = arith.constant 0 : i32
      %dma_wait3A_959 = arith.constant 0 : i32
      %dma_wait3A_960 = tpu.memref_slice %arg21[%dma_wait3A_958, %dma_wait3A_959] : memref<30240x16xf32, #tpu.memory_space<vmem_shared>> -> memref<30240x16xf32, #tpu.memory_space<vmem_shared>>
      tpu.wait_indirect_dma semaphore(%arg25 : memref<!tpu.dma_semaphore, #tpu.memory_space<semaphore_mem>>) src(%dma_wait3A_960 : memref<30240x16xf32, #tpu.memory_space<vmem_shared>>) dst(%dma_wait3A_954 : memref<128x16xf32, #tpu.memory_space<vmem>>)
      %dma_wait3A_961 = arith.constant 6 : i32
      %dma_wait3A_962 = arith.constant 768 : i32
      %dma_wait3A_963 = arith.constant 0 : i32
      %dma_wait3A_964 = tpu.memref_slice %arg16[%dma_wait3A_962, %dma_wait3A_963] : memref<2048x16xf32, #tpu.memory_space<vmem>> -> memref<128x16xf32, #tpu.memory_space<vmem>>
      %dma_wait3A_965 = arith.constant 0 : i32
      %dma_wait3A_966 = tpu.memref_slice %arg13[%dma_wait3A_961, %dma_wait3A_965] : memref<16x128xi32, #tpu.memory_space<vmem>> -> memref<1x128xi32, #tpu.memory_space<vmem>>
      %dma_wait3A_967 = tpu.memref_squeeze %dma_wait3A_966 : memref<1x128xi32, #tpu.memory_space<vmem>> -> memref<128xi32, #tpu.memory_space<vmem>>
      %dma_wait3A_968 = arith.constant 0 : i32
      %dma_wait3A_969 = arith.constant 0 : i32
      %dma_wait3A_970 = tpu.memref_slice %arg21[%dma_wait3A_968, %dma_wait3A_969] : memref<30240x16xf32, #tpu.memory_space<vmem_shared>> -> memref<30240x16xf32, #tpu.memory_space<vmem_shared>>
      tpu.wait_indirect_dma semaphore(%arg25 : memref<!tpu.dma_semaphore, #tpu.memory_space<semaphore_mem>>) src(%dma_wait3A_970 : memref<30240x16xf32, #tpu.memory_space<vmem_shared>>) dst(%dma_wait3A_964 : memref<128x16xf32, #tpu.memory_space<vmem>>)
      %dma_wait3A_971 = arith.constant 7 : i32
      %dma_wait3A_972 = arith.constant 896 : i32
      %dma_wait3A_973 = arith.constant 0 : i32
      %dma_wait3A_974 = tpu.memref_slice %arg16[%dma_wait3A_972, %dma_wait3A_973] : memref<2048x16xf32, #tpu.memory_space<vmem>> -> memref<128x16xf32, #tpu.memory_space<vmem>>
      %dma_wait3A_975 = arith.constant 0 : i32
      %dma_wait3A_976 = tpu.memref_slice %arg13[%dma_wait3A_971, %dma_wait3A_975] : memref<16x128xi32, #tpu.memory_space<vmem>> -> memref<1x128xi32, #tpu.memory_space<vmem>>
      %dma_wait3A_977 = tpu.memref_squeeze %dma_wait3A_976 : memref<1x128xi32, #tpu.memory_space<vmem>> -> memref<128xi32, #tpu.memory_space<vmem>>
      %dma_wait3A_978 = arith.constant 0 : i32
      %dma_wait3A_979 = arith.constant 0 : i32
      %dma_wait3A_980 = tpu.memref_slice %arg21[%dma_wait3A_978, %dma_wait3A_979] : memref<30240x16xf32, #tpu.memory_space<vmem_shared>> -> memref<30240x16xf32, #tpu.memory_space<vmem_shared>>
      tpu.wait_indirect_dma semaphore(%arg25 : memref<!tpu.dma_semaphore, #tpu.memory_space<semaphore_mem>>) src(%dma_wait3A_980 : memref<30240x16xf32, #tpu.memory_space<vmem_shared>>) dst(%dma_wait3A_974 : memref<128x16xf32, #tpu.memory_space<vmem>>)
      %dma_wait3A_981 = arith.constant 8 : i32
      %dma_wait3A_982 = arith.constant 1024 : i32
      %dma_wait3A_983 = arith.constant 0 : i32
      %dma_wait3A_984 = tpu.memref_slice %arg16[%dma_wait3A_982, %dma_wait3A_983] : memref<2048x16xf32, #tpu.memory_space<vmem>> -> memref<128x16xf32, #tpu.memory_space<vmem>>
      %dma_wait3A_985 = arith.constant 0 : i32
      %dma_wait3A_986 = tpu.memref_slice %arg13[%dma_wait3A_981, %dma_wait3A_985] : memref<16x128xi32, #tpu.memory_space<vmem>> -> memref<1x128xi32, #tpu.memory_space<vmem>>
      %dma_wait3A_987 = tpu.memref_squeeze %dma_wait3A_986 : memref<1x128xi32, #tpu.memory_space<vmem>> -> memref<128xi32, #tpu.memory_space<vmem>>
      %dma_wait3A_988 = arith.constant 0 : i32
      %dma_wait3A_989 = arith.constant 0 : i32
      %dma_wait3A_990 = tpu.memref_slice %arg21[%dma_wait3A_988, %dma_wait3A_989] : memref<30240x16xf32, #tpu.memory_space<vmem_shared>> -> memref<30240x16xf32, #tpu.memory_space<vmem_shared>>
      tpu.wait_indirect_dma semaphore(%arg25 : memref<!tpu.dma_semaphore, #tpu.memory_space<semaphore_mem>>) src(%dma_wait3A_990 : memref<30240x16xf32, #tpu.memory_space<vmem_shared>>) dst(%dma_wait3A_984 : memref<128x16xf32, #tpu.memory_space<vmem>>)
      %dma_wait3A_991 = arith.constant 9 : i32
      %dma_wait3A_992 = arith.constant 1152 : i32
      %dma_wait3A_993 = arith.constant 0 : i32
      %dma_wait3A_994 = tpu.memref_slice %arg16[%dma_wait3A_992, %dma_wait3A_993] : memref<2048x16xf32, #tpu.memory_space<vmem>> -> memref<128x16xf32, #tpu.memory_space<vmem>>
      %dma_wait3A_995 = arith.constant 0 : i32
      %dma_wait3A_996 = tpu.memref_slice %arg13[%dma_wait3A_991, %dma_wait3A_995] : memref<16x128xi32, #tpu.memory_space<vmem>> -> memref<1x128xi32, #tpu.memory_space<vmem>>
      %dma_wait3A_997 = tpu.memref_squeeze %dma_wait3A_996 : memref<1x128xi32, #tpu.memory_space<vmem>> -> memref<128xi32, #tpu.memory_space<vmem>>
      %dma_wait3A_998 = arith.constant 0 : i32
      %dma_wait3A_999 = arith.constant 0 : i32
      %dma_wait3A_1000 = tpu.memref_slice %arg21[%dma_wait3A_998, %dma_wait3A_999] : memref<30240x16xf32, #tpu.memory_space<vmem_shared>> -> memref<30240x16xf32, #tpu.memory_space<vmem_shared>>
      tpu.wait_indirect_dma semaphore(%arg25 : memref<!tpu.dma_semaphore, #tpu.memory_space<semaphore_mem>>) src(%dma_wait3A_1000 : memref<30240x16xf32, #tpu.memory_space<vmem_shared>>) dst(%dma_wait3A_994 : memref<128x16xf32, #tpu.memory_space<vmem>>)
      %dma_wait3A_1001 = arith.constant 10 : i32
      %dma_wait3A_1002 = arith.constant 1280 : i32
      %dma_wait3A_1003 = arith.constant 0 : i32
      %dma_wait3A_1004 = tpu.memref_slice %arg16[%dma_wait3A_1002, %dma_wait3A_1003] : memref<2048x16xf32, #tpu.memory_space<vmem>> -> memref<128x16xf32, #tpu.memory_space<vmem>>
      %dma_wait3A_1005 = arith.constant 0 : i32
      %dma_wait3A_1006 = tpu.memref_slice %arg13[%dma_wait3A_1001, %dma_wait3A_1005] : memref<16x128xi32, #tpu.memory_space<vmem>> -> memref<1x128xi32, #tpu.memory_space<vmem>>
      %dma_wait3A_1007 = tpu.memref_squeeze %dma_wait3A_1006 : memref<1x128xi32, #tpu.memory_space<vmem>> -> memref<128xi32, #tpu.memory_space<vmem>>
      %dma_wait3A_1008 = arith.constant 0 : i32
      %dma_wait3A_1009 = arith.constant 0 : i32
      %dma_wait3A_1010 = tpu.memref_slice %arg21[%dma_wait3A_1008, %dma_wait3A_1009] : memref<30240x16xf32, #tpu.memory_space<vmem_shared>> -> memref<30240x16xf32, #tpu.memory_space<vmem_shared>>
      tpu.wait_indirect_dma semaphore(%arg25 : memref<!tpu.dma_semaphore, #tpu.memory_space<semaphore_mem>>) src(%dma_wait3A_1010 : memref<30240x16xf32, #tpu.memory_space<vmem_shared>>) dst(%dma_wait3A_1004 : memref<128x16xf32, #tpu.memory_space<vmem>>)
      %dma_wait3A_1011 = arith.constant 11 : i32
      %dma_wait3A_1012 = arith.constant 1408 : i32
      %dma_wait3A_1013 = arith.constant 0 : i32
      %dma_wait3A_1014 = tpu.memref_slice %arg16[%dma_wait3A_1012, %dma_wait3A_1013] : memref<2048x16xf32, #tpu.memory_space<vmem>> -> memref<128x16xf32, #tpu.memory_space<vmem>>
      %dma_wait3A_1015 = arith.constant 0 : i32
      %dma_wait3A_1016 = tpu.memref_slice %arg13[%dma_wait3A_1011, %dma_wait3A_1015] : memref<16x128xi32, #tpu.memory_space<vmem>> -> memref<1x128xi32, #tpu.memory_space<vmem>>
      %dma_wait3A_1017 = tpu.memref_squeeze %dma_wait3A_1016 : memref<1x128xi32, #tpu.memory_space<vmem>> -> memref<128xi32, #tpu.memory_space<vmem>>
      %dma_wait3A_1018 = arith.constant 0 : i32
      %dma_wait3A_1019 = arith.constant 0 : i32
      %dma_wait3A_1020 = tpu.memref_slice %arg21[%dma_wait3A_1018, %dma_wait3A_1019] : memref<30240x16xf32, #tpu.memory_space<vmem_shared>> -> memref<30240x16xf32, #tpu.memory_space<vmem_shared>>
      tpu.wait_indirect_dma semaphore(%arg25 : memref<!tpu.dma_semaphore, #tpu.memory_space<semaphore_mem>>) src(%dma_wait3A_1020 : memref<30240x16xf32, #tpu.memory_space<vmem_shared>>) dst(%dma_wait3A_1014 : memref<128x16xf32, #tpu.memory_space<vmem>>)
      %dma_wait3A_1021 = arith.constant 12 : i32
      %dma_wait3A_1022 = arith.constant 1536 : i32
      %dma_wait3A_1023 = arith.constant 0 : i32
      %dma_wait3A_1024 = tpu.memref_slice %arg16[%dma_wait3A_1022, %dma_wait3A_1023] : memref<2048x16xf32, #tpu.memory_space<vmem>> -> memref<128x16xf32, #tpu.memory_space<vmem>>
      %dma_wait3A_1025 = arith.constant 0 : i32
      %dma_wait3A_1026 = tpu.memref_slice %arg13[%dma_wait3A_1021, %dma_wait3A_1025] : memref<16x128xi32, #tpu.memory_space<vmem>> -> memref<1x128xi32, #tpu.memory_space<vmem>>
      %dma_wait3A_1027 = tpu.memref_squeeze %dma_wait3A_1026 : memref<1x128xi32, #tpu.memory_space<vmem>> -> memref<128xi32, #tpu.memory_space<vmem>>
      %dma_wait3A_1028 = arith.constant 0 : i32
      %dma_wait3A_1029 = arith.constant 0 : i32
      %dma_wait3A_1030 = tpu.memref_slice %arg21[%dma_wait3A_1028, %dma_wait3A_1029] : memref<30240x16xf32, #tpu.memory_space<vmem_shared>> -> memref<30240x16xf32, #tpu.memory_space<vmem_shared>>
      tpu.wait_indirect_dma semaphore(%arg25 : memref<!tpu.dma_semaphore, #tpu.memory_space<semaphore_mem>>) src(%dma_wait3A_1030 : memref<30240x16xf32, #tpu.memory_space<vmem_shared>>) dst(%dma_wait3A_1024 : memref<128x16xf32, #tpu.memory_space<vmem>>)
      %dma_wait3A_1031 = arith.constant 13 : i32
      %dma_wait3A_1032 = arith.constant 1664 : i32
      %dma_wait3A_1033 = arith.constant 0 : i32
      %dma_wait3A_1034 = tpu.memref_slice %arg16[%dma_wait3A_1032, %dma_wait3A_1033] : memref<2048x16xf32, #tpu.memory_space<vmem>> -> memref<128x16xf32, #tpu.memory_space<vmem>>
      %dma_wait3A_1035 = arith.constant 0 : i32
      %dma_wait3A_1036 = tpu.memref_slice %arg13[%dma_wait3A_1031, %dma_wait3A_1035] : memref<16x128xi32, #tpu.memory_space<vmem>> -> memref<1x128xi32, #tpu.memory_space<vmem>>
      %dma_wait3A_1037 = tpu.memref_squeeze %dma_wait3A_1036 : memref<1x128xi32, #tpu.memory_space<vmem>> -> memref<128xi32, #tpu.memory_space<vmem>>
      %dma_wait3A_1038 = arith.constant 0 : i32
      %dma_wait3A_1039 = arith.constant 0 : i32
      %dma_wait3A_1040 = tpu.memref_slice %arg21[%dma_wait3A_1038, %dma_wait3A_1039] : memref<30240x16xf32, #tpu.memory_space<vmem_shared>> -> memref<30240x16xf32, #tpu.memory_space<vmem_shared>>
      tpu.wait_indirect_dma semaphore(%arg25 : memref<!tpu.dma_semaphore, #tpu.memory_space<semaphore_mem>>) src(%dma_wait3A_1040 : memref<30240x16xf32, #tpu.memory_space<vmem_shared>>) dst(%dma_wait3A_1034 : memref<128x16xf32, #tpu.memory_space<vmem>>)
      %dma_wait3A_1041 = arith.constant 14 : i32
      %dma_wait3A_1042 = arith.constant 1792 : i32
      %dma_wait3A_1043 = arith.constant 0 : i32
      %dma_wait3A_1044 = tpu.memref_slice %arg16[%dma_wait3A_1042, %dma_wait3A_1043] : memref<2048x16xf32, #tpu.memory_space<vmem>> -> memref<128x16xf32, #tpu.memory_space<vmem>>
      %dma_wait3A_1045 = arith.constant 0 : i32
      %dma_wait3A_1046 = tpu.memref_slice %arg13[%dma_wait3A_1041, %dma_wait3A_1045] : memref<16x128xi32, #tpu.memory_space<vmem>> -> memref<1x128xi32, #tpu.memory_space<vmem>>
      %dma_wait3A_1047 = tpu.memref_squeeze %dma_wait3A_1046 : memref<1x128xi32, #tpu.memory_space<vmem>> -> memref<128xi32, #tpu.memory_space<vmem>>
      %dma_wait3A_1048 = arith.constant 0 : i32
      %dma_wait3A_1049 = arith.constant 0 : i32
      %dma_wait3A_1050 = tpu.memref_slice %arg21[%dma_wait3A_1048, %dma_wait3A_1049] : memref<30240x16xf32, #tpu.memory_space<vmem_shared>> -> memref<30240x16xf32, #tpu.memory_space<vmem_shared>>
      tpu.wait_indirect_dma semaphore(%arg25 : memref<!tpu.dma_semaphore, #tpu.memory_space<semaphore_mem>>) src(%dma_wait3A_1050 : memref<30240x16xf32, #tpu.memory_space<vmem_shared>>) dst(%dma_wait3A_1044 : memref<128x16xf32, #tpu.memory_space<vmem>>)
      %dma_wait3A_1051 = arith.constant 15 : i32
      %dma_wait3A_1052 = arith.constant 1920 : i32
      %dma_wait3A_1053 = arith.constant 0 : i32
      %dma_wait3A_1054 = tpu.memref_slice %arg16[%dma_wait3A_1052, %dma_wait3A_1053] : memref<2048x16xf32, #tpu.memory_space<vmem>> -> memref<128x16xf32, #tpu.memory_space<vmem>>
      %dma_wait3A_1055 = arith.constant 0 : i32
      %dma_wait3A_1056 = tpu.memref_slice %arg13[%dma_wait3A_1051, %dma_wait3A_1055] : memref<16x128xi32, #tpu.memory_space<vmem>> -> memref<1x128xi32, #tpu.memory_space<vmem>>
      %dma_wait3A_1057 = tpu.memref_squeeze %dma_wait3A_1056 : memref<1x128xi32, #tpu.memory_space<vmem>> -> memref<128xi32, #tpu.memory_space<vmem>>
      %dma_wait3A_1058 = arith.constant 0 : i32
      %dma_wait3A_1059 = arith.constant 0 : i32
      %dma_wait3A_1060 = tpu.memref_slice %arg21[%dma_wait3A_1058, %dma_wait3A_1059] : memref<30240x16xf32, #tpu.memory_space<vmem_shared>> -> memref<30240x16xf32, #tpu.memory_space<vmem_shared>>
      tpu.wait_indirect_dma semaphore(%arg25 : memref<!tpu.dma_semaphore, #tpu.memory_space<semaphore_mem>>) src(%dma_wait3A_1060 : memref<30240x16xf32, #tpu.memory_space<vmem_shared>>) dst(%dma_wait3A_1054 : memref<128x16xf32, #tpu.memory_space<vmem>>)
      %scan3A_1061 = arith.constant 0 : i32
      %scan3A_1062 = arith.constant 0 : i32
      %scan3A_1063 = arith.constant 128 : i32
      %scan3A_1064 = arith.addi %scan3A_1062, %scan3A_1063 : i32
      %scan3A_1065 = arith.constant 1 : i32
      scf.for %scan3A_1549 = %scan3A_1062 to %scan3A_1064 step %scan3A_1065  : i32 {
        %mul3A_1550 = arith.constant 16 : i32
        %mul3A_1551 = arith.muli %scan3A_1549, %mul3A_1550 : i32
        %get3A_1552 = arith.index_cast %mul3A_1551 : i32 to index
        %get3A_1553 = tpu.vector_load %arg15[%get3A_1552] {strides = array<i32>} : memref<2048xf32, #tpu.memory_space<vmem>>, vector<16xf32>,
        %get3A_1554 = vector.shape_cast %get3A_1553 : vector<16xf32> to vector<16xf32>
        %add3A_1555 = arith.constant 0 : i32
        %add3A_1556 = arith.addi %mul3A_1551, %add3A_1555 : i32
        %get3A_1557 = arith.index_cast %add3A_1556 : i32 to index
        %get3A_1558 = arith.constant 0 : index
        %get3A_1559 = tpu.vector_load %arg16[%get3A_1557, %get3A_1558] {strides = array<i32>} : memref<2048x16xf32, #tpu.memory_space<vmem>>, vector<1x16xf32>,
        %get3A_1560 = vector.shape_cast %get3A_1559 : vector<1x16xf32> to vector<16xf32>
        %broadcast_in_dim3A_1561 = arith.constant 0 : i32
        %broadcast_in_dim3A_1562 = vector.broadcast %broadcast_in_dim3A_1561 : i32 to vector<16x1xi32>
        %gather3A = vector.shape_cast %broadcast_in_dim3A_1562 : vector<16x1xi32> to vector<16xi32>
        %gather3A_1563 = tpu.dynamic_gather %get3A_1554[%gather3A] in [0] : vector<16xf32>, vector<16xi32> -> vector<16xf32>
        %mul3A_1564 = arith.mulf %get3A_1560, %gather3A_1563 : vector<16xf32>
        %add3A_1565 = arith.constant 0 : i32
        %add3A_1566 = arith.addi %mul3A_1551, %add3A_1565 : i32
        %swap3A = arith.index_cast %add3A_1566 : i32 to index
        %swap3A_1567 = arith.constant 0 : index
        %swap3A_1568 = tpu.vector_load %arg16[%swap3A, %swap3A_1567] {strides = array<i32>} : memref<2048x16xf32, #tpu.memory_space<vmem>>, vector<1x16xf32>,
        %swap3A_1569 = vector.shape_cast %swap3A_1568 : vector<1x16xf32> to vector<16xf32>
        %swap3A_1570 = vector.shape_cast %mul3A_1564 : vector<16xf32> to vector<1x16xf32>
        tpu.vector_store %arg16[%swap3A, %swap3A_1567], %swap3A_1570 {strides = array<i32>} : memref<2048x16xf32, #tpu.memory_space<vmem>>, vector<1x16xf32>,
        %add3A_1571 = arith.constant 1 : i32
        %add3A_1572 = arith.addi %mul3A_1551, %add3A_1571 : i32
        %get3A_1573 = arith.index_cast %add3A_1572 : i32 to index
        %get3A_1574 = arith.constant 0 : index
        %get3A_1575 = tpu.vector_load %arg16[%get3A_1573, %get3A_1574] {strides = array<i32>} : memref<2048x16xf32, #tpu.memory_space<vmem>>, vector<1x16xf32>,
        %get3A_1576 = vector.shape_cast %get3A_1575 : vector<1x16xf32> to vector<16xf32>
        %broadcast_in_dim3A_1577 = arith.constant 1 : i32
        %broadcast_in_dim3A_1578 = vector.broadcast %broadcast_in_dim3A_1577 : i32 to vector<16x1xi32>
        %gather3A_1579 = vector.shape_cast %broadcast_in_dim3A_1578 : vector<16x1xi32> to vector<16xi32>
        %gather3A_1580 = tpu.dynamic_gather %get3A_1554[%gather3A_1579] in [0] : vector<16xf32>, vector<16xi32> -> vector<16xf32>
        %mul3A_1581 = arith.mulf %get3A_1576, %gather3A_1580 : vector<16xf32>
        %add3A_1582 = arith.constant 1 : i32
        %add3A_1583 = arith.addi %mul3A_1551, %add3A_1582 : i32
        %swap3A_1584 = arith.index_cast %add3A_1583 : i32 to index
        %swap3A_1585 = arith.constant 0 : index
        %swap3A_1586 = tpu.vector_load %arg16[%swap3A_1584, %swap3A_1585] {strides = array<i32>} : memref<2048x16xf32, #tpu.memory_space<vmem>>, vector<1x16xf32>,
        %swap3A_1587 = vector.shape_cast %swap3A_1586 : vector<1x16xf32> to vector<16xf32>
        %swap3A_1588 = vector.shape_cast %mul3A_1581 : vector<16xf32> to vector<1x16xf32>
        tpu.vector_store %arg16[%swap3A_1584, %swap3A_1585], %swap3A_1588 {strides = array<i32>} : memref<2048x16xf32, #tpu.memory_space<vmem>>, vector<1x16xf32>,
        %add3A_1589 = arith.constant 2 : i32
        %add3A_1590 = arith.addi %mul3A_1551, %add3A_1589 : i32
        %get3A_1591 = arith.index_cast %add3A_1590 : i32 to index
        %get3A_1592 = arith.constant 0 : index
        %get3A_1593 = tpu.vector_load %arg16[%get3A_1591, %get3A_1592] {strides = array<i32>} : memref<2048x16xf32, #tpu.memory_space<vmem>>, vector<1x16xf32>,
        %get3A_1594 = vector.shape_cast %get3A_1593 : vector<1x16xf32> to vector<16xf32>
        %broadcast_in_dim3A_1595 = arith.constant 2 : i32
        %broadcast_in_dim3A_1596 = vector.broadcast %broadcast_in_dim3A_1595 : i32 to vector<16x1xi32>
        %gather3A_1597 = vector.shape_cast %broadcast_in_dim3A_1596 : vector<16x1xi32> to vector<16xi32>
        %gather3A_1598 = tpu.dynamic_gather %get3A_1554[%gather3A_1597] in [0] : vector<16xf32>, vector<16xi32> -> vector<16xf32>
        %mul3A_1599 = arith.mulf %get3A_1594, %gather3A_1598 : vector<16xf32>
        %add3A_1600 = arith.constant 2 : i32
        %add3A_1601 = arith.addi %mul3A_1551, %add3A_1600 : i32
        %swap3A_1602 = arith.index_cast %add3A_1601 : i32 to index
        %swap3A_1603 = arith.constant 0 : index
        %swap3A_1604 = tpu.vector_load %arg16[%swap3A_1602, %swap3A_1603] {strides = array<i32>} : memref<2048x16xf32, #tpu.memory_space<vmem>>, vector<1x16xf32>,
        %swap3A_1605 = vector.shape_cast %swap3A_1604 : vector<1x16xf32> to vector<16xf32>
        %swap3A_1606 = vector.shape_cast %mul3A_1599 : vector<16xf32> to vector<1x16xf32>
        tpu.vector_store %arg16[%swap3A_1602, %swap3A_1603], %swap3A_1606 {strides = array<i32>} : memref<2048x16xf32, #tpu.memory_space<vmem>>, vector<1x16xf32>,
        %add3A_1607 = arith.constant 3 : i32
        %add3A_1608 = arith.addi %mul3A_1551, %add3A_1607 : i32
        %get3A_1609 = arith.index_cast %add3A_1608 : i32 to index
        %get3A_1610 = arith.constant 0 : index
        %get3A_1611 = tpu.vector_load %arg16[%get3A_1609, %get3A_1610] {strides = array<i32>} : memref<2048x16xf32, #tpu.memory_space<vmem>>, vector<1x16xf32>,
        %get3A_1612 = vector.shape_cast %get3A_1611 : vector<1x16xf32> to vector<16xf32>
        %broadcast_in_dim3A_1613 = arith.constant 3 : i32
        %broadcast_in_dim3A_1614 = vector.broadcast %broadcast_in_dim3A_1613 : i32 to vector<16x1xi32>
        %gather3A_1615 = vector.shape_cast %broadcast_in_dim3A_1614 : vector<16x1xi32> to vector<16xi32>
        %gather3A_1616 = tpu.dynamic_gather %get3A_1554[%gather3A_1615] in [0] : vector<16xf32>, vector<16xi32> -> vector<16xf32>
        %mul3A_1617 = arith.mulf %get3A_1612, %gather3A_1616 : vector<16xf32>
        %add3A_1618 = arith.constant 3 : i32
        %add3A_1619 = arith.addi %mul3A_1551, %add3A_1618 : i32
        %swap3A_1620 = arith.index_cast %add3A_1619 : i32 to index
        %swap3A_1621 = arith.constant 0 : index
        %swap3A_1622 = tpu.vector_load %arg16[%swap3A_1620, %swap3A_1621] {strides = array<i32>} : memref<2048x16xf32, #tpu.memory_space<vmem>>, vector<1x16xf32>,
        %swap3A_1623 = vector.shape_cast %swap3A_1622 : vector<1x16xf32> to vector<16xf32>
        %swap3A_1624 = vector.shape_cast %mul3A_1617 : vector<16xf32> to vector<1x16xf32>
        tpu.vector_store %arg16[%swap3A_1620, %swap3A_1621], %swap3A_1624 {strides = array<i32>} : memref<2048x16xf32, #tpu.memory_space<vmem>>, vector<1x16xf32>,
        %add3A_1625 = arith.constant 4 : i32
        %add3A_1626 = arith.addi %mul3A_1551, %add3A_1625 : i32
        %get3A_1627 = arith.index_cast %add3A_1626 : i32 to index
        %get3A_1628 = arith.constant 0 : index
        %get3A_1629 = tpu.vector_load %arg16[%get3A_1627, %get3A_1628] {strides = array<i32>} : memref<2048x16xf32, #tpu.memory_space<vmem>>, vector<1x16xf32>,
        %get3A_1630 = vector.shape_cast %get3A_1629 : vector<1x16xf32> to vector<16xf32>
        %broadcast_in_dim3A_1631 = arith.constant 4 : i32
        %broadcast_in_dim3A_1632 = vector.broadcast %broadcast_in_dim3A_1631 : i32 to vector<16x1xi32>
        %gather3A_1633 = vector.shape_cast %broadcast_in_dim3A_1632 : vector<16x1xi32> to vector<16xi32>
        %gather3A_1634 = tpu.dynamic_gather %get3A_1554[%gather3A_1633] in [0] : vector<16xf32>, vector<16xi32> -> vector<16xf32>
        %mul3A_1635 = arith.mulf %get3A_1630, %gather3A_1634 : vector<16xf32>
        %add3A_1636 = arith.constant 4 : i32
        %add3A_1637 = arith.addi %mul3A_1551, %add3A_1636 : i32
        %swap3A_1638 = arith.index_cast %add3A_1637 : i32 to index
        %swap3A_1639 = arith.constant 0 : index
        %swap3A_1640 = tpu.vector_load %arg16[%swap3A_1638, %swap3A_1639] {strides = array<i32>} : memref<2048x16xf32, #tpu.memory_space<vmem>>, vector<1x16xf32>,
        %swap3A_1641 = vector.shape_cast %swap3A_1640 : vector<1x16xf32> to vector<16xf32>
        %swap3A_1642 = vector.shape_cast %mul3A_1635 : vector<16xf32> to vector<1x16xf32>
        tpu.vector_store %arg16[%swap3A_1638, %swap3A_1639], %swap3A_1642 {strides = array<i32>} : memref<2048x16xf32, #tpu.memory_space<vmem>>, vector<1x16xf32>,
        %add3A_1643 = arith.constant 5 : i32
        %add3A_1644 = arith.addi %mul3A_1551, %add3A_1643 : i32
        %get3A_1645 = arith.index_cast %add3A_1644 : i32 to index
        %get3A_1646 = arith.constant 0 : index
        %get3A_1647 = tpu.vector_load %arg16[%get3A_1645, %get3A_1646] {strides = array<i32>} : memref<2048x16xf32, #tpu.memory_space<vmem>>, vector<1x16xf32>,
        %get3A_1648 = vector.shape_cast %get3A_1647 : vector<1x16xf32> to vector<16xf32>
        %broadcast_in_dim3A_1649 = arith.constant 5 : i32
        %broadcast_in_dim3A_1650 = vector.broadcast %broadcast_in_dim3A_1649 : i32 to vector<16x1xi32>
        %gather3A_1651 = vector.shape_cast %broadcast_in_dim3A_1650 : vector<16x1xi32> to vector<16xi32>
        %gather3A_1652 = tpu.dynamic_gather %get3A_1554[%gather3A_1651] in [0] : vector<16xf32>, vector<16xi32> -> vector<16xf32>
        %mul3A_1653 = arith.mulf %get3A_1648, %gather3A_1652 : vector<16xf32>
        %add3A_1654 = arith.constant 5 : i32
        %add3A_1655 = arith.addi %mul3A_1551, %add3A_1654 : i32
        %swap3A_1656 = arith.index_cast %add3A_1655 : i32 to index
        %swap3A_1657 = arith.constant 0 : index
        %swap3A_1658 = tpu.vector_load %arg16[%swap3A_1656, %swap3A_1657] {strides = array<i32>} : memref<2048x16xf32, #tpu.memory_space<vmem>>, vector<1x16xf32>,
        %swap3A_1659 = vector.shape_cast %swap3A_1658 : vector<1x16xf32> to vector<16xf32>
        %swap3A_1660 = vector.shape_cast %mul3A_1653 : vector<16xf32> to vector<1x16xf32>
        tpu.vector_store %arg16[%swap3A_1656, %swap3A_1657], %swap3A_1660 {strides = array<i32>} : memref<2048x16xf32, #tpu.memory_space<vmem>>, vector<1x16xf32>,
        %add3A_1661 = arith.constant 6 : i32
        %add3A_1662 = arith.addi %mul3A_1551, %add3A_1661 : i32
        %get3A_1663 = arith.index_cast %add3A_1662 : i32 to index
        %get3A_1664 = arith.constant 0 : index
        %get3A_1665 = tpu.vector_load %arg16[%get3A_1663, %get3A_1664] {strides = array<i32>} : memref<2048x16xf32, #tpu.memory_space<vmem>>, vector<1x16xf32>,
        %get3A_1666 = vector.shape_cast %get3A_1665 : vector<1x16xf32> to vector<16xf32>
        %broadcast_in_dim3A_1667 = arith.constant 6 : i32
        %broadcast_in_dim3A_1668 = vector.broadcast %broadcast_in_dim3A_1667 : i32 to vector<16x1xi32>
        %gather3A_1669 = vector.shape_cast %broadcast_in_dim3A_1668 : vector<16x1xi32> to vector<16xi32>
        %gather3A_1670 = tpu.dynamic_gather %get3A_1554[%gather3A_1669] in [0] : vector<16xf32>, vector<16xi32> -> vector<16xf32>
        %mul3A_1671 = arith.mulf %get3A_1666, %gather3A_1670 : vector<16xf32>
        %add3A_1672 = arith.constant 6 : i32
        %add3A_1673 = arith.addi %mul3A_1551, %add3A_1672 : i32
        %swap3A_1674 = arith.index_cast %add3A_1673 : i32 to index
        %swap3A_1675 = arith.constant 0 : index
        %swap3A_1676 = tpu.vector_load %arg16[%swap3A_1674, %swap3A_1675] {strides = array<i32>} : memref<2048x16xf32, #tpu.memory_space<vmem>>, vector<1x16xf32>,
        %swap3A_1677 = vector.shape_cast %swap3A_1676 : vector<1x16xf32> to vector<16xf32>
        %swap3A_1678 = vector.shape_cast %mul3A_1671 : vector<16xf32> to vector<1x16xf32>
        tpu.vector_store %arg16[%swap3A_1674, %swap3A_1675], %swap3A_1678 {strides = array<i32>} : memref<2048x16xf32, #tpu.memory_space<vmem>>, vector<1x16xf32>,
        %add3A_1679 = arith.constant 7 : i32
        %add3A_1680 = arith.addi %mul3A_1551, %add3A_1679 : i32
        %get3A_1681 = arith.index_cast %add3A_1680 : i32 to index
        %get3A_1682 = arith.constant 0 : index
        %get3A_1683 = tpu.vector_load %arg16[%get3A_1681, %get3A_1682] {strides = array<i32>} : memref<2048x16xf32, #tpu.memory_space<vmem>>, vector<1x16xf32>,
        %get3A_1684 = vector.shape_cast %get3A_1683 : vector<1x16xf32> to vector<16xf32>
        %broadcast_in_dim3A_1685 = arith.constant 7 : i32
        %broadcast_in_dim3A_1686 = vector.broadcast %broadcast_in_dim3A_1685 : i32 to vector<16x1xi32>
        %gather3A_1687 = vector.shape_cast %broadcast_in_dim3A_1686 : vector<16x1xi32> to vector<16xi32>
        %gather3A_1688 = tpu.dynamic_gather %get3A_1554[%gather3A_1687] in [0] : vector<16xf32>, vector<16xi32> -> vector<16xf32>
        %mul3A_1689 = arith.mulf %get3A_1684, %gather3A_1688 : vector<16xf32>
        %add3A_1690 = arith.constant 7 : i32
        %add3A_1691 = arith.addi %mul3A_1551, %add3A_1690 : i32
        %swap3A_1692 = arith.index_cast %add3A_1691 : i32 to index
        %swap3A_1693 = arith.constant 0 : index
        %swap3A_1694 = tpu.vector_load %arg16[%swap3A_1692, %swap3A_1693] {strides = array<i32>} : memref<2048x16xf32, #tpu.memory_space<vmem>>, vector<1x16xf32>,
        %swap3A_1695 = vector.shape_cast %swap3A_1694 : vector<1x16xf32> to vector<16xf32>
        %swap3A_1696 = vector.shape_cast %mul3A_1689 : vector<16xf32> to vector<1x16xf32>
        tpu.vector_store %arg16[%swap3A_1692, %swap3A_1693], %swap3A_1696 {strides = array<i32>} : memref<2048x16xf32, #tpu.memory_space<vmem>>, vector<1x16xf32>,
        %add3A_1697 = arith.constant 8 : i32
        %add3A_1698 = arith.addi %mul3A_1551, %add3A_1697 : i32
        %get3A_1699 = arith.index_cast %add3A_1698 : i32 to index
        %get3A_1700 = arith.constant 0 : index
        %get3A_1701 = tpu.vector_load %arg16[%get3A_1699, %get3A_1700] {strides = array<i32>} : memref<2048x16xf32, #tpu.memory_space<vmem>>, vector<1x16xf32>,
        %get3A_1702 = vector.shape_cast %get3A_1701 : vector<1x16xf32> to vector<16xf32>
        %broadcast_in_dim3A_1703 = arith.constant 8 : i32
        %broadcast_in_dim3A_1704 = vector.broadcast %broadcast_in_dim3A_1703 : i32 to vector<16x1xi32>
        %gather3A_1705 = vector.shape_cast %broadcast_in_dim3A_1704 : vector<16x1xi32> to vector<16xi32>
        %gather3A_1706 = tpu.dynamic_gather %get3A_1554[%gather3A_1705] in [0] : vector<16xf32>, vector<16xi32> -> vector<16xf32>
        %mul3A_1707 = arith.mulf %get3A_1702, %gather3A_1706 : vector<16xf32>
        %add3A_1708 = arith.constant 8 : i32
        %add3A_1709 = arith.addi %mul3A_1551, %add3A_1708 : i32
        %swap3A_1710 = arith.index_cast %add3A_1709 : i32 to index
        %swap3A_1711 = arith.constant 0 : index
        %swap3A_1712 = tpu.vector_load %arg16[%swap3A_1710, %swap3A_1711] {strides = array<i32>} : memref<2048x16xf32, #tpu.memory_space<vmem>>, vector<1x16xf32>,
        %swap3A_1713 = vector.shape_cast %swap3A_1712 : vector<1x16xf32> to vector<16xf32>
        %swap3A_1714 = vector.shape_cast %mul3A_1707 : vector<16xf32> to vector<1x16xf32>
        tpu.vector_store %arg16[%swap3A_1710, %swap3A_1711], %swap3A_1714 {strides = array<i32>} : memref<2048x16xf32, #tpu.memory_space<vmem>>, vector<1x16xf32>,
        %add3A_1715 = arith.constant 9 : i32
        %add3A_1716 = arith.addi %mul3A_1551, %add3A_1715 : i32
        %get3A_1717 = arith.index_cast %add3A_1716 : i32 to index
        %get3A_1718 = arith.constant 0 : index
        %get3A_1719 = tpu.vector_load %arg16[%get3A_1717, %get3A_1718] {strides = array<i32>} : memref<2048x16xf32, #tpu.memory_space<vmem>>, vector<1x16xf32>,
        %get3A_1720 = vector.shape_cast %get3A_1719 : vector<1x16xf32> to vector<16xf32>
        %broadcast_in_dim3A_1721 = arith.constant 9 : i32
        %broadcast_in_dim3A_1722 = vector.broadcast %broadcast_in_dim3A_1721 : i32 to vector<16x1xi32>
        %gather3A_1723 = vector.shape_cast %broadcast_in_dim3A_1722 : vector<16x1xi32> to vector<16xi32>
        %gather3A_1724 = tpu.dynamic_gather %get3A_1554[%gather3A_1723] in [0] : vector<16xf32>, vector<16xi32> -> vector<16xf32>
        %mul3A_1725 = arith.mulf %get3A_1720, %gather3A_1724 : vector<16xf32>
        %add3A_1726 = arith.constant 9 : i32
        %add3A_1727 = arith.addi %mul3A_1551, %add3A_1726 : i32
        %swap3A_1728 = arith.index_cast %add3A_1727 : i32 to index
        %swap3A_1729 = arith.constant 0 : index
        %swap3A_1730 = tpu.vector_load %arg16[%swap3A_1728, %swap3A_1729] {strides = array<i32>} : memref<2048x16xf32, #tpu.memory_space<vmem>>, vector<1x16xf32>,
        %swap3A_1731 = vector.shape_cast %swap3A_1730 : vector<1x16xf32> to vector<16xf32>
        %swap3A_1732 = vector.shape_cast %mul3A_1725 : vector<16xf32> to vector<1x16xf32>
        tpu.vector_store %arg16[%swap3A_1728, %swap3A_1729], %swap3A_1732 {strides = array<i32>} : memref<2048x16xf32, #tpu.memory_space<vmem>>, vector<1x16xf32>,
        %add3A_1733 = arith.constant 10 : i32
        %add3A_1734 = arith.addi %mul3A_1551, %add3A_1733 : i32
        %get3A_1735 = arith.index_cast %add3A_1734 : i32 to index
        %get3A_1736 = arith.constant 0 : index
        %get3A_1737 = tpu.vector_load %arg16[%get3A_1735, %get3A_1736] {strides = array<i32>} : memref<2048x16xf32, #tpu.memory_space<vmem>>, vector<1x16xf32>,
        %get3A_1738 = vector.shape_cast %get3A_1737 : vector<1x16xf32> to vector<16xf32>
        %broadcast_in_dim3A_1739 = arith.constant 10 : i32
        %broadcast_in_dim3A_1740 = vector.broadcast %broadcast_in_dim3A_1739 : i32 to vector<16x1xi32>
        %gather3A_1741 = vector.shape_cast %broadcast_in_dim3A_1740 : vector<16x1xi32> to vector<16xi32>
        %gather3A_1742 = tpu.dynamic_gather %get3A_1554[%gather3A_1741] in [0] : vector<16xf32>, vector<16xi32> -> vector<16xf32>
        %mul3A_1743 = arith.mulf %get3A_1738, %gather3A_1742 : vector<16xf32>
        %add3A_1744 = arith.constant 10 : i32
        %add3A_1745 = arith.addi %mul3A_1551, %add3A_1744 : i32
        %swap3A_1746 = arith.index_cast %add3A_1745 : i32 to index
        %swap3A_1747 = arith.constant 0 : index
        %swap3A_1748 = tpu.vector_load %arg16[%swap3A_1746, %swap3A_1747] {strides = array<i32>} : memref<2048x16xf32, #tpu.memory_space<vmem>>, vector<1x16xf32>,
        %swap3A_1749 = vector.shape_cast %swap3A_1748 : vector<1x16xf32> to vector<16xf32>
        %swap3A_1750 = vector.shape_cast %mul3A_1743 : vector<16xf32> to vector<1x16xf32>
        tpu.vector_store %arg16[%swap3A_1746, %swap3A_1747], %swap3A_1750 {strides = array<i32>} : memref<2048x16xf32, #tpu.memory_space<vmem>>, vector<1x16xf32>,
        %add3A_1751 = arith.constant 11 : i32
        %add3A_1752 = arith.addi %mul3A_1551, %add3A_1751 : i32
        %get3A_1753 = arith.index_cast %add3A_1752 : i32 to index
        %get3A_1754 = arith.constant 0 : index
        %get3A_1755 = tpu.vector_load %arg16[%get3A_1753, %get3A_1754] {strides = array<i32>} : memref<2048x16xf32, #tpu.memory_space<vmem>>, vector<1x16xf32>,
        %get3A_1756 = vector.shape_cast %get3A_1755 : vector<1x16xf32> to vector<16xf32>
        %broadcast_in_dim3A_1757 = arith.constant 11 : i32
        %broadcast_in_dim3A_1758 = vector.broadcast %broadcast_in_dim3A_1757 : i32 to vector<16x1xi32>
        %gather3A_1759 = vector.shape_cast %broadcast_in_dim3A_1758 : vector<16x1xi32> to vector<16xi32>
        %gather3A_1760 = tpu.dynamic_gather %get3A_1554[%gather3A_1759] in [0] : vector<16xf32>, vector<16xi32> -> vector<16xf32>
        %mul3A_1761 = arith.mulf %get3A_1756, %gather3A_1760 : vector<16xf32>
        %add3A_1762 = arith.constant 11 : i32
        %add3A_1763 = arith.addi %mul3A_1551, %add3A_1762 : i32
        %swap3A_1764 = arith.index_cast %add3A_1763 : i32 to index
        %swap3A_1765 = arith.constant 0 : index
        %swap3A_1766 = tpu.vector_load %arg16[%swap3A_1764, %swap3A_1765] {strides = array<i32>} : memref<2048x16xf32, #tpu.memory_space<vmem>>, vector<1x16xf32>,
        %swap3A_1767 = vector.shape_cast %swap3A_1766 : vector<1x16xf32> to vector<16xf32>
        %swap3A_1768 = vector.shape_cast %mul3A_1761 : vector<16xf32> to vector<1x16xf32>
        tpu.vector_store %arg16[%swap3A_1764, %swap3A_1765], %swap3A_1768 {strides = array<i32>} : memref<2048x16xf32, #tpu.memory_space<vmem>>, vector<1x16xf32>,
        %add3A_1769 = arith.constant 12 : i32
        %add3A_1770 = arith.addi %mul3A_1551, %add3A_1769 : i32
        %get3A_1771 = arith.index_cast %add3A_1770 : i32 to index
        %get3A_1772 = arith.constant 0 : index
        %get3A_1773 = tpu.vector_load %arg16[%get3A_1771, %get3A_1772] {strides = array<i32>} : memref<2048x16xf32, #tpu.memory_space<vmem>>, vector<1x16xf32>,
        %get3A_1774 = vector.shape_cast %get3A_1773 : vector<1x16xf32> to vector<16xf32>
        %broadcast_in_dim3A_1775 = arith.constant 12 : i32
        %broadcast_in_dim3A_1776 = vector.broadcast %broadcast_in_dim3A_1775 : i32 to vector<16x1xi32>
        %gather3A_1777 = vector.shape_cast %broadcast_in_dim3A_1776 : vector<16x1xi32> to vector<16xi32>
        %gather3A_1778 = tpu.dynamic_gather %get3A_1554[%gather3A_1777] in [0] : vector<16xf32>, vector<16xi32> -> vector<16xf32>
        %mul3A_1779 = arith.mulf %get3A_1774, %gather3A_1778 : vector<16xf32>
        %add3A_1780 = arith.constant 12 : i32
        %add3A_1781 = arith.addi %mul3A_1551, %add3A_1780 : i32
        %swap3A_1782 = arith.index_cast %add3A_1781 : i32 to index
        %swap3A_1783 = arith.constant 0 : index
        %swap3A_1784 = tpu.vector_load %arg16[%swap3A_1782, %swap3A_1783] {strides = array<i32>} : memref<2048x16xf32, #tpu.memory_space<vmem>>, vector<1x16xf32>,
        %swap3A_1785 = vector.shape_cast %swap3A_1784 : vector<1x16xf32> to vector<16xf32>
        %swap3A_1786 = vector.shape_cast %mul3A_1779 : vector<16xf32> to vector<1x16xf32>
        tpu.vector_store %arg16[%swap3A_1782, %swap3A_1783], %swap3A_1786 {strides = array<i32>} : memref<2048x16xf32, #tpu.memory_space<vmem>>, vector<1x16xf32>,
        %add3A_1787 = arith.constant 13 : i32
        %add3A_1788 = arith.addi %mul3A_1551, %add3A_1787 : i32
        %get3A_1789 = arith.index_cast %add3A_1788 : i32 to index
        %get3A_1790 = arith.constant 0 : index
        %get3A_1791 = tpu.vector_load %arg16[%get3A_1789, %get3A_1790] {strides = array<i32>} : memref<2048x16xf32, #tpu.memory_space<vmem>>, vector<1x16xf32>,
        %get3A_1792 = vector.shape_cast %get3A_1791 : vector<1x16xf32> to vector<16xf32>
        %broadcast_in_dim3A_1793 = arith.constant 13 : i32
        %broadcast_in_dim3A_1794 = vector.broadcast %broadcast_in_dim3A_1793 : i32 to vector<16x1xi32>
        %gather3A_1795 = vector.shape_cast %broadcast_in_dim3A_1794 : vector<16x1xi32> to vector<16xi32>
        %gather3A_1796 = tpu.dynamic_gather %get3A_1554[%gather3A_1795] in [0] : vector<16xf32>, vector<16xi32> -> vector<16xf32>
        %mul3A_1797 = arith.mulf %get3A_1792, %gather3A_1796 : vector<16xf32>
        %add3A_1798 = arith.constant 13 : i32
        %add3A_1799 = arith.addi %mul3A_1551, %add3A_1798 : i32
        %swap3A_1800 = arith.index_cast %add3A_1799 : i32 to index
        %swap3A_1801 = arith.constant 0 : index
        %swap3A_1802 = tpu.vector_load %arg16[%swap3A_1800, %swap3A_1801] {strides = array<i32>} : memref<2048x16xf32, #tpu.memory_space<vmem>>, vector<1x16xf32>,
        %swap3A_1803 = vector.shape_cast %swap3A_1802 : vector<1x16xf32> to vector<16xf32>
        %swap3A_1804 = vector.shape_cast %mul3A_1797 : vector<16xf32> to vector<1x16xf32>
        tpu.vector_store %arg16[%swap3A_1800, %swap3A_1801], %swap3A_1804 {strides = array<i32>} : memref<2048x16xf32, #tpu.memory_space<vmem>>, vector<1x16xf32>,
        %add3A_1805 = arith.constant 14 : i32
        %add3A_1806 = arith.addi %mul3A_1551, %add3A_1805 : i32
        %get3A_1807 = arith.index_cast %add3A_1806 : i32 to index
        %get3A_1808 = arith.constant 0 : index
        %get3A_1809 = tpu.vector_load %arg16[%get3A_1807, %get3A_1808] {strides = array<i32>} : memref<2048x16xf32, #tpu.memory_space<vmem>>, vector<1x16xf32>,
        %get3A_1810 = vector.shape_cast %get3A_1809 : vector<1x16xf32> to vector<16xf32>
        %broadcast_in_dim3A_1811 = arith.constant 14 : i32
        %broadcast_in_dim3A_1812 = vector.broadcast %broadcast_in_dim3A_1811 : i32 to vector<16x1xi32>
        %gather3A_1813 = vector.shape_cast %broadcast_in_dim3A_1812 : vector<16x1xi32> to vector<16xi32>
        %gather3A_1814 = tpu.dynamic_gather %get3A_1554[%gather3A_1813] in [0] : vector<16xf32>, vector<16xi32> -> vector<16xf32>
        %mul3A_1815 = arith.mulf %get3A_1810, %gather3A_1814 : vector<16xf32>
        %add3A_1816 = arith.constant 14 : i32
        %add3A_1817 = arith.addi %mul3A_1551, %add3A_1816 : i32
        %swap3A_1818 = arith.index_cast %add3A_1817 : i32 to index
        %swap3A_1819 = arith.constant 0 : index
        %swap3A_1820 = tpu.vector_load %arg16[%swap3A_1818, %swap3A_1819] {strides = array<i32>} : memref<2048x16xf32, #tpu.memory_space<vmem>>, vector<1x16xf32>,
        %swap3A_1821 = vector.shape_cast %swap3A_1820 : vector<1x16xf32> to vector<16xf32>
        %swap3A_1822 = vector.shape_cast %mul3A_1815 : vector<16xf32> to vector<1x16xf32>
        tpu.vector_store %arg16[%swap3A_1818, %swap3A_1819], %swap3A_1822 {strides = array<i32>} : memref<2048x16xf32, #tpu.memory_space<vmem>>, vector<1x16xf32>,
        %add3A_1823 = arith.constant 15 : i32
        %add3A_1824 = arith.addi %mul3A_1551, %add3A_1823 : i32
        %get3A_1825 = arith.index_cast %add3A_1824 : i32 to index
        %get3A_1826 = arith.constant 0 : index
        %get3A_1827 = tpu.vector_load %arg16[%get3A_1825, %get3A_1826] {strides = array<i32>} : memref<2048x16xf32, #tpu.memory_space<vmem>>, vector<1x16xf32>,
        %get3A_1828 = vector.shape_cast %get3A_1827 : vector<1x16xf32> to vector<16xf32>
        %broadcast_in_dim3A_1829 = arith.constant 15 : i32
        %broadcast_in_dim3A_1830 = vector.broadcast %broadcast_in_dim3A_1829 : i32 to vector<16x1xi32>
        %gather3A_1831 = vector.shape_cast %broadcast_in_dim3A_1830 : vector<16x1xi32> to vector<16xi32>
        %gather3A_1832 = tpu.dynamic_gather %get3A_1554[%gather3A_1831] in [0] : vector<16xf32>, vector<16xi32> -> vector<16xf32>
        %mul3A_1833 = arith.mulf %get3A_1828, %gather3A_1832 : vector<16xf32>
        %add3A_1834 = arith.constant 15 : i32
        %add3A_1835 = arith.addi %mul3A_1551, %add3A_1834 : i32
        %swap3A_1836 = arith.index_cast %add3A_1835 : i32 to index
        %swap3A_1837 = arith.constant 0 : index
        %swap3A_1838 = tpu.vector_load %arg16[%swap3A_1836, %swap3A_1837] {strides = array<i32>} : memref<2048x16xf32, #tpu.memory_space<vmem>>, vector<1x16xf32>,
        %swap3A_1839 = vector.shape_cast %swap3A_1838 : vector<1x16xf32> to vector<16xf32>
        %swap3A_1840 = vector.shape_cast %mul3A_1833 : vector<16xf32> to vector<1x16xf32>
        tpu.vector_store %arg16[%swap3A_1836, %swap3A_1837], %swap3A_1840 {strides = array<i32>} : memref<2048x16xf32, #tpu.memory_space<vmem>>, vector<1x16xf32>,
      }
      %scan3A_1066 = arith.constant 128 : i32
      %dma_start3A_1067 = arith.constant 0 : i32
      %dma_start3A_1068 = arith.constant 0 : i32
      %dma_start3A_1069 = arith.constant 0 : i32
      %dma_start3A_1070 = tpu.memref_slice %arg16[%dma_start3A_1068, %dma_start3A_1069] : memref<2048x16xf32, #tpu.memory_space<vmem>> -> memref<128x16xf32, #tpu.memory_space<vmem>>
      %dma_start3A_1071 = arith.constant 0 : i32
      %dma_start3A_1072 = tpu.memref_slice %arg14[%dma_start3A_1067, %dma_start3A_1071] : memref<16x128xi32, #tpu.memory_space<vmem>> -> memref<1x128xi32, #tpu.memory_space<vmem>>
      %dma_start3A_1073 = tpu.memref_squeeze %dma_start3A_1072 : memref<1x128xi32, #tpu.memory_space<vmem>> -> memref<128xi32, #tpu.memory_space<vmem>>
      %dma_start3A_1074 = arith.constant 0 : i32
      %dma_start3A_1075 = arith.constant 0 : i32
      %dma_start3A_1076 = tpu.memref_slice %arg21[%dma_start3A_1074, %dma_start3A_1075] : memref<30240x16xf32, #tpu.memory_space<vmem_shared>> -> memref<30240x16xf32, #tpu.memory_space<vmem_shared>>
      tpu.enqueue_indirect_dma source(%dma_start3A_1070 : memref<128x16xf32, #tpu.memory_space<vmem>>) target(%dma_start3A_1076 : memref<30240x16xf32, #tpu.memory_space<vmem_shared>>) offsets(%dma_start3A_1073 : memref<128xi32, #tpu.memory_space<vmem>>) semaphore(%arg26 : memref<!tpu.dma_semaphore, #tpu.memory_space<semaphore_mem>>) {add = true}
      %dma_start3A_1077 = arith.constant 1 : i32
      %dma_start3A_1078 = arith.constant 128 : i32
      %dma_start3A_1079 = arith.constant 0 : i32
      %dma_start3A_1080 = tpu.memref_slice %arg16[%dma_start3A_1078, %dma_start3A_1079] : memref<2048x16xf32, #tpu.memory_space<vmem>> -> memref<128x16xf32, #tpu.memory_space<vmem>>
      %dma_start3A_1081 = arith.constant 0 : i32
      %dma_start3A_1082 = tpu.memref_slice %arg14[%dma_start3A_1077, %dma_start3A_1081] : memref<16x128xi32, #tpu.memory_space<vmem>> -> memref<1x128xi32, #tpu.memory_space<vmem>>
      %dma_start3A_1083 = tpu.memref_squeeze %dma_start3A_1082 : memref<1x128xi32, #tpu.memory_space<vmem>> -> memref<128xi32, #tpu.memory_space<vmem>>
      %dma_start3A_1084 = arith.constant 0 : i32
      %dma_start3A_1085 = arith.constant 0 : i32
      %dma_start3A_1086 = tpu.memref_slice %arg21[%dma_start3A_1084, %dma_start3A_1085] : memref<30240x16xf32, #tpu.memory_space<vmem_shared>> -> memref<30240x16xf32, #tpu.memory_space<vmem_shared>>
      tpu.enqueue_indirect_dma source(%dma_start3A_1080 : memref<128x16xf32, #tpu.memory_space<vmem>>) target(%dma_start3A_1086 : memref<30240x16xf32, #tpu.memory_space<vmem_shared>>) offsets(%dma_start3A_1083 : memref<128xi32, #tpu.memory_space<vmem>>) semaphore(%arg26 : memref<!tpu.dma_semaphore, #tpu.memory_space<semaphore_mem>>) {add = true}
      %dma_start3A_1087 = arith.constant 2 : i32
      %dma_start3A_1088 = arith.constant 256 : i32
      %dma_start3A_1089 = arith.constant 0 : i32
      %dma_start3A_1090 = tpu.memref_slice %arg16[%dma_start3A_1088, %dma_start3A_1089] : memref<2048x16xf32, #tpu.memory_space<vmem>> -> memref<128x16xf32, #tpu.memory_space<vmem>>
      %dma_start3A_1091 = arith.constant 0 : i32
      %dma_start3A_1092 = tpu.memref_slice %arg14[%dma_start3A_1087, %dma_start3A_1091] : memref<16x128xi32, #tpu.memory_space<vmem>> -> memref<1x128xi32, #tpu.memory_space<vmem>>
      %dma_start3A_1093 = tpu.memref_squeeze %dma_start3A_1092 : memref<1x128xi32, #tpu.memory_space<vmem>> -> memref<128xi32, #tpu.memory_space<vmem>>
      %dma_start3A_1094 = arith.constant 0 : i32
      %dma_start3A_1095 = arith.constant 0 : i32
      %dma_start3A_1096 = tpu.memref_slice %arg21[%dma_start3A_1094, %dma_start3A_1095] : memref<30240x16xf32, #tpu.memory_space<vmem_shared>> -> memref<30240x16xf32, #tpu.memory_space<vmem_shared>>
      tpu.enqueue_indirect_dma source(%dma_start3A_1090 : memref<128x16xf32, #tpu.memory_space<vmem>>) target(%dma_start3A_1096 : memref<30240x16xf32, #tpu.memory_space<vmem_shared>>) offsets(%dma_start3A_1093 : memref<128xi32, #tpu.memory_space<vmem>>) semaphore(%arg26 : memref<!tpu.dma_semaphore, #tpu.memory_space<semaphore_mem>>) {add = true}
      %dma_start3A_1097 = arith.constant 3 : i32
      %dma_start3A_1098 = arith.constant 384 : i32
      %dma_start3A_1099 = arith.constant 0 : i32
      %dma_start3A_1100 = tpu.memref_slice %arg16[%dma_start3A_1098, %dma_start3A_1099] : memref<2048x16xf32, #tpu.memory_space<vmem>> -> memref<128x16xf32, #tpu.memory_space<vmem>>
      %dma_start3A_1101 = arith.constant 0 : i32
      %dma_start3A_1102 = tpu.memref_slice %arg14[%dma_start3A_1097, %dma_start3A_1101] : memref<16x128xi32, #tpu.memory_space<vmem>> -> memref<1x128xi32, #tpu.memory_space<vmem>>
      %dma_start3A_1103 = tpu.memref_squeeze %dma_start3A_1102 : memref<1x128xi32, #tpu.memory_space<vmem>> -> memref<128xi32, #tpu.memory_space<vmem>>
      %dma_start3A_1104 = arith.constant 0 : i32
      %dma_start3A_1105 = arith.constant 0 : i32
      %dma_start3A_1106 = tpu.memref_slice %arg21[%dma_start3A_1104, %dma_start3A_1105] : memref<30240x16xf32, #tpu.memory_space<vmem_shared>> -> memref<30240x16xf32, #tpu.memory_space<vmem_shared>>
      tpu.enqueue_indirect_dma source(%dma_start3A_1100 : memref<128x16xf32, #tpu.memory_space<vmem>>) target(%dma_start3A_1106 : memref<30240x16xf32, #tpu.memory_space<vmem_shared>>) offsets(%dma_start3A_1103 : memref<128xi32, #tpu.memory_space<vmem>>) semaphore(%arg26 : memref<!tpu.dma_semaphore, #tpu.memory_space<semaphore_mem>>) {add = true}
      %dma_start3A_1107 = arith.constant 4 : i32
      %dma_start3A_1108 = arith.constant 512 : i32
      %dma_start3A_1109 = arith.constant 0 : i32
      %dma_start3A_1110 = tpu.memref_slice %arg16[%dma_start3A_1108, %dma_start3A_1109] : memref<2048x16xf32, #tpu.memory_space<vmem>> -> memref<128x16xf32, #tpu.memory_space<vmem>>
      %dma_start3A_1111 = arith.constant 0 : i32
      %dma_start3A_1112 = tpu.memref_slice %arg14[%dma_start3A_1107, %dma_start3A_1111] : memref<16x128xi32, #tpu.memory_space<vmem>> -> memref<1x128xi32, #tpu.memory_space<vmem>>
      %dma_start3A_1113 = tpu.memref_squeeze %dma_start3A_1112 : memref<1x128xi32, #tpu.memory_space<vmem>> -> memref<128xi32, #tpu.memory_space<vmem>>
      %dma_start3A_1114 = arith.constant 0 : i32
      %dma_start3A_1115 = arith.constant 0 : i32
      %dma_start3A_1116 = tpu.memref_slice %arg21[%dma_start3A_1114, %dma_start3A_1115] : memref<30240x16xf32, #tpu.memory_space<vmem_shared>> -> memref<30240x16xf32, #tpu.memory_space<vmem_shared>>
      tpu.enqueue_indirect_dma source(%dma_start3A_1110 : memref<128x16xf32, #tpu.memory_space<vmem>>) target(%dma_start3A_1116 : memref<30240x16xf32, #tpu.memory_space<vmem_shared>>) offsets(%dma_start3A_1113 : memref<128xi32, #tpu.memory_space<vmem>>) semaphore(%arg26 : memref<!tpu.dma_semaphore, #tpu.memory_space<semaphore_mem>>) {add = true}
      %dma_start3A_1117 = arith.constant 5 : i32
      %dma_start3A_1118 = arith.constant 640 : i32
      %dma_start3A_1119 = arith.constant 0 : i32
      %dma_start3A_1120 = tpu.memref_slice %arg16[%dma_start3A_1118, %dma_start3A_1119] : memref<2048x16xf32, #tpu.memory_space<vmem>> -> memref<128x16xf32, #tpu.memory_space<vmem>>
      %dma_start3A_1121 = arith.constant 0 : i32
      %dma_start3A_1122 = tpu.memref_slice %arg14[%dma_start3A_1117, %dma_start3A_1121] : memref<16x128xi32, #tpu.memory_space<vmem>> -> memref<1x128xi32, #tpu.memory_space<vmem>>
      %dma_start3A_1123 = tpu.memref_squeeze %dma_start3A_1122 : memref<1x128xi32, #tpu.memory_space<vmem>> -> memref<128xi32, #tpu.memory_space<vmem>>
      %dma_start3A_1124 = arith.constant 0 : i32
      %dma_start3A_1125 = arith.constant 0 : i32
      %dma_start3A_1126 = tpu.memref_slice %arg21[%dma_start3A_1124, %dma_start3A_1125] : memref<30240x16xf32, #tpu.memory_space<vmem_shared>> -> memref<30240x16xf32, #tpu.memory_space<vmem_shared>>
      tpu.enqueue_indirect_dma source(%dma_start3A_1120 : memref<128x16xf32, #tpu.memory_space<vmem>>) target(%dma_start3A_1126 : memref<30240x16xf32, #tpu.memory_space<vmem_shared>>) offsets(%dma_start3A_1123 : memref<128xi32, #tpu.memory_space<vmem>>) semaphore(%arg26 : memref<!tpu.dma_semaphore, #tpu.memory_space<semaphore_mem>>) {add = true}
      %dma_start3A_1127 = arith.constant 6 : i32
      %dma_start3A_1128 = arith.constant 768 : i32
      %dma_start3A_1129 = arith.constant 0 : i32
      %dma_start3A_1130 = tpu.memref_slice %arg16[%dma_start3A_1128, %dma_start3A_1129] : memref<2048x16xf32, #tpu.memory_space<vmem>> -> memref<128x16xf32, #tpu.memory_space<vmem>>
      %dma_start3A_1131 = arith.constant 0 : i32
      %dma_start3A_1132 = tpu.memref_slice %arg14[%dma_start3A_1127, %dma_start3A_1131] : memref<16x128xi32, #tpu.memory_space<vmem>> -> memref<1x128xi32, #tpu.memory_space<vmem>>
      %dma_start3A_1133 = tpu.memref_squeeze %dma_start3A_1132 : memref<1x128xi32, #tpu.memory_space<vmem>> -> memref<128xi32, #tpu.memory_space<vmem>>
      %dma_start3A_1134 = arith.constant 0 : i32
      %dma_start3A_1135 = arith.constant 0 : i32
      %dma_start3A_1136 = tpu.memref_slice %arg21[%dma_start3A_1134, %dma_start3A_1135] : memref<30240x16xf32, #tpu.memory_space<vmem_shared>> -> memref<30240x16xf32, #tpu.memory_space<vmem_shared>>
      tpu.enqueue_indirect_dma source(%dma_start3A_1130 : memref<128x16xf32, #tpu.memory_space<vmem>>) target(%dma_start3A_1136 : memref<30240x16xf32, #tpu.memory_space<vmem_shared>>) offsets(%dma_start3A_1133 : memref<128xi32, #tpu.memory_space<vmem>>) semaphore(%arg26 : memref<!tpu.dma_semaphore, #tpu.memory_space<semaphore_mem>>) {add = true}
      %dma_start3A_1137 = arith.constant 7 : i32
      %dma_start3A_1138 = arith.constant 896 : i32
      %dma_start3A_1139 = arith.constant 0 : i32
      %dma_start3A_1140 = tpu.memref_slice %arg16[%dma_start3A_1138, %dma_start3A_1139] : memref<2048x16xf32, #tpu.memory_space<vmem>> -> memref<128x16xf32, #tpu.memory_space<vmem>>
      %dma_start3A_1141 = arith.constant 0 : i32
      %dma_start3A_1142 = tpu.memref_slice %arg14[%dma_start3A_1137, %dma_start3A_1141] : memref<16x128xi32, #tpu.memory_space<vmem>> -> memref<1x128xi32, #tpu.memory_space<vmem>>
      %dma_start3A_1143 = tpu.memref_squeeze %dma_start3A_1142 : memref<1x128xi32, #tpu.memory_space<vmem>> -> memref<128xi32, #tpu.memory_space<vmem>>
      %dma_start3A_1144 = arith.constant 0 : i32
      %dma_start3A_1145 = arith.constant 0 : i32
      %dma_start3A_1146 = tpu.memref_slice %arg21[%dma_start3A_1144, %dma_start3A_1145] : memref<30240x16xf32, #tpu.memory_space<vmem_shared>> -> memref<30240x16xf32, #tpu.memory_space<vmem_shared>>
      tpu.enqueue_indirect_dma source(%dma_start3A_1140 : memref<128x16xf32, #tpu.memory_space<vmem>>) target(%dma_start3A_1146 : memref<30240x16xf32, #tpu.memory_space<vmem_shared>>) offsets(%dma_start3A_1143 : memref<128xi32, #tpu.memory_space<vmem>>) semaphore(%arg26 : memref<!tpu.dma_semaphore, #tpu.memory_space<semaphore_mem>>) {add = true}
      %dma_start3A_1147 = arith.constant 8 : i32
      %dma_start3A_1148 = arith.constant 1024 : i32
      %dma_start3A_1149 = arith.constant 0 : i32
      %dma_start3A_1150 = tpu.memref_slice %arg16[%dma_start3A_1148, %dma_start3A_1149] : memref<2048x16xf32, #tpu.memory_space<vmem>> -> memref<128x16xf32, #tpu.memory_space<vmem>>
      %dma_start3A_1151 = arith.constant 0 : i32
      %dma_start3A_1152 = tpu.memref_slice %arg14[%dma_start3A_1147, %dma_start3A_1151] : memref<16x128xi32, #tpu.memory_space<vmem>> -> memref<1x128xi32, #tpu.memory_space<vmem>>
      %dma_start3A_1153 = tpu.memref_squeeze %dma_start3A_1152 : memref<1x128xi32, #tpu.memory_space<vmem>> -> memref<128xi32, #tpu.memory_space<vmem>>
      %dma_start3A_1154 = arith.constant 0 : i32
      %dma_start3A_1155 = arith.constant 0 : i32
      %dma_start3A_1156 = tpu.memref_slice %arg21[%dma_start3A_1154, %dma_start3A_1155] : memref<30240x16xf32, #tpu.memory_space<vmem_shared>> -> memref<30240x16xf32, #tpu.memory_space<vmem_shared>>
      tpu.enqueue_indirect_dma source(%dma_start3A_1150 : memref<128x16xf32, #tpu.memory_space<vmem>>) target(%dma_start3A_1156 : memref<30240x16xf32, #tpu.memory_space<vmem_shared>>) offsets(%dma_start3A_1153 : memref<128xi32, #tpu.memory_space<vmem>>) semaphore(%arg26 : memref<!tpu.dma_semaphore, #tpu.memory_space<semaphore_mem>>) {add = true}
      %dma_start3A_1157 = arith.constant 9 : i32
      %dma_start3A_1158 = arith.constant 1152 : i32
      %dma_start3A_1159 = arith.constant 0 : i32
      %dma_start3A_1160 = tpu.memref_slice %arg16[%dma_start3A_1158, %dma_start3A_1159] : memref<2048x16xf32, #tpu.memory_space<vmem>> -> memref<128x16xf32, #tpu.memory_space<vmem>>
      %dma_start3A_1161 = arith.constant 0 : i32
      %dma_start3A_1162 = tpu.memref_slice %arg14[%dma_start3A_1157, %dma_start3A_1161] : memref<16x128xi32, #tpu.memory_space<vmem>> -> memref<1x128xi32, #tpu.memory_space<vmem>>
      %dma_start3A_1163 = tpu.memref_squeeze %dma_start3A_1162 : memref<1x128xi32, #tpu.memory_space<vmem>> -> memref<128xi32, #tpu.memory_space<vmem>>
      %dma_start3A_1164 = arith.constant 0 : i32
      %dma_start3A_1165 = arith.constant 0 : i32
      %dma_start3A_1166 = tpu.memref_slice %arg21[%dma_start3A_1164, %dma_start3A_1165] : memref<30240x16xf32, #tpu.memory_space<vmem_shared>> -> memref<30240x16xf32, #tpu.memory_space<vmem_shared>>
      tpu.enqueue_indirect_dma source(%dma_start3A_1160 : memref<128x16xf32, #tpu.memory_space<vmem>>) target(%dma_start3A_1166 : memref<30240x16xf32, #tpu.memory_space<vmem_shared>>) offsets(%dma_start3A_1163 : memref<128xi32, #tpu.memory_space<vmem>>) semaphore(%arg26 : memref<!tpu.dma_semaphore, #tpu.memory_space<semaphore_mem>>) {add = true}
      %dma_start3A_1167 = arith.constant 10 : i32
      %dma_start3A_1168 = arith.constant 1280 : i32
      %dma_start3A_1169 = arith.constant 0 : i32
      %dma_start3A_1170 = tpu.memref_slice %arg16[%dma_start3A_1168, %dma_start3A_1169] : memref<2048x16xf32, #tpu.memory_space<vmem>> -> memref<128x16xf32, #tpu.memory_space<vmem>>
      %dma_start3A_1171 = arith.constant 0 : i32
      %dma_start3A_1172 = tpu.memref_slice %arg14[%dma_start3A_1167, %dma_start3A_1171] : memref<16x128xi32, #tpu.memory_space<vmem>> -> memref<1x128xi32, #tpu.memory_space<vmem>>
      %dma_start3A_1173 = tpu.memref_squeeze %dma_start3A_1172 : memref<1x128xi32, #tpu.memory_space<vmem>> -> memref<128xi32, #tpu.memory_space<vmem>>
      %dma_start3A_1174 = arith.constant 0 : i32
      %dma_start3A_1175 = arith.constant 0 : i32
      %dma_start3A_1176 = tpu.memref_slice %arg21[%dma_start3A_1174, %dma_start3A_1175] : memref<30240x16xf32, #tpu.memory_space<vmem_shared>> -> memref<30240x16xf32, #tpu.memory_space<vmem_shared>>
      tpu.enqueue_indirect_dma source(%dma_start3A_1170 : memref<128x16xf32, #tpu.memory_space<vmem>>) target(%dma_start3A_1176 : memref<30240x16xf32, #tpu.memory_space<vmem_shared>>) offsets(%dma_start3A_1173 : memref<128xi32, #tpu.memory_space<vmem>>) semaphore(%arg26 : memref<!tpu.dma_semaphore, #tpu.memory_space<semaphore_mem>>) {add = true}
      %dma_start3A_1177 = arith.constant 11 : i32
      %dma_start3A_1178 = arith.constant 1408 : i32
      %dma_start3A_1179 = arith.constant 0 : i32
      %dma_start3A_1180 = tpu.memref_slice %arg16[%dma_start3A_1178, %dma_start3A_1179] : memref<2048x16xf32, #tpu.memory_space<vmem>> -> memref<128x16xf32, #tpu.memory_space<vmem>>
      %dma_start3A_1181 = arith.constant 0 : i32
      %dma_start3A_1182 = tpu.memref_slice %arg14[%dma_start3A_1177, %dma_start3A_1181] : memref<16x128xi32, #tpu.memory_space<vmem>> -> memref<1x128xi32, #tpu.memory_space<vmem>>
      %dma_start3A_1183 = tpu.memref_squeeze %dma_start3A_1182 : memref<1x128xi32, #tpu.memory_space<vmem>> -> memref<128xi32, #tpu.memory_space<vmem>>
      %dma_start3A_1184 = arith.constant 0 : i32
      %dma_start3A_1185 = arith.constant 0 : i32
      %dma_start3A_1186 = tpu.memref_slice %arg21[%dma_start3A_1184, %dma_start3A_1185] : memref<30240x16xf32, #tpu.memory_space<vmem_shared>> -> memref<30240x16xf32, #tpu.memory_space<vmem_shared>>
      tpu.enqueue_indirect_dma source(%dma_start3A_1180 : memref<128x16xf32, #tpu.memory_space<vmem>>) target(%dma_start3A_1186 : memref<30240x16xf32, #tpu.memory_space<vmem_shared>>) offsets(%dma_start3A_1183 : memref<128xi32, #tpu.memory_space<vmem>>) semaphore(%arg26 : memref<!tpu.dma_semaphore, #tpu.memory_space<semaphore_mem>>) {add = true}
      %dma_start3A_1187 = arith.constant 12 : i32
      %dma_start3A_1188 = arith.constant 1536 : i32
      %dma_start3A_1189 = arith.constant 0 : i32
      %dma_start3A_1190 = tpu.memref_slice %arg16[%dma_start3A_1188, %dma_start3A_1189] : memref<2048x16xf32, #tpu.memory_space<vmem>> -> memref<128x16xf32, #tpu.memory_space<vmem>>
      %dma_start3A_1191 = arith.constant 0 : i32
      %dma_start3A_1192 = tpu.memref_slice %arg14[%dma_start3A_1187, %dma_start3A_1191] : memref<16x128xi32, #tpu.memory_space<vmem>> -> memref<1x128xi32, #tpu.memory_space<vmem>>
      %dma_start3A_1193 = tpu.memref_squeeze %dma_start3A_1192 : memref<1x128xi32, #tpu.memory_space<vmem>> -> memref<128xi32, #tpu.memory_space<vmem>>
      %dma_start3A_1194 = arith.constant 0 : i32
      %dma_start3A_1195 = arith.constant 0 : i32
      %dma_start3A_1196 = tpu.memref_slice %arg21[%dma_start3A_1194, %dma_start3A_1195] : memref<30240x16xf32, #tpu.memory_space<vmem_shared>> -> memref<30240x16xf32, #tpu.memory_space<vmem_shared>>
      tpu.enqueue_indirect_dma source(%dma_start3A_1190 : memref<128x16xf32, #tpu.memory_space<vmem>>) target(%dma_start3A_1196 : memref<30240x16xf32, #tpu.memory_space<vmem_shared>>) offsets(%dma_start3A_1193 : memref<128xi32, #tpu.memory_space<vmem>>) semaphore(%arg26 : memref<!tpu.dma_semaphore, #tpu.memory_space<semaphore_mem>>) {add = true}
      %dma_start3A_1197 = arith.constant 13 : i32
      %dma_start3A_1198 = arith.constant 1664 : i32
      %dma_start3A_1199 = arith.constant 0 : i32
      %dma_start3A_1200 = tpu.memref_slice %arg16[%dma_start3A_1198, %dma_start3A_1199] : memref<2048x16xf32, #tpu.memory_space<vmem>> -> memref<128x16xf32, #tpu.memory_space<vmem>>
      %dma_start3A_1201 = arith.constant 0 : i32
      %dma_start3A_1202 = tpu.memref_slice %arg14[%dma_start3A_1197, %dma_start3A_1201] : memref<16x128xi32, #tpu.memory_space<vmem>> -> memref<1x128xi32, #tpu.memory_space<vmem>>
      %dma_start3A_1203 = tpu.memref_squeeze %dma_start3A_1202 : memref<1x128xi32, #tpu.memory_space<vmem>> -> memref<128xi32, #tpu.memory_space<vmem>>
      %dma_start3A_1204 = arith.constant 0 : i32
      %dma_start3A_1205 = arith.constant 0 : i32
      %dma_start3A_1206 = tpu.memref_slice %arg21[%dma_start3A_1204, %dma_start3A_1205] : memref<30240x16xf32, #tpu.memory_space<vmem_shared>> -> memref<30240x16xf32, #tpu.memory_space<vmem_shared>>
      tpu.enqueue_indirect_dma source(%dma_start3A_1200 : memref<128x16xf32, #tpu.memory_space<vmem>>) target(%dma_start3A_1206 : memref<30240x16xf32, #tpu.memory_space<vmem_shared>>) offsets(%dma_start3A_1203 : memref<128xi32, #tpu.memory_space<vmem>>) semaphore(%arg26 : memref<!tpu.dma_semaphore, #tpu.memory_space<semaphore_mem>>) {add = true}
      %dma_start3A_1207 = arith.constant 14 : i32
      %dma_start3A_1208 = arith.constant 1792 : i32
      %dma_start3A_1209 = arith.constant 0 : i32
      %dma_start3A_1210 = tpu.memref_slice %arg16[%dma_start3A_1208, %dma_start3A_1209] : memref<2048x16xf32, #tpu.memory_space<vmem>> -> memref<128x16xf32, #tpu.memory_space<vmem>>
      %dma_start3A_1211 = arith.constant 0 : i32
      %dma_start3A_1212 = tpu.memref_slice %arg14[%dma_start3A_1207, %dma_start3A_1211] : memref<16x128xi32, #tpu.memory_space<vmem>> -> memref<1x128xi32, #tpu.memory_space<vmem>>
      %dma_start3A_1213 = tpu.memref_squeeze %dma_start3A_1212 : memref<1x128xi32, #tpu.memory_space<vmem>> -> memref<128xi32, #tpu.memory_space<vmem>>
      %dma_start3A_1214 = arith.constant 0 : i32
      %dma_start3A_1215 = arith.constant 0 : i32
      %dma_start3A_1216 = tpu.memref_slice %arg21[%dma_start3A_1214, %dma_start3A_1215] : memref<30240x16xf32, #tpu.memory_space<vmem_shared>> -> memref<30240x16xf32, #tpu.memory_space<vmem_shared>>
      tpu.enqueue_indirect_dma source(%dma_start3A_1210 : memref<128x16xf32, #tpu.memory_space<vmem>>) target(%dma_start3A_1216 : memref<30240x16xf32, #tpu.memory_space<vmem_shared>>) offsets(%dma_start3A_1213 : memref<128xi32, #tpu.memory_space<vmem>>) semaphore(%arg26 : memref<!tpu.dma_semaphore, #tpu.memory_space<semaphore_mem>>) {add = true}
      %dma_start3A_1217 = arith.constant 15 : i32
      %dma_start3A_1218 = arith.constant 1920 : i32
      %dma_start3A_1219 = arith.constant 0 : i32
      %dma_start3A_1220 = tpu.memref_slice %arg16[%dma_start3A_1218, %dma_start3A_1219] : memref<2048x16xf32, #tpu.memory_space<vmem>> -> memref<128x16xf32, #tpu.memory_space<vmem>>
      %dma_start3A_1221 = arith.constant 0 : i32
      %dma_start3A_1222 = tpu.memref_slice %arg14[%dma_start3A_1217, %dma_start3A_1221] : memref<16x128xi32, #tpu.memory_space<vmem>> -> memref<1x128xi32, #tpu.memory_space<vmem>>
      %dma_start3A_1223 = tpu.memref_squeeze %dma_start3A_1222 : memref<1x128xi32, #tpu.memory_space<vmem>> -> memref<128xi32, #tpu.memory_space<vmem>>
      %dma_start3A_1224 = arith.constant 0 : i32
      %dma_start3A_1225 = arith.constant 0 : i32
      %dma_start3A_1226 = tpu.memref_slice %arg21[%dma_start3A_1224, %dma_start3A_1225] : memref<30240x16xf32, #tpu.memory_space<vmem_shared>> -> memref<30240x16xf32, #tpu.memory_space<vmem_shared>>
      tpu.enqueue_indirect_dma source(%dma_start3A_1220 : memref<128x16xf32, #tpu.memory_space<vmem>>) target(%dma_start3A_1226 : memref<30240x16xf32, #tpu.memory_space<vmem_shared>>) offsets(%dma_start3A_1223 : memref<128xi32, #tpu.memory_space<vmem>>) semaphore(%arg26 : memref<!tpu.dma_semaphore, #tpu.memory_space<semaphore_mem>>) {add = true}
      %dma_wait3A_1227 = arith.constant 0 : i32
      %dma_wait3A_1228 = arith.constant 0 : i32
      %dma_wait3A_1229 = arith.constant 0 : i32
      %dma_wait3A_1230 = tpu.memref_slice %arg12[%dma_wait3A_1228, %dma_wait3A_1229] : memref<2048x16xf32, #tpu.memory_space<vmem>> -> memref<128x16xf32, #tpu.memory_space<vmem>>
      %dma_wait3A_1231 = arith.constant 0 : i32
      %dma_wait3A_1232 = tpu.memref_slice %arg10[%dma_wait3A_1227, %dma_wait3A_1231] : memref<16x128xi32, #tpu.memory_space<vmem>> -> memref<1x128xi32, #tpu.memory_space<vmem>>
      %dma_wait3A_1233 = tpu.memref_squeeze %dma_wait3A_1232 : memref<1x128xi32, #tpu.memory_space<vmem>> -> memref<128xi32, #tpu.memory_space<vmem>>
      %dma_wait3A_1234 = arith.constant 0 : i32
      %dma_wait3A_1235 = arith.constant 0 : i32
      %dma_wait3A_1236 = tpu.memref_slice %arg21[%dma_wait3A_1234, %dma_wait3A_1235] : memref<30240x16xf32, #tpu.memory_space<vmem_shared>> -> memref<30240x16xf32, #tpu.memory_space<vmem_shared>>
      tpu.wait_indirect_dma semaphore(%arg24 : memref<!tpu.dma_semaphore, #tpu.memory_space<semaphore_mem>>) src(%dma_wait3A_1230 : memref<128x16xf32, #tpu.memory_space<vmem>>) dst(%dma_wait3A_1236 : memref<30240x16xf32, #tpu.memory_space<vmem_shared>>)
      %dma_wait3A_1237 = arith.constant 1 : i32
      %dma_wait3A_1238 = arith.constant 128 : i32
      %dma_wait3A_1239 = arith.constant 0 : i32
      %dma_wait3A_1240 = tpu.memref_slice %arg12[%dma_wait3A_1238, %dma_wait3A_1239] : memref<2048x16xf32, #tpu.memory_space<vmem>> -> memref<128x16xf32, #tpu.memory_space<vmem>>
      %dma_wait3A_1241 = arith.constant 0 : i32
      %dma_wait3A_1242 = tpu.memref_slice %arg10[%dma_wait3A_1237, %dma_wait3A_1241] : memref<16x128xi32, #tpu.memory_space<vmem>> -> memref<1x128xi32, #tpu.memory_space<vmem>>
      %dma_wait3A_1243 = tpu.memref_squeeze %dma_wait3A_1242 : memref<1x128xi32, #tpu.memory_space<vmem>> -> memref<128xi32, #tpu.memory_space<vmem>>
      %dma_wait3A_1244 = arith.constant 0 : i32
      %dma_wait3A_1245 = arith.constant 0 : i32
      %dma_wait3A_1246 = tpu.memref_slice %arg21[%dma_wait3A_1244, %dma_wait3A_1245] : memref<30240x16xf32, #tpu.memory_space<vmem_shared>> -> memref<30240x16xf32, #tpu.memory_space<vmem_shared>>
      tpu.wait_indirect_dma semaphore(%arg24 : memref<!tpu.dma_semaphore, #tpu.memory_space<semaphore_mem>>) src(%dma_wait3A_1240 : memref<128x16xf32, #tpu.memory_space<vmem>>) dst(%dma_wait3A_1246 : memref<30240x16xf32, #tpu.memory_space<vmem_shared>>)
      %dma_wait3A_1247 = arith.constant 2 : i32
      %dma_wait3A_1248 = arith.constant 256 : i32
      %dma_wait3A_1249 = arith.constant 0 : i32
      %dma_wait3A_1250 = tpu.memref_slice %arg12[%dma_wait3A_1248, %dma_wait3A_1249] : memref<2048x16xf32, #tpu.memory_space<vmem>> -> memref<128x16xf32, #tpu.memory_space<vmem>>
      %dma_wait3A_1251 = arith.constant 0 : i32
      %dma_wait3A_1252 = tpu.memref_slice %arg10[%dma_wait3A_1247, %dma_wait3A_1251] : memref<16x128xi32, #tpu.memory_space<vmem>> -> memref<1x128xi32, #tpu.memory_space<vmem>>
      %dma_wait3A_1253 = tpu.memref_squeeze %dma_wait3A_1252 : memref<1x128xi32, #tpu.memory_space<vmem>> -> memref<128xi32, #tpu.memory_space<vmem>>
      %dma_wait3A_1254 = arith.constant 0 : i32
      %dma_wait3A_1255 = arith.constant 0 : i32
      %dma_wait3A_1256 = tpu.memref_slice %arg21[%dma_wait3A_1254, %dma_wait3A_1255] : memref<30240x16xf32, #tpu.memory_space<vmem_shared>> -> memref<30240x16xf32, #tpu.memory_space<vmem_shared>>
      tpu.wait_indirect_dma semaphore(%arg24 : memref<!tpu.dma_semaphore, #tpu.memory_space<semaphore_mem>>) src(%dma_wait3A_1250 : memref<128x16xf32, #tpu.memory_space<vmem>>) dst(%dma_wait3A_1256 : memref<30240x16xf32, #tpu.memory_space<vmem_shared>>)
      %dma_wait3A_1257 = arith.constant 3 : i32
      %dma_wait3A_1258 = arith.constant 384 : i32
      %dma_wait3A_1259 = arith.constant 0 : i32
      %dma_wait3A_1260 = tpu.memref_slice %arg12[%dma_wait3A_1258, %dma_wait3A_1259] : memref<2048x16xf32, #tpu.memory_space<vmem>> -> memref<128x16xf32, #tpu.memory_space<vmem>>
      %dma_wait3A_1261 = arith.constant 0 : i32
      %dma_wait3A_1262 = tpu.memref_slice %arg10[%dma_wait3A_1257, %dma_wait3A_1261] : memref<16x128xi32, #tpu.memory_space<vmem>> -> memref<1x128xi32, #tpu.memory_space<vmem>>
      %dma_wait3A_1263 = tpu.memref_squeeze %dma_wait3A_1262 : memref<1x128xi32, #tpu.memory_space<vmem>> -> memref<128xi32, #tpu.memory_space<vmem>>
      %dma_wait3A_1264 = arith.constant 0 : i32
      %dma_wait3A_1265 = arith.constant 0 : i32
      %dma_wait3A_1266 = tpu.memref_slice %arg21[%dma_wait3A_1264, %dma_wait3A_1265] : memref<30240x16xf32, #tpu.memory_space<vmem_shared>> -> memref<30240x16xf32, #tpu.memory_space<vmem_shared>>
      tpu.wait_indirect_dma semaphore(%arg24 : memref<!tpu.dma_semaphore, #tpu.memory_space<semaphore_mem>>) src(%dma_wait3A_1260 : memref<128x16xf32, #tpu.memory_space<vmem>>) dst(%dma_wait3A_1266 : memref<30240x16xf32, #tpu.memory_space<vmem_shared>>)
      %dma_wait3A_1267 = arith.constant 4 : i32
      %dma_wait3A_1268 = arith.constant 512 : i32
      %dma_wait3A_1269 = arith.constant 0 : i32
      %dma_wait3A_1270 = tpu.memref_slice %arg12[%dma_wait3A_1268, %dma_wait3A_1269] : memref<2048x16xf32, #tpu.memory_space<vmem>> -> memref<128x16xf32, #tpu.memory_space<vmem>>
      %dma_wait3A_1271 = arith.constant 0 : i32
      %dma_wait3A_1272 = tpu.memref_slice %arg10[%dma_wait3A_1267, %dma_wait3A_1271] : memref<16x128xi32, #tpu.memory_space<vmem>> -> memref<1x128xi32, #tpu.memory_space<vmem>>
      %dma_wait3A_1273 = tpu.memref_squeeze %dma_wait3A_1272 : memref<1x128xi32, #tpu.memory_space<vmem>> -> memref<128xi32, #tpu.memory_space<vmem>>
      %dma_wait3A_1274 = arith.constant 0 : i32
      %dma_wait3A_1275 = arith.constant 0 : i32
      %dma_wait3A_1276 = tpu.memref_slice %arg21[%dma_wait3A_1274, %dma_wait3A_1275] : memref<30240x16xf32, #tpu.memory_space<vmem_shared>> -> memref<30240x16xf32, #tpu.memory_space<vmem_shared>>
      tpu.wait_indirect_dma semaphore(%arg24 : memref<!tpu.dma_semaphore, #tpu.memory_space<semaphore_mem>>) src(%dma_wait3A_1270 : memref<128x16xf32, #tpu.memory_space<vmem>>) dst(%dma_wait3A_1276 : memref<30240x16xf32, #tpu.memory_space<vmem_shared>>)
      %dma_wait3A_1277 = arith.constant 5 : i32
      %dma_wait3A_1278 = arith.constant 640 : i32
      %dma_wait3A_1279 = arith.constant 0 : i32
      %dma_wait3A_1280 = tpu.memref_slice %arg12[%dma_wait3A_1278, %dma_wait3A_1279] : memref<2048x16xf32, #tpu.memory_space<vmem>> -> memref<128x16xf32, #tpu.memory_space<vmem>>
      %dma_wait3A_1281 = arith.constant 0 : i32
      %dma_wait3A_1282 = tpu.memref_slice %arg10[%dma_wait3A_1277, %dma_wait3A_1281] : memref<16x128xi32, #tpu.memory_space<vmem>> -> memref<1x128xi32, #tpu.memory_space<vmem>>
      %dma_wait3A_1283 = tpu.memref_squeeze %dma_wait3A_1282 : memref<1x128xi32, #tpu.memory_space<vmem>> -> memref<128xi32, #tpu.memory_space<vmem>>
      %dma_wait3A_1284 = arith.constant 0 : i32
      %dma_wait3A_1285 = arith.constant 0 : i32
      %dma_wait3A_1286 = tpu.memref_slice %arg21[%dma_wait3A_1284, %dma_wait3A_1285] : memref<30240x16xf32, #tpu.memory_space<vmem_shared>> -> memref<30240x16xf32, #tpu.memory_space<vmem_shared>>
      tpu.wait_indirect_dma semaphore(%arg24 : memref<!tpu.dma_semaphore, #tpu.memory_space<semaphore_mem>>) src(%dma_wait3A_1280 : memref<128x16xf32, #tpu.memory_space<vmem>>) dst(%dma_wait3A_1286 : memref<30240x16xf32, #tpu.memory_space<vmem_shared>>)
      %dma_wait3A_1287 = arith.constant 6 : i32
      %dma_wait3A_1288 = arith.constant 768 : i32
      %dma_wait3A_1289 = arith.constant 0 : i32
      %dma_wait3A_1290 = tpu.memref_slice %arg12[%dma_wait3A_1288, %dma_wait3A_1289] : memref<2048x16xf32, #tpu.memory_space<vmem>> -> memref<128x16xf32, #tpu.memory_space<vmem>>
      %dma_wait3A_1291 = arith.constant 0 : i32
      %dma_wait3A_1292 = tpu.memref_slice %arg10[%dma_wait3A_1287, %dma_wait3A_1291] : memref<16x128xi32, #tpu.memory_space<vmem>> -> memref<1x128xi32, #tpu.memory_space<vmem>>
      %dma_wait3A_1293 = tpu.memref_squeeze %dma_wait3A_1292 : memref<1x128xi32, #tpu.memory_space<vmem>> -> memref<128xi32, #tpu.memory_space<vmem>>
      %dma_wait3A_1294 = arith.constant 0 : i32
      %dma_wait3A_1295 = arith.constant 0 : i32
      %dma_wait3A_1296 = tpu.memref_slice %arg21[%dma_wait3A_1294, %dma_wait3A_1295] : memref<30240x16xf32, #tpu.memory_space<vmem_shared>> -> memref<30240x16xf32, #tpu.memory_space<vmem_shared>>
      tpu.wait_indirect_dma semaphore(%arg24 : memref<!tpu.dma_semaphore, #tpu.memory_space<semaphore_mem>>) src(%dma_wait3A_1290 : memref<128x16xf32, #tpu.memory_space<vmem>>) dst(%dma_wait3A_1296 : memref<30240x16xf32, #tpu.memory_space<vmem_shared>>)
      %dma_wait3A_1297 = arith.constant 7 : i32
      %dma_wait3A_1298 = arith.constant 896 : i32
      %dma_wait3A_1299 = arith.constant 0 : i32
      %dma_wait3A_1300 = tpu.memref_slice %arg12[%dma_wait3A_1298, %dma_wait3A_1299] : memref<2048x16xf32, #tpu.memory_space<vmem>> -> memref<128x16xf32, #tpu.memory_space<vmem>>
      %dma_wait3A_1301 = arith.constant 0 : i32
      %dma_wait3A_1302 = tpu.memref_slice %arg10[%dma_wait3A_1297, %dma_wait3A_1301] : memref<16x128xi32, #tpu.memory_space<vmem>> -> memref<1x128xi32, #tpu.memory_space<vmem>>
      %dma_wait3A_1303 = tpu.memref_squeeze %dma_wait3A_1302 : memref<1x128xi32, #tpu.memory_space<vmem>> -> memref<128xi32, #tpu.memory_space<vmem>>
      %dma_wait3A_1304 = arith.constant 0 : i32
      %dma_wait3A_1305 = arith.constant 0 : i32
      %dma_wait3A_1306 = tpu.memref_slice %arg21[%dma_wait3A_1304, %dma_wait3A_1305] : memref<30240x16xf32, #tpu.memory_space<vmem_shared>> -> memref<30240x16xf32, #tpu.memory_space<vmem_shared>>
      tpu.wait_indirect_dma semaphore(%arg24 : memref<!tpu.dma_semaphore, #tpu.memory_space<semaphore_mem>>) src(%dma_wait3A_1300 : memref<128x16xf32, #tpu.memory_space<vmem>>) dst(%dma_wait3A_1306 : memref<30240x16xf32, #tpu.memory_space<vmem_shared>>)
      %dma_wait3A_1307 = arith.constant 8 : i32
      %dma_wait3A_1308 = arith.constant 1024 : i32
      %dma_wait3A_1309 = arith.constant 0 : i32
      %dma_wait3A_1310 = tpu.memref_slice %arg12[%dma_wait3A_1308, %dma_wait3A_1309] : memref<2048x16xf32, #tpu.memory_space<vmem>> -> memref<128x16xf32, #tpu.memory_space<vmem>>
      %dma_wait3A_1311 = arith.constant 0 : i32
      %dma_wait3A_1312 = tpu.memref_slice %arg10[%dma_wait3A_1307, %dma_wait3A_1311] : memref<16x128xi32, #tpu.memory_space<vmem>> -> memref<1x128xi32, #tpu.memory_space<vmem>>
      %dma_wait3A_1313 = tpu.memref_squeeze %dma_wait3A_1312 : memref<1x128xi32, #tpu.memory_space<vmem>> -> memref<128xi32, #tpu.memory_space<vmem>>
      %dma_wait3A_1314 = arith.constant 0 : i32
      %dma_wait3A_1315 = arith.constant 0 : i32
      %dma_wait3A_1316 = tpu.memref_slice %arg21[%dma_wait3A_1314, %dma_wait3A_1315] : memref<30240x16xf32, #tpu.memory_space<vmem_shared>> -> memref<30240x16xf32, #tpu.memory_space<vmem_shared>>
      tpu.wait_indirect_dma semaphore(%arg24 : memref<!tpu.dma_semaphore, #tpu.memory_space<semaphore_mem>>) src(%dma_wait3A_1310 : memref<128x16xf32, #tpu.memory_space<vmem>>) dst(%dma_wait3A_1316 : memref<30240x16xf32, #tpu.memory_space<vmem_shared>>)
      %dma_wait3A_1317 = arith.constant 9 : i32
      %dma_wait3A_1318 = arith.constant 1152 : i32
      %dma_wait3A_1319 = arith.constant 0 : i32
      %dma_wait3A_1320 = tpu.memref_slice %arg12[%dma_wait3A_1318, %dma_wait3A_1319] : memref<2048x16xf32, #tpu.memory_space<vmem>> -> memref<128x16xf32, #tpu.memory_space<vmem>>
      %dma_wait3A_1321 = arith.constant 0 : i32
      %dma_wait3A_1322 = tpu.memref_slice %arg10[%dma_wait3A_1317, %dma_wait3A_1321] : memref<16x128xi32, #tpu.memory_space<vmem>> -> memref<1x128xi32, #tpu.memory_space<vmem>>
      %dma_wait3A_1323 = tpu.memref_squeeze %dma_wait3A_1322 : memref<1x128xi32, #tpu.memory_space<vmem>> -> memref<128xi32, #tpu.memory_space<vmem>>
      %dma_wait3A_1324 = arith.constant 0 : i32
      %dma_wait3A_1325 = arith.constant 0 : i32
      %dma_wait3A_1326 = tpu.memref_slice %arg21[%dma_wait3A_1324, %dma_wait3A_1325] : memref<30240x16xf32, #tpu.memory_space<vmem_shared>> -> memref<30240x16xf32, #tpu.memory_space<vmem_shared>>
      tpu.wait_indirect_dma semaphore(%arg24 : memref<!tpu.dma_semaphore, #tpu.memory_space<semaphore_mem>>) src(%dma_wait3A_1320 : memref<128x16xf32, #tpu.memory_space<vmem>>) dst(%dma_wait3A_1326 : memref<30240x16xf32, #tpu.memory_space<vmem_shared>>)
      %dma_wait3A_1327 = arith.constant 10 : i32
      %dma_wait3A_1328 = arith.constant 1280 : i32
      %dma_wait3A_1329 = arith.constant 0 : i32
      %dma_wait3A_1330 = tpu.memref_slice %arg12[%dma_wait3A_1328, %dma_wait3A_1329] : memref<2048x16xf32, #tpu.memory_space<vmem>> -> memref<128x16xf32, #tpu.memory_space<vmem>>
      %dma_wait3A_1331 = arith.constant 0 : i32
      %dma_wait3A_1332 = tpu.memref_slice %arg10[%dma_wait3A_1327, %dma_wait3A_1331] : memref<16x128xi32, #tpu.memory_space<vmem>> -> memref<1x128xi32, #tpu.memory_space<vmem>>
      %dma_wait3A_1333 = tpu.memref_squeeze %dma_wait3A_1332 : memref<1x128xi32, #tpu.memory_space<vmem>> -> memref<128xi32, #tpu.memory_space<vmem>>
      %dma_wait3A_1334 = arith.constant 0 : i32
      %dma_wait3A_1335 = arith.constant 0 : i32
      %dma_wait3A_1336 = tpu.memref_slice %arg21[%dma_wait3A_1334, %dma_wait3A_1335] : memref<30240x16xf32, #tpu.memory_space<vmem_shared>> -> memref<30240x16xf32, #tpu.memory_space<vmem_shared>>
      tpu.wait_indirect_dma semaphore(%arg24 : memref<!tpu.dma_semaphore, #tpu.memory_space<semaphore_mem>>) src(%dma_wait3A_1330 : memref<128x16xf32, #tpu.memory_space<vmem>>) dst(%dma_wait3A_1336 : memref<30240x16xf32, #tpu.memory_space<vmem_shared>>)
      %dma_wait3A_1337 = arith.constant 11 : i32
      %dma_wait3A_1338 = arith.constant 1408 : i32
      %dma_wait3A_1339 = arith.constant 0 : i32
      %dma_wait3A_1340 = tpu.memref_slice %arg12[%dma_wait3A_1338, %dma_wait3A_1339] : memref<2048x16xf32, #tpu.memory_space<vmem>> -> memref<128x16xf32, #tpu.memory_space<vmem>>
      %dma_wait3A_1341 = arith.constant 0 : i32
      %dma_wait3A_1342 = tpu.memref_slice %arg10[%dma_wait3A_1337, %dma_wait3A_1341] : memref<16x128xi32, #tpu.memory_space<vmem>> -> memref<1x128xi32, #tpu.memory_space<vmem>>
      %dma_wait3A_1343 = tpu.memref_squeeze %dma_wait3A_1342 : memref<1x128xi32, #tpu.memory_space<vmem>> -> memref<128xi32, #tpu.memory_space<vmem>>
      %dma_wait3A_1344 = arith.constant 0 : i32
      %dma_wait3A_1345 = arith.constant 0 : i32
      %dma_wait3A_1346 = tpu.memref_slice %arg21[%dma_wait3A_1344, %dma_wait3A_1345] : memref<30240x16xf32, #tpu.memory_space<vmem_shared>> -> memref<30240x16xf32, #tpu.memory_space<vmem_shared>>
      tpu.wait_indirect_dma semaphore(%arg24 : memref<!tpu.dma_semaphore, #tpu.memory_space<semaphore_mem>>) src(%dma_wait3A_1340 : memref<128x16xf32, #tpu.memory_space<vmem>>) dst(%dma_wait3A_1346 : memref<30240x16xf32, #tpu.memory_space<vmem_shared>>)
      %dma_wait3A_1347 = arith.constant 12 : i32
      %dma_wait3A_1348 = arith.constant 1536 : i32
      %dma_wait3A_1349 = arith.constant 0 : i32
      %dma_wait3A_1350 = tpu.memref_slice %arg12[%dma_wait3A_1348, %dma_wait3A_1349] : memref<2048x16xf32, #tpu.memory_space<vmem>> -> memref<128x16xf32, #tpu.memory_space<vmem>>
      %dma_wait3A_1351 = arith.constant 0 : i32
      %dma_wait3A_1352 = tpu.memref_slice %arg10[%dma_wait3A_1347, %dma_wait3A_1351] : memref<16x128xi32, #tpu.memory_space<vmem>> -> memref<1x128xi32, #tpu.memory_space<vmem>>
      %dma_wait3A_1353 = tpu.memref_squeeze %dma_wait3A_1352 : memref<1x128xi32, #tpu.memory_space<vmem>> -> memref<128xi32, #tpu.memory_space<vmem>>
      %dma_wait3A_1354 = arith.constant 0 : i32
      %dma_wait3A_1355 = arith.constant 0 : i32
      %dma_wait3A_1356 = tpu.memref_slice %arg21[%dma_wait3A_1354, %dma_wait3A_1355] : memref<30240x16xf32, #tpu.memory_space<vmem_shared>> -> memref<30240x16xf32, #tpu.memory_space<vmem_shared>>
      tpu.wait_indirect_dma semaphore(%arg24 : memref<!tpu.dma_semaphore, #tpu.memory_space<semaphore_mem>>) src(%dma_wait3A_1350 : memref<128x16xf32, #tpu.memory_space<vmem>>) dst(%dma_wait3A_1356 : memref<30240x16xf32, #tpu.memory_space<vmem_shared>>)
      %dma_wait3A_1357 = arith.constant 13 : i32
      %dma_wait3A_1358 = arith.constant 1664 : i32
      %dma_wait3A_1359 = arith.constant 0 : i32
      %dma_wait3A_1360 = tpu.memref_slice %arg12[%dma_wait3A_1358, %dma_wait3A_1359] : memref<2048x16xf32, #tpu.memory_space<vmem>> -> memref<128x16xf32, #tpu.memory_space<vmem>>
      %dma_wait3A_1361 = arith.constant 0 : i32
      %dma_wait3A_1362 = tpu.memref_slice %arg10[%dma_wait3A_1357, %dma_wait3A_1361] : memref<16x128xi32, #tpu.memory_space<vmem>> -> memref<1x128xi32, #tpu.memory_space<vmem>>
      %dma_wait3A_1363 = tpu.memref_squeeze %dma_wait3A_1362 : memref<1x128xi32, #tpu.memory_space<vmem>> -> memref<128xi32, #tpu.memory_space<vmem>>
      %dma_wait3A_1364 = arith.constant 0 : i32
      %dma_wait3A_1365 = arith.constant 0 : i32
      %dma_wait3A_1366 = tpu.memref_slice %arg21[%dma_wait3A_1364, %dma_wait3A_1365] : memref<30240x16xf32, #tpu.memory_space<vmem_shared>> -> memref<30240x16xf32, #tpu.memory_space<vmem_shared>>
      tpu.wait_indirect_dma semaphore(%arg24 : memref<!tpu.dma_semaphore, #tpu.memory_space<semaphore_mem>>) src(%dma_wait3A_1360 : memref<128x16xf32, #tpu.memory_space<vmem>>) dst(%dma_wait3A_1366 : memref<30240x16xf32, #tpu.memory_space<vmem_shared>>)
      %dma_wait3A_1367 = arith.constant 14 : i32
      %dma_wait3A_1368 = arith.constant 1792 : i32
      %dma_wait3A_1369 = arith.constant 0 : i32
      %dma_wait3A_1370 = tpu.memref_slice %arg12[%dma_wait3A_1368, %dma_wait3A_1369] : memref<2048x16xf32, #tpu.memory_space<vmem>> -> memref<128x16xf32, #tpu.memory_space<vmem>>
      %dma_wait3A_1371 = arith.constant 0 : i32
      %dma_wait3A_1372 = tpu.memref_slice %arg10[%dma_wait3A_1367, %dma_wait3A_1371] : memref<16x128xi32, #tpu.memory_space<vmem>> -> memref<1x128xi32, #tpu.memory_space<vmem>>
      %dma_wait3A_1373 = tpu.memref_squeeze %dma_wait3A_1372 : memref<1x128xi32, #tpu.memory_space<vmem>> -> memref<128xi32, #tpu.memory_space<vmem>>
      %dma_wait3A_1374 = arith.constant 0 : i32
      %dma_wait3A_1375 = arith.constant 0 : i32
      %dma_wait3A_1376 = tpu.memref_slice %arg21[%dma_wait3A_1374, %dma_wait3A_1375] : memref<30240x16xf32, #tpu.memory_space<vmem_shared>> -> memref<30240x16xf32, #tpu.memory_space<vmem_shared>>
      tpu.wait_indirect_dma semaphore(%arg24 : memref<!tpu.dma_semaphore, #tpu.memory_space<semaphore_mem>>) src(%dma_wait3A_1370 : memref<128x16xf32, #tpu.memory_space<vmem>>) dst(%dma_wait3A_1376 : memref<30240x16xf32, #tpu.memory_space<vmem_shared>>)
      %dma_wait3A_1377 = arith.constant 15 : i32
      %dma_wait3A_1378 = arith.constant 1920 : i32
      %dma_wait3A_1379 = arith.constant 0 : i32
      %dma_wait3A_1380 = tpu.memref_slice %arg12[%dma_wait3A_1378, %dma_wait3A_1379] : memref<2048x16xf32, #tpu.memory_space<vmem>> -> memref<128x16xf32, #tpu.memory_space<vmem>>
      %dma_wait3A_1381 = arith.constant 0 : i32
      %dma_wait3A_1382 = tpu.memref_slice %arg10[%dma_wait3A_1377, %dma_wait3A_1381] : memref<16x128xi32, #tpu.memory_space<vmem>> -> memref<1x128xi32, #tpu.memory_space<vmem>>
      %dma_wait3A_1383 = tpu.memref_squeeze %dma_wait3A_1382 : memref<1x128xi32, #tpu.memory_space<vmem>> -> memref<128xi32, #tpu.memory_space<vmem>>
      %dma_wait3A_1384 = arith.constant 0 : i32
      %dma_wait3A_1385 = arith.constant 0 : i32
      %dma_wait3A_1386 = tpu.memref_slice %arg21[%dma_wait3A_1384, %dma_wait3A_1385] : memref<30240x16xf32, #tpu.memory_space<vmem_shared>> -> memref<30240x16xf32, #tpu.memory_space<vmem_shared>>
      tpu.wait_indirect_dma semaphore(%arg24 : memref<!tpu.dma_semaphore, #tpu.memory_space<semaphore_mem>>) src(%dma_wait3A_1380 : memref<128x16xf32, #tpu.memory_space<vmem>>) dst(%dma_wait3A_1386 : memref<30240x16xf32, #tpu.memory_space<vmem_shared>>)
      %lt3A = arith.constant 4 : i32
      %lt3A_1387 = arith.cmpi slt, %scan3A_219, %lt3A : i32
      %convert_element_type3A = arith.extui %lt3A_1387 : i1 to i32
      %cond3A = arith.constant 0 : i32
      %cond3A_1388 = arith.cmpi ne, %convert_element_type3A, %cond3A : i32
      scf.if %cond3A_1388 {
        %add3A_1549 = arith.constant 2 : i32
        %add3A_1550 = arith.addi %mul3A_221, %add3A_1549 : i32
        %mul3A_1551 = arith.constant 160 : i32
        %mul3A_1552 = arith.muli %arg1, %mul3A_1551 : i32
        %mul3A_1553 = arith.constant 16 : i32
        %mul3A_1554 = arith.muli %add3A_1550, %mul3A_1553 : i32
        %add3A_1555 = arith.addi %mul3A_1552, %mul3A_1554 : i32
        %dma_start3A_1556 = arith.constant 0 : i32
        %dma_start3A_1557 = tpu.memref_slice %arg3[%arg0, %add3A_1555, %dma_start3A_1556] : memref<2x2560x128xi32, #tpu.memory_space<hbm>> -> memref<1x16x128xi32, #tpu.memory_space<hbm>>
        %dma_start3A_1558 = tpu.memref_squeeze %dma_start3A_1557 : memref<1x16x128xi32, #tpu.memory_space<hbm>> -> memref<16x128xi32, #tpu.memory_space<hbm>>
        %dma_start3A_1559 = arith.constant 0 : i32
        %dma_start3A_1560 = tpu.memref_slice %arg3[%arg0, %add3A_1555, %dma_start3A_1559] : memref<2x2560x128xi32, #tpu.memory_space<hbm>> -> memref<1x16x128xi32, #tpu.memory_space<hbm>>
        %dma_start3A_1561 = tpu.memref_squeeze %dma_start3A_1560 : memref<1x16x128xi32, #tpu.memory_space<hbm>> -> memref<16x128xi32, #tpu.memory_space<hbm>>
        tpu.enqueue_dma source(%dma_start3A_1561 : memref<16x128xi32, #tpu.memory_space<hbm>>) target(%arg9 : memref<16x128xi32, #tpu.memory_space<vmem>>) target_semaphore(%arg22 : memref<!tpu.dma_semaphore, #tpu.memory_space<semaphore_mem>>)
        %dma_start3A_1562 = arith.constant 0 : i32
        %dma_start3A_1563 = tpu.memref_slice %arg4[%add3A_1555, %dma_start3A_1562] : memref<2560x128xi32, #tpu.memory_space<hbm>> -> memref<16x128xi32, #tpu.memory_space<hbm>>
        %dma_start3A_1564 = arith.constant 0 : i32
        %dma_start3A_1565 = tpu.memref_slice %arg4[%add3A_1555, %dma_start3A_1564] : memref<2560x128xi32, #tpu.memory_space<hbm>> -> memref<16x128xi32, #tpu.memory_space<hbm>>
        tpu.enqueue_dma source(%dma_start3A_1565 : memref<16x128xi32, #tpu.memory_space<hbm>>) target(%arg10 : memref<16x128xi32, #tpu.memory_space<vmem>>) target_semaphore(%arg22 : memref<!tpu.dma_semaphore, #tpu.memory_space<semaphore_mem>>)
        %mul3A_1566 = arith.constant 128 : i32
        %mul3A_1567 = arith.muli %add3A_1555, %mul3A_1566 : i32
        %dma_start3A_1568 = tpu.memref_slice %arg5[%mul3A_1567] : memref<327680xf32, #tpu.memory_space<hbm>> -> memref<2048xf32, #tpu.memory_space<hbm>>
        %dma_start3A_1569 = tpu.memref_slice %arg5[%mul3A_1567] : memref<327680xf32, #tpu.memory_space<hbm>> -> memref<2048xf32, #tpu.memory_space<hbm>>
        tpu.enqueue_dma source(%dma_start3A_1569 : memref<2048xf32, #tpu.memory_space<hbm>>) target(%arg11 : memref<2048xf32, #tpu.memory_space<vmem>>) target_semaphore(%arg22 : memref<!tpu.dma_semaphore, #tpu.memory_space<semaphore_mem>>)
        %dma_wait3A_1570 = arith.constant 0 : i32
        %dma_wait3A_1571 = tpu.memref_slice %arg3[%arg0, %add3A_1555, %dma_wait3A_1570] : memref<2x2560x128xi32, #tpu.memory_space<hbm>> -> memref<1x16x128xi32, #tpu.memory_space<hbm>>
        %dma_wait3A_1572 = tpu.memref_squeeze %dma_wait3A_1571 : memref<1x16x128xi32, #tpu.memory_space<hbm>> -> memref<16x128xi32, #tpu.memory_space<hbm>>
        %dma_wait3A_1573 = arith.constant 0 : i32
        %dma_wait3A_1574 = tpu.memref_slice %arg3[%arg0, %add3A_1555, %dma_wait3A_1573] : memref<2x2560x128xi32, #tpu.memory_space<hbm>> -> memref<1x16x128xi32, #tpu.memory_space<hbm>>
        %dma_wait3A_1575 = tpu.memref_squeeze %dma_wait3A_1574 : memref<1x16x128xi32, #tpu.memory_space<hbm>> -> memref<16x128xi32, #tpu.memory_space<hbm>>
        tpu.wait_dma2 semaphore(%arg22 : memref<!tpu.dma_semaphore, #tpu.memory_space<semaphore_mem>>) src(%dma_wait3A_1575 : memref<16x128xi32, #tpu.memory_space<hbm>>) dst(%arg9 : memref<16x128xi32, #tpu.memory_space<vmem>>)
        %dma_wait3A_1576 = arith.constant 0 : i32
        %dma_wait3A_1577 = tpu.memref_slice %arg4[%add3A_1555, %dma_wait3A_1576] : memref<2560x128xi32, #tpu.memory_space<hbm>> -> memref<16x128xi32, #tpu.memory_space<hbm>>
        %dma_wait3A_1578 = arith.constant 0 : i32
        %dma_wait3A_1579 = tpu.memref_slice %arg4[%add3A_1555, %dma_wait3A_1578] : memref<2560x128xi32, #tpu.memory_space<hbm>> -> memref<16x128xi32, #tpu.memory_space<hbm>>
        tpu.wait_dma2 semaphore(%arg22 : memref<!tpu.dma_semaphore, #tpu.memory_space<semaphore_mem>>) src(%dma_wait3A_1579 : memref<16x128xi32, #tpu.memory_space<hbm>>) dst(%arg10 : memref<16x128xi32, #tpu.memory_space<vmem>>)
        %dma_wait3A_1580 = tpu.memref_slice %arg5[%mul3A_1567] : memref<327680xf32, #tpu.memory_space<hbm>> -> memref<2048xf32, #tpu.memory_space<hbm>>
        %dma_wait3A_1581 = tpu.memref_slice %arg5[%mul3A_1567] : memref<327680xf32, #tpu.memory_space<hbm>> -> memref<2048xf32, #tpu.memory_space<hbm>>
        tpu.wait_dma2 semaphore(%arg22 : memref<!tpu.dma_semaphore, #tpu.memory_space<semaphore_mem>>) src(%dma_wait3A_1581 : memref<2048xf32, #tpu.memory_space<hbm>>) dst(%arg11 : memref<2048xf32, #tpu.memory_space<vmem>>)
      } else {
      }
      %dma_wait3A_1389 = arith.constant 0 : i32
      %dma_wait3A_1390 = arith.constant 0 : i32
      %dma_wait3A_1391 = arith.constant 0 : i32
      %dma_wait3A_1392 = tpu.memref_slice %arg16[%dma_wait3A_1390, %dma_wait3A_1391] : memref<2048x16xf32, #tpu.memory_space<vmem>> -> memref<128x16xf32, #tpu.memory_space<vmem>>
      %dma_wait3A_1393 = arith.constant 0 : i32
      %dma_wait3A_1394 = tpu.memref_slice %arg14[%dma_wait3A_1389, %dma_wait3A_1393] : memref<16x128xi32, #tpu.memory_space<vmem>> -> memref<1x128xi32, #tpu.memory_space<vmem>>
      %dma_wait3A_1395 = tpu.memref_squeeze %dma_wait3A_1394 : memref<1x128xi32, #tpu.memory_space<vmem>> -> memref<128xi32, #tpu.memory_space<vmem>>
      %dma_wait3A_1396 = arith.constant 0 : i32
      %dma_wait3A_1397 = arith.constant 0 : i32
      %dma_wait3A_1398 = tpu.memref_slice %arg21[%dma_wait3A_1396, %dma_wait3A_1397] : memref<30240x16xf32, #tpu.memory_space<vmem_shared>> -> memref<30240x16xf32, #tpu.memory_space<vmem_shared>>
      tpu.wait_indirect_dma semaphore(%arg26 : memref<!tpu.dma_semaphore, #tpu.memory_space<semaphore_mem>>) src(%dma_wait3A_1392 : memref<128x16xf32, #tpu.memory_space<vmem>>) dst(%dma_wait3A_1398 : memref<30240x16xf32, #tpu.memory_space<vmem_shared>>)
      %dma_wait3A_1399 = arith.constant 1 : i32
      %dma_wait3A_1400 = arith.constant 128 : i32
      %dma_wait3A_1401 = arith.constant 0 : i32
      %dma_wait3A_1402 = tpu.memref_slice %arg16[%dma_wait3A_1400, %dma_wait3A_1401] : memref<2048x16xf32, #tpu.memory_space<vmem>> -> memref<128x16xf32, #tpu.memory_space<vmem>>
      %dma_wait3A_1403 = arith.constant 0 : i32
      %dma_wait3A_1404 = tpu.memref_slice %arg14[%dma_wait3A_1399, %dma_wait3A_1403] : memref<16x128xi32, #tpu.memory_space<vmem>> -> memref<1x128xi32, #tpu.memory_space<vmem>>
      %dma_wait3A_1405 = tpu.memref_squeeze %dma_wait3A_1404 : memref<1x128xi32, #tpu.memory_space<vmem>> -> memref<128xi32, #tpu.memory_space<vmem>>
      %dma_wait3A_1406 = arith.constant 0 : i32
      %dma_wait3A_1407 = arith.constant 0 : i32
      %dma_wait3A_1408 = tpu.memref_slice %arg21[%dma_wait3A_1406, %dma_wait3A_1407] : memref<30240x16xf32, #tpu.memory_space<vmem_shared>> -> memref<30240x16xf32, #tpu.memory_space<vmem_shared>>
      tpu.wait_indirect_dma semaphore(%arg26 : memref<!tpu.dma_semaphore, #tpu.memory_space<semaphore_mem>>) src(%dma_wait3A_1402 : memref<128x16xf32, #tpu.memory_space<vmem>>) dst(%dma_wait3A_1408 : memref<30240x16xf32, #tpu.memory_space<vmem_shared>>)
      %dma_wait3A_1409 = arith.constant 2 : i32
      %dma_wait3A_1410 = arith.constant 256 : i32
      %dma_wait3A_1411 = arith.constant 0 : i32
      %dma_wait3A_1412 = tpu.memref_slice %arg16[%dma_wait3A_1410, %dma_wait3A_1411] : memref<2048x16xf32, #tpu.memory_space<vmem>> -> memref<128x16xf32, #tpu.memory_space<vmem>>
      %dma_wait3A_1413 = arith.constant 0 : i32
      %dma_wait3A_1414 = tpu.memref_slice %arg14[%dma_wait3A_1409, %dma_wait3A_1413] : memref<16x128xi32, #tpu.memory_space<vmem>> -> memref<1x128xi32, #tpu.memory_space<vmem>>
      %dma_wait3A_1415 = tpu.memref_squeeze %dma_wait3A_1414 : memref<1x128xi32, #tpu.memory_space<vmem>> -> memref<128xi32, #tpu.memory_space<vmem>>
      %dma_wait3A_1416 = arith.constant 0 : i32
      %dma_wait3A_1417 = arith.constant 0 : i32
      %dma_wait3A_1418 = tpu.memref_slice %arg21[%dma_wait3A_1416, %dma_wait3A_1417] : memref<30240x16xf32, #tpu.memory_space<vmem_shared>> -> memref<30240x16xf32, #tpu.memory_space<vmem_shared>>
      tpu.wait_indirect_dma semaphore(%arg26 : memref<!tpu.dma_semaphore, #tpu.memory_space<semaphore_mem>>) src(%dma_wait3A_1412 : memref<128x16xf32, #tpu.memory_space<vmem>>) dst(%dma_wait3A_1418 : memref<30240x16xf32, #tpu.memory_space<vmem_shared>>)
      %dma_wait3A_1419 = arith.constant 3 : i32
      %dma_wait3A_1420 = arith.constant 384 : i32
      %dma_wait3A_1421 = arith.constant 0 : i32
      %dma_wait3A_1422 = tpu.memref_slice %arg16[%dma_wait3A_1420, %dma_wait3A_1421] : memref<2048x16xf32, #tpu.memory_space<vmem>> -> memref<128x16xf32, #tpu.memory_space<vmem>>
      %dma_wait3A_1423 = arith.constant 0 : i32
      %dma_wait3A_1424 = tpu.memref_slice %arg14[%dma_wait3A_1419, %dma_wait3A_1423] : memref<16x128xi32, #tpu.memory_space<vmem>> -> memref<1x128xi32, #tpu.memory_space<vmem>>
      %dma_wait3A_1425 = tpu.memref_squeeze %dma_wait3A_1424 : memref<1x128xi32, #tpu.memory_space<vmem>> -> memref<128xi32, #tpu.memory_space<vmem>>
      %dma_wait3A_1426 = arith.constant 0 : i32
      %dma_wait3A_1427 = arith.constant 0 : i32
      %dma_wait3A_1428 = tpu.memref_slice %arg21[%dma_wait3A_1426, %dma_wait3A_1427] : memref<30240x16xf32, #tpu.memory_space<vmem_shared>> -> memref<30240x16xf32, #tpu.memory_space<vmem_shared>>
      tpu.wait_indirect_dma semaphore(%arg26 : memref<!tpu.dma_semaphore, #tpu.memory_space<semaphore_mem>>) src(%dma_wait3A_1422 : memref<128x16xf32, #tpu.memory_space<vmem>>) dst(%dma_wait3A_1428 : memref<30240x16xf32, #tpu.memory_space<vmem_shared>>)
      %dma_wait3A_1429 = arith.constant 4 : i32
      %dma_wait3A_1430 = arith.constant 512 : i32
      %dma_wait3A_1431 = arith.constant 0 : i32
      %dma_wait3A_1432 = tpu.memref_slice %arg16[%dma_wait3A_1430, %dma_wait3A_1431] : memref<2048x16xf32, #tpu.memory_space<vmem>> -> memref<128x16xf32, #tpu.memory_space<vmem>>
      %dma_wait3A_1433 = arith.constant 0 : i32
      %dma_wait3A_1434 = tpu.memref_slice %arg14[%dma_wait3A_1429, %dma_wait3A_1433] : memref<16x128xi32, #tpu.memory_space<vmem>> -> memref<1x128xi32, #tpu.memory_space<vmem>>
      %dma_wait3A_1435 = tpu.memref_squeeze %dma_wait3A_1434 : memref<1x128xi32, #tpu.memory_space<vmem>> -> memref<128xi32, #tpu.memory_space<vmem>>
      %dma_wait3A_1436 = arith.constant 0 : i32
      %dma_wait3A_1437 = arith.constant 0 : i32
      %dma_wait3A_1438 = tpu.memref_slice %arg21[%dma_wait3A_1436, %dma_wait3A_1437] : memref<30240x16xf32, #tpu.memory_space<vmem_shared>> -> memref<30240x16xf32, #tpu.memory_space<vmem_shared>>
      tpu.wait_indirect_dma semaphore(%arg26 : memref<!tpu.dma_semaphore, #tpu.memory_space<semaphore_mem>>) src(%dma_wait3A_1432 : memref<128x16xf32, #tpu.memory_space<vmem>>) dst(%dma_wait3A_1438 : memref<30240x16xf32, #tpu.memory_space<vmem_shared>>)
      %dma_wait3A_1439 = arith.constant 5 : i32
      %dma_wait3A_1440 = arith.constant 640 : i32
      %dma_wait3A_1441 = arith.constant 0 : i32
      %dma_wait3A_1442 = tpu.memref_slice %arg16[%dma_wait3A_1440, %dma_wait3A_1441] : memref<2048x16xf32, #tpu.memory_space<vmem>> -> memref<128x16xf32, #tpu.memory_space<vmem>>
      %dma_wait3A_1443 = arith.constant 0 : i32
      %dma_wait3A_1444 = tpu.memref_slice %arg14[%dma_wait3A_1439, %dma_wait3A_1443] : memref<16x128xi32, #tpu.memory_space<vmem>> -> memref<1x128xi32, #tpu.memory_space<vmem>>
      %dma_wait3A_1445 = tpu.memref_squeeze %dma_wait3A_1444 : memref<1x128xi32, #tpu.memory_space<vmem>> -> memref<128xi32, #tpu.memory_space<vmem>>
      %dma_wait3A_1446 = arith.constant 0 : i32
      %dma_wait3A_1447 = arith.constant 0 : i32
      %dma_wait3A_1448 = tpu.memref_slice %arg21[%dma_wait3A_1446, %dma_wait3A_1447] : memref<30240x16xf32, #tpu.memory_space<vmem_shared>> -> memref<30240x16xf32, #tpu.memory_space<vmem_shared>>
      tpu.wait_indirect_dma semaphore(%arg26 : memref<!tpu.dma_semaphore, #tpu.memory_space<semaphore_mem>>) src(%dma_wait3A_1442 : memref<128x16xf32, #tpu.memory_space<vmem>>) dst(%dma_wait3A_1448 : memref<30240x16xf32, #tpu.memory_space<vmem_shared>>)
      %dma_wait3A_1449 = arith.constant 6 : i32
      %dma_wait3A_1450 = arith.constant 768 : i32
      %dma_wait3A_1451 = arith.constant 0 : i32
      %dma_wait3A_1452 = tpu.memref_slice %arg16[%dma_wait3A_1450, %dma_wait3A_1451] : memref<2048x16xf32, #tpu.memory_space<vmem>> -> memref<128x16xf32, #tpu.memory_space<vmem>>
      %dma_wait3A_1453 = arith.constant 0 : i32
      %dma_wait3A_1454 = tpu.memref_slice %arg14[%dma_wait3A_1449, %dma_wait3A_1453] : memref<16x128xi32, #tpu.memory_space<vmem>> -> memref<1x128xi32, #tpu.memory_space<vmem>>
      %dma_wait3A_1455 = tpu.memref_squeeze %dma_wait3A_1454 : memref<1x128xi32, #tpu.memory_space<vmem>> -> memref<128xi32, #tpu.memory_space<vmem>>
      %dma_wait3A_1456 = arith.constant 0 : i32
      %dma_wait3A_1457 = arith.constant 0 : i32
      %dma_wait3A_1458 = tpu.memref_slice %arg21[%dma_wait3A_1456, %dma_wait3A_1457] : memref<30240x16xf32, #tpu.memory_space<vmem_shared>> -> memref<30240x16xf32, #tpu.memory_space<vmem_shared>>
      tpu.wait_indirect_dma semaphore(%arg26 : memref<!tpu.dma_semaphore, #tpu.memory_space<semaphore_mem>>) src(%dma_wait3A_1452 : memref<128x16xf32, #tpu.memory_space<vmem>>) dst(%dma_wait3A_1458 : memref<30240x16xf32, #tpu.memory_space<vmem_shared>>)
      %dma_wait3A_1459 = arith.constant 7 : i32
      %dma_wait3A_1460 = arith.constant 896 : i32
      %dma_wait3A_1461 = arith.constant 0 : i32
      %dma_wait3A_1462 = tpu.memref_slice %arg16[%dma_wait3A_1460, %dma_wait3A_1461] : memref<2048x16xf32, #tpu.memory_space<vmem>> -> memref<128x16xf32, #tpu.memory_space<vmem>>
      %dma_wait3A_1463 = arith.constant 0 : i32
      %dma_wait3A_1464 = tpu.memref_slice %arg14[%dma_wait3A_1459, %dma_wait3A_1463] : memref<16x128xi32, #tpu.memory_space<vmem>> -> memref<1x128xi32, #tpu.memory_space<vmem>>
      %dma_wait3A_1465 = tpu.memref_squeeze %dma_wait3A_1464 : memref<1x128xi32, #tpu.memory_space<vmem>> -> memref<128xi32, #tpu.memory_space<vmem>>
      %dma_wait3A_1466 = arith.constant 0 : i32
      %dma_wait3A_1467 = arith.constant 0 : i32
      %dma_wait3A_1468 = tpu.memref_slice %arg21[%dma_wait3A_1466, %dma_wait3A_1467] : memref<30240x16xf32, #tpu.memory_space<vmem_shared>> -> memref<30240x16xf32, #tpu.memory_space<vmem_shared>>
      tpu.wait_indirect_dma semaphore(%arg26 : memref<!tpu.dma_semaphore, #tpu.memory_space<semaphore_mem>>) src(%dma_wait3A_1462 : memref<128x16xf32, #tpu.memory_space<vmem>>) dst(%dma_wait3A_1468 : memref<30240x16xf32, #tpu.memory_space<vmem_shared>>)
      %dma_wait3A_1469 = arith.constant 8 : i32
      %dma_wait3A_1470 = arith.constant 1024 : i32
      %dma_wait3A_1471 = arith.constant 0 : i32
      %dma_wait3A_1472 = tpu.memref_slice %arg16[%dma_wait3A_1470, %dma_wait3A_1471] : memref<2048x16xf32, #tpu.memory_space<vmem>> -> memref<128x16xf32, #tpu.memory_space<vmem>>
      %dma_wait3A_1473 = arith.constant 0 : i32
      %dma_wait3A_1474 = tpu.memref_slice %arg14[%dma_wait3A_1469, %dma_wait3A_1473] : memref<16x128xi32, #tpu.memory_space<vmem>> -> memref<1x128xi32, #tpu.memory_space<vmem>>
      %dma_wait3A_1475 = tpu.memref_squeeze %dma_wait3A_1474 : memref<1x128xi32, #tpu.memory_space<vmem>> -> memref<128xi32, #tpu.memory_space<vmem>>
      %dma_wait3A_1476 = arith.constant 0 : i32
      %dma_wait3A_1477 = arith.constant 0 : i32
      %dma_wait3A_1478 = tpu.memref_slice %arg21[%dma_wait3A_1476, %dma_wait3A_1477] : memref<30240x16xf32, #tpu.memory_space<vmem_shared>> -> memref<30240x16xf32, #tpu.memory_space<vmem_shared>>
      tpu.wait_indirect_dma semaphore(%arg26 : memref<!tpu.dma_semaphore, #tpu.memory_space<semaphore_mem>>) src(%dma_wait3A_1472 : memref<128x16xf32, #tpu.memory_space<vmem>>) dst(%dma_wait3A_1478 : memref<30240x16xf32, #tpu.memory_space<vmem_shared>>)
      %dma_wait3A_1479 = arith.constant 9 : i32
      %dma_wait3A_1480 = arith.constant 1152 : i32
      %dma_wait3A_1481 = arith.constant 0 : i32
      %dma_wait3A_1482 = tpu.memref_slice %arg16[%dma_wait3A_1480, %dma_wait3A_1481] : memref<2048x16xf32, #tpu.memory_space<vmem>> -> memref<128x16xf32, #tpu.memory_space<vmem>>
      %dma_wait3A_1483 = arith.constant 0 : i32
      %dma_wait3A_1484 = tpu.memref_slice %arg14[%dma_wait3A_1479, %dma_wait3A_1483] : memref<16x128xi32, #tpu.memory_space<vmem>> -> memref<1x128xi32, #tpu.memory_space<vmem>>
      %dma_wait3A_1485 = tpu.memref_squeeze %dma_wait3A_1484 : memref<1x128xi32, #tpu.memory_space<vmem>> -> memref<128xi32, #tpu.memory_space<vmem>>
      %dma_wait3A_1486 = arith.constant 0 : i32
      %dma_wait3A_1487 = arith.constant 0 : i32
      %dma_wait3A_1488 = tpu.memref_slice %arg21[%dma_wait3A_1486, %dma_wait3A_1487] : memref<30240x16xf32, #tpu.memory_space<vmem_shared>> -> memref<30240x16xf32, #tpu.memory_space<vmem_shared>>
      tpu.wait_indirect_dma semaphore(%arg26 : memref<!tpu.dma_semaphore, #tpu.memory_space<semaphore_mem>>) src(%dma_wait3A_1482 : memref<128x16xf32, #tpu.memory_space<vmem>>) dst(%dma_wait3A_1488 : memref<30240x16xf32, #tpu.memory_space<vmem_shared>>)
      %dma_wait3A_1489 = arith.constant 10 : i32
      %dma_wait3A_1490 = arith.constant 1280 : i32
      %dma_wait3A_1491 = arith.constant 0 : i32
      %dma_wait3A_1492 = tpu.memref_slice %arg16[%dma_wait3A_1490, %dma_wait3A_1491] : memref<2048x16xf32, #tpu.memory_space<vmem>> -> memref<128x16xf32, #tpu.memory_space<vmem>>
      %dma_wait3A_1493 = arith.constant 0 : i32
      %dma_wait3A_1494 = tpu.memref_slice %arg14[%dma_wait3A_1489, %dma_wait3A_1493] : memref<16x128xi32, #tpu.memory_space<vmem>> -> memref<1x128xi32, #tpu.memory_space<vmem>>
      %dma_wait3A_1495 = tpu.memref_squeeze %dma_wait3A_1494 : memref<1x128xi32, #tpu.memory_space<vmem>> -> memref<128xi32, #tpu.memory_space<vmem>>
      %dma_wait3A_1496 = arith.constant 0 : i32
      %dma_wait3A_1497 = arith.constant 0 : i32
      %dma_wait3A_1498 = tpu.memref_slice %arg21[%dma_wait3A_1496, %dma_wait3A_1497] : memref<30240x16xf32, #tpu.memory_space<vmem_shared>> -> memref<30240x16xf32, #tpu.memory_space<vmem_shared>>
      tpu.wait_indirect_dma semaphore(%arg26 : memref<!tpu.dma_semaphore, #tpu.memory_space<semaphore_mem>>) src(%dma_wait3A_1492 : memref<128x16xf32, #tpu.memory_space<vmem>>) dst(%dma_wait3A_1498 : memref<30240x16xf32, #tpu.memory_space<vmem_shared>>)
      %dma_wait3A_1499 = arith.constant 11 : i32
      %dma_wait3A_1500 = arith.constant 1408 : i32
      %dma_wait3A_1501 = arith.constant 0 : i32
      %dma_wait3A_1502 = tpu.memref_slice %arg16[%dma_wait3A_1500, %dma_wait3A_1501] : memref<2048x16xf32, #tpu.memory_space<vmem>> -> memref<128x16xf32, #tpu.memory_space<vmem>>
      %dma_wait3A_1503 = arith.constant 0 : i32
      %dma_wait3A_1504 = tpu.memref_slice %arg14[%dma_wait3A_1499, %dma_wait3A_1503] : memref<16x128xi32, #tpu.memory_space<vmem>> -> memref<1x128xi32, #tpu.memory_space<vmem>>
      %dma_wait3A_1505 = tpu.memref_squeeze %dma_wait3A_1504 : memref<1x128xi32, #tpu.memory_space<vmem>> -> memref<128xi32, #tpu.memory_space<vmem>>
      %dma_wait3A_1506 = arith.constant 0 : i32
      %dma_wait3A_1507 = arith.constant 0 : i32
      %dma_wait3A_1508 = tpu.memref_slice %arg21[%dma_wait3A_1506, %dma_wait3A_1507] : memref<30240x16xf32, #tpu.memory_space<vmem_shared>> -> memref<30240x16xf32, #tpu.memory_space<vmem_shared>>
      tpu.wait_indirect_dma semaphore(%arg26 : memref<!tpu.dma_semaphore, #tpu.memory_space<semaphore_mem>>) src(%dma_wait3A_1502 : memref<128x16xf32, #tpu.memory_space<vmem>>) dst(%dma_wait3A_1508 : memref<30240x16xf32, #tpu.memory_space<vmem_shared>>)
      %dma_wait3A_1509 = arith.constant 12 : i32
      %dma_wait3A_1510 = arith.constant 1536 : i32
      %dma_wait3A_1511 = arith.constant 0 : i32
      %dma_wait3A_1512 = tpu.memref_slice %arg16[%dma_wait3A_1510, %dma_wait3A_1511] : memref<2048x16xf32, #tpu.memory_space<vmem>> -> memref<128x16xf32, #tpu.memory_space<vmem>>
      %dma_wait3A_1513 = arith.constant 0 : i32
      %dma_wait3A_1514 = tpu.memref_slice %arg14[%dma_wait3A_1509, %dma_wait3A_1513] : memref<16x128xi32, #tpu.memory_space<vmem>> -> memref<1x128xi32, #tpu.memory_space<vmem>>
      %dma_wait3A_1515 = tpu.memref_squeeze %dma_wait3A_1514 : memref<1x128xi32, #tpu.memory_space<vmem>> -> memref<128xi32, #tpu.memory_space<vmem>>
      %dma_wait3A_1516 = arith.constant 0 : i32
      %dma_wait3A_1517 = arith.constant 0 : i32
      %dma_wait3A_1518 = tpu.memref_slice %arg21[%dma_wait3A_1516, %dma_wait3A_1517] : memref<30240x16xf32, #tpu.memory_space<vmem_shared>> -> memref<30240x16xf32, #tpu.memory_space<vmem_shared>>
      tpu.wait_indirect_dma semaphore(%arg26 : memref<!tpu.dma_semaphore, #tpu.memory_space<semaphore_mem>>) src(%dma_wait3A_1512 : memref<128x16xf32, #tpu.memory_space<vmem>>) dst(%dma_wait3A_1518 : memref<30240x16xf32, #tpu.memory_space<vmem_shared>>)
      %dma_wait3A_1519 = arith.constant 13 : i32
      %dma_wait3A_1520 = arith.constant 1664 : i32
      %dma_wait3A_1521 = arith.constant 0 : i32
      %dma_wait3A_1522 = tpu.memref_slice %arg16[%dma_wait3A_1520, %dma_wait3A_1521] : memref<2048x16xf32, #tpu.memory_space<vmem>> -> memref<128x16xf32, #tpu.memory_space<vmem>>
      %dma_wait3A_1523 = arith.constant 0 : i32
      %dma_wait3A_1524 = tpu.memref_slice %arg14[%dma_wait3A_1519, %dma_wait3A_1523] : memref<16x128xi32, #tpu.memory_space<vmem>> -> memref<1x128xi32, #tpu.memory_space<vmem>>
      %dma_wait3A_1525 = tpu.memref_squeeze %dma_wait3A_1524 : memref<1x128xi32, #tpu.memory_space<vmem>> -> memref<128xi32, #tpu.memory_space<vmem>>
      %dma_wait3A_1526 = arith.constant 0 : i32
      %dma_wait3A_1527 = arith.constant 0 : i32
      %dma_wait3A_1528 = tpu.memref_slice %arg21[%dma_wait3A_1526, %dma_wait3A_1527] : memref<30240x16xf32, #tpu.memory_space<vmem_shared>> -> memref<30240x16xf32, #tpu.memory_space<vmem_shared>>
      tpu.wait_indirect_dma semaphore(%arg26 : memref<!tpu.dma_semaphore, #tpu.memory_space<semaphore_mem>>) src(%dma_wait3A_1522 : memref<128x16xf32, #tpu.memory_space<vmem>>) dst(%dma_wait3A_1528 : memref<30240x16xf32, #tpu.memory_space<vmem_shared>>)
      %dma_wait3A_1529 = arith.constant 14 : i32
      %dma_wait3A_1530 = arith.constant 1792 : i32
      %dma_wait3A_1531 = arith.constant 0 : i32
      %dma_wait3A_1532 = tpu.memref_slice %arg16[%dma_wait3A_1530, %dma_wait3A_1531] : memref<2048x16xf32, #tpu.memory_space<vmem>> -> memref<128x16xf32, #tpu.memory_space<vmem>>
      %dma_wait3A_1533 = arith.constant 0 : i32
      %dma_wait3A_1534 = tpu.memref_slice %arg14[%dma_wait3A_1529, %dma_wait3A_1533] : memref<16x128xi32, #tpu.memory_space<vmem>> -> memref<1x128xi32, #tpu.memory_space<vmem>>
      %dma_wait3A_1535 = tpu.memref_squeeze %dma_wait3A_1534 : memref<1x128xi32, #tpu.memory_space<vmem>> -> memref<128xi32, #tpu.memory_space<vmem>>
      %dma_wait3A_1536 = arith.constant 0 : i32
      %dma_wait3A_1537 = arith.constant 0 : i32
      %dma_wait3A_1538 = tpu.memref_slice %arg21[%dma_wait3A_1536, %dma_wait3A_1537] : memref<30240x16xf32, #tpu.memory_space<vmem_shared>> -> memref<30240x16xf32, #tpu.memory_space<vmem_shared>>
      tpu.wait_indirect_dma semaphore(%arg26 : memref<!tpu.dma_semaphore, #tpu.memory_space<semaphore_mem>>) src(%dma_wait3A_1532 : memref<128x16xf32, #tpu.memory_space<vmem>>) dst(%dma_wait3A_1538 : memref<30240x16xf32, #tpu.memory_space<vmem_shared>>)
      %dma_wait3A_1539 = arith.constant 15 : i32
      %dma_wait3A_1540 = arith.constant 1920 : i32
      %dma_wait3A_1541 = arith.constant 0 : i32
      %dma_wait3A_1542 = tpu.memref_slice %arg16[%dma_wait3A_1540, %dma_wait3A_1541] : memref<2048x16xf32, #tpu.memory_space<vmem>> -> memref<128x16xf32, #tpu.memory_space<vmem>>
      %dma_wait3A_1543 = arith.constant 0 : i32
      %dma_wait3A_1544 = tpu.memref_slice %arg14[%dma_wait3A_1539, %dma_wait3A_1543] : memref<16x128xi32, #tpu.memory_space<vmem>> -> memref<1x128xi32, #tpu.memory_space<vmem>>
      %dma_wait3A_1545 = tpu.memref_squeeze %dma_wait3A_1544 : memref<1x128xi32, #tpu.memory_space<vmem>> -> memref<128xi32, #tpu.memory_space<vmem>>
      %dma_wait3A_1546 = arith.constant 0 : i32
      %dma_wait3A_1547 = arith.constant 0 : i32
      %dma_wait3A_1548 = tpu.memref_slice %arg21[%dma_wait3A_1546, %dma_wait3A_1547] : memref<30240x16xf32, #tpu.memory_space<vmem_shared>> -> memref<30240x16xf32, #tpu.memory_space<vmem_shared>>
      tpu.wait_indirect_dma semaphore(%arg26 : memref<!tpu.dma_semaphore, #tpu.memory_space<semaphore_mem>>) src(%dma_wait3A_1542 : memref<128x16xf32, #tpu.memory_space<vmem>>) dst(%dma_wait3A_1548 : memref<30240x16xf32, #tpu.memory_space<vmem_shared>>)
    }
    %scan3A_47 = arith.constant 5 : i32
    %barrier3A_48 = arith.constant 0 : index
    tpu.barrier barrier_id(%barrier3A_48)
    %dma_start3A_49 = arith.constant 0 : i32
    %dma_start3A_50 = arith.constant 0 : i32
    %dma_start3A_51 = arith.constant 0 : i32
    %dma_start3A_52 = tpu.memref_slice %arg18[%dma_start3A_50, %dma_start3A_51] : memref<1024x16xf32, #tpu.memory_space<vmem>> -> memref<128x16xf32, #tpu.memory_space<vmem>>
    %dma_start3A_53 = arith.constant 0 : i32
    %dma_start3A_54 = tpu.memref_slice %arg17[%dma_start3A_49, %dma_start3A_53] : memref<8x128xi32, #tpu.memory_space<vmem>> -> memref<1x128xi32, #tpu.memory_space<vmem>>
    %dma_start3A_55 = tpu.memref_squeeze %dma_start3A_54 : memref<1x128xi32, #tpu.memory_space<vmem>> -> memref<128xi32, #tpu.memory_space<vmem>>
    %dma_start3A_56 = arith.constant 0 : i32
    %dma_start3A_57 = arith.constant 0 : i32
    %dma_start3A_58 = tpu.memref_slice %arg21[%dma_start3A_56, %dma_start3A_57] : memref<30240x16xf32, #tpu.memory_space<vmem_shared>> -> memref<30240x16xf32, #tpu.memory_space<vmem_shared>>
    tpu.enqueue_indirect_dma source(%dma_start3A_58 : memref<30240x16xf32, #tpu.memory_space<vmem_shared>>) target(%dma_start3A_52 : memref<128x16xf32, #tpu.memory_space<vmem>>) offsets(%dma_start3A_55 : memref<128xi32, #tpu.memory_space<vmem>>) semaphore(%arg23 : memref<!tpu.dma_semaphore, #tpu.memory_space<semaphore_mem>>)
    %dma_start3A_59 = arith.constant 1 : i32
    %dma_start3A_60 = arith.constant 128 : i32
    %dma_start3A_61 = arith.constant 0 : i32
    %dma_start3A_62 = tpu.memref_slice %arg18[%dma_start3A_60, %dma_start3A_61] : memref<1024x16xf32, #tpu.memory_space<vmem>> -> memref<128x16xf32, #tpu.memory_space<vmem>>
    %dma_start3A_63 = arith.constant 0 : i32
    %dma_start3A_64 = tpu.memref_slice %arg17[%dma_start3A_59, %dma_start3A_63] : memref<8x128xi32, #tpu.memory_space<vmem>> -> memref<1x128xi32, #tpu.memory_space<vmem>>
    %dma_start3A_65 = tpu.memref_squeeze %dma_start3A_64 : memref<1x128xi32, #tpu.memory_space<vmem>> -> memref<128xi32, #tpu.memory_space<vmem>>
    %dma_start3A_66 = arith.constant 0 : i32
    %dma_start3A_67 = arith.constant 0 : i32
    %dma_start3A_68 = tpu.memref_slice %arg21[%dma_start3A_66, %dma_start3A_67] : memref<30240x16xf32, #tpu.memory_space<vmem_shared>> -> memref<30240x16xf32, #tpu.memory_space<vmem_shared>>
    tpu.enqueue_indirect_dma source(%dma_start3A_68 : memref<30240x16xf32, #tpu.memory_space<vmem_shared>>) target(%dma_start3A_62 : memref<128x16xf32, #tpu.memory_space<vmem>>) offsets(%dma_start3A_65 : memref<128xi32, #tpu.memory_space<vmem>>) semaphore(%arg23 : memref<!tpu.dma_semaphore, #tpu.memory_space<semaphore_mem>>)
    %dma_start3A_69 = arith.constant 2 : i32
    %dma_start3A_70 = arith.constant 256 : i32
    %dma_start3A_71 = arith.constant 0 : i32
    %dma_start3A_72 = tpu.memref_slice %arg18[%dma_start3A_70, %dma_start3A_71] : memref<1024x16xf32, #tpu.memory_space<vmem>> -> memref<128x16xf32, #tpu.memory_space<vmem>>
    %dma_start3A_73 = arith.constant 0 : i32
    %dma_start3A_74 = tpu.memref_slice %arg17[%dma_start3A_69, %dma_start3A_73] : memref<8x128xi32, #tpu.memory_space<vmem>> -> memref<1x128xi32, #tpu.memory_space<vmem>>
    %dma_start3A_75 = tpu.memref_squeeze %dma_start3A_74 : memref<1x128xi32, #tpu.memory_space<vmem>> -> memref<128xi32, #tpu.memory_space<vmem>>
    %dma_start3A_76 = arith.constant 0 : i32
    %dma_start3A_77 = arith.constant 0 : i32
    %dma_start3A_78 = tpu.memref_slice %arg21[%dma_start3A_76, %dma_start3A_77] : memref<30240x16xf32, #tpu.memory_space<vmem_shared>> -> memref<30240x16xf32, #tpu.memory_space<vmem_shared>>
    tpu.enqueue_indirect_dma source(%dma_start3A_78 : memref<30240x16xf32, #tpu.memory_space<vmem_shared>>) target(%dma_start3A_72 : memref<128x16xf32, #tpu.memory_space<vmem>>) offsets(%dma_start3A_75 : memref<128xi32, #tpu.memory_space<vmem>>) semaphore(%arg23 : memref<!tpu.dma_semaphore, #tpu.memory_space<semaphore_mem>>)
    %dma_start3A_79 = arith.constant 3 : i32
    %dma_start3A_80 = arith.constant 384 : i32
    %dma_start3A_81 = arith.constant 0 : i32
    %dma_start3A_82 = tpu.memref_slice %arg18[%dma_start3A_80, %dma_start3A_81] : memref<1024x16xf32, #tpu.memory_space<vmem>> -> memref<128x16xf32, #tpu.memory_space<vmem>>
    %dma_start3A_83 = arith.constant 0 : i32
    %dma_start3A_84 = tpu.memref_slice %arg17[%dma_start3A_79, %dma_start3A_83] : memref<8x128xi32, #tpu.memory_space<vmem>> -> memref<1x128xi32, #tpu.memory_space<vmem>>
    %dma_start3A_85 = tpu.memref_squeeze %dma_start3A_84 : memref<1x128xi32, #tpu.memory_space<vmem>> -> memref<128xi32, #tpu.memory_space<vmem>>
    %dma_start3A_86 = arith.constant 0 : i32
    %dma_start3A_87 = arith.constant 0 : i32
    %dma_start3A_88 = tpu.memref_slice %arg21[%dma_start3A_86, %dma_start3A_87] : memref<30240x16xf32, #tpu.memory_space<vmem_shared>> -> memref<30240x16xf32, #tpu.memory_space<vmem_shared>>
    tpu.enqueue_indirect_dma source(%dma_start3A_88 : memref<30240x16xf32, #tpu.memory_space<vmem_shared>>) target(%dma_start3A_82 : memref<128x16xf32, #tpu.memory_space<vmem>>) offsets(%dma_start3A_85 : memref<128xi32, #tpu.memory_space<vmem>>) semaphore(%arg23 : memref<!tpu.dma_semaphore, #tpu.memory_space<semaphore_mem>>)
    %dma_start3A_89 = arith.constant 4 : i32
    %dma_start3A_90 = arith.constant 512 : i32
    %dma_start3A_91 = arith.constant 0 : i32
    %dma_start3A_92 = tpu.memref_slice %arg18[%dma_start3A_90, %dma_start3A_91] : memref<1024x16xf32, #tpu.memory_space<vmem>> -> memref<128x16xf32, #tpu.memory_space<vmem>>
    %dma_start3A_93 = arith.constant 0 : i32
    %dma_start3A_94 = tpu.memref_slice %arg17[%dma_start3A_89, %dma_start3A_93] : memref<8x128xi32, #tpu.memory_space<vmem>> -> memref<1x128xi32, #tpu.memory_space<vmem>>
    %dma_start3A_95 = tpu.memref_squeeze %dma_start3A_94 : memref<1x128xi32, #tpu.memory_space<vmem>> -> memref<128xi32, #tpu.memory_space<vmem>>
    %dma_start3A_96 = arith.constant 0 : i32
    %dma_start3A_97 = arith.constant 0 : i32
    %dma_start3A_98 = tpu.memref_slice %arg21[%dma_start3A_96, %dma_start3A_97] : memref<30240x16xf32, #tpu.memory_space<vmem_shared>> -> memref<30240x16xf32, #tpu.memory_space<vmem_shared>>
    tpu.enqueue_indirect_dma source(%dma_start3A_98 : memref<30240x16xf32, #tpu.memory_space<vmem_shared>>) target(%dma_start3A_92 : memref<128x16xf32, #tpu.memory_space<vmem>>) offsets(%dma_start3A_95 : memref<128xi32, #tpu.memory_space<vmem>>) semaphore(%arg23 : memref<!tpu.dma_semaphore, #tpu.memory_space<semaphore_mem>>)
    %dma_start3A_99 = arith.constant 5 : i32
    %dma_start3A_100 = arith.constant 640 : i32
    %dma_start3A_101 = arith.constant 0 : i32
    %dma_start3A_102 = tpu.memref_slice %arg18[%dma_start3A_100, %dma_start3A_101] : memref<1024x16xf32, #tpu.memory_space<vmem>> -> memref<128x16xf32, #tpu.memory_space<vmem>>
    %dma_start3A_103 = arith.constant 0 : i32
    %dma_start3A_104 = tpu.memref_slice %arg17[%dma_start3A_99, %dma_start3A_103] : memref<8x128xi32, #tpu.memory_space<vmem>> -> memref<1x128xi32, #tpu.memory_space<vmem>>
    %dma_start3A_105 = tpu.memref_squeeze %dma_start3A_104 : memref<1x128xi32, #tpu.memory_space<vmem>> -> memref<128xi32, #tpu.memory_space<vmem>>
    %dma_start3A_106 = arith.constant 0 : i32
    %dma_start3A_107 = arith.constant 0 : i32
    %dma_start3A_108 = tpu.memref_slice %arg21[%dma_start3A_106, %dma_start3A_107] : memref<30240x16xf32, #tpu.memory_space<vmem_shared>> -> memref<30240x16xf32, #tpu.memory_space<vmem_shared>>
    tpu.enqueue_indirect_dma source(%dma_start3A_108 : memref<30240x16xf32, #tpu.memory_space<vmem_shared>>) target(%dma_start3A_102 : memref<128x16xf32, #tpu.memory_space<vmem>>) offsets(%dma_start3A_105 : memref<128xi32, #tpu.memory_space<vmem>>) semaphore(%arg23 : memref<!tpu.dma_semaphore, #tpu.memory_space<semaphore_mem>>)
    %dma_start3A_109 = arith.constant 6 : i32
    %dma_start3A_110 = arith.constant 768 : i32
    %dma_start3A_111 = arith.constant 0 : i32
    %dma_start3A_112 = tpu.memref_slice %arg18[%dma_start3A_110, %dma_start3A_111] : memref<1024x16xf32, #tpu.memory_space<vmem>> -> memref<128x16xf32, #tpu.memory_space<vmem>>
    %dma_start3A_113 = arith.constant 0 : i32
    %dma_start3A_114 = tpu.memref_slice %arg17[%dma_start3A_109, %dma_start3A_113] : memref<8x128xi32, #tpu.memory_space<vmem>> -> memref<1x128xi32, #tpu.memory_space<vmem>>
    %dma_start3A_115 = tpu.memref_squeeze %dma_start3A_114 : memref<1x128xi32, #tpu.memory_space<vmem>> -> memref<128xi32, #tpu.memory_space<vmem>>
    %dma_start3A_116 = arith.constant 0 : i32
    %dma_start3A_117 = arith.constant 0 : i32
    %dma_start3A_118 = tpu.memref_slice %arg21[%dma_start3A_116, %dma_start3A_117] : memref<30240x16xf32, #tpu.memory_space<vmem_shared>> -> memref<30240x16xf32, #tpu.memory_space<vmem_shared>>
    tpu.enqueue_indirect_dma source(%dma_start3A_118 : memref<30240x16xf32, #tpu.memory_space<vmem_shared>>) target(%dma_start3A_112 : memref<128x16xf32, #tpu.memory_space<vmem>>) offsets(%dma_start3A_115 : memref<128xi32, #tpu.memory_space<vmem>>) semaphore(%arg23 : memref<!tpu.dma_semaphore, #tpu.memory_space<semaphore_mem>>)
    %dma_start3A_119 = arith.constant 7 : i32
    %dma_start3A_120 = arith.constant 896 : i32
    %dma_start3A_121 = arith.constant 0 : i32
    %dma_start3A_122 = tpu.memref_slice %arg18[%dma_start3A_120, %dma_start3A_121] : memref<1024x16xf32, #tpu.memory_space<vmem>> -> memref<128x16xf32, #tpu.memory_space<vmem>>
    %dma_start3A_123 = arith.constant 0 : i32
    %dma_start3A_124 = tpu.memref_slice %arg17[%dma_start3A_119, %dma_start3A_123] : memref<8x128xi32, #tpu.memory_space<vmem>> -> memref<1x128xi32, #tpu.memory_space<vmem>>
    %dma_start3A_125 = tpu.memref_squeeze %dma_start3A_124 : memref<1x128xi32, #tpu.memory_space<vmem>> -> memref<128xi32, #tpu.memory_space<vmem>>
    %dma_start3A_126 = arith.constant 0 : i32
    %dma_start3A_127 = arith.constant 0 : i32
    %dma_start3A_128 = tpu.memref_slice %arg21[%dma_start3A_126, %dma_start3A_127] : memref<30240x16xf32, #tpu.memory_space<vmem_shared>> -> memref<30240x16xf32, #tpu.memory_space<vmem_shared>>
    tpu.enqueue_indirect_dma source(%dma_start3A_128 : memref<30240x16xf32, #tpu.memory_space<vmem_shared>>) target(%dma_start3A_122 : memref<128x16xf32, #tpu.memory_space<vmem>>) offsets(%dma_start3A_125 : memref<128xi32, #tpu.memory_space<vmem>>) semaphore(%arg23 : memref<!tpu.dma_semaphore, #tpu.memory_space<semaphore_mem>>)
    %dma_wait3A_129 = arith.constant 0 : i32
    %dma_wait3A_130 = arith.constant 0 : i32
    %dma_wait3A_131 = arith.constant 0 : i32
    %dma_wait3A_132 = tpu.memref_slice %arg18[%dma_wait3A_130, %dma_wait3A_131] : memref<1024x16xf32, #tpu.memory_space<vmem>> -> memref<128x16xf32, #tpu.memory_space<vmem>>
    %dma_wait3A_133 = arith.constant 0 : i32
    %dma_wait3A_134 = tpu.memref_slice %arg17[%dma_wait3A_129, %dma_wait3A_133] : memref<8x128xi32, #tpu.memory_space<vmem>> -> memref<1x128xi32, #tpu.memory_space<vmem>>
    %dma_wait3A_135 = tpu.memref_squeeze %dma_wait3A_134 : memref<1x128xi32, #tpu.memory_space<vmem>> -> memref<128xi32, #tpu.memory_space<vmem>>
    %dma_wait3A_136 = arith.constant 0 : i32
    %dma_wait3A_137 = arith.constant 0 : i32
    %dma_wait3A_138 = tpu.memref_slice %arg21[%dma_wait3A_136, %dma_wait3A_137] : memref<30240x16xf32, #tpu.memory_space<vmem_shared>> -> memref<30240x16xf32, #tpu.memory_space<vmem_shared>>
    tpu.wait_indirect_dma semaphore(%arg23 : memref<!tpu.dma_semaphore, #tpu.memory_space<semaphore_mem>>) src(%dma_wait3A_138 : memref<30240x16xf32, #tpu.memory_space<vmem_shared>>) dst(%dma_wait3A_132 : memref<128x16xf32, #tpu.memory_space<vmem>>)
    %dma_wait3A_139 = arith.constant 1 : i32
    %dma_wait3A_140 = arith.constant 128 : i32
    %dma_wait3A_141 = arith.constant 0 : i32
    %dma_wait3A_142 = tpu.memref_slice %arg18[%dma_wait3A_140, %dma_wait3A_141] : memref<1024x16xf32, #tpu.memory_space<vmem>> -> memref<128x16xf32, #tpu.memory_space<vmem>>
    %dma_wait3A_143 = arith.constant 0 : i32
    %dma_wait3A_144 = tpu.memref_slice %arg17[%dma_wait3A_139, %dma_wait3A_143] : memref<8x128xi32, #tpu.memory_space<vmem>> -> memref<1x128xi32, #tpu.memory_space<vmem>>
    %dma_wait3A_145 = tpu.memref_squeeze %dma_wait3A_144 : memref<1x128xi32, #tpu.memory_space<vmem>> -> memref<128xi32, #tpu.memory_space<vmem>>
    %dma_wait3A_146 = arith.constant 0 : i32
    %dma_wait3A_147 = arith.constant 0 : i32
    %dma_wait3A_148 = tpu.memref_slice %arg21[%dma_wait3A_146, %dma_wait3A_147] : memref<30240x16xf32, #tpu.memory_space<vmem_shared>> -> memref<30240x16xf32, #tpu.memory_space<vmem_shared>>
    tpu.wait_indirect_dma semaphore(%arg23 : memref<!tpu.dma_semaphore, #tpu.memory_space<semaphore_mem>>) src(%dma_wait3A_148 : memref<30240x16xf32, #tpu.memory_space<vmem_shared>>) dst(%dma_wait3A_142 : memref<128x16xf32, #tpu.memory_space<vmem>>)
    %dma_wait3A_149 = arith.constant 2 : i32
    %dma_wait3A_150 = arith.constant 256 : i32
    %dma_wait3A_151 = arith.constant 0 : i32
    %dma_wait3A_152 = tpu.memref_slice %arg18[%dma_wait3A_150, %dma_wait3A_151] : memref<1024x16xf32, #tpu.memory_space<vmem>> -> memref<128x16xf32, #tpu.memory_space<vmem>>
    %dma_wait3A_153 = arith.constant 0 : i32
    %dma_wait3A_154 = tpu.memref_slice %arg17[%dma_wait3A_149, %dma_wait3A_153] : memref<8x128xi32, #tpu.memory_space<vmem>> -> memref<1x128xi32, #tpu.memory_space<vmem>>
    %dma_wait3A_155 = tpu.memref_squeeze %dma_wait3A_154 : memref<1x128xi32, #tpu.memory_space<vmem>> -> memref<128xi32, #tpu.memory_space<vmem>>
    %dma_wait3A_156 = arith.constant 0 : i32
    %dma_wait3A_157 = arith.constant 0 : i32
    %dma_wait3A_158 = tpu.memref_slice %arg21[%dma_wait3A_156, %dma_wait3A_157] : memref<30240x16xf32, #tpu.memory_space<vmem_shared>> -> memref<30240x16xf32, #tpu.memory_space<vmem_shared>>
    tpu.wait_indirect_dma semaphore(%arg23 : memref<!tpu.dma_semaphore, #tpu.memory_space<semaphore_mem>>) src(%dma_wait3A_158 : memref<30240x16xf32, #tpu.memory_space<vmem_shared>>) dst(%dma_wait3A_152 : memref<128x16xf32, #tpu.memory_space<vmem>>)
    %dma_wait3A_159 = arith.constant 3 : i32
    %dma_wait3A_160 = arith.constant 384 : i32
    %dma_wait3A_161 = arith.constant 0 : i32
    %dma_wait3A_162 = tpu.memref_slice %arg18[%dma_wait3A_160, %dma_wait3A_161] : memref<1024x16xf32, #tpu.memory_space<vmem>> -> memref<128x16xf32, #tpu.memory_space<vmem>>
    %dma_wait3A_163 = arith.constant 0 : i32
    %dma_wait3A_164 = tpu.memref_slice %arg17[%dma_wait3A_159, %dma_wait3A_163] : memref<8x128xi32, #tpu.memory_space<vmem>> -> memref<1x128xi32, #tpu.memory_space<vmem>>
    %dma_wait3A_165 = tpu.memref_squeeze %dma_wait3A_164 : memref<1x128xi32, #tpu.memory_space<vmem>> -> memref<128xi32, #tpu.memory_space<vmem>>
    %dma_wait3A_166 = arith.constant 0 : i32
    %dma_wait3A_167 = arith.constant 0 : i32
    %dma_wait3A_168 = tpu.memref_slice %arg21[%dma_wait3A_166, %dma_wait3A_167] : memref<30240x16xf32, #tpu.memory_space<vmem_shared>> -> memref<30240x16xf32, #tpu.memory_space<vmem_shared>>
    tpu.wait_indirect_dma semaphore(%arg23 : memref<!tpu.dma_semaphore, #tpu.memory_space<semaphore_mem>>) src(%dma_wait3A_168 : memref<30240x16xf32, #tpu.memory_space<vmem_shared>>) dst(%dma_wait3A_162 : memref<128x16xf32, #tpu.memory_space<vmem>>)
    %dma_wait3A_169 = arith.constant 4 : i32
    %dma_wait3A_170 = arith.constant 512 : i32
    %dma_wait3A_171 = arith.constant 0 : i32
    %dma_wait3A_172 = tpu.memref_slice %arg18[%dma_wait3A_170, %dma_wait3A_171] : memref<1024x16xf32, #tpu.memory_space<vmem>> -> memref<128x16xf32, #tpu.memory_space<vmem>>
    %dma_wait3A_173 = arith.constant 0 : i32
    %dma_wait3A_174 = tpu.memref_slice %arg17[%dma_wait3A_169, %dma_wait3A_173] : memref<8x128xi32, #tpu.memory_space<vmem>> -> memref<1x128xi32, #tpu.memory_space<vmem>>
    %dma_wait3A_175 = tpu.memref_squeeze %dma_wait3A_174 : memref<1x128xi32, #tpu.memory_space<vmem>> -> memref<128xi32, #tpu.memory_space<vmem>>
    %dma_wait3A_176 = arith.constant 0 : i32
    %dma_wait3A_177 = arith.constant 0 : i32
    %dma_wait3A_178 = tpu.memref_slice %arg21[%dma_wait3A_176, %dma_wait3A_177] : memref<30240x16xf32, #tpu.memory_space<vmem_shared>> -> memref<30240x16xf32, #tpu.memory_space<vmem_shared>>
    tpu.wait_indirect_dma semaphore(%arg23 : memref<!tpu.dma_semaphore, #tpu.memory_space<semaphore_mem>>) src(%dma_wait3A_178 : memref<30240x16xf32, #tpu.memory_space<vmem_shared>>) dst(%dma_wait3A_172 : memref<128x16xf32, #tpu.memory_space<vmem>>)
    %dma_wait3A_179 = arith.constant 5 : i32
    %dma_wait3A_180 = arith.constant 640 : i32
    %dma_wait3A_181 = arith.constant 0 : i32
    %dma_wait3A_182 = tpu.memref_slice %arg18[%dma_wait3A_180, %dma_wait3A_181] : memref<1024x16xf32, #tpu.memory_space<vmem>> -> memref<128x16xf32, #tpu.memory_space<vmem>>
    %dma_wait3A_183 = arith.constant 0 : i32
    %dma_wait3A_184 = tpu.memref_slice %arg17[%dma_wait3A_179, %dma_wait3A_183] : memref<8x128xi32, #tpu.memory_space<vmem>> -> memref<1x128xi32, #tpu.memory_space<vmem>>
    %dma_wait3A_185 = tpu.memref_squeeze %dma_wait3A_184 : memref<1x128xi32, #tpu.memory_space<vmem>> -> memref<128xi32, #tpu.memory_space<vmem>>
    %dma_wait3A_186 = arith.constant 0 : i32
    %dma_wait3A_187 = arith.constant 0 : i32
    %dma_wait3A_188 = tpu.memref_slice %arg21[%dma_wait3A_186, %dma_wait3A_187] : memref<30240x16xf32, #tpu.memory_space<vmem_shared>> -> memref<30240x16xf32, #tpu.memory_space<vmem_shared>>
    tpu.wait_indirect_dma semaphore(%arg23 : memref<!tpu.dma_semaphore, #tpu.memory_space<semaphore_mem>>) src(%dma_wait3A_188 : memref<30240x16xf32, #tpu.memory_space<vmem_shared>>) dst(%dma_wait3A_182 : memref<128x16xf32, #tpu.memory_space<vmem>>)
    %dma_wait3A_189 = arith.constant 6 : i32
    %dma_wait3A_190 = arith.constant 768 : i32
    %dma_wait3A_191 = arith.constant 0 : i32
    %dma_wait3A_192 = tpu.memref_slice %arg18[%dma_wait3A_190, %dma_wait3A_191] : memref<1024x16xf32, #tpu.memory_space<vmem>> -> memref<128x16xf32, #tpu.memory_space<vmem>>
    %dma_wait3A_193 = arith.constant 0 : i32
    %dma_wait3A_194 = tpu.memref_slice %arg17[%dma_wait3A_189, %dma_wait3A_193] : memref<8x128xi32, #tpu.memory_space<vmem>> -> memref<1x128xi32, #tpu.memory_space<vmem>>
    %dma_wait3A_195 = tpu.memref_squeeze %dma_wait3A_194 : memref<1x128xi32, #tpu.memory_space<vmem>> -> memref<128xi32, #tpu.memory_space<vmem>>
    %dma_wait3A_196 = arith.constant 0 : i32
    %dma_wait3A_197 = arith.constant 0 : i32
    %dma_wait3A_198 = tpu.memref_slice %arg21[%dma_wait3A_196, %dma_wait3A_197] : memref<30240x16xf32, #tpu.memory_space<vmem_shared>> -> memref<30240x16xf32, #tpu.memory_space<vmem_shared>>
    tpu.wait_indirect_dma semaphore(%arg23 : memref<!tpu.dma_semaphore, #tpu.memory_space<semaphore_mem>>) src(%dma_wait3A_198 : memref<30240x16xf32, #tpu.memory_space<vmem_shared>>) dst(%dma_wait3A_192 : memref<128x16xf32, #tpu.memory_space<vmem>>)
    %dma_wait3A_199 = arith.constant 7 : i32
    %dma_wait3A_200 = arith.constant 896 : i32
    %dma_wait3A_201 = arith.constant 0 : i32
    %dma_wait3A_202 = tpu.memref_slice %arg18[%dma_wait3A_200, %dma_wait3A_201] : memref<1024x16xf32, #tpu.memory_space<vmem>> -> memref<128x16xf32, #tpu.memory_space<vmem>>
    %dma_wait3A_203 = arith.constant 0 : i32
    %dma_wait3A_204 = tpu.memref_slice %arg17[%dma_wait3A_199, %dma_wait3A_203] : memref<8x128xi32, #tpu.memory_space<vmem>> -> memref<1x128xi32, #tpu.memory_space<vmem>>
    %dma_wait3A_205 = tpu.memref_squeeze %dma_wait3A_204 : memref<1x128xi32, #tpu.memory_space<vmem>> -> memref<128xi32, #tpu.memory_space<vmem>>
    %dma_wait3A_206 = arith.constant 0 : i32
    %dma_wait3A_207 = arith.constant 0 : i32
    %dma_wait3A_208 = tpu.memref_slice %arg21[%dma_wait3A_206, %dma_wait3A_207] : memref<30240x16xf32, #tpu.memory_space<vmem_shared>> -> memref<30240x16xf32, #tpu.memory_space<vmem_shared>>
    tpu.wait_indirect_dma semaphore(%arg23 : memref<!tpu.dma_semaphore, #tpu.memory_space<semaphore_mem>>) src(%dma_wait3A_208 : memref<30240x16xf32, #tpu.memory_space<vmem_shared>>) dst(%dma_wait3A_202 : memref<128x16xf32, #tpu.memory_space<vmem>>)
    %get3A = arith.constant 0 : index
    %get3A_209 = tpu.vector_load %arg19[%get3A] {strides = array<i32>} : memref<16xf32, #tpu.memory_space<vmem>>, vector<16xf32>,
    %get3A_210 = vector.shape_cast %get3A_209 : vector<16xf32> to vector<16xf32>
    %scan3A_211 = arith.constant 0 : i32
    %scan3A_212 = arith.constant 0 : i32
    %scan3A_213 = arith.constant 64 : i32
    %scan3A_214 = arith.addi %scan3A_212, %scan3A_213 : i32
    %scan3A_215 = arith.constant 1 : i32
    scf.for %scan3A_219 = %scan3A_212 to %scan3A_214 step %scan3A_215  : i32 {
      %mul3A_220 = arith.constant 16 : i32
      %mul3A_221 = arith.muli %scan3A_219, %mul3A_220 : i32
      %add3A_222 = arith.constant 0 : i32
      %add3A_223 = arith.addi %mul3A_221, %add3A_222 : i32
      %get3A_224 = arith.index_cast %add3A_223 : i32 to index
      %get3A_225 = arith.constant 0 : index
      %get3A_226 = tpu.vector_load %arg18[%get3A_224, %get3A_225] {strides = array<i32>} : memref<1024x16xf32, #tpu.memory_space<vmem>>, vector<1x16xf32>,
      %get3A_227 = vector.shape_cast %get3A_226 : vector<1x16xf32> to vector<16xf32>
      %add3A_228 = arith.addf %get3A_210, %get3A_227 : vector<16xf32>
      %add3A_229 = arith.constant 1 : i32
      %add3A_230 = arith.addi %mul3A_221, %add3A_229 : i32
      %get3A_231 = arith.index_cast %add3A_230 : i32 to index
      %get3A_232 = arith.constant 0 : index
      %get3A_233 = tpu.vector_load %arg18[%get3A_231, %get3A_232] {strides = array<i32>} : memref<1024x16xf32, #tpu.memory_space<vmem>>, vector<1x16xf32>,
      %get3A_234 = vector.shape_cast %get3A_233 : vector<1x16xf32> to vector<16xf32>
      %add3A_235 = arith.addf %add3A_228, %get3A_234 : vector<16xf32>
      %add3A_236 = arith.constant 2 : i32
      %add3A_237 = arith.addi %mul3A_221, %add3A_236 : i32
      %get3A_238 = arith.index_cast %add3A_237 : i32 to index
      %get3A_239 = arith.constant 0 : index
      %get3A_240 = tpu.vector_load %arg18[%get3A_238, %get3A_239] {strides = array<i32>} : memref<1024x16xf32, #tpu.memory_space<vmem>>, vector<1x16xf32>,
      %get3A_241 = vector.shape_cast %get3A_240 : vector<1x16xf32> to vector<16xf32>
      %add3A_242 = arith.addf %add3A_235, %get3A_241 : vector<16xf32>
      %add3A_243 = arith.constant 3 : i32
      %add3A_244 = arith.addi %mul3A_221, %add3A_243 : i32
      %get3A_245 = arith.index_cast %add3A_244 : i32 to index
      %get3A_246 = arith.constant 0 : index
      %get3A_247 = tpu.vector_load %arg18[%get3A_245, %get3A_246] {strides = array<i32>} : memref<1024x16xf32, #tpu.memory_space<vmem>>, vector<1x16xf32>,
      %get3A_248 = vector.shape_cast %get3A_247 : vector<1x16xf32> to vector<16xf32>
      %add3A_249 = arith.addf %add3A_242, %get3A_248 : vector<16xf32>
      %add3A_250 = arith.constant 4 : i32
      %add3A_251 = arith.addi %mul3A_221, %add3A_250 : i32
      %get3A_252 = arith.index_cast %add3A_251 : i32 to index
      %get3A_253 = arith.constant 0 : index
      %get3A_254 = tpu.vector_load %arg18[%get3A_252, %get3A_253] {strides = array<i32>} : memref<1024x16xf32, #tpu.memory_space<vmem>>, vector<1x16xf32>,
      %get3A_255 = vector.shape_cast %get3A_254 : vector<1x16xf32> to vector<16xf32>
      %add3A_256 = arith.addf %add3A_249, %get3A_255 : vector<16xf32>
      %add3A_257 = arith.constant 5 : i32
      %add3A_258 = arith.addi %mul3A_221, %add3A_257 : i32
      %get3A_259 = arith.index_cast %add3A_258 : i32 to index
      %get3A_260 = arith.constant 0 : index
      %get3A_261 = tpu.vector_load %arg18[%get3A_259, %get3A_260] {strides = array<i32>} : memref<1024x16xf32, #tpu.memory_space<vmem>>, vector<1x16xf32>,
      %get3A_262 = vector.shape_cast %get3A_261 : vector<1x16xf32> to vector<16xf32>
      %add3A_263 = arith.addf %add3A_256, %get3A_262 : vector<16xf32>
      %add3A_264 = arith.constant 6 : i32
      %add3A_265 = arith.addi %mul3A_221, %add3A_264 : i32
      %get3A_266 = arith.index_cast %add3A_265 : i32 to index
      %get3A_267 = arith.constant 0 : index
      %get3A_268 = tpu.vector_load %arg18[%get3A_266, %get3A_267] {strides = array<i32>} : memref<1024x16xf32, #tpu.memory_space<vmem>>, vector<1x16xf32>,
      %get3A_269 = vector.shape_cast %get3A_268 : vector<1x16xf32> to vector<16xf32>
      %add3A_270 = arith.addf %add3A_263, %get3A_269 : vector<16xf32>
      %add3A_271 = arith.constant 7 : i32
      %add3A_272 = arith.addi %mul3A_221, %add3A_271 : i32
      %get3A_273 = arith.index_cast %add3A_272 : i32 to index
      %get3A_274 = arith.constant 0 : index
      %get3A_275 = tpu.vector_load %arg18[%get3A_273, %get3A_274] {strides = array<i32>} : memref<1024x16xf32, #tpu.memory_space<vmem>>, vector<1x16xf32>,
      %get3A_276 = vector.shape_cast %get3A_275 : vector<1x16xf32> to vector<16xf32>
      %add3A_277 = arith.addf %add3A_270, %get3A_276 : vector<16xf32>
      %add3A_278 = arith.constant 8 : i32
      %add3A_279 = arith.addi %mul3A_221, %add3A_278 : i32
      %get3A_280 = arith.index_cast %add3A_279 : i32 to index
      %get3A_281 = arith.constant 0 : index
      %get3A_282 = tpu.vector_load %arg18[%get3A_280, %get3A_281] {strides = array<i32>} : memref<1024x16xf32, #tpu.memory_space<vmem>>, vector<1x16xf32>,
      %get3A_283 = vector.shape_cast %get3A_282 : vector<1x16xf32> to vector<16xf32>
      %add3A_284 = arith.addf %add3A_277, %get3A_283 : vector<16xf32>
      %add3A_285 = arith.constant 9 : i32
      %add3A_286 = arith.addi %mul3A_221, %add3A_285 : i32
      %get3A_287 = arith.index_cast %add3A_286 : i32 to index
      %get3A_288 = arith.constant 0 : index
      %get3A_289 = tpu.vector_load %arg18[%get3A_287, %get3A_288] {strides = array<i32>} : memref<1024x16xf32, #tpu.memory_space<vmem>>, vector<1x16xf32>,
      %get3A_290 = vector.shape_cast %get3A_289 : vector<1x16xf32> to vector<16xf32>
      %add3A_291 = arith.addf %add3A_284, %get3A_290 : vector<16xf32>
      %add3A_292 = arith.constant 10 : i32
      %add3A_293 = arith.addi %mul3A_221, %add3A_292 : i32
      %get3A_294 = arith.index_cast %add3A_293 : i32 to index
      %get3A_295 = arith.constant 0 : index
      %get3A_296 = tpu.vector_load %arg18[%get3A_294, %get3A_295] {strides = array<i32>} : memref<1024x16xf32, #tpu.memory_space<vmem>>, vector<1x16xf32>,
      %get3A_297 = vector.shape_cast %get3A_296 : vector<1x16xf32> to vector<16xf32>
      %add3A_298 = arith.addf %add3A_291, %get3A_297 : vector<16xf32>
      %add3A_299 = arith.constant 11 : i32
      %add3A_300 = arith.addi %mul3A_221, %add3A_299 : i32
      %get3A_301 = arith.index_cast %add3A_300 : i32 to index
      %get3A_302 = arith.constant 0 : index
      %get3A_303 = tpu.vector_load %arg18[%get3A_301, %get3A_302] {strides = array<i32>} : memref<1024x16xf32, #tpu.memory_space<vmem>>, vector<1x16xf32>,
      %get3A_304 = vector.shape_cast %get3A_303 : vector<1x16xf32> to vector<16xf32>
      %add3A_305 = arith.addf %add3A_298, %get3A_304 : vector<16xf32>
      %add3A_306 = arith.constant 12 : i32
      %add3A_307 = arith.addi %mul3A_221, %add3A_306 : i32
      %get3A_308 = arith.index_cast %add3A_307 : i32 to index
      %get3A_309 = arith.constant 0 : index
      %get3A_310 = tpu.vector_load %arg18[%get3A_308, %get3A_309] {strides = array<i32>} : memref<1024x16xf32, #tpu.memory_space<vmem>>, vector<1x16xf32>,
      %get3A_311 = vector.shape_cast %get3A_310 : vector<1x16xf32> to vector<16xf32>
      %add3A_312 = arith.addf %add3A_305, %get3A_311 : vector<16xf32>
      %add3A_313 = arith.constant 13 : i32
      %add3A_314 = arith.addi %mul3A_221, %add3A_313 : i32
      %get3A_315 = arith.index_cast %add3A_314 : i32 to index
      %get3A_316 = arith.constant 0 : index
      %get3A_317 = tpu.vector_load %arg18[%get3A_315, %get3A_316] {strides = array<i32>} : memref<1024x16xf32, #tpu.memory_space<vmem>>, vector<1x16xf32>,
      %get3A_318 = vector.shape_cast %get3A_317 : vector<1x16xf32> to vector<16xf32>
      %add3A_319 = arith.addf %add3A_312, %get3A_318 : vector<16xf32>
      %add3A_320 = arith.constant 14 : i32
      %add3A_321 = arith.addi %mul3A_221, %add3A_320 : i32
      %get3A_322 = arith.index_cast %add3A_321 : i32 to index
      %get3A_323 = arith.constant 0 : index
      %get3A_324 = tpu.vector_load %arg18[%get3A_322, %get3A_323] {strides = array<i32>} : memref<1024x16xf32, #tpu.memory_space<vmem>>, vector<1x16xf32>,
      %get3A_325 = vector.shape_cast %get3A_324 : vector<1x16xf32> to vector<16xf32>
      %add3A_326 = arith.addf %add3A_319, %get3A_325 : vector<16xf32>
      %add3A_327 = arith.constant 15 : i32
      %add3A_328 = arith.addi %mul3A_221, %add3A_327 : i32
      %get3A_329 = arith.index_cast %add3A_328 : i32 to index
      %get3A_330 = arith.constant 0 : index
      %get3A_331 = tpu.vector_load %arg18[%get3A_329, %get3A_330] {strides = array<i32>} : memref<1024x16xf32, #tpu.memory_space<vmem>>, vector<1x16xf32>,
      %get3A_332 = vector.shape_cast %get3A_331 : vector<1x16xf32> to vector<16xf32>
      %add3A_333 = arith.addf %add3A_326, %get3A_332 : vector<16xf32>
      %swap3A = arith.index_cast %scan3A_219 : i32 to index
      %swap3A_334 = arith.constant 0 : index
      %swap3A_335 = tpu.vector_load %arg20[%swap3A, %swap3A_334] {strides = array<i32>} : memref<64x16xf32, #tpu.memory_space<vmem>>, vector<1x16xf32>,
      %swap3A_336 = vector.shape_cast %swap3A_335 : vector<1x16xf32> to vector<16xf32>
      %swap3A_337 = vector.shape_cast %add3A_333 : vector<16xf32> to vector<1x16xf32>
      tpu.vector_store %arg20[%swap3A, %swap3A_334], %swap3A_337 {strides = array<i32>} : memref<64x16xf32, #tpu.memory_space<vmem>>, vector<1x16xf32>,
    }
    %scan3A_216 = arith.constant 64 : i32
    %mul3A_217 = arith.constant 64 : i32
    %mul3A_218 = arith.muli %arg1, %mul3A_217 : i32
    "tpu.region"() ({
      %run_scoped3A = tpu.sem_alloc : memref<!tpu.dma_semaphore, #tpu.memory_space<semaphore_mem>>
      %dma_start3A_219 = arith.constant 0 : i32
      %dma_start3A_220 = tpu.memref_slice %arg8[%arg0, %mul3A_218, %dma_start3A_219] : memref<2x1024x16xf32, #tpu.memory_space<hbm>> -> memref<1x64x16xf32, #tpu.memory_space<hbm>>
      %dma_start3A_221 = tpu.memref_squeeze %dma_start3A_220 : memref<1x64x16xf32, #tpu.memory_space<hbm>> -> memref<64x16xf32, #tpu.memory_space<hbm>>
      %dma_start3A_222 = arith.constant 0 : i32
      %dma_start3A_223 = tpu.memref_slice %arg8[%arg0, %mul3A_218, %dma_start3A_222] : memref<2x1024x16xf32, #tpu.memory_space<hbm>> -> memref<1x64x16xf32, #tpu.memory_space<hbm>>
      %dma_start3A_224 = tpu.memref_squeeze %dma_start3A_223 : memref<1x64x16xf32, #tpu.memory_space<hbm>> -> memref<64x16xf32, #tpu.memory_space<hbm>>
      tpu.enqueue_dma source(%arg20 : memref<64x16xf32, #tpu.memory_space<vmem>>) target(%dma_start3A_224 : memref<64x16xf32, #tpu.memory_space<hbm>>) target_semaphore(%run_scoped3A : memref<!tpu.dma_semaphore, #tpu.memory_space<semaphore_mem>>)
      %dma_wait3A_225 = arith.constant 0 : i32
      %dma_wait3A_226 = tpu.memref_slice %arg8[%arg0, %mul3A_218, %dma_wait3A_225] : memref<2x1024x16xf32, #tpu.memory_space<hbm>> -> memref<1x64x16xf32, #tpu.memory_space<hbm>>
      %dma_wait3A_227 = tpu.memref_squeeze %dma_wait3A_226 : memref<1x64x16xf32, #tpu.memory_space<hbm>> -> memref<64x16xf32, #tpu.memory_space<hbm>>
      %dma_wait3A_228 = arith.constant 0 : i32
      %dma_wait3A_229 = tpu.memref_slice %arg8[%arg0, %mul3A_218, %dma_wait3A_228] : memref<2x1024x16xf32, #tpu.memory_space<hbm>> -> memref<1x64x16xf32, #tpu.memory_space<hbm>>
      %dma_wait3A_230 = tpu.memref_squeeze %dma_wait3A_229 : memref<1x64x16xf32, #tpu.memory_space<hbm>> -> memref<64x16xf32, #tpu.memory_space<hbm>>
      tpu.wait_dma2 semaphore(%run_scoped3A : memref<!tpu.dma_semaphore, #tpu.memory_space<semaphore_mem>>) src(%arg20 : memref<64x16xf32, #tpu.memory_space<vmem>>) dst(%dma_wait3A_230 : memref<64x16xf32, #tpu.memory_space<hbm>>)
      tpu.yield
    }) : () -> ()
    return
  }
}

module attributes {stable_mosaic.version = 14 : i64} {
  func.func @_tc_body(%arg0: i32, %arg1: memref<1000x4x128xf32, #tpu.memory_space<vmem>>, %arg2: memref<128x128xf32, #tpu.memory_space<vmem>>, %arg3: memref<128x32xf32, #tpu.memory_space<vmem>>, %arg4: memref<1x128xf32, #tpu.memory_space<vmem>>, %arg5: memref<1x32xf32, #tpu.memory_space<vmem>>, %arg6: memref<1000x32xf32, #tpu.memory_space<vmem>>, %arg7: memref<1x32xf32, #tpu.memory_space<vmem>>) attributes {dimension_semantics = [#tpu.dimension_semantics<arbitrary>], iteration_bounds = array<i64: 10>, scalar_prefetch = 0 : i64, scratch_operands = 0 : i64, tpu.core_type = #tpu.core_type<tc>, window_params = [{transform_indices = @transform_0, window_bounds = array<i64: 1000, 4, 128>}, {pipeline_mode = #tpu.pipeline_mode<synchronous>, transform_indices = @transform_1, window_bounds = array<i64: 128, 128>}, {pipeline_mode = #tpu.pipeline_mode<synchronous>, transform_indices = @transform_2, window_bounds = array<i64: 128, 32>}, {pipeline_mode = #tpu.pipeline_mode<synchronous>, transform_indices = @transform_3, window_bounds = array<i64: 1, 128>}, {pipeline_mode = #tpu.pipeline_mode<synchronous>, transform_indices = @transform_4, window_bounds = array<i64: 1, 32>}, {transform_indices = @transform_5, window_bounds = array<i64: 1000, 32>}, {pipeline_mode = #tpu.pipeline_mode<synchronous>, transform_indices = @transform_6, window_bounds = array<i64: 1, 32>}]} {
    %get3A = arith.constant 0 : index
    %get3A_0 = arith.constant 0 : index
    %get3A_1 = arith.constant 0 : index
    %get3A_2 = vector.load %arg1[%get3A, %get3A_0, %get3A_1] : memref<1000x4x128xf32, #tpu.memory_space<vmem>>, vector<1000x4x128xf32>
    %reduce_sum3A = arith.constant dense<0.000000e+00> : vector<1000x128xf32>
    %reduce_sum3A_3 = vector.multi_reduction <add>, %get3A_2, %reduce_sum3A [1] : vector<1000x4x128xf32> to vector<1000x128xf32>
    %get3A_4 = arith.constant 0 : index
    %get3A_5 = arith.constant 0 : index
    %get3A_6 = vector.load %arg2[%get3A_4, %get3A_5] : memref<128x128xf32, #tpu.memory_space<vmem>>, vector<128x128xf32>
    %get3A_7 = arith.constant 0 : index
    %get3A_8 = arith.constant 0 : index
    %get3A_9 = vector.load %arg3[%get3A_7, %get3A_8] : memref<128x32xf32, #tpu.memory_space<vmem>>, vector<128x32xf32>
    %dot_general3A = arith.constant dense<0.000000e+00> : vector<128x32xf32>
    %dot_general3A_10 = tpu.matmul %get3A_6, %get3A_9, %dot_general3A {dimension_numbers = #tpu.dot_dimension_numbers<[1], [0], [0], [1], [0, 0, 1, 1], [], []>, precision = #tpu.contract_precision<fp32>, transpose_lhs_hint = false} : vector<128x128xf32>, vector<128x32xf32>, vector<128x32xf32> -> vector<128x32xf32>
    %dot_general3A_11 = arith.constant dense<0.000000e+00> : vector<1000x32xf32>
    %dot_general3A_12 = tpu.matmul %reduce_sum3A_3, %dot_general3A_10, %dot_general3A_11 {dimension_numbers = #tpu.dot_dimension_numbers<[1], [0], [0], [1], [0, 0, 1, 1], [], []>, precision = #tpu.contract_precision<fp32>, transpose_lhs_hint = false} : vector<1000x128xf32>, vector<128x32xf32>, vector<1000x32xf32> -> vector<1000x32xf32>
    %mul3A = arith.constant 2.500000e-01 : f32
    %mul3A_13 = vector.broadcast %mul3A : f32 to vector<1000x32xf32>
    %mul3A_14 = arith.mulf %dot_general3A_12, %mul3A_13 : vector<1000x32xf32>
    %swap3A = arith.constant 0 : index
    %swap3A_15 = arith.constant 0 : index
    %swap3A_16 = vector.load %arg6[%swap3A, %swap3A_15] : memref<1000x32xf32, #tpu.memory_space<vmem>>, vector<1000x32xf32>
    tpu.vector_store %arg6[%swap3A, %swap3A_15], %mul3A_14 {strides = array<i32>} : memref<1000x32xf32, #tpu.memory_space<vmem>>, vector<1000x32xf32>,
    %get3A_17 = arith.constant 0 : index
    %get3A_18 = arith.constant 0 : index
    %get3A_19 = vector.load %arg4[%get3A_17, %get3A_18] : memref<1x128xf32, #tpu.memory_space<vmem>>, vector<1x128xf32>
    %get3A_20 = arith.constant 0 : index
    %get3A_21 = arith.constant 0 : index
    %get3A_22 = vector.load %arg3[%get3A_20, %get3A_21] : memref<128x32xf32, #tpu.memory_space<vmem>>, vector<128x32xf32>
    %dot_general3A_23 = arith.constant dense<0.000000e+00> : vector<1x32xf32>
    %dot_general3A_24 = tpu.matmul %get3A_19, %get3A_22, %dot_general3A_23 {dimension_numbers = #tpu.dot_dimension_numbers<[1], [0], [0], [1], [0, 0, 1, 1], [], []>, transpose_lhs_hint = false} : vector<1x128xf32>, vector<128x32xf32>, vector<1x32xf32> -> vector<1x32xf32>
    %mul3A_25 = arith.constant 1.600000e+01 : f32
    %mul3A_26 = vector.broadcast %mul3A_25 : f32 to vector<1x32xf32>
    %mul3A_27 = arith.mulf %mul3A_26, %dot_general3A_24 : vector<1x32xf32>
    %get3A_28 = arith.constant 0 : index
    %get3A_29 = arith.constant 0 : index
    %get3A_30 = vector.load %arg5[%get3A_28, %get3A_29] : memref<1x32xf32, #tpu.memory_space<vmem>>, vector<1x32xf32>
    %add3A = arith.addf %mul3A_27, %get3A_30 : vector<1x32xf32>
    %swap3A_31 = arith.constant 0 : index
    %swap3A_32 = arith.constant 0 : index
    %swap3A_33 = vector.load %arg7[%swap3A_31, %swap3A_32] : memref<1x32xf32, #tpu.memory_space<vmem>>, vector<1x32xf32>
    tpu.vector_store %arg7[%swap3A_31, %swap3A_32], %add3A {strides = array<i32>} : memref<1x32xf32, #tpu.memory_space<vmem>>, vector<1x32xf32>,
    return
  }
  func.func @transform_0(%arg0: i32) -> (i32, i32, i32) {
    %c0_i32 = arith.constant 0 : i32
    %c0_i32_0 = arith.constant 0 : i32
    %c0_i32_1 = arith.constant 0 : i32
    return %arg0, %c0_i32, %c0_i32_0 : i32, i32, i32
  }
  func.func @transform_1(%arg0: i32) -> (i32, i32) {
    %c0_i32 = arith.constant 0 : i32
    %c0_i32_0 = arith.constant 0 : i32
    %c0_i32_1 = arith.constant 0 : i32
    return %c0_i32, %c0_i32_0 : i32, i32
  }
  func.func @transform_2(%arg0: i32) -> (i32, i32) {
    %c0_i32 = arith.constant 0 : i32
    %c0_i32_0 = arith.constant 0 : i32
    %c0_i32_1 = arith.constant 0 : i32
    return %c0_i32, %c0_i32_0 : i32, i32
  }
  func.func @transform_3(%arg0: i32) -> (i32, i32) {
    %c0_i32 = arith.constant 0 : i32
    %c0_i32_0 = arith.constant 0 : i32
    %c0_i32_1 = arith.constant 0 : i32
    return %c0_i32, %c0_i32_0 : i32, i32
  }
  func.func @transform_4(%arg0: i32) -> (i32, i32) {
    %c0_i32 = arith.constant 0 : i32
    %c0_i32_0 = arith.constant 0 : i32
    %c0_i32_1 = arith.constant 0 : i32
    return %c0_i32, %c0_i32_0 : i32, i32
  }
  func.func @transform_5(%arg0: i32) -> (i32, i32) {
    %c0_i32 = arith.constant 0 : i32
    %c0_i32_0 = arith.constant 0 : i32
    return %arg0, %c0_i32 : i32, i32
  }
  func.func @transform_6(%arg0: i32) -> (i32, i32) {
    %c0_i32 = arith.constant 0 : i32
    %c0_i32_0 = arith.constant 0 : i32
    %c0_i32_1 = arith.constant 0 : i32
    return %c0_i32, %c0_i32_0 : i32, i32
  }
}

</mosaic_0001>

<sc_bundles>
// kernel: kernel.4.cloned.1.call-start
scs
__scs_entry_jumppad:
0x0: {  	(pc) =	sbr.rel $0x88, $3  }
0x1: {  	(tag) =	ssettag $0x0;
	lr =	simm.s32 $0x1  }
0x2: {  	[smem:$0x3F99] =	sst lr;
	_ =	strace $0xD0000000  }
0x3: {  	_ = 	snop  }
0x4: {  	_ = 	snop  }
0x5: {  	_ = 	snop  }
0x6: {  	_ = 	snop  }
0x7: {  	_ = 	snop  }
__scs_overlays_trampoline_lowered:
0x8: {  	[smem:$0x3FA8] =	sst s0  }
0x9: {  	[smem:$0x3FA9] =	sst s1  }
0xa: {  	[smem:$0x3FAA] =	sst s2  }
0xb: {  	[smem:$0x3FAB] =	sst s3  }
0xc: {  	[smem:$0x3FAC] =	sst s4  }
0xd: {  	[smem:$0x3FAD] =	sst s5  }
0xe: {  	[smem:$0x3FAE] =	sst s6  }
0xf: {  	[smem:$0x3FAF] =	sst s7  }
0x10: {  	[smem:$0x3FB0] =	sst s8  }
0x11: {  	[smem:$0x3FB1] =	sst s9;
	s0 =	simm.s32 @!p0 $0x0  }
0x12: {  	s1 =	sld [smem:$0x3F97];
	s0 =	simm.s32 @p0 $0x1  }
0x13: {  	[smem:$0x3FB2] =	sst s0;
	s0 =	simm.s32 @!p1 $0x0  }
0x14: {  	s2 =	sld [smem:$0x3F96];
	s0 =	simm.s32 @p1 $0x1  }
0x15: {  	[smem:$0x3FB3] =	sst s0;
	s0 =	simm.s32 @!p2 $0x0  }
0x16: {  	s3 =	sld [smem:$0x3FDB];
	s0 =	simm.s32 @p2 $0x1  }
0x17: {  	s4 =	simm.s32 $0x1BF5;
	[smem:$0x3FB5] =	sst s0  }
0x18: {  	s0 =	sld [smem:$0x3F98];
	_ =	swait.ge [sflag:s4], $0x0  }
0x19: {  	s7 =	sld [smem:$0x3F99]  }
0x1a: {  	s8 =	sadd.s32 $0xFFFFE003, lr  }
0x1b: {  	s9 =	sadd.s32 $0xFFFFFEF7, lr;
	s5 =	simm.s32 $0xFFFFFFFF;
	p2 =	slt.u32 s8, $0xFFFFF086  }
0x1c: {  	p1 =	slt.u32 s9, $0xF7A;
	s5 =	simm.s32 @!p2 $0x0  }
0x1d: {  	s5 =	simm.s32 @p1 $0x1;
	p0 =	seq.s32 s7, s2  }
0x1e: {  	s7 =	smul.u32 @!p0 $0xF7A, s2;
	p2 =	seq.s32 @!p0 s5, $0x0  }
0x1f: {  	s9 =	smul.u32 $0xF7A, s1;
	s8 =	simm.s32 @!p0 $0x1BF5;
	p2 =	por !p2, p0  }
0x20: {  	[sflag:s8] =	ssyncset.s32 @!p0 $0xFFFFF086;
	s6 =	sadd.s32 @!p0 s3, s7;
	s7 =	simm.s32 @!p0 $0x108  }
0x21: {  	s3 =	sadd.s32 s3, s9;
	s6 =	sadd.s32 @!p0 $0x88, s6;
	s7 =	simm.s32 @p2 $0x1082  }
0x22: {  	[simem:s7], [sflag:s8] =	dma.local @!p0 [hbm:s6], $0xF7A  }
0x23: {  	s9 =	sor.u32 $0xD0000000, s2;
	s6 =	simm.s32 $0x108;
	_ =	swait.ge @!p0 [sflag:s8], $0x0  }
0x24: {  	s3 =	sadd.s32 $0x88, s3;
	s6 =	simm.s32 @!p1 $0x1082;
	[sflag:s4] =	ssyncset.s32 $0xFFFFF086  }
0x25: {  	[simem:s6], [sflag:s4] =	dma.local [hbm:s3], $0xF7A  }
0x26: {  	[smem:$0x3F99] =	sst s1;
	(tag) =	ssettag s2;
	_ =	strace s9  }
0x27: {  	s1 =	sld [smem:$0x3FA9]  }
0x28: {  	s2 =	sld [smem:$0x3FAA]  }
0x29: {  	s4 =	sld [smem:$0x3FAC]  }
0x2a: {  	p0 =	seq.s32 s5, $0x0;
	s5 =	sld [smem:$0x3FAD]  }
0x2b: {  	s6 =	sld [smem:$0x3FAE]  }
0x2c: {  	s7 =	sld [smem:$0x3FAF]  }
0x2d: {  	s3 =	simm.s32 $0x108;
	s8 =	sld [smem:$0x3FB0]  }
0x2e: {  	s3 =	simm.s32 @!p0 $0x1082;
	s9 =	sld [smem:$0x3FB1]  }
0x2f: {  	lr =	sadd.s32 s0, s3;
	s0 =	sld [smem:$0x3FA8]  }
0x30: {  	s3 =	sld [smem:$0x3FAB]  }
0x31: {  	[smem:$0x3FB4] =	sst s10  }
0x32: {  	s10 =	sld [smem:$0x3FB2];
	_ =	sdelay $0x3  }
0x33: {  	p0 =	seq.s32 s10, $0x1;
	s10 =	sld [smem:$0x3FB4];
	_ =	sdelay $0x3  }
0x34: {  	[smem:$0x3FB4] =	sst s10  }
0x35: {  	s10 =	sld [smem:$0x3FB3];
	_ =	sdelay $0x3  }
0x36: {  	p1 =	seq.s32 s10, $0x1;
	s10 =	sld [smem:$0x3FB4];
	_ =	sdelay $0x3  }
0x37: {  	[smem:$0x3FB4] =	sst s10  }
0x38: {  	s10 =	sld [smem:$0x3FB5]  }
0x39: {  	_ = 	snop;
	(pc) =	sbr.ind lr, $3  }
0x3a: {  	_ = 	snop  }
0x3b: {  	_ = 	snop  }
0x3c: {  	p2 =	seq.s32 s10, $0x1;
	s10 =	sld [smem:$0x3FB4]  }
0x3d: {  	_ =	shalt  }
0x3e: {  	_ =	shalt  }
0x3f: {  	_ =	shalt  }
0x40: {  	_ =	shalt  }
0x41: {  	_ =	shalt  }
0x42: {  	_ =	shalt  }
0x43: {  	_ =	shalt  }
0x44: {  	_ =	shalt  }
0x45: {  	_ =	shalt  }
0x46: {  	_ =	shalt  }
0x47: {  	_ =	shalt  }
0x48: {  	_ =	shalt  }
0x49: {  	_ =	shalt  }
0x4a: {  	_ =	shalt  }
0x4b: {  	_ =	shalt  }
0x4c: {  	_ =	shalt  }
0x4d: {  	_ =	shalt  }
0x4e: {  	_ =	shalt  }
0x4f: {  	_ =	shalt  }
0x50: {  	_ =	shalt  }
0x51: {  	_ =	shalt  }
0x52: {  	_ =	shalt  }
0x53: {  	_ =	shalt  }
0x54: {  	_ =	shalt  }
0x55: {  	_ =	shalt  }
0x56: {  	_ =	shalt  }
0x57: {  	_ =	shalt  }
0x58: {  	_ =	shalt  }
0x59: {  	_ =	shalt  }
0x5a: {  	_ =	shalt  }
0x5b: {  	_ =	shalt  }
0x5c: {  	_ =	shalt  }
0x5d: {  	_ =	shalt  }
0x5e: {  	_ =	shalt  }
0x5f: {  	_ =	shalt  }
0x60: {  	_ =	shalt  }
0x61: {  	_ =	shalt  }
0x62: {  	_ =	shalt  }
0x63: {  	_ =	shalt  }
0x64: {  	_ =	shalt  }
0x65: {  	_ =	shalt  }
0x66: {  	_ =	shalt  }
0x67: {  	_ =	shalt  }
0x68: {  	_ =	shalt  }
0x69: {  	_ =	shalt  }
0x6a: {  	_ =	shalt  }
0x6b: {  	_ =	shalt  }
0x6c: {  	_ =	shalt  }
0x6d: {  	_ =	shalt  }
0x6e: {  	_ =	shalt  }
0x6f: {  	_ =	shalt  }
0x70: {  	_ =	shalt  }
0x71: {  	_ =	shalt  }
0x72: {  	_ =	shalt  }
0x73: {  	_ =	shalt  }
0x74: {  	_ =	shalt  }
0x75: {  	_ =	shalt  }
0x76: {  	_ =	shalt  }
0x77: {  	_ =	shalt  }
0x78: {  	_ =	shalt  }
0x79: {  	_ =	shalt  }
0x7a: {  	_ =	shalt  }
0x7b: {  	_ =	shalt  }
0x7c: {  	_ =	shalt  }
0x7d: {  	_ =	shalt  }
0x7e: {  	_ =	shalt  }
0x7f: {  	_ =	shalt  }
0x80: {  	_ =	shalt  }
0x81: {  	_ =	shalt  }
0x82: {  	_ =	shalt  }
0x83: {  	_ =	shalt  }
0x84: {  	_ =	shalt  }
0x85: {  	_ =	shalt  }
0x86: {  	_ =	shalt  }
0x87: {  	_ =	shalt  }
.Lfunc_end0:
.L_simem_size_0:
called_computation_lowered:
.L_overlay_start_0:
0x88: {  	s2 =	sld [smem:$0x3FD9]  }
0x89: {  	s3 =	sld [smem:$0x3FFE];
	_ =	sdelay $0x1  }
0x8a: {  	s1 =	srdreg.scid  }
0x8b: {  	s0 =	sand.u32 $0x1, s1  }
0x8c: {  	s17 =	sshll.u32 s0, $0xA;
	s2 =	sadd.s32 s3, s2  }
0x8d: {  	s2 =	sadd.s32 s2, s17  }
0x8e: {  	[smem:$0x3FC0] =	sst s2  }
0x8f: {  	_ = 	snop  }
0x90: {  	s2 =	sld [smem:$0x3FD0];
	(tm) =	ssettm $0x1  }
0x91: {  	s18 =	sld [smem:$0x3FFB];
	_ =	sdelay $0x3  }
0x92: {  	_ =	strace s18  }
0x93: {  	s3 =	sld [smem:$0x3FFC];
	_ =	sdelay $0x3  }
0x94: {  	_ =	strace s3  }
0x95: {  	s3 =	sld [smem:$0x3FFD];
	_ =	sdelay $0x3  }
0x96: {  	_ =	strace s3  }
0x97: {  	_ =	strace $0x8FFFFFFF  }
0x98: {  	s19 =	sld [smem:$0x3FDB];
	_ =	sdelay $0x1  }
0x99: {  	s4 =	simm.s32 $_scs_section_size  }
0x9a: {  	s5 =	simm.s32 $_size__tile_overlayer_lowered;
	s6 =	simm.s32 $_tile_overlayer_lowered  }
0x9b: {  	s22 =	simm.s32 $0x1BFF;
	s21 =	sshll.u32 s6, $0x1;
	s3 =	sadd.s32 s4, s19  }
0x9c: {  	s7 =	simm.s32 $0x0;
	s20 =	sshll.u32 s5, $0x1;
	s5 =	sadd.s32 s21, s3  }
0x9d: {  	[timem:s7], [sflag:s22] =	dma.local [hbm:s5], s20  }
0x9e: {  	_ =	swait.ge [sflag:s22], s20  }
0x9f: {  	s4 =	ssub.s32 $0x0, s20;
	[sflag:s22] =	ssyncset.done $0x0  }
0xa0: {  	[sflag:s22] =	ssyncadd.s32 s4;
	_ =	sdelay $0x1  }
0xa1: {  	s23 =	simm.s32 $0x1B8B  }
0xa2: {  	_ =	swait.ge [sflag:s23], $0x1  }
0xa3: {  	[sflag:s23] =	ssyncset.done $0x0  }
0xa4: {  	s25 =	simm.s32 $0x1B8E;
	s24 =	sld [smem:$0x3FFE];
	[sflag:s23] =	ssyncadd.s32 $0xFFFFFFFF  }
0xa5: {  	s26 =	simm.s32 $execute0_lowered;
	[smem:$0x3FD2] =	sst s25  }
0xa6: {  	s5 =	sshll.u32 s26, $0x1;
	_ =	strace $0x80000046;
	[dreg:$0x1] =	wrdreg $0xFFFFFFFF  }
0xa7: {  	s28 =	simm.s32 $_size_execute0_lowered;
	s3 =	sadd.s32 s3, s5;
	[dreg:$0x0] =	wrdreg $0x0  }
0xa8: {  	s5 =	sshll.u32 s28, $0x1;
	[dreg:$0x2] =	wrdreg s3  }
0xa9: {  	[dreg:$0x3] =	wrdreg s5  }
0xaa: {  	[dreg:$0x4] =	wrdreg $0xC0  }
0xab: {  	_ =	task [dreg:s7], $0x5FFFF  }
0xac: {  	[dreg:$0x1] =	wrdreg $0xFFFFFFFF  }
0xad: {  	[dreg:$0x0] =	wrdreg $0x60  }
0xae: {  	[dreg:$0x2] =	wrdreg s24  }
0xaf: {  	[dreg:$0x3] =	wrdreg s2  }
0xb0: {  	[dreg:$0x4] =	wrdreg $0x178100  }
0xb1: {  	[dreg:$0x5] =	wrdreg $0x9  }
0xb2: {  	_ =	task.clear_ibuf [dreg:s7], $0x6FFFF;
	_ =	strace $0x90000046  }
0xb3: {  	s29 =	simm.s32 $0x9;
	_ =	strace $0x80000048  }
0xb4: {  	_ =	swait.ge [sflag:s29], $0x1  }
0xb5: {  	[sflag:s29] =	ssyncadd.s32 $0xFFFFFFFF  }
0xb6: {  	_ =	strace $0x90000048  }
0xb7: {  	_ =	sfence  }
0xb8: {  	s30 =	sld [smem:$0x0];
	_ =	sdelay $0x2  }
0xb9: {  	s31 =	sshll.u32 s1, $0xD;
	s1 =	sshrl.u32 s1, $0x2  }
0xba: {  	s3 =	sand.u32 $0x4000, s31;
	s1 =	sadd.s32 s1, s30  }
0xbb: {  	s0 =	sor.u32 s3, s0;
	s1 =	sshll.u32 s1, $0x11  }
0xbc: {  	s0 =	sor.u32 s1, s0  }
0xbd: {  	s0 =	sadd.s32 $0x8F2B, s0  }
0xbe: {  	[sflag:s0] =	ssyncadd.remote.s32 $0x1  }
0xbf: {  	_ =	sfence.sel $0xFFFF  }
0xc0: {  	[dreg:$0x0] =	wrdreg $0xFFFFFFFF;
	(pc) =	sbr.abs _section_cstart, $3  }
0xc1: {  	[dreg:$0x1] =	wrdreg $0xFFFFFFFF  }
0xc2: {  	_ =	task.clear_ibuf [dreg:s7], $0x2FFFF;
	_ =	strace $0x9FFFFFFF  }
0xc3: {  	(tm) =	ssettm $0x7FFFFFFF  }
tec
execute0_lowered:
.L_overlay_start_1:
0x0: {  	(tag) =	ssettag $0x1  }
0x1: {  	s0 =	rddreg [dreg:$0x0];
	s15 =	stileid.u32  }
0x2: {  	s1 =	rddreg [dreg:$0x1];
	s3 =	smul.u32 $0x9C4, s15  }
0x3: {  	s2 =	rddreg [dreg:$0x2];
	s4 =	simm.s32 $0x0;
	s11 =	smul.u32 $0xA000, s15  }
0x4: {  	s7 =	srdreg.scid;
	s29 =	simm.s32 $0x80;
	s14 =	smul.u32 $0x13880, s15  }
0x5: {  	[smem:$0x7FF] =	sst s4;
	s4 =	sadd.s32 $0xB600, s0;
	s19 =	smul.u32 $0x5000, s15  }
0x6: {  	s6 =	sadd.s32 $0x1F600, s0;
	s5 =	sadd.s32 $0x29600, s0;
	s23 =	smul.u32 $0xA0, s15  }
0x7: {  	s8 =	sshll.u32 s15, $0x7;
	s9 =	sand.u32 $0x1, s7;
	s25 =	smul.u32 $0xA00, s15  }
0x8: {  	_ =	strace $0x80000047;
	s10 =	sadd.s32 s8, s0;
	s7 =	ssub.s32 $0x2, s9  }
0x9: {  	s12 =	sshll.u32 s9, $0x1;
	s31 =	smul.u32 $0x50000, s9;
	s26 =	sshll.u32 s9, $0xB  }
0xa: {  	s1 =	sadd.s32 s1, s8;
	[dreg:$0x10] =	wrdreg s5;
	s8 =	simm.s32 $0x3  }
0xb: {  	[dreg:$0x11] =	wrdreg s6;
	s3 =	sadd.s32 s3, s0;
	s13 =	sshrl.u32 s7, $0x1  }
0xc: {  	s0 =	sadd.s32 s12, s0;
	s22 =	sadd.s32 $0xAE00, s10;
	[dreg:$0x9] =	wrdreg s23  }
0xd: {  	s11 =	sshrl.u32 s11, $0x2;
	s28 =	sadd.s32 $0x20, s23;
	[dreg:$0x8] =	wrdreg s22  }
0xe: {  	s18 =	sshrl.u32 s14, $0x2;
	s24 =	sshrl.u32 s19, $0x3;
	[dreg:$0xd] =	wrdreg s28  }
0xf: {  	s14 =	simm.s32 $0x6;
	s11 =	sadd.s32 s11, s2;
	[dreg:$0x12] =	wrdreg s31  }
0x10: {  	s17 =	ssub.s32 s7, s13;
	s3 =	sadd.s32 $0x1000, s3;
	[dreg:$0x4] =	wrdreg s11  }
0x11: {  	s20 =	sadd.s32 s18, s2;
	s0 =	sadd.s32 $0xE00, s0;
	[dreg:$0x5] =	wrdreg s3  }
0x12: {  	s21 =	sadd.s32 s19, s31;
	s3 =	sadd.s32 $0x28000, s20;
	[dreg:$0x7] =	wrdreg s0  }
0x13: {  	v0 =	vimm.f32 $0.0e+00;
	v1 =	vimm.s32 $0x0;
	s0 =	sshrl.u32 s21, $0x3;
	s30 =	smax.u32 s17, $0x1;
	[dreg:$0x6] =	wrdreg s3  }
0x14: {  	v2 =	vimm.s32 $0x1;
	v3 =	vimm.s32 $0x2;
	v4 =	vimm.s32 $0x3;
	s23 =	simm.s32 $0x13000;
	s0 =	sadd.s32 s4, s0;
	[dreg:$0xf] =	wrdreg s30  }
0x15: {  	v5 =	vimm.s32 $0x4;
	v6 =	vimm.s32 $0x5;
	v7 =	vimm.s32 $0x6;
	s19 =	simm.s32 $0xB000;
	s3 =	sadd.s32 s5, s25;
	[dreg:$0xa] =	wrdreg s0  }
0x16: {  	v8 =	vimm.s32 $0x7;
	v9 =	vimm.s32 $0x8;
	v10 =	vimm.s32 $0x9;
	s22 =	simm.s32 $0x5;
	s0 =	sadd.s32 s6, s24;
	[dreg:$0xc] =	wrdreg s3  }
0x17: {  	v11 =	vimm.s32 $0xA;
	v12 =	vimm.s32 $0xB;
	v13 =	vimm.s32 $0xC;
	s25 =	simm.s32 $0x2;
	[dreg:$0xb] =	wrdreg s0;
	s0 =	sadd.s32 s26, s1  }
0x18: {  	v14 =	vimm.s32 $0xD;
	v15 =	vimm.s32 $0xE;
	v16 =	vimm.s32 $0xF;
	s1 =	simm.s32 $0x4;
	[dreg:$0xe] =	wrdreg s0;
	s0 =	simm.s32 $0x0  }
.LBB2_1:
0x19: {  	s7 =	smov.u32 s4  }
0x1a: {  	[dreg:$0x13] =	wrdreg s0;
	s10 =	simm.s32 $0x40;
	s12 =	simm.s32 $0x0  }
.LBB2_2:
0x1b: {  	p0 =	sne.s32 s10, $0x9FC0;
	[tilespmem:s12+$0x1800] =	vst v0;
	s12 =	smov.u32 s10;
	s10 =	sadd.s32 $0x40, s10  }
.Ltmp0:
0x1c: {  	(pc) =	sbr.rel @p0 .LBB2_2-.Ltmp0, $2  }
0x1d: {  	_ =	sdelay $0x2  }
0x1e: {  	s12 =	sshra.s32 s12, $0x2  }
0x1f: {  	[tilespmem:s12+$0x1800] =	vst v0;
	s10 =	rddreg [dreg:$0x4];
	s13 =	simm.s32 $0x1800  }
0x20: {  	[spmem:s10] =	stream.linear.scatter [tilespmem:s13], [sflag:$0x6], $0x2800, $0x38;
	[tilespmem:$0x1EE30] =	vst v63  }
0x21: {  	_ =	swait.ge [sflag:s14], $0x2800  }
0x22: {  	[sflag:s14] =	ssyncset.done $0x0  }
0x23: {  	s0 =	simm.s32 $0x0;
	s15 =	rddreg [dreg:$0x5];
	[sflag:s14] =	ssyncadd.s32 $0xFFFFD800  }
0x24: {  	[tilespmem:s19], [sflag:$0x6] =	stream.linear.gather [hbm4b:s15+s0], $0x4E20, $0x38;
	[tilespmem:$0x1EE30] =	vst v63  }
0x25: {  	_ =	swait.ge [sflag:s14], $0x4E20  }
0x26: {  	[sflag:s14] =	ssyncset.done $0x0  }
0x27: {  	s16 =	rddreg [dreg:$0x6];
	[sflag:s14] =	ssyncadd.s32 $0xFFFFB1E0  }
0x28: {  	[spmem:s16] =	stream.linear.scatter [tilespmem:s19], [sflag:$0x6], $0x4E20, $0x38;
	[tilespmem:$0x1EE30] =	vst v63  }
0x29: {  	_ =	swait.ge [sflag:s14], $0x4E20  }
0x2a: {  	[sflag:s14] =	ssyncset.done $0x0  }
0x2b: {  	s16 =	simm.s32 $0x17400;
	s17 =	rddreg [dreg:$0x7];
	[sflag:s14] =	ssyncadd.s32 $0xFFFFB1E0  }
0x2c: {  	[tilespmem:s16], [sflag:$0x6] =	stream.linear.gather [hbm4b:s17+s0], $0x10, $0x38;
	[tilespmem:$0x1EE30] =	vst v63  }
0x2d: {  	_ =	swait.ge [sflag:s14], $0x10  }
0x2e: {  	[sflag:s14] =	ssyncset.done $0x0  }
0x2f: {  	s18 =	rddreg [dreg:$0x8];
	[sflag:s14] =	ssyncadd.s32 $0xFFFFFFF0  }
0x30: {  	[tilespmem:s23], [sflag:$0x6] =	stream.linear.gather [hbm4b:s18+s0], $0x400, $0x38;
	[tilespmem:$0x1EE30] =	vst v63  }
0x31: {  	_ =	swait.ge [sflag:s14], $0x400  }
0x32: {  	[sflag:s14] =	ssyncset.done $0x0  }
0x33: {  	[sflag:s14] =	ssyncadd.s32 $0xFFFFFC00  }
0x34: {  	[bflag:$0x0] =	sbarrier.arrive $0xFFFF  }
0x35: {  	s19 =	rddreg [dreg:$0xa]  }
0x36: {  	[tilespmem:s0], [sflag:$0x1] =	stream.linear.gather [hbm4b:s19+s0], $0x800, $0x38;
	[tilespmem:$0x1EE30] =	vst v63  }
0x37: {  	s21 =	simm.s32 $0x800;
	s20 =	rddreg [dreg:$0xb]  }
0x38: {  	[tilespmem:s21], [sflag:$0x1] =	stream.linear.gather [hbm4b:s20+s0], $0x800, $0x38;
	[tilespmem:$0x1EE30] =	vst v63  }
0x39: {  	s24 =	simm.s32 $0x1000;
	s26 =	simm.s32 $0x1;
	s23 =	rddreg [dreg:$0xc]  }
0x3a: {  	[tilespmem:s24], [sflag:$0x1] =	stream.linear.gather [hbm4b:s23+s0], $0x800, $0x38;
	[tilespmem:$0x1EE30] =	vst v63  }
0x3b: {  	s30 =	simm.s32 $0xC000;
	s3 =	simm.s32 $0xD000;
	_ =	swait.ge [sflag:s26], $0x800  }
0x3c: {  	s9 =	simm.s32 $0xE800;
	s11 =	simm.s32 $0xF000;
	[sflag:s26] =	ssyncset.done $0x0  }
0x3d: {  	s4 =	simm.s32 $0x11800;
	s28 =	simm.s32 $0x12000;
	[sflag:s26] =	ssyncadd.s32 $0xFFFFF800  }
0x3e: {  	s5 =	simm.s32 $0x12800;
	s13 =	simm.s32 $0xA000;
	_ =	swait.ge [sflag:s26], $0x800  }
0x3f: {  	s15 =	simm.s32 $0x10000;
	s16 =	simm.s32 $0x0;
	[sflag:s26] =	ssyncset.done $0x0  }
0x40: {  	s17 =	simm.s32 $0xB800;
	s18 =	simm.s32 $0x10800;
	[sflag:s26] =	ssyncadd.s32 $0xFFFFF800  }
0x41: {  	s20 =	simm.s32 $0xE000;
	s21 =	simm.s32 $0x11000;
	_ =	swait.ge [sflag:s26], $0x800  }
0x42: {  	s0 =	simm.s32 $0xC800;
	s24 =	simm.s32 $0xF800;
	[sflag:s26] =	ssyncset.done $0x0  }
0x43: {  	s12 =	rddreg [dreg:$0x10];
	[sflag:s26] =	ssyncadd.s32 $0xFFFFF800;
	s26 =	simm.s32 $0xD800  }
.LBB2_4:
0x44: {  	s10 =	simm.s32 $0x1800;
	s19 =	simm.s32 $0x0  }
0x45: {  	[tilespmem:s10], [sflag:$0x2] =	stream.indirect.gather [spmem:s2], $0x10, s19, s29, $0xb8;
	[tilespmem:$0x1EE30] =	vst v63  }
0x46: {  	s14 =	simm.s32 $0x2000  }
0x47: {  	[tilespmem:s14], [sflag:$0x2] =	stream.indirect.gather [spmem:s2], $0x10, s29, s29, $0xb8;
	[tilespmem:$0x1EE30] =	vst v63  }
0x48: {  	s23 =	simm.s32 $0x100;
	s14 =	simm.s32 $0x2800  }
0x49: {  	[tilespmem:s14], [sflag:$0x2] =	stream.indirect.gather [spmem:s2], $0x10, s23, s29, $0xb8;
	[tilespmem:$0x1EE30] =	vst v63  }
0x4a: {  	s14 =	simm.s32 $0x180;
	s23 =	simm.s32 $0x3000  }
0x4b: {  	[tilespmem:s23], [sflag:$0x2] =	stream.indirect.gather [spmem:s2], $0x10, s14, s29, $0xb8;
	[tilespmem:$0x1EE30] =	vst v63  }
0x4c: {  	s14 =	simm.s32 $0x200;
	s23 =	simm.s32 $0x3800  }
0x4d: {  	[tilespmem:s23], [sflag:$0x2] =	stream.indirect.gather [spmem:s2], $0x10, s14, s29, $0xb8;
	[tilespmem:$0x1EE30] =	vst v63  }
0x4e: {  	s14 =	simm.s32 $0x280;
	s23 =	simm.s32 $0x4000  }
0x4f: {  	[tilespmem:s23], [sflag:$0x2] =	stream.indirect.gather [spmem:s2], $0x10, s14, s29, $0xb8;
	[tilespmem:$0x1EE30] =	vst v63  }
0x50: {  	s14 =	simm.s32 $0x300;
	s23 =	simm.s32 $0x4800  }
0x51: {  	[tilespmem:s23], [sflag:$0x2] =	stream.indirect.gather [spmem:s2], $0x10, s14, s29, $0xb8;
	[tilespmem:$0x1EE30] =	vst v63  }
0x52: {  	s14 =	simm.s32 $0x380;
	s23 =	simm.s32 $0x5000  }
0x53: {  	[tilespmem:s23], [sflag:$0x2] =	stream.indirect.gather [spmem:s2], $0x10, s14, s29, $0xb8;
	[tilespmem:$0x1EE30] =	vst v63  }
0x54: {  	s14 =	simm.s32 $0x400;
	s23 =	simm.s32 $0x5800  }
0x55: {  	[tilespmem:s23], [sflag:$0x2] =	stream.indirect.gather [spmem:s2], $0x10, s14, s29, $0xb8;
	[tilespmem:$0x1EE30] =	vst v63  }
0x56: {  	s14 =	simm.s32 $0x480;
	s23 =	simm.s32 $0x6000  }
0x57: {  	[tilespmem:s23], [sflag:$0x2] =	stream.indirect.gather [spmem:s2], $0x10, s14, s29, $0xb8;
	[tilespmem:$0x1EE30] =	vst v63  }
0x58: {  	s14 =	simm.s32 $0x500;
	s23 =	simm.s32 $0x6800  }
0x59: {  	[tilespmem:s23], [sflag:$0x2] =	stream.indirect.gather [spmem:s2], $0x10, s14, s29, $0xb8;
	[tilespmem:$0x1EE30] =	vst v63  }
0x5a: {  	s14 =	simm.s32 $0x580;
	s23 =	simm.s32 $0x7000  }
0x5b: {  	[tilespmem:s23], [sflag:$0x2] =	stream.indirect.gather [spmem:s2], $0x10, s14, s29, $0xb8;
	[tilespmem:$0x1EE30] =	vst v63  }
0x5c: {  	s14 =	simm.s32 $0x600;
	s23 =	simm.s32 $0x7800  }
0x5d: {  	[tilespmem:s23], [sflag:$0x2] =	stream.indirect.gather [spmem:s2], $0x10, s14, s29, $0xb8;
	[tilespmem:$0x1EE30] =	vst v63  }
0x5e: {  	s14 =	simm.s32 $0x680;
	s23 =	simm.s32 $0x8000  }
0x5f: {  	[tilespmem:s23], [sflag:$0x2] =	stream.indirect.gather [spmem:s2], $0x10, s14, s29, $0xb8;
	[tilespmem:$0x1EE30] =	vst v63  }
0x60: {  	s14 =	simm.s32 $0x700;
	s23 =	simm.s32 $0x8800  }
0x61: {  	[tilespmem:s23], [sflag:$0x2] =	stream.indirect.gather [spmem:s2], $0x10, s14, s29, $0xb8;
	[tilespmem:$0x1EE30] =	vst v63  }
0x62: {  	s10 =	simm.s32 $0x780;
	s14 =	simm.s32 $0x9000  }
0x63: {  	[tilespmem:s14], [sflag:$0x2] =	stream.indirect.gather [spmem:s2], $0x10, s10, s29, $0xb8;
	[tilespmem:$0x1EE30] =	vst v63  }
0x64: {  	s23 =	smov.u32 s7;
	s7 =	sshll.u32 s16, $0x5;
	s14 =	rddreg [dreg:$0x9]  }
0x65: {  	s10 =	sadd.s32 s7, s14  }
0x66: {  	s10 =	sadd.s32 $0x10, s10  }
0x67: {  	s14 =	sshll.u32 s10, $0x7  }
0x68: {  	s14 =	sadd.s32 s31, s14  }
0x69: {  	s10 =	sshll.u32 s10, $0x4;
	s14 =	sshrl.u32 s14, $0x3  }
0x6a: {  	s31 =	smov.u32 s23;
	s14 =	sadd.s32 s23, s14;
	s23 =	simm.s32 $0x9800  }
0x6b: {  	[tilespmem:s23], [sflag:$0x1] =	stream.linear.gather [hbm4b:s14+s19], $0x800, $0x38;
	[tilespmem:$0x1EE30] =	vst v63  }
0x6c: {  	s6 =	sadd.s32 s6, s10  }
0x6d: {  	[tilespmem:s13], [sflag:$0x1] =	stream.linear.gather [hbm4b:s6+s19], $0x800, $0x38;
	[tilespmem:$0x1EE30] =	vst v63  }
0x6e: {  	s10 =	sadd.s32 s12, s10;
	s12 =	simm.s32 $0xA800;
	s13 =	simm.s32 $0x1  }
0x6f: {  	[tilespmem:s12], [sflag:$0x1] =	stream.linear.gather [hbm4b:s10+s19], $0x800, $0x38;
	[tilespmem:$0x1EE30] =	vst v63  }
0x70: {  	_ =	swait.ge [sflag:s13], $0x800  }
0x71: {  	[sflag:s13] =	ssyncset.done $0x0  }
0x72: {  	[sflag:s13] =	ssyncadd.s32 $0xFFFFF800  }
0x73: {  	_ =	swait.ge [sflag:s13], $0x800  }
0x74: {  	[sflag:s13] =	ssyncset.done $0x0  }
0x75: {  	[sflag:s13] =	ssyncadd.s32 $0xFFFFF800  }
0x76: {  	_ =	swait.ge [sflag:s13], $0x800  }
0x77: {  	[sflag:s13] =	ssyncset.done $0x0  }
0x78: {  	[sflag:s13] =	ssyncadd.s32 $0xFFFFF800  }
0x79: {  	_ =	swait.ge [sflag:s25], $0x800  }
0x7a: {  	[sflag:s25] =	ssyncset.done $0x0  }
0x7b: {  	[sflag:s25] =	ssyncadd.s32 $0xFFFFF800  }
0x7c: {  	_ =	swait.ge [sflag:s25], $0x800  }
0x7d: {  	[sflag:s25] =	ssyncset.done $0x0  }
0x7e: {  	[sflag:s25] =	ssyncadd.s32 $0xFFFFF800  }
0x7f: {  	_ =	swait.ge [sflag:s25], $0x800  }
0x80: {  	[sflag:s25] =	ssyncset.done $0x0  }
0x81: {  	[sflag:s25] =	ssyncadd.s32 $0xFFFFF800  }
0x82: {  	_ =	swait.ge [sflag:s25], $0x800  }
0x83: {  	[sflag:s25] =	ssyncset.done $0x0  }
0x84: {  	[sflag:s25] =	ssyncadd.s32 $0xFFFFF800  }
0x85: {  	_ =	swait.ge [sflag:s25], $0x800  }
0x86: {  	[sflag:s25] =	ssyncset.done $0x0  }
0x87: {  	[sflag:s25] =	ssyncadd.s32 $0xFFFFF800  }
0x88: {  	_ =	swait.ge [sflag:s25], $0x800  }
0x89: {  	[sflag:s25] =	ssyncset.done $0x0  }
0x8a: {  	[sflag:s25] =	ssyncadd.s32 $0xFFFFF800  }
0x8b: {  	_ =	swait.ge [sflag:s25], $0x800  }
0x8c: {  	[sflag:s25] =	ssyncset.done $0x0  }
0x8d: {  	[sflag:s25] =	ssyncadd.s32 $0xFFFFF800  }
0x8e: {  	_ =	swait.ge [sflag:s25], $0x800  }
0x8f: {  	[sflag:s25] =	ssyncset.done $0x0  }
0x90: {  	[sflag:s25] =	ssyncadd.s32 $0xFFFFF800  }
0x91: {  	_ =	swait.ge [sflag:s25], $0x800  }
0x92: {  	[sflag:s25] =	ssyncset.done $0x0  }
0x93: {  	[sflag:s25] =	ssyncadd.s32 $0xFFFFF800  }
0x94: {  	_ =	swait.ge [sflag:s25], $0x800  }
0x95: {  	[sflag:s25] =	ssyncset.done $0x0  }
0x96: {  	[sflag:s25] =	ssyncadd.s32 $0xFFFFF800  }
0x97: {  	_ =	swait.ge [sflag:s25], $0x800  }
0x98: {  	[sflag:s25] =	ssyncset.done $0x0  }
0x99: {  	[sflag:s25] =	ssyncadd.s32 $0xFFFFF800  }
0x9a: {  	_ =	swait.ge [sflag:s25], $0x800  }
0x9b: {  	[sflag:s25] =	ssyncset.done $0x0  }
0x9c: {  	[sflag:s25] =	ssyncadd.s32 $0xFFFFF800  }
0x9d: {  	_ =	swait.ge [sflag:s25], $0x800  }
0x9e: {  	[sflag:s25] =	ssyncset.done $0x0  }
0x9f: {  	[sflag:s25] =	ssyncadd.s32 $0xFFFFF800  }
0xa0: {  	_ =	swait.ge [sflag:s25], $0x800  }
0xa1: {  	[sflag:s25] =	ssyncset.done $0x0  }
0xa2: {  	[sflag:s25] =	ssyncadd.s32 $0xFFFFF800  }
0xa3: {  	_ =	swait.ge [sflag:s25], $0x800  }
0xa4: {  	[sflag:s25] =	ssyncset.done $0x0  }
0xa5: {  	[sflag:s25] =	ssyncadd.s32 $0xFFFFF800  }
0xa6: {  	_ =	swait.ge [sflag:s25], $0x800  }
0xa7: {  	[sflag:s25] =	ssyncset.done $0x0  }
0xa8: {  	s14 =	simm.s32 $0xB000;
	[sflag:s25] =	ssyncadd.s32 $0xFFFFF800  }
0xa9: {  	[tilespmem:s14], [sflag:$0x4] =	stream.indirect.gather [spmem:s2], $0x10, s23, s29, $0xb8;
	[tilespmem:$0x1EE30] =	vst v63  }
0xaa: {  	s19 =	simm.s32 $0x9880  }
0xab: {  	[tilespmem:s17], [sflag:$0x4] =	stream.indirect.gather [spmem:s2], $0x10, s19, s29, $0xb8;
	[tilespmem:$0x1EE30] =	vst v63  }
0xac: {  	s23 =	simm.s32 $0x9900  }
0xad: {  	[tilespmem:s30], [sflag:$0x4] =	stream.indirect.gather [spmem:s2], $0x10, s23, s29, $0xb8;
	[tilespmem:$0x1EE30] =	vst v63  }
0xae: {  	s30 =	simm.s32 $0x9980  }
0xaf: {  	[tilespmem:s0], [sflag:$0x4] =	stream.indirect.gather [spmem:s2], $0x10, s30, s29, $0xb8;
	[tilespmem:$0x1EE30] =	vst v63  }
0xb0: {  	s6 =	simm.s32 $0x9A00  }
0xb1: {  	[tilespmem:s3], [sflag:$0x4] =	stream.indirect.gather [spmem:s2], $0x10, s6, s29, $0xb8;
	[tilespmem:$0x1EE30] =	vst v63  }
0xb2: {  	s10 =	simm.s32 $0x9A80  }
0xb3: {  	[tilespmem:s26], [sflag:$0x4] =	stream.indirect.gather [spmem:s2], $0x10, s10, s29, $0xb8;
	[tilespmem:$0x1EE30] =	vst v63  }
0xb4: {  	s12 =	simm.s32 $0x9B00  }
0xb5: {  	[tilespmem:s20], [sflag:$0x4] =	stream.indirect.gather [spmem:s2], $0x10, s12, s29, $0xb8;
	[tilespmem:$0x1EE30] =	vst v63  }
0xb6: {  	s13 =	simm.s32 $0x9B80  }
0xb7: {  	[tilespmem:s9], [sflag:$0x4] =	stream.indirect.gather [spmem:s2], $0x10, s13, s29, $0xb8;
	[tilespmem:$0x1EE30] =	vst v63  }
0xb8: {  	s14 =	simm.s32 $0x9C00  }
0xb9: {  	[tilespmem:s11], [sflag:$0x4] =	stream.indirect.gather [spmem:s2], $0x10, s14, s29, $0xb8;
	[tilespmem:$0x1EE30] =	vst v63  }
0xba: {  	s17 =	simm.s32 $0x9C80  }
0xbb: {  	[tilespmem:s24], [sflag:$0x4] =	stream.indirect.gather [spmem:s2], $0x10, s17, s29, $0xb8;
	[tilespmem:$0x1EE30] =	vst v63  }
0xbc: {  	s19 =	simm.s32 $0x9D00  }
0xbd: {  	[tilespmem:s15], [sflag:$0x4] =	stream.indirect.gather [spmem:s2], $0x10, s19, s29, $0xb8;
	[tilespmem:$0x1EE30] =	vst v63  }
0xbe: {  	s20 =	simm.s32 $0x9D80  }
0xbf: {  	[tilespmem:s18], [sflag:$0x4] =	stream.indirect.gather [spmem:s2], $0x10, s20, s29, $0xb8;
	[tilespmem:$0x1EE30] =	vst v63  }
0xc0: {  	s23 =	simm.s32 $0x9E00  }
0xc1: {  	[tilespmem:s21], [sflag:$0x4] =	stream.indirect.gather [spmem:s2], $0x10, s23, s29, $0xb8;
	[tilespmem:$0x1EE30] =	vst v63  }
0xc2: {  	s24 =	simm.s32 $0x9E80  }
0xc3: {  	[tilespmem:s4], [sflag:$0x4] =	stream.indirect.gather [spmem:s2], $0x10, s24, s29, $0xb8;
	[tilespmem:$0x1EE30] =	vst v63  }
0xc4: {  	s30 =	simm.s32 $0x9F80;
	s26 =	simm.s32 $0x9F00  }
0xc5: {  	[tilespmem:s28], [sflag:$0x4] =	stream.indirect.gather [spmem:s2], $0x10, s26, s29, $0xb8;
	[tilespmem:$0x1EE30] =	vst v63  }
0xc6: {  	s6 =	simm.s32 $0x12000;
	s10 =	simm.s32 $0x1880;
	s23 =	simm.s32 $0x1880  }
0xc7: {  	[tilespmem:s5], [sflag:$0x4] =	stream.indirect.gather [spmem:s2], $0x10, s30, s29, $0xb8;
	[tilespmem:$0x1EE30] =	vst v63  }
0xc8: {  	s12 =	simm.s32 $0x12800;
	s14 =	simm.s32 $0x40;
	s19 =	simm.s32 $0x0;
	v17 =	vld [tilespmem:s23+$0xFFFFFFB0]  }
.LBB2_5:
0xc9: {  	p0 =	sne.s32 s14, $0x1FC0;
	v18 =	vld [tilespmem:s19+$0x1000]  }
0xca: {  	v19 =	vld [tilespmem:s23+$0xFFFFFF90]  }
0xcb: {  	v20 =	vld [tilespmem:s23+$0xFFFFFF80]  }
0xcc: {  	v21 =	vld [tilespmem:s23+$0xFFFFFFA0]  }
0xcd: {  	v22 =	vld [tilespmem:s23+$0xFFFFFFF0]  }
0xce: {  	v23 =	vperm.xlane v18, v1;
	v24 =	vperm.xlane v18, v2;
	v25 =	vld [tilespmem:s23+$0xFFFFFFD0]  }
0xcf: {  	v26 =	vperm.xlane v18, v3;
	v27 =	vperm.xlane v18, v4;
	v28 =	vld [tilespmem:s23+$0xFFFFFFC0]  }
0xd0: {  	v20 =	vmul.f32 v23, v20;
	v19 =	vmul.f32 v24, v19;
	v23 =	vld [tilespmem:s23+$0xFFFFFFE0]  }
0xd1: {  	v17 =	vmul.f32 v27, v17;
	v21 =	vmul.f32 v26, v21;
	v24 =	vld [tilespmem:s23+$0x30]  }
0xd2: {  	v26 =	vperm.xlane v18, v6;
	[tilespmem:s23+$0xFFFFFF80] =	vst v20;
	v20 =	vperm.xlane v18, v5;
	v27 =	vld [tilespmem:s23+$0x10]  }
0xd3: {  	v29 =	vperm.xlane v18, v8;
	[tilespmem:s23+$0xFFFFFF90] =	vst v19;
	v19 =	vperm.xlane v18, v7;
	v30 =	vld [tilespmem:s23+$0x0]  }
0xd4: {  	[tilespmem:s23+$0xFFFFFFA0] =	vst v21;
	v20 =	vmul.f32 v20, v28;
	v21 =	vmul.f32 v26, v25;
	v25 =	vld [tilespmem:s23+$0x20]  }
0xd5: {  	[tilespmem:s23+$0xFFFFFFB0] =	vst v17;
	v17 =	vmul.f32 v19, v23;
	v19 =	vmul.f32 v29, v22;
	v22 =	vld [tilespmem:s23+$0x70]  }
0xd6: {  	v23 =	vperm.xlane v18, v10;
	[tilespmem:s23+$0xFFFFFFC0] =	vst v20;
	v20 =	vperm.xlane v18, v9;
	v26 =	vld [tilespmem:s23+$0x50]  }
0xd7: {  	v28 =	vperm.xlane v18, v12;
	[tilespmem:s23+$0xFFFFFFD0] =	vst v21;
	v21 =	vperm.xlane v18, v11;
	v29 =	vld [tilespmem:s23+$0x40]  }
0xd8: {  	[tilespmem:s23+$0xFFFFFFE0] =	vst v17;
	v17 =	vmul.f32 v20, v30;
	v20 =	vmul.f32 v23, v27;
	v23 =	vld [tilespmem:s23+$0x60]  }
0xd9: {  	[tilespmem:s23+$0xFFFFFFF0] =	vst v19;
	v19 =	vmul.f32 v21, v25;
	v21 =	vmul.f32 v28, v24  }
0xda: {  	v24 =	vperm.xlane v18, v14;
	[tilespmem:s23+$0x0] =	vst v17;
	v17 =	vperm.xlane v18, v13  }
0xdb: {  	[tilespmem:s23+$0x10] =	vst v20;
	v20 =	vperm.xlane v18, v15;
	v18 =	vperm.xlane v18, v16  }
0xdc: {  	[tilespmem:s23+$0x20] =	vst v19;
	v17 =	vmul.f32 v17, v29;
	v19 =	vmul.f32 v24, v26  }
.Ltmp1:
0xdd: {  	[tilespmem:s23+$0x30] =	vst v21;
	v20 =	vmul.f32 v20, v23;
	v18 =	vmul.f32 v18, v22;
	(pc) =	sbr.rel @p0 .LBB2_5-.Ltmp1, $4  }
0xde: {  	[tilespmem:s23+$0x40] =	vst v17  }
0xdf: {  	[tilespmem:s23+$0x50] =	vst v19  }
0xe0: {  	s23 =	sadd.s32 $0x100, s23;
	[tilespmem:s10+$0x60] =	vst v20  }
0xe1: {  	s19 =	sshra.s32 s14, $0x2;
	s14 =	sadd.s32 $0x40, s14;
	v17 =	vld [tilespmem:s23+$0xFFFFFFB0];
	[tilespmem:s10+$0x70] =	vst v18;
	s10 =	smov.u32 s23  }
0xe2: {  	v18 =	vld [tilespmem:s19+$0x1000];
	_ =	sdelay $0x1  }
0xe3: {  	v19 =	vld [tilespmem:s23+$0xFFFFFF80]  }
0xe4: {  	v20 =	vld [tilespmem:s23+$0xFFFFFF90]  }
0xe5: {  	v21 =	vld [tilespmem:s23+$0xFFFFFFA0]  }
0xe6: {  	v22 =	vperm.xlane v18, v1  }
0xe7: {  	v25 =	vld [tilespmem:s23+$0xFFFFFFD0];
	v23 =	vperm.xlane v18, v2  }
0xe8: {  	v24 =	vld [tilespmem:s23+$0xFFFFFFC0];
	v26 =	vperm.xlane v18, v3;
	v19 =	vmul.f32 v22, v19  }
0xe9: {  	v48 =	vld [tilespmem:s23+$0xFFFFFFE0];
	v47 =	vperm.xlane v18, v4;
	v20 =	vmul.f32 v23, v20  }
0xea: {  	v51 =	vld [tilespmem:s23+$0x10];
	v49 =	vperm.xlane v18, v6;
	v21 =	vmul.f32 v26, v21;
	[tilespmem:s23+$0xFFFFFF80] =	vst v19  }
0xeb: {  	v27 =	vld [tilespmem:s23+$0xFFFFFFF0];
	v17 =	vmul.f32 v47, v17;
	v19 =	vperm.xlane v18, v5;
	[tilespmem:s23+$0xFFFFFF90] =	vst v20  }
0xec: {  	v50 =	vld [tilespmem:s23+$0x0];
	v28 =	vperm.xlane v18, v7;
	v22 =	vmul.f32 v49, v25;
	[tilespmem:s23+$0xFFFFFFA0] =	vst v21  }
0xed: {  	v56 =	vld [tilespmem:s23+$0x50];
	v54 =	vperm.xlane v18, v10;
	[tilespmem:s23+$0xFFFFFFB0] =	vst v17;
	v19 =	vmul.f32 v19, v24  }
0xee: {  	v53 =	vld [tilespmem:s23+$0x20];
	v52 =	vperm.xlane v18, v8;
	v23 =	vmul.f32 v28, v48;
	[tilespmem:s23+$0xFFFFFFD0] =	vst v22  }
0xef: {  	v59 =	vmul.f32 v54, v51;
	v17 =	vld [tilespmem:s23+$0x30];
	[tilespmem:s23+$0xFFFFFFC0] =	vst v19;
	v19 =	vperm.xlane v18, v9  }
0xf0: {  	v55 =	vld [tilespmem:s23+$0x40];
	v62 =	vperm.xlane v18, v14;
	v21 =	vmul.f32 v52, v27;
	[tilespmem:s23+$0xFFFFFFE0] =	vst v23  }
0xf1: {  	v60 =	vld [tilespmem:s23+$0x60];
	v57 =	vperm.xlane v18, v11;
	[tilespmem:s23+$0x10] =	vst v59;
	v19 =	vmul.f32 v19, v50  }
0xf2: {  	v61 =	vld [tilespmem:s23+$0x70];
	v58 =	vperm.xlane v18, v12;
	v20 =	vmul.f32 v62, v56;
	[tilespmem:s23+$0xFFFFFFF0] =	vst v21  }
0xf3: {  	v24 =	vmul.f32 v57, v53;
	[tilespmem:s23+$0x0] =	vst v19;
	v19 =	vperm.xlane v18, v13  }
0xf4: {  	v63 =	vperm.xlane v18, v15;
	[tilespmem:s23+$0x50] =	vst v20;
	v17 =	vmul.f32 v58, v17  }
0xf5: {  	[tilespmem:s23+$0x20] =	vst v24;
	v18 =	vperm.xlane v18, v16;
	v19 =	vmul.f32 v19, v55  }
0xf6: {  	[tilespmem:s23+$0x30] =	vst v17;
	v17 =	vmul.f32 v63, v60  }
0xf7: {  	v18 =	vmul.f32 v18, v61;
	[tilespmem:s23+$0x40] =	vst v19  }
0xf8: {  	[tilespmem:s10+$0x60] =	vst v17  }
0xf9: {  	s13 =	simm.s32 $0x1800;
	s14 =	simm.s32 $0x800;
	[tilespmem:s10+$0x70] =	vst v18  }
0xfa: {  	[spmem:s2] =	stream.indirect.scatter.add.f32 [tilespmem:s13], [sflag:$0x3], $0x10, s14, s29, $0xb8;
	[tilespmem:$0x1EE30] =	vst v63  }
0xfb: {  	s15 =	simm.s32 $0x2000;
	s0 =	simm.s32 $0x880  }
0xfc: {  	[spmem:s2] =	stream.indirect.scatter.add.f32 [tilespmem:s15], [sflag:$0x3], $0x10, s0, s29, $0xb8;
	[tilespmem:$0x1EE30] =	vst v63  }
0xfd: {  	s17 =	simm.s32 $0x2800;
	s18 =	simm.s32 $0x900  }
0xfe: {  	[spmem:s2] =	stream.indirect.scatter.add.f32 [tilespmem:s17], [sflag:$0x3], $0x10, s18, s29, $0xb8;
	[tilespmem:$0x1EE30] =	vst v63  }
0xff: {  	s19 =	simm.s32 $0x3000;
	s20 =	simm.s32 $0x980  }
0x100: {  	[spmem:s2] =	stream.indirect.scatter.add.f32 [tilespmem:s19], [sflag:$0x3], $0x10, s20, s29, $0xb8;
	[tilespmem:$0x1EE30] =	vst v63  }
0x101: {  	s21 =	simm.s32 $0x3800;
	s23 =	simm.s32 $0xA00  }
0x102: {  	[spmem:s2] =	stream.indirect.scatter.add.f32 [tilespmem:s21], [sflag:$0x3], $0x10, s23, s29, $0xb8;
	[tilespmem:$0x1EE30] =	vst v63  }
0x103: {  	s24 =	simm.s32 $0x4000;
	s26 =	simm.s32 $0xA80  }
0x104: {  	[spmem:s2] =	stream.indirect.scatter.add.f32 [tilespmem:s24], [sflag:$0x3], $0x10, s26, s29, $0xb8;
	[tilespmem:$0x1EE30] =	vst v63  }
0x105: {  	s28 =	simm.s32 $0x4800;
	s30 =	simm.s32 $0xB00  }
0x106: {  	[spmem:s2] =	stream.indirect.scatter.add.f32 [tilespmem:s28], [sflag:$0x3], $0x10, s30, s29, $0xb8;
	[tilespmem:$0x1EE30] =	vst v63  }
0x107: {  	s3 =	simm.s32 $0x5000;
	s4 =	simm.s32 $0xB80  }
0x108: {  	[spmem:s2] =	stream.indirect.scatter.add.f32 [tilespmem:s3], [sflag:$0x3], $0x10, s4, s29, $0xb8;
	[tilespmem:$0x1EE30] =	vst v63  }
0x109: {  	s5 =	simm.s32 $0x5800;
	s9 =	simm.s32 $0xC00  }
0x10a: {  	[spmem:s2] =	stream.indirect.scatter.add.f32 [tilespmem:s5], [sflag:$0x3], $0x10, s9, s29, $0xb8;
	[tilespmem:$0x1EE30] =	vst v63  }
0x10b: {  	s11 =	simm.s32 $0x6000;
	s13 =	simm.s32 $0xC80  }
0x10c: {  	[spmem:s2] =	stream.indirect.scatter.add.f32 [tilespmem:s11], [sflag:$0x3], $0x10, s13, s29, $0xb8;
	[tilespmem:$0x1EE30] =	vst v63  }
0x10d: {  	s14 =	simm.s32 $0x6800;
	s15 =	simm.s32 $0xD00  }
0x10e: {  	[spmem:s2] =	stream.indirect.scatter.add.f32 [tilespmem:s14], [sflag:$0x3], $0x10, s15, s29, $0xb8;
	[tilespmem:$0x1EE30] =	vst v63  }
0x10f: {  	s17 =	simm.s32 $0x7000;
	s18 =	simm.s32 $0xD80  }
0x110: {  	[spmem:s2] =	stream.indirect.scatter.add.f32 [tilespmem:s17], [sflag:$0x3], $0x10, s18, s29, $0xb8;
	[tilespmem:$0x1EE30] =	vst v63  }
0x111: {  	s19 =	simm.s32 $0x7800;
	s20 =	simm.s32 $0xE00  }
0x112: {  	[spmem:s2] =	stream.indirect.scatter.add.f32 [tilespmem:s19], [sflag:$0x3], $0x10, s20, s29, $0xb8;
	[tilespmem:$0x1EE30] =	vst v63  }
0x113: {  	s21 =	simm.s32 $0x8000;
	s23 =	simm.s32 $0xE80  }
0x114: {  	[spmem:s2] =	stream.indirect.scatter.add.f32 [tilespmem:s21], [sflag:$0x3], $0x10, s23, s29, $0xb8;
	[tilespmem:$0x1EE30] =	vst v63  }
0x115: {  	s24 =	simm.s32 $0x8800;
	s26 =	simm.s32 $0xF00  }
0x116: {  	[spmem:s2] =	stream.indirect.scatter.add.f32 [tilespmem:s24], [sflag:$0x3], $0x10, s26, s29, $0xb8;
	[tilespmem:$0x1EE30] =	vst v63  }
0x117: {  	s28 =	simm.s32 $0x9000;
	s30 =	simm.s32 $0xF80  }
0x118: {  	[spmem:s2] =	stream.indirect.scatter.add.f32 [tilespmem:s28], [sflag:$0x3], $0x10, s30, s29, $0xb8;
	[tilespmem:$0x1EE30] =	vst v63  }
0x119: {  	_ =	swait.ge [sflag:s1], $0x800  }
0x11a: {  	[sflag:s1] =	ssyncset.done $0x0  }
0x11b: {  	[sflag:s1] =	ssyncadd.s32 $0xFFFFF800  }
0x11c: {  	_ =	swait.ge [sflag:s1], $0x800  }
0x11d: {  	[sflag:s1] =	ssyncset.done $0x0  }
0x11e: {  	[sflag:s1] =	ssyncadd.s32 $0xFFFFF800  }
0x11f: {  	_ =	swait.ge [sflag:s1], $0x800  }
0x120: {  	[sflag:s1] =	ssyncset.done $0x0  }
0x121: {  	[sflag:s1] =	ssyncadd.s32 $0xFFFFF800  }
0x122: {  	_ =	swait.ge [sflag:s1], $0x800  }
0x123: {  	[sflag:s1] =	ssyncset.done $0x0  }
0x124: {  	[sflag:s1] =	ssyncadd.s32 $0xFFFFF800  }
0x125: {  	_ =	swait.ge [sflag:s1], $0x800  }
0x126: {  	[sflag:s1] =	ssyncset.done $0x0  }
0x127: {  	[sflag:s1] =	ssyncadd.s32 $0xFFFFF800  }
0x128: {  	_ =	swait.ge [sflag:s1], $0x800  }
0x129: {  	[sflag:s1] =	ssyncset.done $0x0  }
0x12a: {  	[sflag:s1] =	ssyncadd.s32 $0xFFFFF800  }
0x12b: {  	_ =	swait.ge [sflag:s1], $0x800  }
0x12c: {  	[sflag:s1] =	ssyncset.done $0x0  }
0x12d: {  	[sflag:s1] =	ssyncadd.s32 $0xFFFFF800  }
0x12e: {  	_ =	swait.ge [sflag:s1], $0x800  }
0x12f: {  	[sflag:s1] =	ssyncset.done $0x0  }
0x130: {  	[sflag:s1] =	ssyncadd.s32 $0xFFFFF800  }
0x131: {  	_ =	swait.ge [sflag:s1], $0x800  }
0x132: {  	[sflag:s1] =	ssyncset.done $0x0  }
0x133: {  	[sflag:s1] =	ssyncadd.s32 $0xFFFFF800  }
0x134: {  	_ =	swait.ge [sflag:s1], $0x800  }
0x135: {  	[sflag:s1] =	ssyncset.done $0x0  }
0x136: {  	[sflag:s1] =	ssyncadd.s32 $0xFFFFF800  }
0x137: {  	_ =	swait.ge [sflag:s1], $0x800  }
0x138: {  	[sflag:s1] =	ssyncset.done $0x0  }
0x139: {  	[sflag:s1] =	ssyncadd.s32 $0xFFFFF800  }
0x13a: {  	_ =	swait.ge [sflag:s1], $0x800  }
0x13b: {  	[sflag:s1] =	ssyncset.done $0x0  }
0x13c: {  	[sflag:s1] =	ssyncadd.s32 $0xFFFFF800  }
0x13d: {  	_ =	swait.ge [sflag:s1], $0x800  }
0x13e: {  	[sflag:s1] =	ssyncset.done $0x0  }
0x13f: {  	[sflag:s1] =	ssyncadd.s32 $0xFFFFF800  }
0x140: {  	_ =	swait.ge [sflag:s1], $0x800  }
0x141: {  	[sflag:s1] =	ssyncset.done $0x0  }
0x142: {  	[sflag:s1] =	ssyncadd.s32 $0xFFFFF800  }
0x143: {  	_ =	swait.ge [sflag:s1], $0x800  }
0x144: {  	[sflag:s1] =	ssyncset.done $0x0  }
0x145: {  	[sflag:s1] =	ssyncadd.s32 $0xFFFFF800  }
0x146: {  	_ =	swait.ge [sflag:s1], $0x800  }
0x147: {  	[sflag:s1] =	ssyncset.done $0x0  }
0x148: {  	s23 =	simm.s32 $0xB080;
	[sflag:s1] =	ssyncadd.s32 $0xFFFFF800  }
0x149: {  	s10 =	simm.s32 $0xB080;
	s14 =	simm.s32 $0x40;
	s19 =	simm.s32 $0x0;
	v17 =	vld [tilespmem:s23+$0xFFFFFFB0]  }
.LBB2_7:
0x14a: {  	p0 =	sne.s32 s14, $0x1FC0;
	v18 =	vld [tilespmem:s19+$0xA800]  }
0x14b: {  	v19 =	vld [tilespmem:s23+$0xFFFFFF90]  }
0x14c: {  	v20 =	vld [tilespmem:s23+$0xFFFFFF80]  }
0x14d: {  	v21 =	vld [tilespmem:s23+$0xFFFFFFA0]  }
0x14e: {  	v22 =	vld [tilespmem:s23+$0xFFFFFFF0]  }
0x14f: {  	v23 =	vperm.xlane v18, v1;
	v24 =	vperm.xlane v18, v2;
	v25 =	vld [tilespmem:s23+$0xFFFFFFD0]  }
0x150: {  	v26 =	vperm.xlane v18, v3;
	v27 =	vperm.xlane v18, v4;
	v28 =	vld [tilespmem:s23+$0xFFFFFFC0]  }
0x151: {  	v20 =	vmul.f32 v23, v20;
	v19 =	vmul.f32 v24, v19;
	v23 =	vld [tilespmem:s23+$0xFFFFFFE0]  }
0x152: {  	v17 =	vmul.f32 v27, v17;
	v21 =	vmul.f32 v26, v21;
	v24 =	vld [tilespmem:s23+$0x30]  }
0x153: {  	v26 =	vperm.xlane v18, v6;
	[tilespmem:s23+$0xFFFFFF80] =	vst v20;
	v20 =	vperm.xlane v18, v5;
	v27 =	vld [tilespmem:s23+$0x10]  }
0x154: {  	v29 =	vperm.xlane v18, v8;
	[tilespmem:s23+$0xFFFFFF90] =	vst v19;
	v19 =	vperm.xlane v18, v7;
	v30 =	vld [tilespmem:s23+$0x0]  }
0x155: {  	[tilespmem:s23+$0xFFFFFFA0] =	vst v21;
	v20 =	vmul.f32 v20, v28;
	v21 =	vmul.f32 v26, v25;
	v25 =	vld [tilespmem:s23+$0x20]  }
0x156: {  	[tilespmem:s23+$0xFFFFFFB0] =	vst v17;
	v17 =	vmul.f32 v19, v23;
	v19 =	vmul.f32 v29, v22;
	v22 =	vld [tilespmem:s23+$0x70]  }
0x157: {  	v23 =	vperm.xlane v18, v10;
	[tilespmem:s23+$0xFFFFFFC0] =	vst v20;
	v20 =	vperm.xlane v18, v9;
	v26 =	vld [tilespmem:s23+$0x50]  }
0x158: {  	v28 =	vperm.xlane v18, v12;
	[tilespmem:s23+$0xFFFFFFD0] =	vst v21;
	v21 =	vperm.xlane v18, v11;
	v29 =	vld [tilespmem:s23+$0x40]  }
0x159: {  	[tilespmem:s23+$0xFFFFFFE0] =	vst v17;
	v17 =	vmul.f32 v20, v30;
	v20 =	vmul.f32 v23, v27;
	v23 =	vld [tilespmem:s23+$0x60]  }
0x15a: {  	[tilespmem:s23+$0xFFFFFFF0] =	vst v19;
	v19 =	vmul.f32 v21, v25;
	v21 =	vmul.f32 v28, v24  }
0x15b: {  	v24 =	vperm.xlane v18, v14;
	[tilespmem:s23+$0x0] =	vst v17;
	v17 =	vperm.xlane v18, v13  }
0x15c: {  	[tilespmem:s23+$0x10] =	vst v20;
	v20 =	vperm.xlane v18, v15;
	v18 =	vperm.xlane v18, v16  }
0x15d: {  	[tilespmem:s23+$0x20] =	vst v19;
	v17 =	vmul.f32 v17, v29;
	v19 =	vmul.f32 v24, v26  }
.Ltmp2:
0x15e: {  	[tilespmem:s23+$0x30] =	vst v21;
	v20 =	vmul.f32 v20, v23;
	v18 =	vmul.f32 v18, v22;
	(pc) =	sbr.rel @p0 .LBB2_7-.Ltmp2, $4  }
0x15f: {  	[tilespmem:s23+$0x40] =	vst v17  }
0x160: {  	[tilespmem:s23+$0x50] =	vst v19  }
0x161: {  	s23 =	sadd.s32 $0x100, s23;
	[tilespmem:s10+$0x60] =	vst v20  }
0x162: {  	s19 =	sshra.s32 s14, $0x2;
	s14 =	sadd.s32 $0x40, s14;
	v17 =	vld [tilespmem:s23+$0xFFFFFFB0];
	[tilespmem:s10+$0x70] =	vst v18;
	s10 =	smov.u32 s23  }
0x163: {  	v18 =	vld [tilespmem:s19+$0xA800];
	_ =	sdelay $0x1  }
0x164: {  	v19 =	vld [tilespmem:s23+$0xFFFFFF80]  }
0x165: {  	v20 =	vld [tilespmem:s23+$0xFFFFFF90]  }
0x166: {  	v21 =	vld [tilespmem:s23+$0xFFFFFFA0]  }
0x167: {  	v22 =	vperm.xlane v18, v1  }
0x168: {  	v25 =	vld [tilespmem:s23+$0xFFFFFFD0];
	v23 =	vperm.xlane v18, v2  }
0x169: {  	v24 =	vld [tilespmem:s23+$0xFFFFFFC0];
	v26 =	vperm.xlane v18, v3;
	v19 =	vmul.f32 v22, v19  }
0x16a: {  	v48 =	vld [tilespmem:s23+$0xFFFFFFE0];
	v47 =	vperm.xlane v18, v4;
	v20 =	vmul.f32 v23, v20  }
0x16b: {  	v51 =	vld [tilespmem:s23+$0x10];
	v49 =	vperm.xlane v18, v6;
	v21 =	vmul.f32 v26, v21;
	[tilespmem:s23+$0xFFFFFF80] =	vst v19  }
0x16c: {  	v27 =	vld [tilespmem:s23+$0xFFFFFFF0];
	v17 =	vmul.f32 v47, v17;
	v19 =	vperm.xlane v18, v5;
	[tilespmem:s23+$0xFFFFFF90] =	vst v20  }
0x16d: {  	v50 =	vld [tilespmem:s23+$0x0];
	v28 =	vperm.xlane v18, v7;
	v22 =	vmul.f32 v49, v25;
	[tilespmem:s23+$0xFFFFFFA0] =	vst v21  }
0x16e: {  	v56 =	vld [tilespmem:s23+$0x50];
	v54 =	vperm.xlane v18, v10;
	[tilespmem:s23+$0xFFFFFFB0] =	vst v17;
	v19 =	vmul.f32 v19, v24  }
0x16f: {  	v53 =	vld [tilespmem:s23+$0x20];
	v52 =	vperm.xlane v18, v8;
	v23 =	vmul.f32 v28, v48;
	[tilespmem:s23+$0xFFFFFFD0] =	vst v22  }
0x170: {  	v59 =	vmul.f32 v54, v51;
	v17 =	vld [tilespmem:s23+$0x30];
	[tilespmem:s23+$0xFFFFFFC0] =	vst v19;
	v19 =	vperm.xlane v18, v9  }
0x171: {  	v55 =	vld [tilespmem:s23+$0x40];
	v62 =	vperm.xlane v18, v14;
	v21 =	vmul.f32 v52, v27;
	[tilespmem:s23+$0xFFFFFFE0] =	vst v23  }
0x172: {  	v60 =	vld [tilespmem:s23+$0x60];
	v57 =	vperm.xlane v18, v11;
	[tilespmem:s23+$0x10] =	vst v59;
	v19 =	vmul.f32 v19, v50  }
0x173: {  	v61 =	vld [tilespmem:s23+$0x70];
	v58 =	vperm.xlane v18, v12;
	v20 =	vmul.f32 v62, v56;
	[tilespmem:s23+$0xFFFFFFF0] =	vst v21  }
0x174: {  	v24 =	vmul.f32 v57, v53;
	[tilespmem:s23+$0x0] =	vst v19;
	v19 =	vperm.xlane v18, v13  }
0x175: {  	v63 =	vperm.xlane v18, v15;
	[tilespmem:s23+$0x50] =	vst v20;
	v17 =	vmul.f32 v58, v17  }
0x176: {  	[tilespmem:s23+$0x20] =	vst v24;
	v18 =	vperm.xlane v18, v16;
	v19 =	vmul.f32 v19, v55  }
0x177: {  	[tilespmem:s23+$0x30] =	vst v17;
	v17 =	vmul.f32 v63, v60  }
0x178: {  	v18 =	vmul.f32 v18, v61;
	[tilespmem:s23+$0x40] =	vst v19  }
0x179: {  	[tilespmem:s10+$0x60] =	vst v17  }
0x17a: {  	s11 =	simm.s32 $0xB000;
	s13 =	simm.s32 $0xA000;
	[tilespmem:s10+$0x70] =	vst v18  }
0x17b: {  	[spmem:s2] =	stream.indirect.scatter.add.f32 [tilespmem:s11], [sflag:$0x5], $0x10, s13, s29, $0xb8;
	[tilespmem:$0x1EE30] =	vst v63  }
0x17c: {  	s17 =	simm.s32 $0xB800;
	s0 =	simm.s32 $0xA080  }
0x17d: {  	[spmem:s2] =	stream.indirect.scatter.add.f32 [tilespmem:s17], [sflag:$0x5], $0x10, s0, s29, $0xb8;
	[tilespmem:$0x1EE30] =	vst v63  }
0x17e: {  	s30 =	simm.s32 $0xC000;
	s14 =	simm.s32 $0xA100  }
0x17f: {  	[spmem:s2] =	stream.indirect.scatter.add.f32 [tilespmem:s30], [sflag:$0x5], $0x10, s14, s29, $0xb8;
	[tilespmem:$0x1EE30] =	vst v63  }
0x180: {  	s3 =	simm.s32 $0xA180;
	s0 =	simm.s32 $0xC800  }
0x181: {  	[spmem:s2] =	stream.indirect.scatter.add.f32 [tilespmem:s0], [sflag:$0x5], $0x10, s3, s29, $0xb8;
	[tilespmem:$0x1EE30] =	vst v63  }
0x182: {  	s4 =	simm.s32 $0xA200;
	s3 =	simm.s32 $0xD000  }
0x183: {  	[spmem:s2] =	stream.indirect.scatter.add.f32 [tilespmem:s3], [sflag:$0x5], $0x10, s4, s29, $0xb8;
	[tilespmem:$0x1EE30] =	vst v63  }
0x184: {  	s26 =	simm.s32 $0xD800;
	s15 =	simm.s32 $0xA280  }
0x185: {  	[spmem:s2] =	stream.indirect.scatter.add.f32 [tilespmem:s26], [sflag:$0x5], $0x10, s15, s29, $0xb8;
	[tilespmem:$0x1EE30] =	vst v63  }
0x186: {  	s20 =	simm.s32 $0xE000;
	s18 =	simm.s32 $0xA300  }
0x187: {  	[spmem:s2] =	stream.indirect.scatter.add.f32 [tilespmem:s20], [sflag:$0x5], $0x10, s18, s29, $0xb8;
	[tilespmem:$0x1EE30] =	vst v63  }
0x188: {  	s9 =	simm.s32 $0xE800;
	s19 =	simm.s32 $0xA380  }
0x189: {  	[spmem:s2] =	stream.indirect.scatter.add.f32 [tilespmem:s9], [sflag:$0x5], $0x10, s19, s29, $0xb8;
	[tilespmem:$0x1EE30] =	vst v63  }
0x18a: {  	s21 =	simm.s32 $0xA400;
	s11 =	simm.s32 $0xF000  }
0x18b: {  	[spmem:s2] =	stream.indirect.scatter.add.f32 [tilespmem:s11], [sflag:$0x5], $0x10, s21, s29, $0xb8;
	[tilespmem:$0x1EE30] =	vst v63  }
0x18c: {  	s24 =	simm.s32 $0xF800;
	s23 =	simm.s32 $0xA480  }
0x18d: {  	[spmem:s2] =	stream.indirect.scatter.add.f32 [tilespmem:s24], [sflag:$0x5], $0x10, s23, s29, $0xb8;
	[tilespmem:$0x1EE30] =	vst v63  }
0x18e: {  	s5 =	simm.s32 $0xA500;
	s15 =	simm.s32 $0x10000  }
0x18f: {  	[spmem:s2] =	stream.indirect.scatter.add.f32 [tilespmem:s15], [sflag:$0x5], $0x10, s5, s29, $0xb8;
	[tilespmem:$0x1EE30] =	vst v63  }
0x190: {  	s10 =	simm.s32 $0xA580;
	s18 =	simm.s32 $0x10800  }
0x191: {  	[spmem:s2] =	stream.indirect.scatter.add.f32 [tilespmem:s18], [sflag:$0x5], $0x10, s10, s29, $0xb8;
	[tilespmem:$0x1EE30] =	vst v63  }
0x192: {  	s14 =	simm.s32 $0xA600;
	s21 =	simm.s32 $0x11000  }
0x193: {  	[spmem:s2] =	stream.indirect.scatter.add.f32 [tilespmem:s21], [sflag:$0x5], $0x10, s14, s29, $0xb8;
	[tilespmem:$0x1EE30] =	vst v63  }
0x194: {  	s4 =	simm.s32 $0x11800;
	s5 =	simm.s32 $0xA680  }
0x195: {  	[spmem:s2] =	stream.indirect.scatter.add.f32 [tilespmem:s4], [sflag:$0x5], $0x10, s5, s29, $0xb8;
	[tilespmem:$0x1EE30] =	vst v63  }
0x196: {  	s19 =	simm.s32 $0xA700  }
0x197: {  	[spmem:s2] =	stream.indirect.scatter.add.f32 [tilespmem:s6], [sflag:$0x5], $0x10, s19, s29, $0xb8;
	[tilespmem:$0x1EE30] =	vst v63  }
0x198: {  	s23 =	simm.s32 $0xA780  }
0x199: {  	[spmem:s2] =	stream.indirect.scatter.add.f32 [tilespmem:s12], [sflag:$0x5], $0x10, s23, s29, $0xb8;
	[tilespmem:$0x1EE30] =	vst v63  }
0x19a: {  	_ =	swait.ge [sflag:s8], $0x800  }
0x19b: {  	[sflag:s8] =	ssyncset.done $0x0  }
0x19c: {  	[sflag:s8] =	ssyncadd.s32 $0xFFFFF800  }
0x19d: {  	_ =	swait.ge [sflag:s8], $0x800  }
0x19e: {  	[sflag:s8] =	ssyncset.done $0x0  }
0x19f: {  	[sflag:s8] =	ssyncadd.s32 $0xFFFFF800  }
0x1a0: {  	_ =	swait.ge [sflag:s8], $0x800  }
0x1a1: {  	[sflag:s8] =	ssyncset.done $0x0  }
0x1a2: {  	[sflag:s8] =	ssyncadd.s32 $0xFFFFF800  }
0x1a3: {  	_ =	swait.ge [sflag:s8], $0x800  }
0x1a4: {  	[sflag:s8] =	ssyncset.done $0x0  }
0x1a5: {  	[sflag:s8] =	ssyncadd.s32 $0xFFFFF800  }
0x1a6: {  	_ =	swait.ge [sflag:s8], $0x800  }
0x1a7: {  	[sflag:s8] =	ssyncset.done $0x0  }
0x1a8: {  	[sflag:s8] =	ssyncadd.s32 $0xFFFFF800  }
0x1a9: {  	_ =	swait.ge [sflag:s8], $0x800  }
0x1aa: {  	[sflag:s8] =	ssyncset.done $0x0  }
0x1ab: {  	[sflag:s8] =	ssyncadd.s32 $0xFFFFF800  }
0x1ac: {  	_ =	swait.ge [sflag:s8], $0x800  }
0x1ad: {  	[sflag:s8] =	ssyncset.done $0x0  }
0x1ae: {  	[sflag:s8] =	ssyncadd.s32 $0xFFFFF800  }
0x1af: {  	_ =	swait.ge [sflag:s8], $0x800  }
0x1b0: {  	[sflag:s8] =	ssyncset.done $0x0  }
0x1b1: {  	[sflag:s8] =	ssyncadd.s32 $0xFFFFF800  }
0x1b2: {  	_ =	swait.ge [sflag:s8], $0x800  }
0x1b3: {  	[sflag:s8] =	ssyncset.done $0x0  }
0x1b4: {  	[sflag:s8] =	ssyncadd.s32 $0xFFFFF800  }
0x1b5: {  	_ =	swait.ge [sflag:s8], $0x800  }
0x1b6: {  	[sflag:s8] =	ssyncset.done $0x0  }
0x1b7: {  	[sflag:s8] =	ssyncadd.s32 $0xFFFFF800  }
0x1b8: {  	_ =	swait.ge [sflag:s8], $0x800  }
0x1b9: {  	[sflag:s8] =	ssyncset.done $0x0  }
0x1ba: {  	[sflag:s8] =	ssyncadd.s32 $0xFFFFF800  }
0x1bb: {  	_ =	swait.ge [sflag:s8], $0x800  }
0x1bc: {  	[sflag:s8] =	ssyncset.done $0x0  }
0x1bd: {  	[sflag:s8] =	ssyncadd.s32 $0xFFFFF800  }
0x1be: {  	_ =	swait.ge [sflag:s8], $0x800  }
0x1bf: {  	[sflag:s8] =	ssyncset.done $0x0  }
0x1c0: {  	[sflag:s8] =	ssyncadd.s32 $0xFFFFF800  }
0x1c1: {  	_ =	swait.ge [sflag:s8], $0x800  }
0x1c2: {  	[sflag:s8] =	ssyncset.done $0x0  }
0x1c3: {  	[sflag:s8] =	ssyncadd.s32 $0xFFFFF800  }
0x1c4: {  	_ =	swait.ge [sflag:s8], $0x800  }
0x1c5: {  	[sflag:s8] =	ssyncset.done $0x0  }
0x1c6: {  	p0 =	seq.s32 s16, $0x4;
	s10 =	rddreg [dreg:$0xd];
	[sflag:s8] =	ssyncadd.s32 $0xFFFFF800  }
0x1c7: {  	s10 =	sadd.s32 @!p0 s7, s10;
	_ =	swait.ge [sflag:s8], $0x800  }
0x1c8: {  	s19 =	simm.s32 @!p0 $0x0;
	s14 =	sshll.u32 @!p0 s10, $0x7;
	s12 =	rddreg [dreg:$0x12]  }
0x1c9: {  	s23 =	simm.s32 @!p0 $0x800;
	s7 =	smov.u32 s31;
	s14 =	sadd.s32 @!p0 s12, s14  }
0x1ca: {  	s10 =	sshll.u32 @!p0 s10, $0x4;
	[sflag:s8] =	ssyncset.done $0x0;
	s14 =	sshrl.u32 @!p0 s14, $0x3  }
0x1cb: {  	s6 =	rddreg [dreg:$0x11];
	[sflag:s8] =	ssyncadd.s32 $0xFFFFF800;
	s14 =	sadd.s32 @!p0 s31, s14  }
0x1cc: {  	[tilespmem:s19], [sflag:$0x1] =	stream.linear.gather @!p0 [hbm4b:s14+s19], $0x800, $0x38;
	[tilespmem:$0x1EE30] =	vst v63  }
0x1cd: {  	s31 =	smov.u32 s12;
	s12 =	rddreg [dreg:$0x10];
	s14 =	sadd.s32 @!p0 s6, s10  }
0x1ce: {  	[tilespmem:s23], [sflag:$0x1] =	stream.linear.gather @!p0 [hbm4b:s14+s19], $0x800, $0x38;
	[tilespmem:$0x1EE30] =	vst v63  }
0x1cf: {  	s10 =	sadd.s32 @!p0 s12, s10;
	s14 =	simm.s32 @!p0 $0x1000  }
0x1d0: {  	[tilespmem:s14], [sflag:$0x1] =	stream.linear.gather @!p0 [hbm4b:s10+s19], $0x800, $0x38;
	[tilespmem:$0x1EE30] =	vst v63  }
0x1d1: {  	s10 =	simm.s32 @!p0 $0x1  }
0x1d2: {  	_ =	swait.ge @!p0 [sflag:s10], $0x800  }
0x1d3: {  	[sflag:s10] =	ssyncset.done @!p0 $0x0  }
0x1d4: {  	[sflag:s10] =	ssyncadd.s32 @!p0 $0xFFFFF800  }
0x1d5: {  	_ =	swait.ge @!p0 [sflag:s10], $0x800  }
0x1d6: {  	[sflag:s10] =	ssyncset.done @!p0 $0x0  }
0x1d7: {  	[sflag:s10] =	ssyncadd.s32 @!p0 $0xFFFFF800  }
0x1d8: {  	_ =	swait.ge @!p0 [sflag:s10], $0x800  }
0x1d9: {  	[sflag:s10] =	ssyncset.done @!p0 $0x0  }
0x1da: {  	[sflag:s10] =	ssyncadd.s32 @!p0 $0xFFFFF800  }
0x1db: {  	_ =	swait.ge [sflag:s22], $0x800  }
0x1dc: {  	[sflag:s22] =	ssyncset.done $0x0  }
0x1dd: {  	[sflag:s22] =	ssyncadd.s32 $0xFFFFF800  }
0x1de: {  	_ =	swait.ge [sflag:s22], $0x800  }
0x1df: {  	[sflag:s22] =	ssyncset.done $0x0  }
0x1e0: {  	[sflag:s22] =	ssyncadd.s32 $0xFFFFF800  }
0x1e1: {  	_ =	swait.ge [sflag:s22], $0x800  }
0x1e2: {  	[sflag:s22] =	ssyncset.done $0x0  }
0x1e3: {  	[sflag:s22] =	ssyncadd.s32 $0xFFFFF800  }
0x1e4: {  	_ =	swait.ge [sflag:s22], $0x800  }
0x1e5: {  	[sflag:s22] =	ssyncset.done $0x0  }
0x1e6: {  	[sflag:s22] =	ssyncadd.s32 $0xFFFFF800  }
0x1e7: {  	_ =	swait.ge [sflag:s22], $0x800  }
0x1e8: {  	[sflag:s22] =	ssyncset.done $0x0  }
0x1e9: {  	[sflag:s22] =	ssyncadd.s32 $0xFFFFF800  }
0x1ea: {  	_ =	swait.ge [sflag:s22], $0x800  }
0x1eb: {  	[sflag:s22] =	ssyncset.done $0x0  }
0x1ec: {  	[sflag:s22] =	ssyncadd.s32 $0xFFFFF800  }
0x1ed: {  	_ =	swait.ge [sflag:s22], $0x800  }
0x1ee: {  	[sflag:s22] =	ssyncset.done $0x0  }
0x1ef: {  	[sflag:s22] =	ssyncadd.s32 $0xFFFFF800  }
0x1f0: {  	_ =	swait.ge [sflag:s22], $0x800  }
0x1f1: {  	[sflag:s22] =	ssyncset.done $0x0  }
0x1f2: {  	[sflag:s22] =	ssyncadd.s32 $0xFFFFF800  }
0x1f3: {  	_ =	swait.ge [sflag:s22], $0x800  }
0x1f4: {  	[sflag:s22] =	ssyncset.done $0x0  }
0x1f5: {  	[sflag:s22] =	ssyncadd.s32 $0xFFFFF800  }
0x1f6: {  	_ =	swait.ge [sflag:s22], $0x800  }
0x1f7: {  	[sflag:s22] =	ssyncset.done $0x0  }
0x1f8: {  	[sflag:s22] =	ssyncadd.s32 $0xFFFFF800  }
0x1f9: {  	_ =	swait.ge [sflag:s22], $0x800  }
0x1fa: {  	[sflag:s22] =	ssyncset.done $0x0  }
0x1fb: {  	[sflag:s22] =	ssyncadd.s32 $0xFFFFF800  }
0x1fc: {  	_ =	swait.ge [sflag:s22], $0x800  }
0x1fd: {  	[sflag:s22] =	ssyncset.done $0x0  }
0x1fe: {  	[sflag:s22] =	ssyncadd.s32 $0xFFFFF800  }
0x1ff: {  	_ =	swait.ge [sflag:s22], $0x800  }
0x200: {  	[sflag:s22] =	ssyncset.done $0x0  }
0x201: {  	[sflag:s22] =	ssyncadd.s32 $0xFFFFF800  }
0x202: {  	_ =	swait.ge [sflag:s22], $0x800  }
0x203: {  	[sflag:s22] =	ssyncset.done $0x0  }
0x204: {  	s16 =	sadd.s32 $0x1, s16;
	[sflag:s22] =	ssyncadd.s32 $0xFFFFF800  }
0x205: {  	p0 =	sne.s32 s16, $0x5;
	_ =	swait.ge [sflag:s22], $0x800  }
.Ltmp3:
0x206: {  	[sflag:s22] =	ssyncset.done $0x0;
	(pc) =	sbr.rel @p0 .LBB2_4-.Ltmp3, $4  }
0x207: {  	[sflag:s22] =	ssyncadd.s32 $0xFFFFF800  }
0x208: {  	_ =	swait.ge [sflag:s22], $0x800  }
0x209: {  	s28 =	simm.s32 $0x12000;
	[sflag:s22] =	ssyncset.done $0x0  }
0x20a: {  	s5 =	simm.s32 $0x12800;
	s19 =	simm.s32 $0xB000;
	[sflag:s22] =	ssyncadd.s32 $0xFFFFF800  }
0x20b: {  	[bflag:$0x0] =	sbarrier.arrive $0xFFFF;
	s23 =	simm.s32 $0x13000;
	s0 =	simm.s32 $0x13400  }
0x20c: {  	[tilespmem:s0], [sflag:$0x2] =	stream.indirect.gather [spmem:s2], $0x10, s23, s29, $0xb8;
	[tilespmem:$0x1EE30] =	vst v63  }
0x20d: {  	s12 =	simm.s32 $0x13080;
	s3 =	simm.s32 $0x13C00  }
0x20e: {  	[tilespmem:s3], [sflag:$0x2] =	stream.indirect.gather [spmem:s2], $0x10, s12, s29, $0xb8;
	[tilespmem:$0x1EE30] =	vst v63  }
0x20f: {  	s13 =	simm.s32 $0x13100;
	s14 =	simm.s32 $0x14400  }
0x210: {  	[tilespmem:s14], [sflag:$0x2] =	stream.indirect.gather [spmem:s2], $0x10, s13, s29, $0xb8;
	[tilespmem:$0x1EE30] =	vst v63  }
0x211: {  	s15 =	simm.s32 $0x13180;
	s16 =	simm.s32 $0x14C00  }
0x212: {  	[tilespmem:s16], [sflag:$0x2] =	stream.indirect.gather [spmem:s2], $0x10, s15, s29, $0xb8;
	[tilespmem:$0x1EE30] =	vst v63  }
0x213: {  	s17 =	simm.s32 $0x13200;
	s18 =	simm.s32 $0x15400  }
0x214: {  	[tilespmem:s18], [sflag:$0x2] =	stream.indirect.gather [spmem:s2], $0x10, s17, s29, $0xb8;
	[tilespmem:$0x1EE30] =	vst v63  }
0x215: {  	s20 =	simm.s32 $0x13280;
	s21 =	simm.s32 $0x15C00  }
0x216: {  	[tilespmem:s21], [sflag:$0x2] =	stream.indirect.gather [spmem:s2], $0x10, s20, s29, $0xb8;
	[tilespmem:$0x1EE30] =	vst v63  }
0x217: {  	s24 =	simm.s32 $0x13300;
	s26 =	simm.s32 $0x16400  }
0x218: {  	[tilespmem:s26], [sflag:$0x2] =	stream.indirect.gather [spmem:s2], $0x10, s24, s29, $0xb8;
	[tilespmem:$0x1EE30] =	vst v63  }
0x219: {  	s28 =	simm.s32 $0x13380;
	s30 =	simm.s32 $0x16C00  }
0x21a: {  	[tilespmem:s30], [sflag:$0x2] =	stream.indirect.gather [spmem:s2], $0x10, s28, s29, $0xb8;
	[tilespmem:$0x1EE30] =	vst v63  }
0x21b: {  	_ =	swait.ge [sflag:s25], $0x800  }
0x21c: {  	[sflag:s25] =	ssyncset.done $0x0  }
0x21d: {  	[sflag:s25] =	ssyncadd.s32 $0xFFFFF800  }
0x21e: {  	_ =	swait.ge [sflag:s25], $0x800  }
0x21f: {  	[sflag:s25] =	ssyncset.done $0x0  }
0x220: {  	[sflag:s25] =	ssyncadd.s32 $0xFFFFF800  }
0x221: {  	_ =	swait.ge [sflag:s25], $0x800  }
0x222: {  	[sflag:s25] =	ssyncset.done $0x0  }
0x223: {  	[sflag:s25] =	ssyncadd.s32 $0xFFFFF800  }
0x224: {  	_ =	swait.ge [sflag:s25], $0x800  }
0x225: {  	[sflag:s25] =	ssyncset.done $0x0  }
0x226: {  	[sflag:s25] =	ssyncadd.s32 $0xFFFFF800  }
0x227: {  	_ =	swait.ge [sflag:s25], $0x800  }
0x228: {  	[sflag:s25] =	ssyncset.done $0x0  }
0x229: {  	[sflag:s25] =	ssyncadd.s32 $0xFFFFF800  }
0x22a: {  	_ =	swait.ge [sflag:s25], $0x800  }
0x22b: {  	[sflag:s25] =	ssyncset.done $0x0  }
0x22c: {  	[sflag:s25] =	ssyncadd.s32 $0xFFFFF800  }
0x22d: {  	_ =	swait.ge [sflag:s25], $0x800  }
0x22e: {  	[sflag:s25] =	ssyncset.done $0x0  }
0x22f: {  	[sflag:s25] =	ssyncadd.s32 $0xFFFFF800  }
0x230: {  	_ =	swait.ge [sflag:s25], $0x800  }
0x231: {  	[sflag:s25] =	ssyncset.done $0x0  }
0x232: {  	[sflag:s25] =	ssyncadd.s32 $0xFFFFF800  }
0x233: {  	s12 =	simm.s32 $0x13480;
	v17 =	vld [tilespmem:$0x17400]  }
0x234: {  	s10 =	simm.s32 $0x0;
	s14 =	simm.s32 $0x40;
	v18 =	vld [tilespmem:s12+$0xFFFFFF80]  }
.LBB2_10:
0x235: {  	p0 =	sne.s32 s14, $0xFC0  }
0x236: {  	v19 =	vld [tilespmem:s12+$0xFFFFFF90];
	_ =	sdelay $0x1  }
0x237: {  	v20 =	vld [tilespmem:s12+$0xFFFFFFA0]  }
0x238: {  	v18 =	vadd.f32 v18, v17  }
0x239: {  	v21 =	vld [tilespmem:s12+$0xFFFFFFB0]  }
0x23a: {  	v18 =	vadd.f32 v19, v18  }
0x23b: {  	v19 =	vld [tilespmem:s12+$0xFFFFFFC0]  }
0x23c: {  	v18 =	vadd.f32 v20, v18  }
0x23d: {  	v20 =	vld [tilespmem:s12+$0xFFFFFFD0]  }
0x23e: {  	v18 =	vadd.f32 v21, v18  }
0x23f: {  	v21 =	vld [tilespmem:s12+$0xFFFFFFE0]  }
0x240: {  	v18 =	vadd.f32 v19, v18  }
0x241: {  	v19 =	vld [tilespmem:s12+$0xFFFFFFF0]  }
0x242: {  	v18 =	vadd.f32 v20, v18  }
0x243: {  	v20 =	vld [tilespmem:s12+$0x0]  }
0x244: {  	v18 =	vadd.f32 v21, v18  }
0x245: {  	v21 =	vld [tilespmem:s12+$0x10]  }
0x246: {  	v18 =	vadd.f32 v19, v18  }
0x247: {  	v19 =	vld [tilespmem:s12+$0x20]  }
0x248: {  	v18 =	vadd.f32 v20, v18  }
0x249: {  	v20 =	vld [tilespmem:s12+$0x30]  }
0x24a: {  	v18 =	vadd.f32 v21, v18  }
0x24b: {  	v21 =	vld [tilespmem:s12+$0x40]  }
0x24c: {  	v18 =	vadd.f32 v19, v18  }
0x24d: {  	v19 =	vld [tilespmem:s12+$0x50]  }
0x24e: {  	v18 =	vadd.f32 v20, v18  }
0x24f: {  	v20 =	vld [tilespmem:s12+$0x60]  }
0x250: {  	v18 =	vadd.f32 v21, v18  }
0x251: {  	v21 =	vld [tilespmem:s12+$0x70]  }
0x252: {  	v18 =	vadd.f32 v19, v18;
	_ =	sdelay $0x1  }
0x253: {  	v18 =	vadd.f32 v20, v18  }
.Ltmp4:
0x254: {  	(pc) =	sbr.rel @p0 .LBB2_10-.Ltmp4, $4  }
0x255: {  	v18 =	vadd.f32 v21, v18  }
0x256: {  	s16 =	sshra.s32 s10, $0x2;
	s10 =	smov.u32 s14  }
0x257: {  	s12 =	sadd.s32 $0x100, s12;
	[tilespmem:s16+$0x17410] =	vst v18  }
0x258: {  	s14 =	sadd.s32 $0x40, s14;
	v18 =	vld [tilespmem:s12+$0xFFFFFF80]  }
0x259: {  	_ = 	snop  }
0x25a: {  	v19 =	vld [tilespmem:s12+$0xFFFFFF90];
	_ =	sdelay $0x1  }
0x25b: {  	v20 =	vld [tilespmem:s12+$0xFFFFFFA0]  }
0x25c: {  	v17 =	vadd.f32 v18, v17  }
0x25d: {  	v18 =	vld [tilespmem:s12+$0xFFFFFFB0]  }
0x25e: {  	v17 =	vadd.f32 v19, v17  }
0x25f: {  	v19 =	vld [tilespmem:s12+$0xFFFFFFC0]  }
0x260: {  	v17 =	vadd.f32 v20, v17  }
0x261: {  	v60 =	vld [tilespmem:s12+$0xFFFFFFD0]  }
0x262: {  	v17 =	vadd.f32 v18, v17  }
0x263: {  	v18 =	vld [tilespmem:s12+$0xFFFFFFE0]  }
0x264: {  	v17 =	vadd.f32 v19, v17  }
0x265: {  	v19 =	vld [tilespmem:s12+$0xFFFFFFF0]  }
0x266: {  	v17 =	vadd.f32 v60, v17  }
0x267: {  	v61 =	vld [tilespmem:s12+$0x0]  }
0x268: {  	v17 =	vadd.f32 v18, v17  }
0x269: {  	v18 =	vld [tilespmem:s12+$0x10]  }
0x26a: {  	v17 =	vadd.f32 v19, v17  }
0x26b: {  	v19 =	vld [tilespmem:s12+$0x20]  }
0x26c: {  	v17 =	vadd.f32 v61, v17  }
0x26d: {  	v62 =	vld [tilespmem:s12+$0x30]  }
0x26e: {  	v17 =	vadd.f32 v18, v17  }
0x26f: {  	v18 =	vld [tilespmem:s12+$0x40]  }
0x270: {  	v17 =	vadd.f32 v19, v17  }
0x271: {  	v19 =	vld [tilespmem:s12+$0x50]  }
0x272: {  	v17 =	vadd.f32 v62, v17  }
0x273: {  	v63 =	vld [tilespmem:s12+$0x60]  }
0x274: {  	v17 =	vadd.f32 v18, v17  }
0x275: {  	v18 =	vld [tilespmem:s12+$0x70]  }
0x276: {  	v17 =	vadd.f32 v19, v17;
	_ =	sdelay $0x1  }
0x277: {  	v17 =	vadd.f32 v63, v17;
	_ =	sdelay $0x1  }
0x278: {  	v17 =	vadd.f32 v18, v17  }
0x279: {  	s10 =	sshra.s32 s10, $0x2;
	s24 =	simm.s32 $0x0  }
0x27a: {  	s26 =	rddreg [dreg:$0xe];
	s0 =	simm.s32 $0x17410;
	s14 =	simm.s32 $0x6;
	[tilespmem:s10+$0x17410] =	vst v17  }
0x27b: {  	[hbm4b:s26+s24] =	stream.linear.scatter [tilespmem:s0], [sflag:$0x6], $0x400, $0x38;
	[tilespmem:$0x1EE30] =	vst v63  }
0x27c: {  	_ =	swait.ge [sflag:s14], $0x400  }
0x27d: {  	s28 =	rddreg [dreg:$0x13]  }
0x27e: {  	s30 =	rddreg [dreg:$0xf];
	s0 =	sadd.s32 $0x1, s28  }
0x27f: {  	p0 =	sne.s32 s0, s30  }
.Ltmp5:
0x280: {  	_ = 	snop;
	(pc) =	sbr.rel @p0 .LBB2_1-.Ltmp5, $3  }
0x281: {  	_ =	sdelay $0x1  }
0x282: {  	[sflag:s14] =	ssyncset.done $0x0  }
0x283: {  	s4 =	smov.u32 s7;
	[sflag:s14] =	ssyncadd.s32 $0xFFFFFC00  }
0x284: {  	_ =	sfence.sel $0x180000  }
0x285: {  	[bflag:$0x0] =	sbarrier.arrive $0xFFFF  }
0x286: {  	_ =	strace $0x90000047  }
0x287: {  	s0 =	stileid.u32;
	[bflag:$0x2] =	sbarrier.arrive $0xFFFF  }
0x288: {  	p0 =	sne.s32 s0, $0x0;
	s0 =	rddreg [dreg:$0x3]  }
0x289: {  	s0 =	sadd.s32 @!p0 $0x100000, s0  }
0x28a: {  	[sflag:s0] =	ssyncadd.tile.s32 @!p0 $0x1;
	_ =	shalt  }
.Lfunc_end2:
_tile_overlayer_lowered:
.L_overlay_start_2:
0x28b: {  	(tag) =	ssettag $0x2  }
0x28c: {  	s0 =	rddreg [dreg:$0x0];
	s2 =	stileid.u32  }
0x28d: {  	s1 =	rddreg [dreg:$0x1];
	p0 =	sne.s32 s2, $0x0  }
0x28e: {  	s3 =	rddreg [dreg:$0x2];
	[bflag:$0x3] =	sbarrier.arrive $0xFFFF;
	s2 =	simm.s32 @!p0 $0x1C06  }
0x28f: {  	[timem:s3], [sflag:s2] =	dma.local @!p0 [hbm:s0], s1  }
0x290: {  	s0 =	simm.s32 @!p0 $0x6  }
0x291: {  	_ =	swait.ge @!p0 [sflag:s0], s1  }
0x292: {  	s1 =	ssub.s32 @!p0 $0x0, s1;
	[sflag:s0] =	ssyncset.done @!p0 $0x0  }
0x293: {  	[sflag:s0] =	ssyncadd.s32 @!p0 s1  }
0x294: {  	[bflag:$0x3] =	sbarrier.arrive $0xFFFF  }
0x295: {  	_ =	shalt  }

</sc_bundles>
